<compile_context>
chip_gen: v7x
topology: tpu7x:2x2x1
jax: 0.10.2.dev20260603
libtpu: 0.0.44.dev20260713+nightly
codegen_flags: <defaults>
</compile_context>

<pallas_src>
import functools

import jax
import jax.numpy as jnp
from jax import lax
from jax.experimental import pallas as pl
from jax.experimental.pallas import tpu as pltpu
from jax.experimental.pallas import tpu_sc as plsc

N = 10000
E = 320000
G = 16
DF = 128
EPS = 1e-5

NC = 2
NS = 16
NW = NC * NS
EPW = E // NW
K = 128
NCHUNK = 79
EPAD = NCHUNK * K - EPW
ND = 8
NA = N + ND
RPT = 640
WB = 80
DEGW = 8
DH = DF // 2

R = 1000
NB = N // R

_f32 = jnp.float32
_HI = lax.Precision.HIGHEST


def _sc_mesh():
    return plsc.VectorSubcoreMesh(
        core_axis_name="c", subcore_axis_name="s", num_cores=NC, num_subcores=NS)


def _make_sc_deg():
    @functools.partial(
        pl.kernel,
        out_type=jax.ShapeDtypeStruct((NC, NA, DEGW), _f32),
        mesh=_sc_mesh(),
        compiler_params=pltpu.CompilerParams(use_tc_tiling_on_sc=False),
        scratch_types=[
            pltpu.VMEM((NCHUNK, K), jnp.int32),
            pltpu.VMEM((K, DEGW), _f32),
            pltpu.VMEM((WB, DEGW), _f32),
            pltpu.VMEM_SHARED((NA, DEGW), _f32),
            pltpu.SemaphoreType.DMA,
        ],
    )
    def run(dst_hbm, ones_hbm, zeros_hbm, out_hbm, dstv, ones_v, wbuf, acc, sem):
        c = lax.axis_index("c")
        s = lax.axis_index("s")
        wid = c * NS + s
        nwb = jnp.where(s == NS - 1, 5, 8)
        pltpu.sync_copy(dst_hbm.at[wid], dstv)
        pltpu.sync_copy(ones_hbm, ones_v)
        pltpu.sync_copy(zeros_hbm, wbuf)

        def zacc(k, _):
            pltpu.sync_copy(wbuf, acc.at[pl.ds(s * RPT + k * WB, WB)])
            return 0

        lax.fori_loop(0, nwb, zacc, 0)
        plsc.subcore_barrier()

        def chunk(ci, _):
            pltpu.sync_copy(ones_v, acc.at[dstv.at[ci]], add=True)
            return 0

        lax.fori_loop(0, NCHUNK, chunk, 0)
        plsc.subcore_barrier()

        def wback(k, _):
            rows = pl.ds(s * RPT + k * WB, WB)
            pltpu.sync_copy(acc.at[rows], wbuf)
            pltpu.sync_copy(wbuf, out_hbm.at[c].at[rows])
            return 0

        lax.fori_loop(0, nwb, wback, 0)

    return run


def _make_sc_agg():
    @functools.partial(
        pl.kernel,
        out_type=jax.ShapeDtypeStruct((NC, NA, DH), _f32),
        mesh=_sc_mesh(),
        compiler_params=pltpu.CompilerParams(use_tc_tiling_on_sc=False),
        scratch_types=[
            pltpu.VMEM((NCHUNK, K), jnp.int32),
            pltpu.VMEM((NCHUNK, K), jnp.int32),
            pltpu.VMEM((K, DH), _f32),
            pltpu.VMEM((K, DH), _f32),
            pltpu.VMEM((WB, DH), _f32),
            pltpu.VMEM_SHARED((NA, DH), _f32),
            pltpu.SemaphoreType.DMA,
            pltpu.SemaphoreType.DMA,
        ],
    )
    def run(xws_hbm, src_hbm, dst_hbm, out_hbm, srcv, dstv, gbuf0, gbuf1, wbuf,
            acc, sem0, sem1):
        c = lax.axis_index("c")
        s = lax.axis_index("s")
        wid = c * NS + s
        nwb = jnp.where(s == NS - 1, 5, 8)
        pltpu.sync_copy(src_hbm.at[wid], srcv)
        pltpu.sync_copy(dst_hbm.at[wid], dstv)

        zero16 = jnp.zeros((16,), _f32)

        def fill_zero(r, _):
            for j in range(DH // 16):
                wbuf[r, pl.ds(j * 16, 16)] = zero16
            return 0

        lax.fori_loop(0, WB, fill_zero, 0)

        def zacc(k, _):
            pltpu.sync_copy(wbuf, acc.at[pl.ds(s * RPT + k * WB, WB)])
            return 0

        lax.fori_loop(0, nwb, zacc, 0)
        plsc.subcore_barrier()

        pltpu.async_copy(xws_hbm.at[srcv.at[0]], gbuf0, sem0)

        def pair(h, _):
            c0 = 2 * h
            pltpu.async_copy(xws_hbm.at[srcv.at[c0 + 1]], gbuf1, sem1)
            pltpu.make_async_copy(xws_hbm.at[srcv.at[c0]], gbuf0, sem0).wait()
            pltpu.sync_copy(gbuf0, acc.at[dstv.at[c0]], add=True)
            pltpu.async_copy(xws_hbm.at[srcv.at[c0 + 2]], gbuf0, sem0)
            pltpu.make_async_copy(xws_hbm.at[srcv.at[c0 + 1]], gbuf1, sem1).wait()
            pltpu.sync_copy(gbuf1, acc.at[dstv.at[c0 + 1]], add=True)
            return 0

        lax.fori_loop(0, (NCHUNK - 1) // 2, pair, 0)
        pltpu.make_async_copy(
            xws_hbm.at[srcv.at[NCHUNK - 1]], gbuf0, sem0).wait()
        pltpu.sync_copy(gbuf0, acc.at[dstv.at[NCHUNK - 1]], add=True)
        plsc.subcore_barrier()

        def wback(k, _):
            rows = pl.ds(s * RPT + k * WB, WB)
            pltpu.sync_copy(acc.at[rows], wbuf)
            pltpu.sync_copy(wbuf, out_hbm.at[c].at[rows])
            return 0

        lax.fori_loop(0, nwb, wback, 0)

    return run


_SC_CACHE = {}


def _sc_deg(dst3):
    if "deg" not in _SC_CACHE:
        _SC_CACHE["deg"] = _make_sc_deg()
    out = _SC_CACHE["deg"](
        dst3, jnp.ones((K, DEGW), _f32), jnp.zeros((WB, DEGW), _f32))
    return out[:, :N]


def _sc_agg(xws, src3, dst3):
    if "agg" not in _SC_CACHE:
        _SC_CACHE["agg"] = _make_sc_agg()
    lo = _SC_CACHE["agg"](xws[:, :DH], src3, dst3)
    hi = _SC_CACHE["agg"](xws[:, DH:], src3, dst3)
    return jnp.concatenate([lo[:, :N], hi[:, :N]], axis=2)


def _onehot(bb, rows):
    return (bb == lax.broadcasted_iota(jnp.int32, (rows, G), 1)).astype(_f32)


def _leaky(x):
    return jnp.where(x >= 0, x, 0.01 * x)


def _dotg(a, b):
    return lax.dot_general(a, b, (((0,), (0,)), ((), ())),
                           preferred_element_type=_f32, precision=_HI)


def _gn_coeffs(s1_ref, s2_ref, cnt_ref, w_ref, bias_ref, ms_ref):
    cnt = cnt_ref[...][:, :1]
    cntm = jnp.maximum(cnt, 1.0)
    s1 = s1_ref[...]
    mean = s1 / cntm
    t = ms_ref[...] * mean
    sq = s2_ref[...] - 2.0 * t * s1 + cnt * t * t
    std = jnp.sqrt(sq / cntm + EPS)
    A = w_ref[...] / std
    B = bias_ref[...] - w_ref[...] * t / std
    return A, B


def _dinv_of(c_ref):
    return lax.rsqrt(1.0 + c_ref[0][:, :1] + c_ref[1][:, :1])


def _tc_layer1(x0p, batch2, counts, w, b, ms, W):
    D = x0p.shape[1]
    Dout = W.shape[1]

    def body(x_ref, b_ref, c_ref, w_ref, bias_ref, ms_ref, W_ref, o_ref,
             s1, s2, cnt):
        p = pl.program_id(0)
        i = pl.program_id(1)

        @pl.when((p == 0) & (i == 0))
        def _():
            s1[...] = jnp.zeros_like(s1)
            s2[...] = jnp.zeros_like(s2)
            cnt[...] = jnp.zeros_like(cnt)

        oh = _onehot(b_ref[...], R)

        @pl.when(p == 0)
        def _():
            xb = x_ref[...]
            s1[...] += _dotg(oh, xb)
            s2[...] += _dotg(oh, xb * xb)
            cnt[...] += jnp.broadcast_to(jnp.sum(oh, axis=0)[:, None], (G, 128))

        @pl.when(p == 1)
        def _():
            A, B = _gn_coeffs(s1, s2, cnt, w_ref, bias_ref, ms_ref)
            C = jnp.dot(B, W_ref[...], preferred_element_type=_f32, precision=_HI)
            Ar = jnp.dot(oh, A, preferred_element_type=_f32, precision=_HI)
            Cr = jnp.dot(oh, C, preferred_element_type=_f32, precision=_HI)
            xw = jnp.dot(Ar * x_ref[...], W_ref[...],
                         preferred_element_type=_f32, precision=_HI) + Cr
            o_ref[...] = xw * _dinv_of(c_ref)

    return pl.pallas_call(
        body,
        grid=(2, NB),
        in_specs=[
            pl.BlockSpec((R, D), lambda p, i: (i, 0)),
            pl.BlockSpec((R, 1), lambda p, i: (i, 0)),
            pl.BlockSpec((NC, R, DEGW), lambda p, i: (0, i, 0)),
            pl.BlockSpec((1, D), lambda p, i: (0, 0)),
            pl.BlockSpec((1, D), lambda p, i: (0, 0)),
            pl.BlockSpec((1, D), lambda p, i: (0, 0)),
            pl.BlockSpec((D, Dout), lambda p, i: (0, 0)),
        ],
        out_specs=pl.BlockSpec((R, Dout), lambda p, i: (p * i, 0)),
        out_shape=jax.ShapeDtypeStruct((N, Dout), _f32),
        scratch_shapes=[
            pltpu.VMEM((G, D), _f32),
            pltpu.VMEM((G, D), _f32),
            pltpu.VMEM((G, 128), _f32),
        ],
    )(x0p, batch2, counts, w, b, ms, W)


def _tc_layer2(accp, xws1, counts, batch2, b1, w, b, ms, W):

    def body(a_ref, x_ref, c_ref, b_ref, b1_ref, w_ref, bias_ref, ms_ref, W_ref,
             o_ref, t1_ref, h1s, s1, s2, cnt):
        p = pl.program_id(0)
        i = pl.program_id(1)

        @pl.when((p == 0) & (i == 0))
        def _():
            s1[...] = jnp.zeros_like(s1)
            s2[...] = jnp.zeros_like(s2)
            cnt[...] = jnp.zeros_like(cnt)

        oh = _onehot(b_ref[...], R)

        @pl.when(p == 0)
        def _():
            out1 = _dinv_of(c_ref) * (a_ref[0] + a_ref[1] + x_ref[...]) + b1_ref[...]
            h = _leaky(out1)
            h1s[pl.ds(i * R, R), :] = h
            s1[...] += _dotg(oh, h)
            s2[...] += _dotg(oh, h * h)
            cnt[...] += jnp.broadcast_to(jnp.sum(oh, axis=0)[:, None], (G, 128))

        @pl.when(p == 1)
        def _():
            A, B = _gn_coeffs(s1, s2, cnt, w_ref, bias_ref, ms_ref)
            C = jnp.dot(B, W_ref[...], preferred_element_type=_f32, precision=_HI)
            Ar = jnp.dot(oh, A, preferred_element_type=_f32, precision=_HI)
            Cr = jnp.dot(oh, C, preferred_element_type=_f32, precision=_HI)
            hb = h1s[pl.ds(i * R, R), :]
            xw = jnp.dot(Ar * hb, W_ref[...],
                         preferred_element_type=_f32, precision=_HI) + Cr
            o_ref[...] = xw * _dinv_of(c_ref)
            t1_ref[...] = s1[...]

    return pl.pallas_call(
        body,
        grid=(2, NB),
        in_specs=[
            pl.BlockSpec((NC, R, DF), lambda p, i: (0, i, 0)),
            pl.BlockSpec((R, DF), lambda p, i: (i, 0)),
            pl.BlockSpec((NC, R, DEGW), lambda p, i: (0, i, 0)),
            pl.BlockSpec((R, 1), lambda p, i: (i, 0)),
            pl.BlockSpec((1, DF), lambda p, i: (0, 0)),
            pl.BlockSpec((1, DF), lambda p, i: (0, 0)),
            pl.BlockSpec((1, DF), lambda p, i: (0, 0)),
            pl.BlockSpec((1, DF), lambda p, i: (0, 0)),
            pl.BlockSpec((DF, DF), lambda p, i: (0, 0)),
        ],
        out_specs=[
            pl.BlockSpec((R, DF), lambda p, i: (p * i, 0)),
            pl.BlockSpec((G, DF), lambda p, i: (0, 0)),
        ],
        out_shape=[
            jax.ShapeDtypeStruct((N, DF), _f32),
            jax.ShapeDtypeStruct((G, DF), _f32),
        ],
        scratch_shapes=[
            pltpu.VMEM((N, DF), _f32),
            pltpu.VMEM((G, DF), _f32),
            pltpu.VMEM((G, DF), _f32),
            pltpu.VMEM((G, 128), _f32),
        ],
    )(accp, xws1, counts, batch2, b1, w, b, ms, W)


def _tc_final(accp, xws2, counts, batch2, b2, T1, bn1_ga, bn1_ba, bn1_gb, bn1_bb,
              fc1_Wa, fc1_Wb, fc1_b, bn2_g, bn2_b, fc2_W, fc2_b):

    def bn(pv, g, b):
        m = jnp.mean(pv, axis=0, keepdims=True)
        v = jnp.mean((pv - m) * (pv - m), axis=0, keepdims=True)
        return (pv - m) / jnp.sqrt(v + EPS) * g + b

    def body(a_ref, x_ref, c_ref, b_ref, b2_ref, t1_ref, ga_ref, ba_ref, gb_ref,
             bb_ref, Wa_ref, Wb_ref, fb_ref, g2_ref, be2_ref, W2_ref, f2_ref,
             y_ref, sh2, cnt):
        i = pl.program_id(0)

        @pl.when(i == 0)
        def _():
            sh2[...] = jnp.zeros_like(sh2)
            cnt[...] = jnp.zeros_like(cnt)

        out2 = _dinv_of(c_ref) * (a_ref[0] + a_ref[1] + x_ref[...]) + b2_ref[...]
        h2 = _leaky(out2)
        oh = _onehot(b_ref[...], R)
        sh2[...] += _dotg(oh, h2)
        cnt[...] += jnp.broadcast_to(jnp.sum(oh, axis=0)[:, None], (G, 128))

        @pl.when(i == NB - 1)
        def _():
            cntm = jnp.maximum(cnt[...][:, :1], 1.0)
            p1 = t1_ref[...] / cntm
            p2 = sh2[...] / cntm
            q = (jnp.dot(bn(p1, ga_ref[...], ba_ref[...]), Wa_ref[...],
                         preferred_element_type=_f32, precision=_HI)
                 + jnp.dot(bn(p2, gb_ref[...], bb_ref[...]), Wb_ref[...],
                           preferred_element_type=_f32, precision=_HI)
                 + fb_ref[...])
            q = _leaky(q)
            q = bn(q, g2_ref[...], be2_ref[...])
            y_ref[...] = jnp.dot(q, W2_ref[...],
                                 preferred_element_type=_f32, precision=_HI) + f2_ref[...]

    return pl.pallas_call(
        body,
        grid=(NB,),
        in_specs=[
            pl.BlockSpec((NC, R, DF), lambda i: (0, i, 0)),
            pl.BlockSpec((R, DF), lambda i: (i, 0)),
            pl.BlockSpec((NC, R, DEGW), lambda i: (0, i, 0)),
            pl.BlockSpec((R, 1), lambda i: (i, 0)),
            pl.BlockSpec((1, DF), lambda i: (0, 0)),
            pl.BlockSpec((G, DF), lambda i: (0, 0)),
            pl.BlockSpec((1, DF), lambda i: (0, 0)),
            pl.BlockSpec((1, DF), lambda i: (0, 0)),
            pl.BlockSpec((1, DF), lambda i: (0, 0)),
            pl.BlockSpec((1, DF), lambda i: (0, 0)),
            pl.BlockSpec((DF, DF), lambda i: (0, 0)),
            pl.BlockSpec((DF, DF), lambda i: (0, 0)),
            pl.BlockSpec((1, DF), lambda i: (0, 0)),
            pl.BlockSpec((1, DF), lambda i: (0, 0)),
            pl.BlockSpec((1, DF), lambda i: (0, 0)),
            pl.BlockSpec((DF, 1), lambda i: (0, 0)),
            pl.BlockSpec((1, 1), lambda i: (0, 0)),
        ],
        out_specs=pl.BlockSpec((G, 1), lambda i: (0, 0)),
        out_shape=jax.ShapeDtypeStruct((G, 1), _f32),
        scratch_shapes=[
            pltpu.VMEM((G, DF), _f32),
            pltpu.VMEM((G, 128), _f32),
        ],
    )(accp, xws2, counts, batch2, b2, T1, bn1_ga, bn1_ba, bn1_gb, bn1_bb,
      fc1_Wa, fc1_Wb, fc1_b, bn2_g, bn2_b, fc2_W, fc2_b)


def kernel(x, pLDDT, bfactor, edge_index, batch, gn1_w, gn1_b, gn1_ms, W1, b1,
           gn2_w, gn2_b, gn2_ms, W2, b2, bn1_g, bn1_b, fc1_W, fc1_b, bn2_g,
           bn2_b, fc2_W, fc2_b):
    src = edge_index[0].reshape(NW, EPW)
    dst = edge_index[1].reshape(NW, EPW)
    pad_s = (jnp.arange(NW * EPAD, dtype=jnp.int32) * 131) % N
    pad_d = N + (jnp.arange(NW * EPAD, dtype=jnp.int32) % ND)
    src3 = jnp.concatenate([src, pad_s.reshape(NW, EPAD)], 1).reshape(NW, NCHUNK, K)
    dst3 = jnp.concatenate([dst, pad_d.reshape(NW, EPAD)], 1).reshape(NW, NCHUNK, K)
    batch2 = batch[:, None]

    D1 = 256
    x0p = jnp.concatenate(
        [x, pLDDT[:, None], jnp.zeros((N, D1 - DF - 1), _f32)], axis=1)
    pz = jnp.zeros((D1 - DF - 1,), _f32)
    gn1_wp = jnp.concatenate([gn1_w, pz])[None, :]
    gn1_bp = jnp.concatenate([gn1_b, pz])[None, :]
    gn1_msp = jnp.concatenate([gn1_ms, pz])[None, :]
    W1p = jnp.concatenate([W1, jnp.zeros((D1 - DF - 1, DF), _f32)], axis=0)

    counts = _sc_deg(dst3)

    xws1 = _tc_layer1(x0p, batch2, counts, gn1_wp, gn1_bp, gn1_msp, W1p)
    acc1 = _sc_agg(xws1, src3, dst3)
    xws2, T1 = _tc_layer2(acc1, xws1, counts, batch2, b1[None, :],
                          gn2_w[None, :], gn2_b[None, :], gn2_ms[None, :], W2)
    acc2 = _sc_agg(xws2, src3, dst3)
    return _tc_final(acc2, xws2, counts, batch2, b2[None, :], T1,
                     bn1_g[None, :DF], bn1_b[None, :DF], bn1_g[None, DF:],
                     bn1_b[None, DF:], fc1_W[:DF], fc1_W[DF:], fc1_b[None, :],
                     bn2_g[None, :], bn2_b[None, :], fc2_W, fc2_b[None, :])

# --- scband reference (transcript-rebuilt; emitter-appended) ---
"""Pipeline reference for scband-multi-gcn-30897994727996 (READ-ONLY COPY).

The authoritative reference and input builder live on the scoring server;
editing this copy changes nothing except your own understanding.
"""

import jax, jax.numpy as jnp
import numpy as np

N = 10000
E = 320000
G = 16
DF = 128
EPS = 1e-5


def _graph_norm(x, batch, w, b, ms):
    cnt = jax.ops.segment_sum(jnp.ones((x.shape[0],), x.dtype), batch, num_segments=G)
    cnt = jnp.maximum(cnt, 1.0)[:, None]
    mean = jax.ops.segment_sum(x, batch, num_segments=G) / cnt
    out = x - ms[None, :] * mean[batch]
    var = jax.ops.segment_sum(out * out, batch, num_segments=G) / cnt
    std = jnp.sqrt(var + EPS)
    return w[None, :] * out / std[batch] + b[None, :]


def _gcn_conv(x, W, b, src, dst):
    xw = x @ W
    loop = jnp.arange(N, dtype=src.dtype)
    s = jnp.concatenate([src, loop])
    d = jnp.concatenate([dst, loop])
    deg = jnp.zeros((N,), xw.dtype).at[d].add(1.0)
    dinv = jax.lax.rsqrt(deg)
    norm = dinv[s] * dinv[d]
    msg = xw[s] * norm[:, None]
    out = jnp.zeros_like(xw).at[d].add(msg)
    return out + b[None, :]


def _leaky(x):
    return jnp.where(x >= 0, x, 0.01 * x)


def _bn(x, g, b):
    m = jnp.mean(x, axis=0)
    v = jnp.mean((x - m) ** 2, axis=0)
    return (x - m) / jnp.sqrt(v + EPS) * g + b


def _forward(x, pLDDT, bfactor, gn1_w, gn1_b, gn1_ms, W1, b1, gn2_w, gn2_b, gn2_ms, W2, b2, bn1_g, bn1_b, fc1_W, fc1_b, bn2_g, bn2_b, fc2_W, fc2_b, edge_index, batch):
    # graph_dims=['contact'] -> use_pLDDT=True, use_bfactor=False (bfactor read but unused)
    x0 = jnp.concatenate([x, pLDDT[:, None]], axis=1)
    src, dst = edge_index[0], edge_index[1]
    # conv block: [GraphNorm -> GCNConv -> LeakyReLU] x2, JumpingKnowledge('cat')
    h = _graph_norm(x0, batch, gn1_w, gn1_b, gn1_ms)
    h1 = _leaky(_gcn_conv(h, W1, b1, src, dst))
    h = _graph_norm(h1, batch, gn2_w, gn2_b, gn2_ms)
    h2 = _leaky(_gcn_conv(h, W2, b2, src, dst))
    xcat = jnp.concatenate([h1, h2], axis=1)
    # global mean pool per graph
    cnt = jax.ops.segment_sum(jnp.ones((N,), xcat.dtype), batch, num_segments=G)
    pooled = jax.ops.segment_sum(xcat, batch, num_segments=G) / jnp.maximum(cnt, 1.0)[:, None]
    # fc blocks: [BN -> Linear -> LeakyReLU], [BN -> Linear]
    y = _bn(pooled, bn1_g, bn1_b) @ fc1_W + fc1_b
    y = _leaky(y)
    y = _bn(y, bn2_g, bn2_b) @ fc2_W + fc2_b
    return y


def setup_inputs(seed: int = 0):
    key = jax.random.key(seed)
    ks = jax.random.split(key, 12)
    inp = {}
    inp["x"] = jax.random.normal(ks[0], (N, DF), dtype=jnp.float32)
    inp["pLDDT"] = jax.random.uniform(ks[1], (N,), dtype=jnp.float32)
    inp["bfactor"] = jax.random.uniform(ks[2], (N,), dtype=jnp.float32)
    inp["edge_index"] = jax.random.randint(ks[3], (2, E), 0, N, dtype=jnp.int32)
    inp["batch"] = jnp.sort(jax.random.randint(ks[4], (N,), 0, G, dtype=jnp.int32))
    d_in = DF + 1
    inp["gn1_w"] = jnp.ones((d_in,), jnp.float32)
    inp["gn1_b"] = jnp.zeros((d_in,), jnp.float32)
    inp["gn1_ms"] = jnp.ones((d_in,), jnp.float32)
    inp["W1"] = jax.random.normal(ks[5], (d_in, 128), dtype=jnp.float32) / jnp.sqrt(float(d_in))
    inp["b1"] = jnp.zeros((128,), jnp.float32)
    inp["gn2_w"] = jnp.ones((128,), jnp.float32)
    inp["gn2_b"] = jnp.zeros((128,), jnp.float32)
    inp["gn2_ms"] = jnp.ones((128,), jnp.float32)
    inp["W2"] = jax.random.normal(ks[6], (128, 128), dtype=jnp.float32) / jnp.sqrt(128.0)
    inp["b2"] = jnp.zeros((128,), jnp.float32)
    inp["bn1_g"] = jnp.ones((256,), jnp.float32)
    inp["bn1_b"] = jnp.zeros((256,), jnp.float32)
    inp["fc1_W"] = jax.random.normal(ks[7], (256, 128), dtype=jnp.float32) / jnp.sqrt(256.0)
    inp["fc1_b"] = jnp.zeros((128,), jnp.float32)
    inp["bn2_g"] = jnp.ones((128,), jnp.float32)
    inp["bn2_b"] = jnp.zeros((128,), jnp.float32)
    inp["fc2_W"] = jax.random.normal(ks[8], (128, 1), dtype=jnp.float32) / jnp.sqrt(128.0)
    inp["fc2_b"] = jnp.zeros((1,), jnp.float32)
    return inp


def reference(x, pLDDT, bfactor, edge_index, batch, gn1_w, gn1_b, gn1_ms, W1, b1, gn2_w, gn2_b, gn2_ms, W2, b2, bn1_g, bn1_b, fc1_W, fc1_b, bn2_g, bn2_b, fc2_W, fc2_b):
    return _forward(x, pLDDT, bfactor, gn1_w, gn1_b, gn1_ms, W1, b1, gn2_w, gn2_b, gn2_ms, W2, b2, bn1_g, bn1_b, fc1_W, fc1_b, bn2_g, bn2_b, fc2_W, fc2_b, edge_index, batch)

if __name__ == "__main__":
    import jax
    _d = setup_inputs()
    print(jax.jit(kernel)(*tuple(_d.values())))

</pallas_src>

<mosaic_0001>
#map = affine_map<(d0, d1) -> (0, 0, 0)>
#map1 = affine_map<(d0, d1) -> (0, 0)>
module attributes {stable_mosaic.version = 14 : i64} {
  func.func @run(%arg0: i32, %arg1: i32, %arg2: memref<32x79x128xi32, #tpu.memory_space<hbm>>, %arg3: memref<128x8xf32, #tpu.memory_space<hbm>>, %arg4: memref<80x8xf32, #tpu.memory_space<hbm>>, %arg5: memref<2x10008x8xf32, #tpu.memory_space<hbm>>, %arg6: memref<79x128xi32, #tpu.memory_space<vmem>>, %arg7: memref<128x8xf32, #tpu.memory_space<vmem>>, %arg8: memref<80x8xf32, #tpu.memory_space<vmem>>, %arg9: memref<10008x8xf32, #tpu.memory_space<vmem_shared>>, %arg10: memref<!tpu.dma_semaphore, #tpu.memory_space<semaphore_mem>>) attributes {dimension_semantics = [#tpu.dimension_semantics<core_parallel>, #tpu.dimension_semantics<subcore_parallel>], iteration_bounds = array<i64: 2, 16>, scalar_prefetch = 0 : i64, scratch_operands = 5 : i64, tpu.core_type = #tpu.core_type<sc_vector_subcore>, window_params = [{transform_indices = #map}, {transform_indices = #map1}, {transform_indices = #map1}, {transform_indices = #map}]} {
    %mul3A = arith.constant 16 : i32
    %mul3A_0 = arith.muli %arg0, %mul3A : i32
    %add3A = arith.addi %mul3A_0, %arg1 : i32
    %eq3A = arith.constant 15 : i32
    %eq3A_1 = arith.cmpi eq, %arg1, %eq3A : i32
    %jit3A = arith.constant 5 : i32
    %jit3A_2 = arith.constant 8 : i32
    %select_n3A = arith.select %eq3A_1, %jit3A, %jit3A_2 : i32
    "tpu.region"() ({
      %run_scoped3A = tpu.sem_alloc : memref<!tpu.dma_semaphore, #tpu.memory_space<semaphore_mem>>
      %dma_start3A = arith.constant 0 : i32
      %dma_start3A_33 = arith.constant 0 : i32
      %dma_start3A_34 = tpu.memref_slice %arg2[%add3A, %dma_start3A, %dma_start3A_33] : memref<32x79x128xi32, #tpu.memory_space<hbm>> -> memref<1x79x128xi32, #tpu.memory_space<hbm>>
      %dma_start3A_35 = tpu.memref_squeeze %dma_start3A_34 : memref<1x79x128xi32, #tpu.memory_space<hbm>> -> memref<79x128xi32, #tpu.memory_space<hbm>>
      %dma_start3A_36 = arith.constant 0 : i32
      %dma_start3A_37 = arith.constant 0 : i32
      %dma_start3A_38 = tpu.memref_slice %arg2[%add3A, %dma_start3A_36, %dma_start3A_37] : memref<32x79x128xi32, #tpu.memory_space<hbm>> -> memref<1x79x128xi32, #tpu.memory_space<hbm>>
      %dma_start3A_39 = tpu.memref_squeeze %dma_start3A_38 : memref<1x79x128xi32, #tpu.memory_space<hbm>> -> memref<79x128xi32, #tpu.memory_space<hbm>>
      tpu.enqueue_dma source(%dma_start3A_39 : memref<79x128xi32, #tpu.memory_space<hbm>>) target(%arg6 : memref<79x128xi32, #tpu.memory_space<vmem>>) target_semaphore(%run_scoped3A : memref<!tpu.dma_semaphore, #tpu.memory_space<semaphore_mem>>)
      %dma_wait3A = arith.constant 0 : i32
      %dma_wait3A_40 = arith.constant 0 : i32
      %dma_wait3A_41 = tpu.memref_slice %arg2[%add3A, %dma_wait3A, %dma_wait3A_40] : memref<32x79x128xi32, #tpu.memory_space<hbm>> -> memref<1x79x128xi32, #tpu.memory_space<hbm>>
      %dma_wait3A_42 = tpu.memref_squeeze %dma_wait3A_41 : memref<1x79x128xi32, #tpu.memory_space<hbm>> -> memref<79x128xi32, #tpu.memory_space<hbm>>
      %dma_wait3A_43 = arith.constant 0 : i32
      %dma_wait3A_44 = arith.constant 0 : i32
      %dma_wait3A_45 = tpu.memref_slice %arg2[%add3A, %dma_wait3A_43, %dma_wait3A_44] : memref<32x79x128xi32, #tpu.memory_space<hbm>> -> memref<1x79x128xi32, #tpu.memory_space<hbm>>
      %dma_wait3A_46 = tpu.memref_squeeze %dma_wait3A_45 : memref<1x79x128xi32, #tpu.memory_space<hbm>> -> memref<79x128xi32, #tpu.memory_space<hbm>>
      tpu.wait_dma2 semaphore(%run_scoped3A : memref<!tpu.dma_semaphore, #tpu.memory_space<semaphore_mem>>) src(%dma_wait3A_46 : memref<79x128xi32, #tpu.memory_space<hbm>>) dst(%arg6 : memref<79x128xi32, #tpu.memory_space<vmem>>)
      tpu.yield
    }) : () -> ()
    "tpu.region"() ({
      %run_scoped3A = tpu.sem_alloc : memref<!tpu.dma_semaphore, #tpu.memory_space<semaphore_mem>>
      tpu.enqueue_dma source(%arg3 : memref<128x8xf32, #tpu.memory_space<hbm>>) target(%arg7 : memref<128x8xf32, #tpu.memory_space<vmem>>) target_semaphore(%run_scoped3A : memref<!tpu.dma_semaphore, #tpu.memory_space<semaphore_mem>>)
      tpu.wait_dma2 semaphore(%run_scoped3A : memref<!tpu.dma_semaphore, #tpu.memory_space<semaphore_mem>>) src(%arg3 : memref<128x8xf32, #tpu.memory_space<hbm>>) dst(%arg7 : memref<128x8xf32, #tpu.memory_space<vmem>>)
      tpu.yield
    }) : () -> ()
    "tpu.region"() ({
      %run_scoped3A = tpu.sem_alloc : memref<!tpu.dma_semaphore, #tpu.memory_space<semaphore_mem>>
      tpu.enqueue_dma source(%arg4 : memref<80x8xf32, #tpu.memory_space<hbm>>) target(%arg8 : memref<80x8xf32, #tpu.memory_space<vmem>>) target_semaphore(%run_scoped3A : memref<!tpu.dma_semaphore, #tpu.memory_space<semaphore_mem>>)
      tpu.wait_dma2 semaphore(%run_scoped3A : memref<!tpu.dma_semaphore, #tpu.memory_space<semaphore_mem>>) src(%arg4 : memref<80x8xf32, #tpu.memory_space<hbm>>) dst(%arg8 : memref<80x8xf32, #tpu.memory_space<vmem>>)
      tpu.yield
    }) : () -> ()
    %while3A = arith.constant 0 : i32
    %while3A_3 = arith.constant 0 : i32
    %while3A_4 = arith.subi %select_n3A, %while3A : i32
    %while3A_5 = arith.addi %while3A, %while3A_4 : i32
    %while3A_6 = arith.constant 1 : i32
    %while3A_7 = arith.divsi %while3A_4, %while3A_6 : i32
    %while3A_8 = arith.muli %while3A_7, %while3A_6 : i32
    %while3A_9 = arith.addi %while3A, %while3A_8 : i32
    %while3A_10 = arith.constant 1 : i32
    %while3A_11 = scf.for %while3A_33 = %while3A to %while3A_9 step %while3A_10 iter_args(%while3A_34 = %while3A_3) -> (i32)  : i32 {
      %mul3A_35 = arith.constant 640 : i32
      %mul3A_36 = arith.muli %arg1, %mul3A_35 : i32
      %mul3A_37 = arith.constant 80 : i32
      %mul3A_38 = arith.muli %while3A_33, %mul3A_37 : i32
      %add3A_39 = arith.addi %mul3A_36, %mul3A_38 : i32
      "tpu.region"() ({
        %run_scoped3A = tpu.sem_alloc : memref<!tpu.dma_semaphore, #tpu.memory_space<semaphore_mem>>
        %dma_start3A = arith.constant 0 : i32
        %dma_start3A_41 = tpu.memref_slice %arg9[%add3A_39, %dma_start3A] : memref<10008x8xf32, #tpu.memory_space<vmem_shared>> -> memref<80x8xf32, #tpu.memory_space<vmem_shared>>
        %dma_start3A_42 = arith.constant 0 : i32
        %dma_start3A_43 = tpu.memref_slice %arg9[%add3A_39, %dma_start3A_42] : memref<10008x8xf32, #tpu.memory_space<vmem_shared>> -> memref<80x8xf32, #tpu.memory_space<vmem_shared>>
        tpu.enqueue_dma source(%arg8 : memref<80x8xf32, #tpu.memory_space<vmem>>) target(%dma_start3A_43 : memref<80x8xf32, #tpu.memory_space<vmem_shared>>) target_semaphore(%run_scoped3A : memref<!tpu.dma_semaphore, #tpu.memory_space<semaphore_mem>>)
        %dma_wait3A = arith.constant 0 : i32
        %dma_wait3A_44 = tpu.memref_slice %arg9[%add3A_39, %dma_wait3A] : memref<10008x8xf32, #tpu.memory_space<vmem_shared>> -> memref<80x8xf32, #tpu.memory_space<vmem_shared>>
        %dma_wait3A_45 = arith.constant 0 : i32
        %dma_wait3A_46 = tpu.memref_slice %arg9[%add3A_39, %dma_wait3A_45] : memref<10008x8xf32, #tpu.memory_space<vmem_shared>> -> memref<80x8xf32, #tpu.memory_space<vmem_shared>>
        tpu.wait_dma2 semaphore(%run_scoped3A : memref<!tpu.dma_semaphore, #tpu.memory_space<semaphore_mem>>) src(%arg8 : memref<80x8xf32, #tpu.memory_space<vmem>>) dst(%dma_wait3A_46 : memref<80x8xf32, #tpu.memory_space<vmem_shared>>)
        tpu.yield
      }) : () -> ()
      %while3A_40 = arith.constant 0 : i32
      scf.yield %while3A_40 : i32
    }
    %while3A_12 = arith.constant 1 : i32
    %while3A_13 = scf.for %while3A_33 = %while3A_9 to %while3A_5 step %while3A_12 iter_args(%while3A_34 = %while3A_11) -> (i32)  : i32 {
      %mul3A_35 = arith.constant 640 : i32
      %mul3A_36 = arith.muli %arg1, %mul3A_35 : i32
      %mul3A_37 = arith.constant 80 : i32
      %mul3A_38 = arith.muli %while3A_33, %mul3A_37 : i32
      %add3A_39 = arith.addi %mul3A_36, %mul3A_38 : i32
      "tpu.region"() ({
        %run_scoped3A = tpu.sem_alloc : memref<!tpu.dma_semaphore, #tpu.memory_space<semaphore_mem>>
        %dma_start3A = arith.constant 0 : i32
        %dma_start3A_41 = tpu.memref_slice %arg9[%add3A_39, %dma_start3A] : memref<10008x8xf32, #tpu.memory_space<vmem_shared>> -> memref<80x8xf32, #tpu.memory_space<vmem_shared>>
        %dma_start3A_42 = arith.constant 0 : i32
        %dma_start3A_43 = tpu.memref_slice %arg9[%add3A_39, %dma_start3A_42] : memref<10008x8xf32, #tpu.memory_space<vmem_shared>> -> memref<80x8xf32, #tpu.memory_space<vmem_shared>>
        tpu.enqueue_dma source(%arg8 : memref<80x8xf32, #tpu.memory_space<vmem>>) target(%dma_start3A_43 : memref<80x8xf32, #tpu.memory_space<vmem_shared>>) target_semaphore(%run_scoped3A : memref<!tpu.dma_semaphore, #tpu.memory_space<semaphore_mem>>)
        %dma_wait3A = arith.constant 0 : i32
        %dma_wait3A_44 = tpu.memref_slice %arg9[%add3A_39, %dma_wait3A] : memref<10008x8xf32, #tpu.memory_space<vmem_shared>> -> memref<80x8xf32, #tpu.memory_space<vmem_shared>>
        %dma_wait3A_45 = arith.constant 0 : i32
        %dma_wait3A_46 = tpu.memref_slice %arg9[%add3A_39, %dma_wait3A_45] : memref<10008x8xf32, #tpu.memory_space<vmem_shared>> -> memref<80x8xf32, #tpu.memory_space<vmem_shared>>
        tpu.wait_dma2 semaphore(%run_scoped3A : memref<!tpu.dma_semaphore, #tpu.memory_space<semaphore_mem>>) src(%arg8 : memref<80x8xf32, #tpu.memory_space<vmem>>) dst(%dma_wait3A_46 : memref<80x8xf32, #tpu.memory_space<vmem_shared>>)
        tpu.yield
      }) : () -> ()
      %while3A_40 = arith.constant 0 : i32
      scf.yield %while3A_40 : i32
    }
    %barrier3A = arith.constant 0 : index
    tpu.barrier barrier_id(%barrier3A)
    %scan3A = arith.constant 0 : i32
    %scan3A_14 = arith.constant 0 : i32
    %scan3A_15 = arith.constant 79 : i32
    %scan3A_16 = arith.addi %scan3A_14, %scan3A_15 : i32
    %scan3A_17 = arith.constant 1 : i32
    %scan3A_18 = scf.for %scan3A_33 = %scan3A_14 to %scan3A_16 step %scan3A_17 iter_args(%scan3A_34 = %scan3A) -> (i32)  : i32 {
      "tpu.region"() ({
        %run_scoped3A = tpu.sem_alloc : memref<!tpu.dma_semaphore, #tpu.memory_space<semaphore_mem>>
        %dma_start3A = arith.constant 0 : i32
        %dma_start3A_36 = tpu.memref_slice %arg6[%scan3A_33, %dma_start3A] : memref<79x128xi32, #tpu.memory_space<vmem>> -> memref<1x128xi32, #tpu.memory_space<vmem>>
        %dma_start3A_37 = tpu.memref_squeeze %dma_start3A_36 : memref<1x128xi32, #tpu.memory_space<vmem>> -> memref<128xi32, #tpu.memory_space<vmem>>
        %dma_start3A_38 = arith.constant 0 : i32
        %dma_start3A_39 = arith.constant 0 : i32
        %dma_start3A_40 = tpu.memref_slice %arg9[%dma_start3A_38, %dma_start3A_39] : memref<10008x8xf32, #tpu.memory_space<vmem_shared>> -> memref<10008x8xf32, #tpu.memory_space<vmem_shared>>
        tpu.enqueue_indirect_dma source(%arg7 : memref<128x8xf32, #tpu.memory_space<vmem>>) target(%dma_start3A_40 : memref<10008x8xf32, #tpu.memory_space<vmem_shared>>) offsets(%dma_start3A_37 : memref<128xi32, #tpu.memory_space<vmem>>) semaphore(%run_scoped3A : memref<!tpu.dma_semaphore, #tpu.memory_space<semaphore_mem>>) {add = true}
        %dma_wait3A = arith.constant 0 : i32
        %dma_wait3A_41 = tpu.memref_slice %arg6[%scan3A_33, %dma_wait3A] : memref<79x128xi32, #tpu.memory_space<vmem>> -> memref<1x128xi32, #tpu.memory_space<vmem>>
        %dma_wait3A_42 = tpu.memref_squeeze %dma_wait3A_41 : memref<1x128xi32, #tpu.memory_space<vmem>> -> memref<128xi32, #tpu.memory_space<vmem>>
        %dma_wait3A_43 = arith.constant 0 : i32
        %dma_wait3A_44 = arith.constant 0 : i32
        %dma_wait3A_45 = tpu.memref_slice %arg9[%dma_wait3A_43, %dma_wait3A_44] : memref<10008x8xf32, #tpu.memory_space<vmem_shared>> -> memref<10008x8xf32, #tpu.memory_space<vmem_shared>>
        tpu.wait_indirect_dma semaphore(%run_scoped3A : memref<!tpu.dma_semaphore, #tpu.memory_space<semaphore_mem>>) src(%arg7 : memref<128x8xf32, #tpu.memory_space<vmem>>) dst(%dma_wait3A_45 : memref<10008x8xf32, #tpu.memory_space<vmem_shared>>)
        tpu.yield
      }) : () -> ()
      %scan3A_35 = arith.constant 0 : i32
      scf.yield %scan3A_35 : i32
    }
    %scan3A_19 = arith.constant 79 : i32
    %barrier3A_20 = arith.constant 0 : index
    tpu.barrier barrier_id(%barrier3A_20)
    %while3A_21 = arith.constant 0 : i32
    %while3A_22 = arith.constant 0 : i32
    %while3A_23 = arith.subi %select_n3A, %while3A_21 : i32
    %while3A_24 = arith.addi %while3A_21, %while3A_23 : i32
    %while3A_25 = arith.constant 1 : i32
    %while3A_26 = arith.divsi %while3A_23, %while3A_25 : i32
    %while3A_27 = arith.muli %while3A_26, %while3A_25 : i32
    %while3A_28 = arith.addi %while3A_21, %while3A_27 : i32
    %while3A_29 = arith.constant 1 : i32
    %while3A_30 = scf.for %while3A_33 = %while3A_21 to %while3A_28 step %while3A_29 iter_args(%while3A_34 = %while3A_22) -> (i32)  : i32 {
      %mul3A_35 = arith.constant 640 : i32
      %mul3A_36 = arith.muli %arg1, %mul3A_35 : i32
      %mul3A_37 = arith.constant 80 : i32
      %mul3A_38 = arith.muli %while3A_33, %mul3A_37 : i32
      %add3A_39 = arith.addi %mul3A_36, %mul3A_38 : i32
      "tpu.region"() ({
        %run_scoped3A = tpu.sem_alloc : memref<!tpu.dma_semaphore, #tpu.memory_space<semaphore_mem>>
        %dma_start3A = arith.constant 0 : i32
        %dma_start3A_41 = tpu.memref_slice %arg9[%add3A_39, %dma_start3A] : memref<10008x8xf32, #tpu.memory_space<vmem_shared>> -> memref<80x8xf32, #tpu.memory_space<vmem_shared>>
        %dma_start3A_42 = arith.constant 0 : i32
        %dma_start3A_43 = tpu.memref_slice %arg9[%add3A_39, %dma_start3A_42] : memref<10008x8xf32, #tpu.memory_space<vmem_shared>> -> memref<80x8xf32, #tpu.memory_space<vmem_shared>>
        tpu.enqueue_dma source(%dma_start3A_43 : memref<80x8xf32, #tpu.memory_space<vmem_shared>>) target(%arg8 : memref<80x8xf32, #tpu.memory_space<vmem>>) target_semaphore(%run_scoped3A : memref<!tpu.dma_semaphore, #tpu.memory_space<semaphore_mem>>)
        %dma_wait3A = arith.constant 0 : i32
        %dma_wait3A_44 = tpu.memref_slice %arg9[%add3A_39, %dma_wait3A] : memref<10008x8xf32, #tpu.memory_space<vmem_shared>> -> memref<80x8xf32, #tpu.memory_space<vmem_shared>>
        %dma_wait3A_45 = arith.constant 0 : i32
        %dma_wait3A_46 = tpu.memref_slice %arg9[%add3A_39, %dma_wait3A_45] : memref<10008x8xf32, #tpu.memory_space<vmem_shared>> -> memref<80x8xf32, #tpu.memory_space<vmem_shared>>
        tpu.wait_dma2 semaphore(%run_scoped3A : memref<!tpu.dma_semaphore, #tpu.memory_space<semaphore_mem>>) src(%dma_wait3A_46 : memref<80x8xf32, #tpu.memory_space<vmem_shared>>) dst(%arg8 : memref<80x8xf32, #tpu.memory_space<vmem>>)
        tpu.yield
      }) : () -> ()
      "tpu.region"() ({
        %run_scoped3A = tpu.sem_alloc : memref<!tpu.dma_semaphore, #tpu.memory_space<semaphore_mem>>
        %dma_start3A = arith.constant 0 : i32
        %dma_start3A_41 = arith.constant 0 : i32
        %dma_start3A_42 = tpu.memref_slice %arg5[%arg0, %dma_start3A, %dma_start3A_41] : memref<2x10008x8xf32, #tpu.memory_space<hbm>> -> memref<1x10008x8xf32, #tpu.memory_space<hbm>>
        %dma_start3A_43 = tpu.memref_squeeze %dma_start3A_42 : memref<1x10008x8xf32, #tpu.memory_space<hbm>> -> memref<10008x8xf32, #tpu.memory_space<hbm>>
        %dma_start3A_44 = arith.constant 0 : i32
        %dma_start3A_45 = tpu.memref_slice %dma_start3A_43[%add3A_39, %dma_start3A_44] : memref<10008x8xf32, #tpu.memory_space<hbm>> -> memref<80x8xf32, #tpu.memory_space<hbm>>
        %dma_start3A_46 = arith.constant 0 : i32
        %dma_start3A_47 = arith.constant 0 : i32
        %dma_start3A_48 = tpu.memref_slice %arg5[%arg0, %dma_start3A_46, %dma_start3A_47] : memref<2x10008x8xf32, #tpu.memory_space<hbm>> -> memref<1x10008x8xf32, #tpu.memory_space<hbm>>
        %dma_start3A_49 = tpu.memref_squeeze %dma_start3A_48 : memref<1x10008x8xf32, #tpu.memory_space<hbm>> -> memref<10008x8xf32, #tpu.memory_space<hbm>>
        %dma_start3A_50 = arith.constant 0 : i32
        %dma_start3A_51 = tpu.memref_slice %dma_start3A_49[%add3A_39, %dma_start3A_50] : memref<10008x8xf32, #tpu.memory_space<hbm>> -> memref<80x8xf32, #tpu.memory_space<hbm>>
        tpu.enqueue_dma source(%arg8 : memref<80x8xf32, #tpu.memory_space<vmem>>) target(%dma_start3A_51 : memref<80x8xf32, #tpu.memory_space<hbm>>) target_semaphore(%run_scoped3A : memref<!tpu.dma_semaphore, #tpu.memory_space<semaphore_mem>>)
        %dma_wait3A = arith.constant 0 : i32
        %dma_wait3A_52 = arith.constant 0 : i32
        %dma_wait3A_53 = tpu.memref_slice %arg5[%arg0, %dma_wait3A, %dma_wait3A_52] : memref<2x10008x8xf32, #tpu.memory_space<hbm>> -> memref<1x10008x8xf32, #tpu.memory_space<hbm>>
        %dma_wait3A_54 = tpu.memref_squeeze %dma_wait3A_53 : memref<1x10008x8xf32, #tpu.memory_space<hbm>> -> memref<10008x8xf32, #tpu.memory_space<hbm>>
        %dma_wait3A_55 = arith.constant 0 : i32
        %dma_wait3A_56 = tpu.memref_slice %dma_wait3A_54[%add3A_39, %dma_wait3A_55] : memref<10008x8xf32, #tpu.memory_space<hbm>> -> memref<80x8xf32, #tpu.memory_space<hbm>>
        %dma_wait3A_57 = arith.constant 0 : i32
        %dma_wait3A_58 = arith.constant 0 : i32
        %dma_wait3A_59 = tpu.memref_slice %arg5[%arg0, %dma_wait3A_57, %dma_wait3A_58] : memref<2x10008x8xf32, #tpu.memory_space<hbm>> -> memref<1x10008x8xf32, #tpu.memory_space<hbm>>
        %dma_wait3A_60 = tpu.memref_squeeze %dma_wait3A_59 : memref<1x10008x8xf32, #tpu.memory_space<hbm>> -> memref<10008x8xf32, #tpu.memory_space<hbm>>
        %dma_wait3A_61 = arith.constant 0 : i32
        %dma_wait3A_62 = tpu.memref_slice %dma_wait3A_60[%add3A_39, %dma_wait3A_61] : memref<10008x8xf32, #tpu.memory_space<hbm>> -> memref<80x8xf32, #tpu.memory_space<hbm>>
        tpu.wait_dma2 semaphore(%run_scoped3A : memref<!tpu.dma_semaphore, #tpu.memory_space<semaphore_mem>>) src(%arg8 : memref<80x8xf32, #tpu.memory_space<vmem>>) dst(%dma_wait3A_62 : memref<80x8xf32, #tpu.memory_space<hbm>>)
        tpu.yield
      }) : () -> ()
      %while3A_40 = arith.constant 0 : i32
      scf.yield %while3A_40 : i32
    }
    %while3A_31 = arith.constant 1 : i32
    %while3A_32 = scf.for %while3A_33 = %while3A_28 to %while3A_24 step %while3A_31 iter_args(%while3A_34 = %while3A_30) -> (i32)  : i32 {
      %mul3A_35 = arith.constant 640 : i32
      %mul3A_36 = arith.muli %arg1, %mul3A_35 : i32
      %mul3A_37 = arith.constant 80 : i32
      %mul3A_38 = arith.muli %while3A_33, %mul3A_37 : i32
      %add3A_39 = arith.addi %mul3A_36, %mul3A_38 : i32
      "tpu.region"() ({
        %run_scoped3A = tpu.sem_alloc : memref<!tpu.dma_semaphore, #tpu.memory_space<semaphore_mem>>
        %dma_start3A = arith.constant 0 : i32
        %dma_start3A_41 = tpu.memref_slice %arg9[%add3A_39, %dma_start3A] : memref<10008x8xf32, #tpu.memory_space<vmem_shared>> -> memref<80x8xf32, #tpu.memory_space<vmem_shared>>
        %dma_start3A_42 = arith.constant 0 : i32
        %dma_start3A_43 = tpu.memref_slice %arg9[%add3A_39, %dma_start3A_42] : memref<10008x8xf32, #tpu.memory_space<vmem_shared>> -> memref<80x8xf32, #tpu.memory_space<vmem_shared>>
        tpu.enqueue_dma source(%dma_start3A_43 : memref<80x8xf32, #tpu.memory_space<vmem_shared>>) target(%arg8 : memref<80x8xf32, #tpu.memory_space<vmem>>) target_semaphore(%run_scoped3A : memref<!tpu.dma_semaphore, #tpu.memory_space<semaphore_mem>>)
        %dma_wait3A = arith.constant 0 : i32
        %dma_wait3A_44 = tpu.memref_slice %arg9[%add3A_39, %dma_wait3A] : memref<10008x8xf32, #tpu.memory_space<vmem_shared>> -> memref<80x8xf32, #tpu.memory_space<vmem_shared>>
        %dma_wait3A_45 = arith.constant 0 : i32
        %dma_wait3A_46 = tpu.memref_slice %arg9[%add3A_39, %dma_wait3A_45] : memref<10008x8xf32, #tpu.memory_space<vmem_shared>> -> memref<80x8xf32, #tpu.memory_space<vmem_shared>>
        tpu.wait_dma2 semaphore(%run_scoped3A : memref<!tpu.dma_semaphore, #tpu.memory_space<semaphore_mem>>) src(%dma_wait3A_46 : memref<80x8xf32, #tpu.memory_space<vmem_shared>>) dst(%arg8 : memref<80x8xf32, #tpu.memory_space<vmem>>)
        tpu.yield
      }) : () -> ()
      "tpu.region"() ({
        %run_scoped3A = tpu.sem_alloc : memref<!tpu.dma_semaphore, #tpu.memory_space<semaphore_mem>>
        %dma_start3A = arith.constant 0 : i32
        %dma_start3A_41 = arith.constant 0 : i32
        %dma_start3A_42 = tpu.memref_slice %arg5[%arg0, %dma_start3A, %dma_start3A_41] : memref<2x10008x8xf32, #tpu.memory_space<hbm>> -> memref<1x10008x8xf32, #tpu.memory_space<hbm>>
        %dma_start3A_43 = tpu.memref_squeeze %dma_start3A_42 : memref<1x10008x8xf32, #tpu.memory_space<hbm>> -> memref<10008x8xf32, #tpu.memory_space<hbm>>
        %dma_start3A_44 = arith.constant 0 : i32
        %dma_start3A_45 = tpu.memref_slice %dma_start3A_43[%add3A_39, %dma_start3A_44] : memref<10008x8xf32, #tpu.memory_space<hbm>> -> memref<80x8xf32, #tpu.memory_space<hbm>>
        %dma_start3A_46 = arith.constant 0 : i32
        %dma_start3A_47 = arith.constant 0 : i32
        %dma_start3A_48 = tpu.memref_slice %arg5[%arg0, %dma_start3A_46, %dma_start3A_47] : memref<2x10008x8xf32, #tpu.memory_space<hbm>> -> memref<1x10008x8xf32, #tpu.memory_space<hbm>>
        %dma_start3A_49 = tpu.memref_squeeze %dma_start3A_48 : memref<1x10008x8xf32, #tpu.memory_space<hbm>> -> memref<10008x8xf32, #tpu.memory_space<hbm>>
        %dma_start3A_50 = arith.constant 0 : i32
        %dma_start3A_51 = tpu.memref_slice %dma_start3A_49[%add3A_39, %dma_start3A_50] : memref<10008x8xf32, #tpu.memory_space<hbm>> -> memref<80x8xf32, #tpu.memory_space<hbm>>
        tpu.enqueue_dma source(%arg8 : memref<80x8xf32, #tpu.memory_space<vmem>>) target(%dma_start3A_51 : memref<80x8xf32, #tpu.memory_space<hbm>>) target_semaphore(%run_scoped3A : memref<!tpu.dma_semaphore, #tpu.memory_space<semaphore_mem>>)
        %dma_wait3A = arith.constant 0 : i32
        %dma_wait3A_52 = arith.constant 0 : i32
        %dma_wait3A_53 = tpu.memref_slice %arg5[%arg0, %dma_wait3A, %dma_wait3A_52] : memref<2x10008x8xf32, #tpu.memory_space<hbm>> -> memref<1x10008x8xf32, #tpu.memory_space<hbm>>
        %dma_wait3A_54 = tpu.memref_squeeze %dma_wait3A_53 : memref<1x10008x8xf32, #tpu.memory_space<hbm>> -> memref<10008x8xf32, #tpu.memory_space<hbm>>
        %dma_wait3A_55 = arith.constant 0 : i32
        %dma_wait3A_56 = tpu.memref_slice %dma_wait3A_54[%add3A_39, %dma_wait3A_55] : memref<10008x8xf32, #tpu.memory_space<hbm>> -> memref<80x8xf32, #tpu.memory_space<hbm>>
        %dma_wait3A_57 = arith.constant 0 : i32
        %dma_wait3A_58 = arith.constant 0 : i32
        %dma_wait3A_59 = tpu.memref_slice %arg5[%arg0, %dma_wait3A_57, %dma_wait3A_58] : memref<2x10008x8xf32, #tpu.memory_space<hbm>> -> memref<1x10008x8xf32, #tpu.memory_space<hbm>>
        %dma_wait3A_60 = tpu.memref_squeeze %dma_wait3A_59 : memref<1x10008x8xf32, #tpu.memory_space<hbm>> -> memref<10008x8xf32, #tpu.memory_space<hbm>>
        %dma_wait3A_61 = arith.constant 0 : i32
        %dma_wait3A_62 = tpu.memref_slice %dma_wait3A_60[%add3A_39, %dma_wait3A_61] : memref<10008x8xf32, #tpu.memory_space<hbm>> -> memref<80x8xf32, #tpu.memory_space<hbm>>
        tpu.wait_dma2 semaphore(%run_scoped3A : memref<!tpu.dma_semaphore, #tpu.memory_space<semaphore_mem>>) src(%arg8 : memref<80x8xf32, #tpu.memory_space<vmem>>) dst(%dma_wait3A_62 : memref<80x8xf32, #tpu.memory_space<hbm>>)
        tpu.yield
      }) : () -> ()
      %while3A_40 = arith.constant 0 : i32
      scf.yield %while3A_40 : i32
    }
    return
  }
}

#map = affine_map<(d0, d1) -> (0, 0)>
#map1 = affine_map<(d0, d1) -> (0, 0, 0)>
module attributes {stable_mosaic.version = 14 : i64} {
  func.func @run(%arg0: i32, %arg1: i32, %arg2: memref<10000x64xf32, #tpu.memory_space<hbm>>, %arg3: memref<32x79x128xi32, #tpu.memory_space<hbm>>, %arg4: memref<32x79x128xi32, #tpu.memory_space<hbm>>, %arg5: memref<2x10008x64xf32, #tpu.memory_space<hbm>>, %arg6: memref<79x128xi32, #tpu.memory_space<vmem>>, %arg7: memref<79x128xi32, #tpu.memory_space<vmem>>, %arg8: memref<128x64xf32, #tpu.memory_space<vmem>>, %arg9: memref<128x64xf32, #tpu.memory_space<vmem>>, %arg10: memref<80x64xf32, #tpu.memory_space<vmem>>, %arg11: memref<10008x64xf32, #tpu.memory_space<vmem_shared>>, %arg12: memref<!tpu.dma_semaphore, #tpu.memory_space<semaphore_mem>>, %arg13: memref<!tpu.dma_semaphore, #tpu.memory_space<semaphore_mem>>) attributes {dimension_semantics = [#tpu.dimension_semantics<core_parallel>, #tpu.dimension_semantics<subcore_parallel>], iteration_bounds = array<i64: 2, 16>, scalar_prefetch = 0 : i64, scratch_operands = 8 : i64, tpu.core_type = #tpu.core_type<sc_vector_subcore>, window_params = [{transform_indices = #map}, {transform_indices = #map1}, {transform_indices = #map1}, {transform_indices = #map1}]} {
    %mul3A = arith.constant 16 : i32
    %mul3A_0 = arith.muli %arg0, %mul3A : i32
    %add3A = arith.addi %mul3A_0, %arg1 : i32
    %eq3A = arith.constant 15 : i32
    %eq3A_1 = arith.cmpi eq, %arg1, %eq3A : i32
    %jit3A = arith.constant 5 : i32
    %jit3A_2 = arith.constant 8 : i32
    %select_n3A = arith.select %eq3A_1, %jit3A, %jit3A_2 : i32
    "tpu.region"() ({
      %run_scoped3A_53 = tpu.sem_alloc : memref<!tpu.dma_semaphore, #tpu.memory_space<semaphore_mem>>
      %dma_start3A_54 = arith.constant 0 : i32
      %dma_start3A_55 = arith.constant 0 : i32
      %dma_start3A_56 = tpu.memref_slice %arg3[%add3A, %dma_start3A_54, %dma_start3A_55] : memref<32x79x128xi32, #tpu.memory_space<hbm>> -> memref<1x79x128xi32, #tpu.memory_space<hbm>>
      %dma_start3A_57 = tpu.memref_squeeze %dma_start3A_56 : memref<1x79x128xi32, #tpu.memory_space<hbm>> -> memref<79x128xi32, #tpu.memory_space<hbm>>
      %dma_start3A_58 = arith.constant 0 : i32
      %dma_start3A_59 = arith.constant 0 : i32
      %dma_start3A_60 = tpu.memref_slice %arg3[%add3A, %dma_start3A_58, %dma_start3A_59] : memref<32x79x128xi32, #tpu.memory_space<hbm>> -> memref<1x79x128xi32, #tpu.memory_space<hbm>>
      %dma_start3A_61 = tpu.memref_squeeze %dma_start3A_60 : memref<1x79x128xi32, #tpu.memory_space<hbm>> -> memref<79x128xi32, #tpu.memory_space<hbm>>
      tpu.enqueue_dma source(%dma_start3A_61 : memref<79x128xi32, #tpu.memory_space<hbm>>) target(%arg6 : memref<79x128xi32, #tpu.memory_space<vmem>>) target_semaphore(%run_scoped3A_53 : memref<!tpu.dma_semaphore, #tpu.memory_space<semaphore_mem>>)
      %dma_wait3A_62 = arith.constant 0 : i32
      %dma_wait3A_63 = arith.constant 0 : i32
      %dma_wait3A_64 = tpu.memref_slice %arg3[%add3A, %dma_wait3A_62, %dma_wait3A_63] : memref<32x79x128xi32, #tpu.memory_space<hbm>> -> memref<1x79x128xi32, #tpu.memory_space<hbm>>
      %dma_wait3A_65 = tpu.memref_squeeze %dma_wait3A_64 : memref<1x79x128xi32, #tpu.memory_space<hbm>> -> memref<79x128xi32, #tpu.memory_space<hbm>>
      %dma_wait3A_66 = arith.constant 0 : i32
      %dma_wait3A_67 = arith.constant 0 : i32
      %dma_wait3A_68 = tpu.memref_slice %arg3[%add3A, %dma_wait3A_66, %dma_wait3A_67] : memref<32x79x128xi32, #tpu.memory_space<hbm>> -> memref<1x79x128xi32, #tpu.memory_space<hbm>>
      %dma_wait3A_69 = tpu.memref_squeeze %dma_wait3A_68 : memref<1x79x128xi32, #tpu.memory_space<hbm>> -> memref<79x128xi32, #tpu.memory_space<hbm>>
      tpu.wait_dma2 semaphore(%run_scoped3A_53 : memref<!tpu.dma_semaphore, #tpu.memory_space<semaphore_mem>>) src(%dma_wait3A_69 : memref<79x128xi32, #tpu.memory_space<hbm>>) dst(%arg6 : memref<79x128xi32, #tpu.memory_space<vmem>>)
      tpu.yield
    }) : () -> ()
    "tpu.region"() ({
      %run_scoped3A_53 = tpu.sem_alloc : memref<!tpu.dma_semaphore, #tpu.memory_space<semaphore_mem>>
      %dma_start3A_54 = arith.constant 0 : i32
      %dma_start3A_55 = arith.constant 0 : i32
      %dma_start3A_56 = tpu.memref_slice %arg4[%add3A, %dma_start3A_54, %dma_start3A_55] : memref<32x79x128xi32, #tpu.memory_space<hbm>> -> memref<1x79x128xi32, #tpu.memory_space<hbm>>
      %dma_start3A_57 = tpu.memref_squeeze %dma_start3A_56 : memref<1x79x128xi32, #tpu.memory_space<hbm>> -> memref<79x128xi32, #tpu.memory_space<hbm>>
      %dma_start3A_58 = arith.constant 0 : i32
      %dma_start3A_59 = arith.constant 0 : i32
      %dma_start3A_60 = tpu.memref_slice %arg4[%add3A, %dma_start3A_58, %dma_start3A_59] : memref<32x79x128xi32, #tpu.memory_space<hbm>> -> memref<1x79x128xi32, #tpu.memory_space<hbm>>
      %dma_start3A_61 = tpu.memref_squeeze %dma_start3A_60 : memref<1x79x128xi32, #tpu.memory_space<hbm>> -> memref<79x128xi32, #tpu.memory_space<hbm>>
      tpu.enqueue_dma source(%dma_start3A_61 : memref<79x128xi32, #tpu.memory_space<hbm>>) target(%arg7 : memref<79x128xi32, #tpu.memory_space<vmem>>) target_semaphore(%run_scoped3A_53 : memref<!tpu.dma_semaphore, #tpu.memory_space<semaphore_mem>>)
      %dma_wait3A_62 = arith.constant 0 : i32
      %dma_wait3A_63 = arith.constant 0 : i32
      %dma_wait3A_64 = tpu.memref_slice %arg4[%add3A, %dma_wait3A_62, %dma_wait3A_63] : memref<32x79x128xi32, #tpu.memory_space<hbm>> -> memref<1x79x128xi32, #tpu.memory_space<hbm>>
      %dma_wait3A_65 = tpu.memref_squeeze %dma_wait3A_64 : memref<1x79x128xi32, #tpu.memory_space<hbm>> -> memref<79x128xi32, #tpu.memory_space<hbm>>
      %dma_wait3A_66 = arith.constant 0 : i32
      %dma_wait3A_67 = arith.constant 0 : i32
      %dma_wait3A_68 = tpu.memref_slice %arg4[%add3A, %dma_wait3A_66, %dma_wait3A_67] : memref<32x79x128xi32, #tpu.memory_space<hbm>> -> memref<1x79x128xi32, #tpu.memory_space<hbm>>
      %dma_wait3A_69 = tpu.memref_squeeze %dma_wait3A_68 : memref<1x79x128xi32, #tpu.memory_space<hbm>> -> memref<79x128xi32, #tpu.memory_space<hbm>>
      tpu.wait_dma2 semaphore(%run_scoped3A_53 : memref<!tpu.dma_semaphore, #tpu.memory_space<semaphore_mem>>) src(%dma_wait3A_69 : memref<79x128xi32, #tpu.memory_space<hbm>>) dst(%arg7 : memref<79x128xi32, #tpu.memory_space<vmem>>)
      tpu.yield
    }) : () -> ()
    %broadcast_in_dim3A = arith.constant 0.000000e+00 : f32
    %broadcast_in_dim3A_3 = vector.broadcast %broadcast_in_dim3A : f32 to vector<16xf32>
    %scan3A = arith.constant 0 : i32
    %scan3A_4 = arith.constant 0 : i32
    %scan3A_5 = arith.constant 80 : i32
    %scan3A_6 = arith.addi %scan3A_4, %scan3A_5 : i32
    %scan3A_7 = arith.constant 1 : i32
    %scan3A_8 = scf.for %scan3A_53 = %scan3A_4 to %scan3A_6 step %scan3A_7 iter_args(%scan3A_54 = %scan3A) -> (i32)  : i32 {
      %swap3A = arith.index_cast %scan3A_53 : i32 to index
      %swap3A_55 = arith.constant 0 : index
      %swap3A_56 = tpu.vector_load %arg10[%swap3A, %swap3A_55] {strides = array<i32>} : memref<80x64xf32, #tpu.memory_space<vmem>>, vector<1x16xf32>,
      %swap3A_57 = vector.shape_cast %swap3A_56 : vector<1x16xf32> to vector<16xf32>
      %swap3A_58 = vector.shape_cast %broadcast_in_dim3A_3 : vector<16xf32> to vector<1x16xf32>
      tpu.vector_store %arg10[%swap3A, %swap3A_55], %swap3A_58 {strides = array<i32>} : memref<80x64xf32, #tpu.memory_space<vmem>>, vector<1x16xf32>,
      %swap3A_59 = arith.index_cast %scan3A_53 : i32 to index
      %swap3A_60 = arith.constant 16 : index
      %swap3A_61 = tpu.vector_load %arg10[%swap3A_59, %swap3A_60] {strides = array<i32>} : memref<80x64xf32, #tpu.memory_space<vmem>>, vector<1x16xf32>,
      %swap3A_62 = vector.shape_cast %swap3A_61 : vector<1x16xf32> to vector<16xf32>
      %swap3A_63 = vector.shape_cast %broadcast_in_dim3A_3 : vector<16xf32> to vector<1x16xf32>
      tpu.vector_store %arg10[%swap3A_59, %swap3A_60], %swap3A_63 {strides = array<i32>} : memref<80x64xf32, #tpu.memory_space<vmem>>, vector<1x16xf32>,
      %swap3A_64 = arith.index_cast %scan3A_53 : i32 to index
      %swap3A_65 = arith.constant 32 : index
      %swap3A_66 = tpu.vector_load %arg10[%swap3A_64, %swap3A_65] {strides = array<i32>} : memref<80x64xf32, #tpu.memory_space<vmem>>, vector<1x16xf32>,
      %swap3A_67 = vector.shape_cast %swap3A_66 : vector<1x16xf32> to vector<16xf32>
      %swap3A_68 = vector.shape_cast %broadcast_in_dim3A_3 : vector<16xf32> to vector<1x16xf32>
      tpu.vector_store %arg10[%swap3A_64, %swap3A_65], %swap3A_68 {strides = array<i32>} : memref<80x64xf32, #tpu.memory_space<vmem>>, vector<1x16xf32>,
      %swap3A_69 = arith.index_cast %scan3A_53 : i32 to index
      %swap3A_70 = arith.constant 48 : index
      %swap3A_71 = tpu.vector_load %arg10[%swap3A_69, %swap3A_70] {strides = array<i32>} : memref<80x64xf32, #tpu.memory_space<vmem>>, vector<1x16xf32>,
      %swap3A_72 = vector.shape_cast %swap3A_71 : vector<1x16xf32> to vector<16xf32>
      %swap3A_73 = vector.shape_cast %broadcast_in_dim3A_3 : vector<16xf32> to vector<1x16xf32>
      tpu.vector_store %arg10[%swap3A_69, %swap3A_70], %swap3A_73 {strides = array<i32>} : memref<80x64xf32, #tpu.memory_space<vmem>>, vector<1x16xf32>,
      %scan3A_74 = arith.constant 0 : i32
      scf.yield %scan3A_74 : i32
    }
    %scan3A_9 = arith.constant 80 : i32
    %while3A = arith.constant 0 : i32
    %while3A_10 = arith.constant 0 : i32
    %while3A_11 = arith.subi %select_n3A, %while3A : i32
    %while3A_12 = arith.addi %while3A, %while3A_11 : i32
    %while3A_13 = arith.constant 1 : i32
    %while3A_14 = arith.divsi %while3A_11, %while3A_13 : i32
    %while3A_15 = arith.muli %while3A_14, %while3A_13 : i32
    %while3A_16 = arith.addi %while3A, %while3A_15 : i32
    %while3A_17 = arith.constant 1 : i32
    %while3A_18 = scf.for %while3A_53 = %while3A to %while3A_16 step %while3A_17 iter_args(%while3A_54 = %while3A_10) -> (i32)  : i32 {
      %mul3A_55 = arith.constant 640 : i32
      %mul3A_56 = arith.muli %arg1, %mul3A_55 : i32
      %mul3A_57 = arith.constant 80 : i32
      %mul3A_58 = arith.muli %while3A_53, %mul3A_57 : i32
      %add3A_59 = arith.addi %mul3A_56, %mul3A_58 : i32
      "tpu.region"() ({
        %run_scoped3A_61 = tpu.sem_alloc : memref<!tpu.dma_semaphore, #tpu.memory_space<semaphore_mem>>
        %dma_start3A_62 = arith.constant 0 : i32
        %dma_start3A_63 = tpu.memref_slice %arg11[%add3A_59, %dma_start3A_62] : memref<10008x64xf32, #tpu.memory_space<vmem_shared>> -> memref<80x64xf32, #tpu.memory_space<vmem_shared>>
        %dma_start3A_64 = arith.constant 0 : i32
        %dma_start3A_65 = tpu.memref_slice %arg11[%add3A_59, %dma_start3A_64] : memref<10008x64xf32, #tpu.memory_space<vmem_shared>> -> memref<80x64xf32, #tpu.memory_space<vmem_shared>>
        tpu.enqueue_dma source(%arg10 : memref<80x64xf32, #tpu.memory_space<vmem>>) target(%dma_start3A_65 : memref<80x64xf32, #tpu.memory_space<vmem_shared>>) target_semaphore(%run_scoped3A_61 : memref<!tpu.dma_semaphore, #tpu.memory_space<semaphore_mem>>)
        %dma_wait3A_66 = arith.constant 0 : i32
        %dma_wait3A_67 = tpu.memref_slice %arg11[%add3A_59, %dma_wait3A_66] : memref<10008x64xf32, #tpu.memory_space<vmem_shared>> -> memref<80x64xf32, #tpu.memory_space<vmem_shared>>
        %dma_wait3A_68 = arith.constant 0 : i32
        %dma_wait3A_69 = tpu.memref_slice %arg11[%add3A_59, %dma_wait3A_68] : memref<10008x64xf32, #tpu.memory_space<vmem_shared>> -> memref<80x64xf32, #tpu.memory_space<vmem_shared>>
        tpu.wait_dma2 semaphore(%run_scoped3A_61 : memref<!tpu.dma_semaphore, #tpu.memory_space<semaphore_mem>>) src(%arg10 : memref<80x64xf32, #tpu.memory_space<vmem>>) dst(%dma_wait3A_69 : memref<80x64xf32, #tpu.memory_space<vmem_shared>>)
        tpu.yield
      }) : () -> ()
      %while3A_60 = arith.constant 0 : i32
      scf.yield %while3A_60 : i32
    }
    %while3A_19 = arith.constant 1 : i32
    %while3A_20 = scf.for %while3A_53 = %while3A_16 to %while3A_12 step %while3A_19 iter_args(%while3A_54 = %while3A_18) -> (i32)  : i32 {
      %mul3A_55 = arith.constant 640 : i32
      %mul3A_56 = arith.muli %arg1, %mul3A_55 : i32
      %mul3A_57 = arith.constant 80 : i32
      %mul3A_58 = arith.muli %while3A_53, %mul3A_57 : i32
      %add3A_59 = arith.addi %mul3A_56, %mul3A_58 : i32
      "tpu.region"() ({
        %run_scoped3A_61 = tpu.sem_alloc : memref<!tpu.dma_semaphore, #tpu.memory_space<semaphore_mem>>
        %dma_start3A_62 = arith.constant 0 : i32
        %dma_start3A_63 = tpu.memref_slice %arg11[%add3A_59, %dma_start3A_62] : memref<10008x64xf32, #tpu.memory_space<vmem_shared>> -> memref<80x64xf32, #tpu.memory_space<vmem_shared>>
        %dma_start3A_64 = arith.constant 0 : i32
        %dma_start3A_65 = tpu.memref_slice %arg11[%add3A_59, %dma_start3A_64] : memref<10008x64xf32, #tpu.memory_space<vmem_shared>> -> memref<80x64xf32, #tpu.memory_space<vmem_shared>>
        tpu.enqueue_dma source(%arg10 : memref<80x64xf32, #tpu.memory_space<vmem>>) target(%dma_start3A_65 : memref<80x64xf32, #tpu.memory_space<vmem_shared>>) target_semaphore(%run_scoped3A_61 : memref<!tpu.dma_semaphore, #tpu.memory_space<semaphore_mem>>)
        %dma_wait3A_66 = arith.constant 0 : i32
        %dma_wait3A_67 = tpu.memref_slice %arg11[%add3A_59, %dma_wait3A_66] : memref<10008x64xf32, #tpu.memory_space<vmem_shared>> -> memref<80x64xf32, #tpu.memory_space<vmem_shared>>
        %dma_wait3A_68 = arith.constant 0 : i32
        %dma_wait3A_69 = tpu.memref_slice %arg11[%add3A_59, %dma_wait3A_68] : memref<10008x64xf32, #tpu.memory_space<vmem_shared>> -> memref<80x64xf32, #tpu.memory_space<vmem_shared>>
        tpu.wait_dma2 semaphore(%run_scoped3A_61 : memref<!tpu.dma_semaphore, #tpu.memory_space<semaphore_mem>>) src(%arg10 : memref<80x64xf32, #tpu.memory_space<vmem>>) dst(%dma_wait3A_69 : memref<80x64xf32, #tpu.memory_space<vmem_shared>>)
        tpu.yield
      }) : () -> ()
      %while3A_60 = arith.constant 0 : i32
      scf.yield %while3A_60 : i32
    }
    %barrier3A = arith.constant 0 : index
    tpu.barrier barrier_id(%barrier3A)
    %dma_start3A = arith.constant 0 : i32
    %dma_start3A_21 = arith.constant 0 : i32
    %dma_start3A_22 = tpu.memref_slice %arg6[%dma_start3A, %dma_start3A_21] : memref<79x128xi32, #tpu.memory_space<vmem>> -> memref<1x128xi32, #tpu.memory_space<vmem>>
    %dma_start3A_23 = tpu.memref_squeeze %dma_start3A_22 : memref<1x128xi32, #tpu.memory_space<vmem>> -> memref<128xi32, #tpu.memory_space<vmem>>
    %dma_start3A_24 = arith.constant 0 : i32
    %dma_start3A_25 = arith.constant 0 : i32
    %dma_start3A_26 = tpu.memref_slice %arg2[%dma_start3A_24, %dma_start3A_25] : memref<10000x64xf32, #tpu.memory_space<hbm>> -> memref<10000x64xf32, #tpu.memory_space<hbm>>
    tpu.enqueue_indirect_dma source(%dma_start3A_26 : memref<10000x64xf32, #tpu.memory_space<hbm>>) target(%arg8 : memref<128x64xf32, #tpu.memory_space<vmem>>) offsets(%dma_start3A_23 : memref<128xi32, #tpu.memory_space<vmem>>) semaphore(%arg12 : memref<!tpu.dma_semaphore, #tpu.memory_space<semaphore_mem>>)
    %scan3A_27 = arith.constant 0 : i32
    %scan3A_28 = arith.constant 0 : i32
    %scan3A_29 = arith.constant 39 : i32
    %scan3A_30 = arith.addi %scan3A_28, %scan3A_29 : i32
    %scan3A_31 = arith.constant 1 : i32
    %scan3A_32 = scf.for %scan3A_53 = %scan3A_28 to %scan3A_30 step %scan3A_31 iter_args(%scan3A_54 = %scan3A_27) -> (i32)  : i32 {
      %mul3A_55 = arith.constant 2 : i32
      %mul3A_56 = arith.muli %mul3A_55, %scan3A_53 : i32
      %add3A_57 = arith.constant 1 : i32
      %add3A_58 = arith.addi %mul3A_56, %add3A_57 : i32
      %dma_start3A_59 = arith.constant 0 : i32
      %dma_start3A_60 = tpu.memref_slice %arg6[%add3A_58, %dma_start3A_59] : memref<79x128xi32, #tpu.memory_space<vmem>> -> memref<1x128xi32, #tpu.memory_space<vmem>>
      %dma_start3A_61 = tpu.memref_squeeze %dma_start3A_60 : memref<1x128xi32, #tpu.memory_space<vmem>> -> memref<128xi32, #tpu.memory_space<vmem>>
      %dma_start3A_62 = arith.constant 0 : i32
      %dma_start3A_63 = arith.constant 0 : i32
      %dma_start3A_64 = tpu.memref_slice %arg2[%dma_start3A_62, %dma_start3A_63] : memref<10000x64xf32, #tpu.memory_space<hbm>> -> memref<10000x64xf32, #tpu.memory_space<hbm>>
      tpu.enqueue_indirect_dma source(%dma_start3A_64 : memref<10000x64xf32, #tpu.memory_space<hbm>>) target(%arg9 : memref<128x64xf32, #tpu.memory_space<vmem>>) offsets(%dma_start3A_61 : memref<128xi32, #tpu.memory_space<vmem>>) semaphore(%arg13 : memref<!tpu.dma_semaphore, #tpu.memory_space<semaphore_mem>>)
      %dma_wait3A_65 = arith.constant 0 : i32
      %dma_wait3A_66 = tpu.memref_slice %arg6[%mul3A_56, %dma_wait3A_65] : memref<79x128xi32, #tpu.memory_space<vmem>> -> memref<1x128xi32, #tpu.memory_space<vmem>>
      %dma_wait3A_67 = tpu.memref_squeeze %dma_wait3A_66 : memref<1x128xi32, #tpu.memory_space<vmem>> -> memref<128xi32, #tpu.memory_space<vmem>>
      %dma_wait3A_68 = arith.constant 0 : i32
      %dma_wait3A_69 = arith.constant 0 : i32
      %dma_wait3A_70 = tpu.memref_slice %arg2[%dma_wait3A_68, %dma_wait3A_69] : memref<10000x64xf32, #tpu.memory_space<hbm>> -> memref<10000x64xf32, #tpu.memory_space<hbm>>
      tpu.wait_indirect_dma semaphore(%arg12 : memref<!tpu.dma_semaphore, #tpu.memory_space<semaphore_mem>>) src(%dma_wait3A_70 : memref<10000x64xf32, #tpu.memory_space<hbm>>) dst(%arg8 : memref<128x64xf32, #tpu.memory_space<vmem>>)
      "tpu.region"() ({
        %run_scoped3A_90 = tpu.sem_alloc : memref<!tpu.dma_semaphore, #tpu.memory_space<semaphore_mem>>
        %dma_start3A_91 = arith.constant 0 : i32
        %dma_start3A_92 = tpu.memref_slice %arg7[%mul3A_56, %dma_start3A_91] : memref<79x128xi32, #tpu.memory_space<vmem>> -> memref<1x128xi32, #tpu.memory_space<vmem>>
        %dma_start3A_93 = tpu.memref_squeeze %dma_start3A_92 : memref<1x128xi32, #tpu.memory_space<vmem>> -> memref<128xi32, #tpu.memory_space<vmem>>
        %dma_start3A_94 = arith.constant 0 : i32
        %dma_start3A_95 = arith.constant 0 : i32
        %dma_start3A_96 = tpu.memref_slice %arg11[%dma_start3A_94, %dma_start3A_95] : memref<10008x64xf32, #tpu.memory_space<vmem_shared>> -> memref<10008x64xf32, #tpu.memory_space<vmem_shared>>
        tpu.enqueue_indirect_dma source(%arg8 : memref<128x64xf32, #tpu.memory_space<vmem>>) target(%dma_start3A_96 : memref<10008x64xf32, #tpu.memory_space<vmem_shared>>) offsets(%dma_start3A_93 : memref<128xi32, #tpu.memory_space<vmem>>) semaphore(%run_scoped3A_90 : memref<!tpu.dma_semaphore, #tpu.memory_space<semaphore_mem>>) {add = true}
        %dma_wait3A_97 = arith.constant 0 : i32
        %dma_wait3A_98 = tpu.memref_slice %arg7[%mul3A_56, %dma_wait3A_97] : memref<79x128xi32, #tpu.memory_space<vmem>> -> memref<1x128xi32, #tpu.memory_space<vmem>>
        %dma_wait3A_99 = tpu.memref_squeeze %dma_wait3A_98 : memref<1x128xi32, #tpu.memory_space<vmem>> -> memref<128xi32, #tpu.memory_space<vmem>>
        %dma_wait3A_100 = arith.constant 0 : i32
        %dma_wait3A_101 = arith.constant 0 : i32
        %dma_wait3A_102 = tpu.memref_slice %arg11[%dma_wait3A_100, %dma_wait3A_101] : memref<10008x64xf32, #tpu.memory_space<vmem_shared>> -> memref<10008x64xf32, #tpu.memory_space<vmem_shared>>
        tpu.wait_indirect_dma semaphore(%run_scoped3A_90 : memref<!tpu.dma_semaphore, #tpu.memory_space<semaphore_mem>>) src(%arg8 : memref<128x64xf32, #tpu.memory_space<vmem>>) dst(%dma_wait3A_102 : memref<10008x64xf32, #tpu.memory_space<vmem_shared>>)
        tpu.yield
      }) : () -> ()
      %add3A_71 = arith.constant 2 : i32
      %add3A_72 = arith.addi %mul3A_56, %add3A_71 : i32
      %dma_start3A_73 = arith.constant 0 : i32
      %dma_start3A_74 = tpu.memref_slice %arg6[%add3A_72, %dma_start3A_73] : memref<79x128xi32, #tpu.memory_space<vmem>> -> memref<1x128xi32, #tpu.memory_space<vmem>>
      %dma_start3A_75 = tpu.memref_squeeze %dma_start3A_74 : memref<1x128xi32, #tpu.memory_space<vmem>> -> memref<128xi32, #tpu.memory_space<vmem>>
      %dma_start3A_76 = arith.constant 0 : i32
      %dma_start3A_77 = arith.constant 0 : i32
      %dma_start3A_78 = tpu.memref_slice %arg2[%dma_start3A_76, %dma_start3A_77] : memref<10000x64xf32, #tpu.memory_space<hbm>> -> memref<10000x64xf32, #tpu.memory_space<hbm>>
      tpu.enqueue_indirect_dma source(%dma_start3A_78 : memref<10000x64xf32, #tpu.memory_space<hbm>>) target(%arg8 : memref<128x64xf32, #tpu.memory_space<vmem>>) offsets(%dma_start3A_75 : memref<128xi32, #tpu.memory_space<vmem>>) semaphore(%arg12 : memref<!tpu.dma_semaphore, #tpu.memory_space<semaphore_mem>>)
      %add3A_79 = arith.constant 1 : i32
      %add3A_80 = arith.addi %mul3A_56, %add3A_79 : i32
      %dma_wait3A_81 = arith.constant 0 : i32
      %dma_wait3A_82 = tpu.memref_slice %arg6[%add3A_80, %dma_wait3A_81] : memref<79x128xi32, #tpu.memory_space<vmem>> -> memref<1x128xi32, #tpu.memory_space<vmem>>
      %dma_wait3A_83 = tpu.memref_squeeze %dma_wait3A_82 : memref<1x128xi32, #tpu.memory_space<vmem>> -> memref<128xi32, #tpu.memory_space<vmem>>
      %dma_wait3A_84 = arith.constant 0 : i32
      %dma_wait3A_85 = arith.constant 0 : i32
      %dma_wait3A_86 = tpu.memref_slice %arg2[%dma_wait3A_84, %dma_wait3A_85] : memref<10000x64xf32, #tpu.memory_space<hbm>> -> memref<10000x64xf32, #tpu.memory_space<hbm>>
      tpu.wait_indirect_dma semaphore(%arg13 : memref<!tpu.dma_semaphore, #tpu.memory_space<semaphore_mem>>) src(%dma_wait3A_86 : memref<10000x64xf32, #tpu.memory_space<hbm>>) dst(%arg9 : memref<128x64xf32, #tpu.memory_space<vmem>>)
      %add3A_87 = arith.constant 1 : i32
      %add3A_88 = arith.addi %mul3A_56, %add3A_87 : i32
      "tpu.region"() ({
        %run_scoped3A_90 = tpu.sem_alloc : memref<!tpu.dma_semaphore, #tpu.memory_space<semaphore_mem>>
        %dma_start3A_91 = arith.constant 0 : i32
        %dma_start3A_92 = tpu.memref_slice %arg7[%add3A_88, %dma_start3A_91] : memref<79x128xi32, #tpu.memory_space<vmem>> -> memref<1x128xi32, #tpu.memory_space<vmem>>
        %dma_start3A_93 = tpu.memref_squeeze %dma_start3A_92 : memref<1x128xi32, #tpu.memory_space<vmem>> -> memref<128xi32, #tpu.memory_space<vmem>>
        %dma_start3A_94 = arith.constant 0 : i32
        %dma_start3A_95 = arith.constant 0 : i32
        %dma_start3A_96 = tpu.memref_slice %arg11[%dma_start3A_94, %dma_start3A_95] : memref<10008x64xf32, #tpu.memory_space<vmem_shared>> -> memref<10008x64xf32, #tpu.memory_space<vmem_shared>>
        tpu.enqueue_indirect_dma source(%arg9 : memref<128x64xf32, #tpu.memory_space<vmem>>) target(%dma_start3A_96 : memref<10008x64xf32, #tpu.memory_space<vmem_shared>>) offsets(%dma_start3A_93 : memref<128xi32, #tpu.memory_space<vmem>>) semaphore(%run_scoped3A_90 : memref<!tpu.dma_semaphore, #tpu.memory_space<semaphore_mem>>) {add = true}
        %dma_wait3A_97 = arith.constant 0 : i32
        %dma_wait3A_98 = tpu.memref_slice %arg7[%add3A_88, %dma_wait3A_97] : memref<79x128xi32, #tpu.memory_space<vmem>> -> memref<1x128xi32, #tpu.memory_space<vmem>>
        %dma_wait3A_99 = tpu.memref_squeeze %dma_wait3A_98 : memref<1x128xi32, #tpu.memory_space<vmem>> -> memref<128xi32, #tpu.memory_space<vmem>>
        %dma_wait3A_100 = arith.constant 0 : i32
        %dma_wait3A_101 = arith.constant 0 : i32
        %dma_wait3A_102 = tpu.memref_slice %arg11[%dma_wait3A_100, %dma_wait3A_101] : memref<10008x64xf32, #tpu.memory_space<vmem_shared>> -> memref<10008x64xf32, #tpu.memory_space<vmem_shared>>
        tpu.wait_indirect_dma semaphore(%run_scoped3A_90 : memref<!tpu.dma_semaphore, #tpu.memory_space<semaphore_mem>>) src(%arg9 : memref<128x64xf32, #tpu.memory_space<vmem>>) dst(%dma_wait3A_102 : memref<10008x64xf32, #tpu.memory_space<vmem_shared>>)
        tpu.yield
      }) : () -> ()
      %scan3A_89 = arith.constant 0 : i32
      scf.yield %scan3A_89 : i32
    }
    %scan3A_33 = arith.constant 39 : i32
    %dma_wait3A = arith.constant 78 : i32
    %dma_wait3A_34 = arith.constant 0 : i32
    %dma_wait3A_35 = tpu.memref_slice %arg6[%dma_wait3A, %dma_wait3A_34] : memref<79x128xi32, #tpu.memory_space<vmem>> -> memref<1x128xi32, #tpu.memory_space<vmem>>
    %dma_wait3A_36 = tpu.memref_squeeze %dma_wait3A_35 : memref<1x128xi32, #tpu.memory_space<vmem>> -> memref<128xi32, #tpu.memory_space<vmem>>
    %dma_wait3A_37 = arith.constant 0 : i32
    %dma_wait3A_38 = arith.constant 0 : i32
    %dma_wait3A_39 = tpu.memref_slice %arg2[%dma_wait3A_37, %dma_wait3A_38] : memref<10000x64xf32, #tpu.memory_space<hbm>> -> memref<10000x64xf32, #tpu.memory_space<hbm>>
    tpu.wait_indirect_dma semaphore(%arg12 : memref<!tpu.dma_semaphore, #tpu.memory_space<semaphore_mem>>) src(%dma_wait3A_39 : memref<10000x64xf32, #tpu.memory_space<hbm>>) dst(%arg8 : memref<128x64xf32, #tpu.memory_space<vmem>>)
    %run_scoped3A = arith.constant 78 : i32
    "tpu.region"() ({
      %run_scoped3A_53 = tpu.sem_alloc : memref<!tpu.dma_semaphore, #tpu.memory_space<semaphore_mem>>
      %dma_start3A_54 = arith.constant 0 : i32
      %dma_start3A_55 = tpu.memref_slice %arg7[%run_scoped3A, %dma_start3A_54] : memref<79x128xi32, #tpu.memory_space<vmem>> -> memref<1x128xi32, #tpu.memory_space<vmem>>
      %dma_start3A_56 = tpu.memref_squeeze %dma_start3A_55 : memref<1x128xi32, #tpu.memory_space<vmem>> -> memref<128xi32, #tpu.memory_space<vmem>>
      %dma_start3A_57 = arith.constant 0 : i32
      %dma_start3A_58 = arith.constant 0 : i32
      %dma_start3A_59 = tpu.memref_slice %arg11[%dma_start3A_57, %dma_start3A_58] : memref<10008x64xf32, #tpu.memory_space<vmem_shared>> -> memref<10008x64xf32, #tpu.memory_space<vmem_shared>>
      tpu.enqueue_indirect_dma source(%arg8 : memref<128x64xf32, #tpu.memory_space<vmem>>) target(%dma_start3A_59 : memref<10008x64xf32, #tpu.memory_space<vmem_shared>>) offsets(%dma_start3A_56 : memref<128xi32, #tpu.memory_space<vmem>>) semaphore(%run_scoped3A_53 : memref<!tpu.dma_semaphore, #tpu.memory_space<semaphore_mem>>) {add = true}
      %dma_wait3A_60 = arith.constant 0 : i32
      %dma_wait3A_61 = tpu.memref_slice %arg7[%run_scoped3A, %dma_wait3A_60] : memref<79x128xi32, #tpu.memory_space<vmem>> -> memref<1x128xi32, #tpu.memory_space<vmem>>
      %dma_wait3A_62 = tpu.memref_squeeze %dma_wait3A_61 : memref<1x128xi32, #tpu.memory_space<vmem>> -> memref<128xi32, #tpu.memory_space<vmem>>
      %dma_wait3A_63 = arith.constant 0 : i32
      %dma_wait3A_64 = arith.constant 0 : i32
      %dma_wait3A_65 = tpu.memref_slice %arg11[%dma_wait3A_63, %dma_wait3A_64] : memref<10008x64xf32, #tpu.memory_space<vmem_shared>> -> memref<10008x64xf32, #tpu.memory_space<vmem_shared>>
      tpu.wait_indirect_dma semaphore(%run_scoped3A_53 : memref<!tpu.dma_semaphore, #tpu.memory_space<semaphore_mem>>) src(%arg8 : memref<128x64xf32, #tpu.memory_space<vmem>>) dst(%dma_wait3A_65 : memref<10008x64xf32, #tpu.memory_space<vmem_shared>>)
      tpu.yield
    }) : () -> ()
    %barrier3A_40 = arith.constant 0 : index
    tpu.barrier barrier_id(%barrier3A_40)
    %while3A_41 = arith.constant 0 : i32
    %while3A_42 = arith.constant 0 : i32
    %while3A_43 = arith.subi %select_n3A, %while3A_41 : i32
    %while3A_44 = arith.addi %while3A_41, %while3A_43 : i32
    %while3A_45 = arith.constant 1 : i32
    %while3A_46 = arith.divsi %while3A_43, %while3A_45 : i32
    %while3A_47 = arith.muli %while3A_46, %while3A_45 : i32
    %while3A_48 = arith.addi %while3A_41, %while3A_47 : i32
    %while3A_49 = arith.constant 1 : i32
    %while3A_50 = scf.for %while3A_53 = %while3A_41 to %while3A_48 step %while3A_49 iter_args(%while3A_54 = %while3A_42) -> (i32)  : i32 {
      %mul3A_55 = arith.constant 640 : i32
      %mul3A_56 = arith.muli %arg1, %mul3A_55 : i32
      %mul3A_57 = arith.constant 80 : i32
      %mul3A_58 = arith.muli %while3A_53, %mul3A_57 : i32
      %add3A_59 = arith.addi %mul3A_56, %mul3A_58 : i32
      "tpu.region"() ({
        %run_scoped3A_61 = tpu.sem_alloc : memref<!tpu.dma_semaphore, #tpu.memory_space<semaphore_mem>>
        %dma_start3A_62 = arith.constant 0 : i32
        %dma_start3A_63 = tpu.memref_slice %arg11[%add3A_59, %dma_start3A_62] : memref<10008x64xf32, #tpu.memory_space<vmem_shared>> -> memref<80x64xf32, #tpu.memory_space<vmem_shared>>
        %dma_start3A_64 = arith.constant 0 : i32
        %dma_start3A_65 = tpu.memref_slice %arg11[%add3A_59, %dma_start3A_64] : memref<10008x64xf32, #tpu.memory_space<vmem_shared>> -> memref<80x64xf32, #tpu.memory_space<vmem_shared>>
        tpu.enqueue_dma source(%dma_start3A_65 : memref<80x64xf32, #tpu.memory_space<vmem_shared>>) target(%arg10 : memref<80x64xf32, #tpu.memory_space<vmem>>) target_semaphore(%run_scoped3A_61 : memref<!tpu.dma_semaphore, #tpu.memory_space<semaphore_mem>>)
        %dma_wait3A_66 = arith.constant 0 : i32
        %dma_wait3A_67 = tpu.memref_slice %arg11[%add3A_59, %dma_wait3A_66] : memref<10008x64xf32, #tpu.memory_space<vmem_shared>> -> memref<80x64xf32, #tpu.memory_space<vmem_shared>>
        %dma_wait3A_68 = arith.constant 0 : i32
        %dma_wait3A_69 = tpu.memref_slice %arg11[%add3A_59, %dma_wait3A_68] : memref<10008x64xf32, #tpu.memory_space<vmem_shared>> -> memref<80x64xf32, #tpu.memory_space<vmem_shared>>
        tpu.wait_dma2 semaphore(%run_scoped3A_61 : memref<!tpu.dma_semaphore, #tpu.memory_space<semaphore_mem>>) src(%dma_wait3A_69 : memref<80x64xf32, #tpu.memory_space<vmem_shared>>) dst(%arg10 : memref<80x64xf32, #tpu.memory_space<vmem>>)
        tpu.yield
      }) : () -> ()
      "tpu.region"() ({
        %run_scoped3A_61 = tpu.sem_alloc : memref<!tpu.dma_semaphore, #tpu.memory_space<semaphore_mem>>
        %dma_start3A_62 = arith.constant 0 : i32
        %dma_start3A_63 = arith.constant 0 : i32
        %dma_start3A_64 = tpu.memref_slice %arg5[%arg0, %dma_start3A_62, %dma_start3A_63] : memref<2x10008x64xf32, #tpu.memory_space<hbm>> -> memref<1x10008x64xf32, #tpu.memory_space<hbm>>
        %dma_start3A_65 = tpu.memref_squeeze %dma_start3A_64 : memref<1x10008x64xf32, #tpu.memory_space<hbm>> -> memref<10008x64xf32, #tpu.memory_space<hbm>>
        %dma_start3A_66 = arith.constant 0 : i32
        %dma_start3A_67 = tpu.memref_slice %dma_start3A_65[%add3A_59, %dma_start3A_66] : memref<10008x64xf32, #tpu.memory_space<hbm>> -> memref<80x64xf32, #tpu.memory_space<hbm>>
        %dma_start3A_68 = arith.constant 0 : i32
        %dma_start3A_69 = arith.constant 0 : i32
        %dma_start3A_70 = tpu.memref_slice %arg5[%arg0, %dma_start3A_68, %dma_start3A_69] : memref<2x10008x64xf32, #tpu.memory_space<hbm>> -> memref<1x10008x64xf32, #tpu.memory_space<hbm>>
        %dma_start3A_71 = tpu.memref_squeeze %dma_start3A_70 : memref<1x10008x64xf32, #tpu.memory_space<hbm>> -> memref<10008x64xf32, #tpu.memory_space<hbm>>
        %dma_start3A_72 = arith.constant 0 : i32
        %dma_start3A_73 = tpu.memref_slice %dma_start3A_71[%add3A_59, %dma_start3A_72] : memref<10008x64xf32, #tpu.memory_space<hbm>> -> memref<80x64xf32, #tpu.memory_space<hbm>>
        tpu.enqueue_dma source(%arg10 : memref<80x64xf32, #tpu.memory_space<vmem>>) target(%dma_start3A_73 : memref<80x64xf32, #tpu.memory_space<hbm>>) target_semaphore(%run_scoped3A_61 : memref<!tpu.dma_semaphore, #tpu.memory_space<semaphore_mem>>)
        %dma_wait3A_74 = arith.constant 0 : i32
        %dma_wait3A_75 = arith.constant 0 : i32
        %dma_wait3A_76 = tpu.memref_slice %arg5[%arg0, %dma_wait3A_74, %dma_wait3A_75] : memref<2x10008x64xf32, #tpu.memory_space<hbm>> -> memref<1x10008x64xf32, #tpu.memory_space<hbm>>
        %dma_wait3A_77 = tpu.memref_squeeze %dma_wait3A_76 : memref<1x10008x64xf32, #tpu.memory_space<hbm>> -> memref<10008x64xf32, #tpu.memory_space<hbm>>
        %dma_wait3A_78 = arith.constant 0 : i32
        %dma_wait3A_79 = tpu.memref_slice %dma_wait3A_77[%add3A_59, %dma_wait3A_78] : memref<10008x64xf32, #tpu.memory_space<hbm>> -> memref<80x64xf32, #tpu.memory_space<hbm>>
        %dma_wait3A_80 = arith.constant 0 : i32
        %dma_wait3A_81 = arith.constant 0 : i32
        %dma_wait3A_82 = tpu.memref_slice %arg5[%arg0, %dma_wait3A_80, %dma_wait3A_81] : memref<2x10008x64xf32, #tpu.memory_space<hbm>> -> memref<1x10008x64xf32, #tpu.memory_space<hbm>>
        %dma_wait3A_83 = tpu.memref_squeeze %dma_wait3A_82 : memref<1x10008x64xf32, #tpu.memory_space<hbm>> -> memref<10008x64xf32, #tpu.memory_space<hbm>>
        %dma_wait3A_84 = arith.constant 0 : i32
        %dma_wait3A_85 = tpu.memref_slice %dma_wait3A_83[%add3A_59, %dma_wait3A_84] : memref<10008x64xf32, #tpu.memory_space<hbm>> -> memref<80x64xf32, #tpu.memory_space<hbm>>
        tpu.wait_dma2 semaphore(%run_scoped3A_61 : memref<!tpu.dma_semaphore, #tpu.memory_space<semaphore_mem>>) src(%arg10 : memref<80x64xf32, #tpu.memory_space<vmem>>) dst(%dma_wait3A_85 : memref<80x64xf32, #tpu.memory_space<hbm>>)
        tpu.yield
      }) : () -> ()
      %while3A_60 = arith.constant 0 : i32
      scf.yield %while3A_60 : i32
    }
    %while3A_51 = arith.constant 1 : i32
    %while3A_52 = scf.for %while3A_53 = %while3A_48 to %while3A_44 step %while3A_51 iter_args(%while3A_54 = %while3A_50) -> (i32)  : i32 {
      %mul3A_55 = arith.constant 640 : i32
      %mul3A_56 = arith.muli %arg1, %mul3A_55 : i32
      %mul3A_57 = arith.constant 80 : i32
      %mul3A_58 = arith.muli %while3A_53, %mul3A_57 : i32
      %add3A_59 = arith.addi %mul3A_56, %mul3A_58 : i32
      "tpu.region"() ({
        %run_scoped3A_61 = tpu.sem_alloc : memref<!tpu.dma_semaphore, #tpu.memory_space<semaphore_mem>>
        %dma_start3A_62 = arith.constant 0 : i32
        %dma_start3A_63 = tpu.memref_slice %arg11[%add3A_59, %dma_start3A_62] : memref<10008x64xf32, #tpu.memory_space<vmem_shared>> -> memref<80x64xf32, #tpu.memory_space<vmem_shared>>
        %dma_start3A_64 = arith.constant 0 : i32
        %dma_start3A_65 = tpu.memref_slice %arg11[%add3A_59, %dma_start3A_64] : memref<10008x64xf32, #tpu.memory_space<vmem_shared>> -> memref<80x64xf32, #tpu.memory_space<vmem_shared>>
        tpu.enqueue_dma source(%dma_start3A_65 : memref<80x64xf32, #tpu.memory_space<vmem_shared>>) target(%arg10 : memref<80x64xf32, #tpu.memory_space<vmem>>) target_semaphore(%run_scoped3A_61 : memref<!tpu.dma_semaphore, #tpu.memory_space<semaphore_mem>>)
        %dma_wait3A_66 = arith.constant 0 : i32
        %dma_wait3A_67 = tpu.memref_slice %arg11[%add3A_59, %dma_wait3A_66] : memref<10008x64xf32, #tpu.memory_space<vmem_shared>> -> memref<80x64xf32, #tpu.memory_space<vmem_shared>>
        %dma_wait3A_68 = arith.constant 0 : i32
        %dma_wait3A_69 = tpu.memref_slice %arg11[%add3A_59, %dma_wait3A_68] : memref<10008x64xf32, #tpu.memory_space<vmem_shared>> -> memref<80x64xf32, #tpu.memory_space<vmem_shared>>
        tpu.wait_dma2 semaphore(%run_scoped3A_61 : memref<!tpu.dma_semaphore, #tpu.memory_space<semaphore_mem>>) src(%dma_wait3A_69 : memref<80x64xf32, #tpu.memory_space<vmem_shared>>) dst(%arg10 : memref<80x64xf32, #tpu.memory_space<vmem>>)
        tpu.yield
      }) : () -> ()
      "tpu.region"() ({
        %run_scoped3A_61 = tpu.sem_alloc : memref<!tpu.dma_semaphore, #tpu.memory_space<semaphore_mem>>
        %dma_start3A_62 = arith.constant 0 : i32
        %dma_start3A_63 = arith.constant 0 : i32
        %dma_start3A_64 = tpu.memref_slice %arg5[%arg0, %dma_start3A_62, %dma_start3A_63] : memref<2x10008x64xf32, #tpu.memory_space<hbm>> -> memref<1x10008x64xf32, #tpu.memory_space<hbm>>
        %dma_start3A_65 = tpu.memref_squeeze %dma_start3A_64 : memref<1x10008x64xf32, #tpu.memory_space<hbm>> -> memref<10008x64xf32, #tpu.memory_space<hbm>>
        %dma_start3A_66 = arith.constant 0 : i32
        %dma_start3A_67 = tpu.memref_slice %dma_start3A_65[%add3A_59, %dma_start3A_66] : memref<10008x64xf32, #tpu.memory_space<hbm>> -> memref<80x64xf32, #tpu.memory_space<hbm>>
        %dma_start3A_68 = arith.constant 0 : i32
        %dma_start3A_69 = arith.constant 0 : i32
        %dma_start3A_70 = tpu.memref_slice %arg5[%arg0, %dma_start3A_68, %dma_start3A_69] : memref<2x10008x64xf32, #tpu.memory_space<hbm>> -> memref<1x10008x64xf32, #tpu.memory_space<hbm>>
        %dma_start3A_71 = tpu.memref_squeeze %dma_start3A_70 : memref<1x10008x64xf32, #tpu.memory_space<hbm>> -> memref<10008x64xf32, #tpu.memory_space<hbm>>
        %dma_start3A_72 = arith.constant 0 : i32
        %dma_start3A_73 = tpu.memref_slice %dma_start3A_71[%add3A_59, %dma_start3A_72] : memref<10008x64xf32, #tpu.memory_space<hbm>> -> memref<80x64xf32, #tpu.memory_space<hbm>>
        tpu.enqueue_dma source(%arg10 : memref<80x64xf32, #tpu.memory_space<vmem>>) target(%dma_start3A_73 : memref<80x64xf32, #tpu.memory_space<hbm>>) target_semaphore(%run_scoped3A_61 : memref<!tpu.dma_semaphore, #tpu.memory_space<semaphore_mem>>)
        %dma_wait3A_74 = arith.constant 0 : i32
        %dma_wait3A_75 = arith.constant 0 : i32
        %dma_wait3A_76 = tpu.memref_slice %arg5[%arg0, %dma_wait3A_74, %dma_wait3A_75] : memref<2x10008x64xf32, #tpu.memory_space<hbm>> -> memref<1x10008x64xf32, #tpu.memory_space<hbm>>
        %dma_wait3A_77 = tpu.memref_squeeze %dma_wait3A_76 : memref<1x10008x64xf32, #tpu.memory_space<hbm>> -> memref<10008x64xf32, #tpu.memory_space<hbm>>
        %dma_wait3A_78 = arith.constant 0 : i32
        %dma_wait3A_79 = tpu.memref_slice %dma_wait3A_77[%add3A_59, %dma_wait3A_78] : memref<10008x64xf32, #tpu.memory_space<hbm>> -> memref<80x64xf32, #tpu.memory_space<hbm>>
        %dma_wait3A_80 = arith.constant 0 : i32
        %dma_wait3A_81 = arith.constant 0 : i32
        %dma_wait3A_82 = tpu.memref_slice %arg5[%arg0, %dma_wait3A_80, %dma_wait3A_81] : memref<2x10008x64xf32, #tpu.memory_space<hbm>> -> memref<1x10008x64xf32, #tpu.memory_space<hbm>>
        %dma_wait3A_83 = tpu.memref_squeeze %dma_wait3A_82 : memref<1x10008x64xf32, #tpu.memory_space<hbm>> -> memref<10008x64xf32, #tpu.memory_space<hbm>>
        %dma_wait3A_84 = arith.constant 0 : i32
        %dma_wait3A_85 = tpu.memref_slice %dma_wait3A_83[%add3A_59, %dma_wait3A_84] : memref<10008x64xf32, #tpu.memory_space<hbm>> -> memref<80x64xf32, #tpu.memory_space<hbm>>
        tpu.wait_dma2 semaphore(%run_scoped3A_61 : memref<!tpu.dma_semaphore, #tpu.memory_space<semaphore_mem>>) src(%arg10 : memref<80x64xf32, #tpu.memory_space<vmem>>) dst(%dma_wait3A_85 : memref<80x64xf32, #tpu.memory_space<hbm>>)
        tpu.yield
      }) : () -> ()
      %while3A_60 = arith.constant 0 : i32
      scf.yield %while3A_60 : i32
    }
    return
  }
}

#map = affine_map<(d0, d1) -> (0, 0)>
#map1 = affine_map<(d0, d1) -> (0, 0, 0)>
module attributes {stable_mosaic.version = 14 : i64} {
  func.func @run(%arg0: i32, %arg1: i32, %arg2: memref<10000x64xf32, #tpu.memory_space<hbm>>, %arg3: memref<32x79x128xi32, #tpu.memory_space<hbm>>, %arg4: memref<32x79x128xi32, #tpu.memory_space<hbm>>, %arg5: memref<2x10008x64xf32, #tpu.memory_space<hbm>>, %arg6: memref<79x128xi32, #tpu.memory_space<vmem>>, %arg7: memref<79x128xi32, #tpu.memory_space<vmem>>, %arg8: memref<128x64xf32, #tpu.memory_space<vmem>>, %arg9: memref<128x64xf32, #tpu.memory_space<vmem>>, %arg10: memref<80x64xf32, #tpu.memory_space<vmem>>, %arg11: memref<10008x64xf32, #tpu.memory_space<vmem_shared>>, %arg12: memref<!tpu.dma_semaphore, #tpu.memory_space<semaphore_mem>>, %arg13: memref<!tpu.dma_semaphore, #tpu.memory_space<semaphore_mem>>) attributes {dimension_semantics = [#tpu.dimension_semantics<core_parallel>, #tpu.dimension_semantics<subcore_parallel>], iteration_bounds = array<i64: 2, 16>, scalar_prefetch = 0 : i64, scratch_operands = 8 : i64, tpu.core_type = #tpu.core_type<sc_vector_subcore>, window_params = [{transform_indices = #map}, {transform_indices = #map1}, {transform_indices = #map1}, {transform_indices = #map1}]} {
    %mul3A = arith.constant 16 : i32
    %mul3A_0 = arith.muli %arg0, %mul3A : i32
    %add3A = arith.addi %mul3A_0, %arg1 : i32
    %eq3A = arith.constant 15 : i32
    %eq3A_1 = arith.cmpi eq, %arg1, %eq3A : i32
    %jit3A = arith.constant 5 : i32
    %jit3A_2 = arith.constant 8 : i32
    %select_n3A = arith.select %eq3A_1, %jit3A, %jit3A_2 : i32
    "tpu.region"() ({
      %run_scoped3A_53 = tpu.sem_alloc : memref<!tpu.dma_semaphore, #tpu.memory_space<semaphore_mem>>
      %dma_start3A_54 = arith.constant 0 : i32
      %dma_start3A_55 = arith.constant 0 : i32
      %dma_start3A_56 = tpu.memref_slice %arg3[%add3A, %dma_start3A_54, %dma_start3A_55] : memref<32x79x128xi32, #tpu.memory_space<hbm>> -> memref<1x79x128xi32, #tpu.memory_space<hbm>>
      %dma_start3A_57 = tpu.memref_squeeze %dma_start3A_56 : memref<1x79x128xi32, #tpu.memory_space<hbm>> -> memref<79x128xi32, #tpu.memory_space<hbm>>
      %dma_start3A_58 = arith.constant 0 : i32
      %dma_start3A_59 = arith.constant 0 : i32
      %dma_start3A_60 = tpu.memref_slice %arg3[%add3A, %dma_start3A_58, %dma_start3A_59] : memref<32x79x128xi32, #tpu.memory_space<hbm>> -> memref<1x79x128xi32, #tpu.memory_space<hbm>>
      %dma_start3A_61 = tpu.memref_squeeze %dma_start3A_60 : memref<1x79x128xi32, #tpu.memory_space<hbm>> -> memref<79x128xi32, #tpu.memory_space<hbm>>
      tpu.enqueue_dma source(%dma_start3A_61 : memref<79x128xi32, #tpu.memory_space<hbm>>) target(%arg6 : memref<79x128xi32, #tpu.memory_space<vmem>>) target_semaphore(%run_scoped3A_53 : memref<!tpu.dma_semaphore, #tpu.memory_space<semaphore_mem>>)
      %dma_wait3A_62 = arith.constant 0 : i32
      %dma_wait3A_63 = arith.constant 0 : i32
      %dma_wait3A_64 = tpu.memref_slice %arg3[%add3A, %dma_wait3A_62, %dma_wait3A_63] : memref<32x79x128xi32, #tpu.memory_space<hbm>> -> memref<1x79x128xi32, #tpu.memory_space<hbm>>
      %dma_wait3A_65 = tpu.memref_squeeze %dma_wait3A_64 : memref<1x79x128xi32, #tpu.memory_space<hbm>> -> memref<79x128xi32, #tpu.memory_space<hbm>>
      %dma_wait3A_66 = arith.constant 0 : i32
      %dma_wait3A_67 = arith.constant 0 : i32
      %dma_wait3A_68 = tpu.memref_slice %arg3[%add3A, %dma_wait3A_66, %dma_wait3A_67] : memref<32x79x128xi32, #tpu.memory_space<hbm>> -> memref<1x79x128xi32, #tpu.memory_space<hbm>>
      %dma_wait3A_69 = tpu.memref_squeeze %dma_wait3A_68 : memref<1x79x128xi32, #tpu.memory_space<hbm>> -> memref<79x128xi32, #tpu.memory_space<hbm>>
      tpu.wait_dma2 semaphore(%run_scoped3A_53 : memref<!tpu.dma_semaphore, #tpu.memory_space<semaphore_mem>>) src(%dma_wait3A_69 : memref<79x128xi32, #tpu.memory_space<hbm>>) dst(%arg6 : memref<79x128xi32, #tpu.memory_space<vmem>>)
      tpu.yield
    }) : () -> ()
    "tpu.region"() ({
      %run_scoped3A_53 = tpu.sem_alloc : memref<!tpu.dma_semaphore, #tpu.memory_space<semaphore_mem>>
      %dma_start3A_54 = arith.constant 0 : i32
      %dma_start3A_55 = arith.constant 0 : i32
      %dma_start3A_56 = tpu.memref_slice %arg4[%add3A, %dma_start3A_54, %dma_start3A_55] : memref<32x79x128xi32, #tpu.memory_space<hbm>> -> memref<1x79x128xi32, #tpu.memory_space<hbm>>
      %dma_start3A_57 = tpu.memref_squeeze %dma_start3A_56 : memref<1x79x128xi32, #tpu.memory_space<hbm>> -> memref<79x128xi32, #tpu.memory_space<hbm>>
      %dma_start3A_58 = arith.constant 0 : i32
      %dma_start3A_59 = arith.constant 0 : i32
      %dma_start3A_60 = tpu.memref_slice %arg4[%add3A, %dma_start3A_58, %dma_start3A_59] : memref<32x79x128xi32, #tpu.memory_space<hbm>> -> memref<1x79x128xi32, #tpu.memory_space<hbm>>
      %dma_start3A_61 = tpu.memref_squeeze %dma_start3A_60 : memref<1x79x128xi32, #tpu.memory_space<hbm>> -> memref<79x128xi32, #tpu.memory_space<hbm>>
      tpu.enqueue_dma source(%dma_start3A_61 : memref<79x128xi32, #tpu.memory_space<hbm>>) target(%arg7 : memref<79x128xi32, #tpu.memory_space<vmem>>) target_semaphore(%run_scoped3A_53 : memref<!tpu.dma_semaphore, #tpu.memory_space<semaphore_mem>>)
      %dma_wait3A_62 = arith.constant 0 : i32
      %dma_wait3A_63 = arith.constant 0 : i32
      %dma_wait3A_64 = tpu.memref_slice %arg4[%add3A, %dma_wait3A_62, %dma_wait3A_63] : memref<32x79x128xi32, #tpu.memory_space<hbm>> -> memref<1x79x128xi32, #tpu.memory_space<hbm>>
      %dma_wait3A_65 = tpu.memref_squeeze %dma_wait3A_64 : memref<1x79x128xi32, #tpu.memory_space<hbm>> -> memref<79x128xi32, #tpu.memory_space<hbm>>
      %dma_wait3A_66 = arith.constant 0 : i32
      %dma_wait3A_67 = arith.constant 0 : i32
      %dma_wait3A_68 = tpu.memref_slice %arg4[%add3A, %dma_wait3A_66, %dma_wait3A_67] : memref<32x79x128xi32, #tpu.memory_space<hbm>> -> memref<1x79x128xi32, #tpu.memory_space<hbm>>
      %dma_wait3A_69 = tpu.memref_squeeze %dma_wait3A_68 : memref<1x79x128xi32, #tpu.memory_space<hbm>> -> memref<79x128xi32, #tpu.memory_space<hbm>>
      tpu.wait_dma2 semaphore(%run_scoped3A_53 : memref<!tpu.dma_semaphore, #tpu.memory_space<semaphore_mem>>) src(%dma_wait3A_69 : memref<79x128xi32, #tpu.memory_space<hbm>>) dst(%arg7 : memref<79x128xi32, #tpu.memory_space<vmem>>)
      tpu.yield
    }) : () -> ()
    %broadcast_in_dim3A = arith.constant 0.000000e+00 : f32
    %broadcast_in_dim3A_3 = vector.broadcast %broadcast_in_dim3A : f32 to vector<16xf32>
    %scan3A = arith.constant 0 : i32
    %scan3A_4 = arith.constant 0 : i32
    %scan3A_5 = arith.constant 80 : i32
    %scan3A_6 = arith.addi %scan3A_4, %scan3A_5 : i32
    %scan3A_7 = arith.constant 1 : i32
    %scan3A_8 = scf.for %scan3A_53 = %scan3A_4 to %scan3A_6 step %scan3A_7 iter_args(%scan3A_54 = %scan3A) -> (i32)  : i32 {
      %swap3A = arith.index_cast %scan3A_53 : i32 to index
      %swap3A_55 = arith.constant 0 : index
      %swap3A_56 = tpu.vector_load %arg10[%swap3A, %swap3A_55] {strides = array<i32>} : memref<80x64xf32, #tpu.memory_space<vmem>>, vector<1x16xf32>,
      %swap3A_57 = vector.shape_cast %swap3A_56 : vector<1x16xf32> to vector<16xf32>
      %swap3A_58 = vector.shape_cast %broadcast_in_dim3A_3 : vector<16xf32> to vector<1x16xf32>
      tpu.vector_store %arg10[%swap3A, %swap3A_55], %swap3A_58 {strides = array<i32>} : memref<80x64xf32, #tpu.memory_space<vmem>>, vector<1x16xf32>,
      %swap3A_59 = arith.index_cast %scan3A_53 : i32 to index
      %swap3A_60 = arith.constant 16 : index
      %swap3A_61 = tpu.vector_load %arg10[%swap3A_59, %swap3A_60] {strides = array<i32>} : memref<80x64xf32, #tpu.memory_space<vmem>>, vector<1x16xf32>,
      %swap3A_62 = vector.shape_cast %swap3A_61 : vector<1x16xf32> to vector<16xf32>
      %swap3A_63 = vector.shape_cast %broadcast_in_dim3A_3 : vector<16xf32> to vector<1x16xf32>
      tpu.vector_store %arg10[%swap3A_59, %swap3A_60], %swap3A_63 {strides = array<i32>} : memref<80x64xf32, #tpu.memory_space<vmem>>, vector<1x16xf32>,
      %swap3A_64 = arith.index_cast %scan3A_53 : i32 to index
      %swap3A_65 = arith.constant 32 : index
      %swap3A_66 = tpu.vector_load %arg10[%swap3A_64, %swap3A_65] {strides = array<i32>} : memref<80x64xf32, #tpu.memory_space<vmem>>, vector<1x16xf32>,
      %swap3A_67 = vector.shape_cast %swap3A_66 : vector<1x16xf32> to vector<16xf32>
      %swap3A_68 = vector.shape_cast %broadcast_in_dim3A_3 : vector<16xf32> to vector<1x16xf32>
      tpu.vector_store %arg10[%swap3A_64, %swap3A_65], %swap3A_68 {strides = array<i32>} : memref<80x64xf32, #tpu.memory_space<vmem>>, vector<1x16xf32>,
      %swap3A_69 = arith.index_cast %scan3A_53 : i32 to index
      %swap3A_70 = arith.constant 48 : index
      %swap3A_71 = tpu.vector_load %arg10[%swap3A_69, %swap3A_70] {strides = array<i32>} : memref<80x64xf32, #tpu.memory_space<vmem>>, vector<1x16xf32>,
      %swap3A_72 = vector.shape_cast %swap3A_71 : vector<1x16xf32> to vector<16xf32>
      %swap3A_73 = vector.shape_cast %broadcast_in_dim3A_3 : vector<16xf32> to vector<1x16xf32>
      tpu.vector_store %arg10[%swap3A_69, %swap3A_70], %swap3A_73 {strides = array<i32>} : memref<80x64xf32, #tpu.memory_space<vmem>>, vector<1x16xf32>,
      %scan3A_74 = arith.constant 0 : i32
      scf.yield %scan3A_74 : i32
    }
    %scan3A_9 = arith.constant 80 : i32
    %while3A = arith.constant 0 : i32
    %while3A_10 = arith.constant 0 : i32
    %while3A_11 = arith.subi %select_n3A, %while3A : i32
    %while3A_12 = arith.addi %while3A, %while3A_11 : i32
    %while3A_13 = arith.constant 1 : i32
    %while3A_14 = arith.divsi %while3A_11, %while3A_13 : i32
    %while3A_15 = arith.muli %while3A_14, %while3A_13 : i32
    %while3A_16 = arith.addi %while3A, %while3A_15 : i32
    %while3A_17 = arith.constant 1 : i32
    %while3A_18 = scf.for %while3A_53 = %while3A to %while3A_16 step %while3A_17 iter_args(%while3A_54 = %while3A_10) -> (i32)  : i32 {
      %mul3A_55 = arith.constant 640 : i32
      %mul3A_56 = arith.muli %arg1, %mul3A_55 : i32
      %mul3A_57 = arith.constant 80 : i32
      %mul3A_58 = arith.muli %while3A_53, %mul3A_57 : i32
      %add3A_59 = arith.addi %mul3A_56, %mul3A_58 : i32
      "tpu.region"() ({
        %run_scoped3A_61 = tpu.sem_alloc : memref<!tpu.dma_semaphore, #tpu.memory_space<semaphore_mem>>
        %dma_start3A_62 = arith.constant 0 : i32
        %dma_start3A_63 = tpu.memref_slice %arg11[%add3A_59, %dma_start3A_62] : memref<10008x64xf32, #tpu.memory_space<vmem_shared>> -> memref<80x64xf32, #tpu.memory_space<vmem_shared>>
        %dma_start3A_64 = arith.constant 0 : i32
        %dma_start3A_65 = tpu.memref_slice %arg11[%add3A_59, %dma_start3A_64] : memref<10008x64xf32, #tpu.memory_space<vmem_shared>> -> memref<80x64xf32, #tpu.memory_space<vmem_shared>>
        tpu.enqueue_dma source(%arg10 : memref<80x64xf32, #tpu.memory_space<vmem>>) target(%dma_start3A_65 : memref<80x64xf32, #tpu.memory_space<vmem_shared>>) target_semaphore(%run_scoped3A_61 : memref<!tpu.dma_semaphore, #tpu.memory_space<semaphore_mem>>)
        %dma_wait3A_66 = arith.constant 0 : i32
        %dma_wait3A_67 = tpu.memref_slice %arg11[%add3A_59, %dma_wait3A_66] : memref<10008x64xf32, #tpu.memory_space<vmem_shared>> -> memref<80x64xf32, #tpu.memory_space<vmem_shared>>
        %dma_wait3A_68 = arith.constant 0 : i32
        %dma_wait3A_69 = tpu.memref_slice %arg11[%add3A_59, %dma_wait3A_68] : memref<10008x64xf32, #tpu.memory_space<vmem_shared>> -> memref<80x64xf32, #tpu.memory_space<vmem_shared>>
        tpu.wait_dma2 semaphore(%run_scoped3A_61 : memref<!tpu.dma_semaphore, #tpu.memory_space<semaphore_mem>>) src(%arg10 : memref<80x64xf32, #tpu.memory_space<vmem>>) dst(%dma_wait3A_69 : memref<80x64xf32, #tpu.memory_space<vmem_shared>>)
        tpu.yield
      }) : () -> ()
      %while3A_60 = arith.constant 0 : i32
      scf.yield %while3A_60 : i32
    }
    %while3A_19 = arith.constant 1 : i32
    %while3A_20 = scf.for %while3A_53 = %while3A_16 to %while3A_12 step %while3A_19 iter_args(%while3A_54 = %while3A_18) -> (i32)  : i32 {
      %mul3A_55 = arith.constant 640 : i32
      %mul3A_56 = arith.muli %arg1, %mul3A_55 : i32
      %mul3A_57 = arith.constant 80 : i32
      %mul3A_58 = arith.muli %while3A_53, %mul3A_57 : i32
      %add3A_59 = arith.addi %mul3A_56, %mul3A_58 : i32
      "tpu.region"() ({
        %run_scoped3A_61 = tpu.sem_alloc : memref<!tpu.dma_semaphore, #tpu.memory_space<semaphore_mem>>
        %dma_start3A_62 = arith.constant 0 : i32
        %dma_start3A_63 = tpu.memref_slice %arg11[%add3A_59, %dma_start3A_62] : memref<10008x64xf32, #tpu.memory_space<vmem_shared>> -> memref<80x64xf32, #tpu.memory_space<vmem_shared>>
        %dma_start3A_64 = arith.constant 0 : i32
        %dma_start3A_65 = tpu.memref_slice %arg11[%add3A_59, %dma_start3A_64] : memref<10008x64xf32, #tpu.memory_space<vmem_shared>> -> memref<80x64xf32, #tpu.memory_space<vmem_shared>>
        tpu.enqueue_dma source(%arg10 : memref<80x64xf32, #tpu.memory_space<vmem>>) target(%dma_start3A_65 : memref<80x64xf32, #tpu.memory_space<vmem_shared>>) target_semaphore(%run_scoped3A_61 : memref<!tpu.dma_semaphore, #tpu.memory_space<semaphore_mem>>)
        %dma_wait3A_66 = arith.constant 0 : i32
        %dma_wait3A_67 = tpu.memref_slice %arg11[%add3A_59, %dma_wait3A_66] : memref<10008x64xf32, #tpu.memory_space<vmem_shared>> -> memref<80x64xf32, #tpu.memory_space<vmem_shared>>
        %dma_wait3A_68 = arith.constant 0 : i32
        %dma_wait3A_69 = tpu.memref_slice %arg11[%add3A_59, %dma_wait3A_68] : memref<10008x64xf32, #tpu.memory_space<vmem_shared>> -> memref<80x64xf32, #tpu.memory_space<vmem_shared>>
        tpu.wait_dma2 semaphore(%run_scoped3A_61 : memref<!tpu.dma_semaphore, #tpu.memory_space<semaphore_mem>>) src(%arg10 : memref<80x64xf32, #tpu.memory_space<vmem>>) dst(%dma_wait3A_69 : memref<80x64xf32, #tpu.memory_space<vmem_shared>>)
        tpu.yield
      }) : () -> ()
      %while3A_60 = arith.constant 0 : i32
      scf.yield %while3A_60 : i32
    }
    %barrier3A = arith.constant 0 : index
    tpu.barrier barrier_id(%barrier3A)
    %dma_start3A = arith.constant 0 : i32
    %dma_start3A_21 = arith.constant 0 : i32
    %dma_start3A_22 = tpu.memref_slice %arg6[%dma_start3A, %dma_start3A_21] : memref<79x128xi32, #tpu.memory_space<vmem>> -> memref<1x128xi32, #tpu.memory_space<vmem>>
    %dma_start3A_23 = tpu.memref_squeeze %dma_start3A_22 : memref<1x128xi32, #tpu.memory_space<vmem>> -> memref<128xi32, #tpu.memory_space<vmem>>
    %dma_start3A_24 = arith.constant 0 : i32
    %dma_start3A_25 = arith.constant 0 : i32
    %dma_start3A_26 = tpu.memref_slice %arg2[%dma_start3A_24, %dma_start3A_25] : memref<10000x64xf32, #tpu.memory_space<hbm>> -> memref<10000x64xf32, #tpu.memory_space<hbm>>
    tpu.enqueue_indirect_dma source(%dma_start3A_26 : memref<10000x64xf32, #tpu.memory_space<hbm>>) target(%arg8 : memref<128x64xf32, #tpu.memory_space<vmem>>) offsets(%dma_start3A_23 : memref<128xi32, #tpu.memory_space<vmem>>) semaphore(%arg12 : memref<!tpu.dma_semaphore, #tpu.memory_space<semaphore_mem>>)
    %scan3A_27 = arith.constant 0 : i32
    %scan3A_28 = arith.constant 0 : i32
    %scan3A_29 = arith.constant 39 : i32
    %scan3A_30 = arith.addi %scan3A_28, %scan3A_29 : i32
    %scan3A_31 = arith.constant 1 : i32
    %scan3A_32 = scf.for %scan3A_53 = %scan3A_28 to %scan3A_30 step %scan3A_31 iter_args(%scan3A_54 = %scan3A_27) -> (i32)  : i32 {
      %mul3A_55 = arith.constant 2 : i32
      %mul3A_56 = arith.muli %mul3A_55, %scan3A_53 : i32
      %add3A_57 = arith.constant 1 : i32
      %add3A_58 = arith.addi %mul3A_56, %add3A_57 : i32
      %dma_start3A_59 = arith.constant 0 : i32
      %dma_start3A_60 = tpu.memref_slice %arg6[%add3A_58, %dma_start3A_59] : memref<79x128xi32, #tpu.memory_space<vmem>> -> memref<1x128xi32, #tpu.memory_space<vmem>>
      %dma_start3A_61 = tpu.memref_squeeze %dma_start3A_60 : memref<1x128xi32, #tpu.memory_space<vmem>> -> memref<128xi32, #tpu.memory_space<vmem>>
      %dma_start3A_62 = arith.constant 0 : i32
      %dma_start3A_63 = arith.constant 0 : i32
      %dma_start3A_64 = tpu.memref_slice %arg2[%dma_start3A_62, %dma_start3A_63] : memref<10000x64xf32, #tpu.memory_space<hbm>> -> memref<10000x64xf32, #tpu.memory_space<hbm>>
      tpu.enqueue_indirect_dma source(%dma_start3A_64 : memref<10000x64xf32, #tpu.memory_space<hbm>>) target(%arg9 : memref<128x64xf32, #tpu.memory_space<vmem>>) offsets(%dma_start3A_61 : memref<128xi32, #tpu.memory_space<vmem>>) semaphore(%arg13 : memref<!tpu.dma_semaphore, #tpu.memory_space<semaphore_mem>>)
      %dma_wait3A_65 = arith.constant 0 : i32
      %dma_wait3A_66 = tpu.memref_slice %arg6[%mul3A_56, %dma_wait3A_65] : memref<79x128xi32, #tpu.memory_space<vmem>> -> memref<1x128xi32, #tpu.memory_space<vmem>>
      %dma_wait3A_67 = tpu.memref_squeeze %dma_wait3A_66 : memref<1x128xi32, #tpu.memory_space<vmem>> -> memref<128xi32, #tpu.memory_space<vmem>>
      %dma_wait3A_68 = arith.constant 0 : i32
      %dma_wait3A_69 = arith.constant 0 : i32
      %dma_wait3A_70 = tpu.memref_slice %arg2[%dma_wait3A_68, %dma_wait3A_69] : memref<10000x64xf32, #tpu.memory_space<hbm>> -> memref<10000x64xf32, #tpu.memory_space<hbm>>
      tpu.wait_indirect_dma semaphore(%arg12 : memref<!tpu.dma_semaphore, #tpu.memory_space<semaphore_mem>>) src(%dma_wait3A_70 : memref<10000x64xf32, #tpu.memory_space<hbm>>) dst(%arg8 : memref<128x64xf32, #tpu.memory_space<vmem>>)
      "tpu.region"() ({
        %run_scoped3A_90 = tpu.sem_alloc : memref<!tpu.dma_semaphore, #tpu.memory_space<semaphore_mem>>
        %dma_start3A_91 = arith.constant 0 : i32
        %dma_start3A_92 = tpu.memref_slice %arg7[%mul3A_56, %dma_start3A_91] : memref<79x128xi32, #tpu.memory_space<vmem>> -> memref<1x128xi32, #tpu.memory_space<vmem>>
        %dma_start3A_93 = tpu.memref_squeeze %dma_start3A_92 : memref<1x128xi32, #tpu.memory_space<vmem>> -> memref<128xi32, #tpu.memory_space<vmem>>
        %dma_start3A_94 = arith.constant 0 : i32
        %dma_start3A_95 = arith.constant 0 : i32
        %dma_start3A_96 = tpu.memref_slice %arg11[%dma_start3A_94, %dma_start3A_95] : memref<10008x64xf32, #tpu.memory_space<vmem_shared>> -> memref<10008x64xf32, #tpu.memory_space<vmem_shared>>
        tpu.enqueue_indirect_dma source(%arg8 : memref<128x64xf32, #tpu.memory_space<vmem>>) target(%dma_start3A_96 : memref<10008x64xf32, #tpu.memory_space<vmem_shared>>) offsets(%dma_start3A_93 : memref<128xi32, #tpu.memory_space<vmem>>) semaphore(%run_scoped3A_90 : memref<!tpu.dma_semaphore, #tpu.memory_space<semaphore_mem>>) {add = true}
        %dma_wait3A_97 = arith.constant 0 : i32
        %dma_wait3A_98 = tpu.memref_slice %arg7[%mul3A_56, %dma_wait3A_97] : memref<79x128xi32, #tpu.memory_space<vmem>> -> memref<1x128xi32, #tpu.memory_space<vmem>>
        %dma_wait3A_99 = tpu.memref_squeeze %dma_wait3A_98 : memref<1x128xi32, #tpu.memory_space<vmem>> -> memref<128xi32, #tpu.memory_space<vmem>>
        %dma_wait3A_100 = arith.constant 0 : i32
        %dma_wait3A_101 = arith.constant 0 : i32
        %dma_wait3A_102 = tpu.memref_slice %arg11[%dma_wait3A_100, %dma_wait3A_101] : memref<10008x64xf32, #tpu.memory_space<vmem_shared>> -> memref<10008x64xf32, #tpu.memory_space<vmem_shared>>
        tpu.wait_indirect_dma semaphore(%run_scoped3A_90 : memref<!tpu.dma_semaphore, #tpu.memory_space<semaphore_mem>>) src(%arg8 : memref<128x64xf32, #tpu.memory_space<vmem>>) dst(%dma_wait3A_102 : memref<10008x64xf32, #tpu.memory_space<vmem_shared>>)
        tpu.yield
      }) : () -> ()
      %add3A_71 = arith.constant 2 : i32
      %add3A_72 = arith.addi %mul3A_56, %add3A_71 : i32
      %dma_start3A_73 = arith.constant 0 : i32
      %dma_start3A_74 = tpu.memref_slice %arg6[%add3A_72, %dma_start3A_73] : memref<79x128xi32, #tpu.memory_space<vmem>> -> memref<1x128xi32, #tpu.memory_space<vmem>>
      %dma_start3A_75 = tpu.memref_squeeze %dma_start3A_74 : memref<1x128xi32, #tpu.memory_space<vmem>> -> memref<128xi32, #tpu.memory_space<vmem>>
      %dma_start3A_76 = arith.constant 0 : i32
      %dma_start3A_77 = arith.constant 0 : i32
      %dma_start3A_78 = tpu.memref_slice %arg2[%dma_start3A_76, %dma_start3A_77] : memref<10000x64xf32, #tpu.memory_space<hbm>> -> memref<10000x64xf32, #tpu.memory_space<hbm>>
      tpu.enqueue_indirect_dma source(%dma_start3A_78 : memref<10000x64xf32, #tpu.memory_space<hbm>>) target(%arg8 : memref<128x64xf32, #tpu.memory_space<vmem>>) offsets(%dma_start3A_75 : memref<128xi32, #tpu.memory_space<vmem>>) semaphore(%arg12 : memref<!tpu.dma_semaphore, #tpu.memory_space<semaphore_mem>>)
      %add3A_79 = arith.constant 1 : i32
      %add3A_80 = arith.addi %mul3A_56, %add3A_79 : i32
      %dma_wait3A_81 = arith.constant 0 : i32
      %dma_wait3A_82 = tpu.memref_slice %arg6[%add3A_80, %dma_wait3A_81] : memref<79x128xi32, #tpu.memory_space<vmem>> -> memref<1x128xi32, #tpu.memory_space<vmem>>
      %dma_wait3A_83 = tpu.memref_squeeze %dma_wait3A_82 : memref<1x128xi32, #tpu.memory_space<vmem>> -> memref<128xi32, #tpu.memory_space<vmem>>
      %dma_wait3A_84 = arith.constant 0 : i32
      %dma_wait3A_85 = arith.constant 0 : i32
      %dma_wait3A_86 = tpu.memref_slice %arg2[%dma_wait3A_84, %dma_wait3A_85] : memref<10000x64xf32, #tpu.memory_space<hbm>> -> memref<10000x64xf32, #tpu.memory_space<hbm>>
      tpu.wait_indirect_dma semaphore(%arg13 : memref<!tpu.dma_semaphore, #tpu.memory_space<semaphore_mem>>) src(%dma_wait3A_86 : memref<10000x64xf32, #tpu.memory_space<hbm>>) dst(%arg9 : memref<128x64xf32, #tpu.memory_space<vmem>>)
      %add3A_87 = arith.constant 1 : i32
      %add3A_88 = arith.addi %mul3A_56, %add3A_87 : i32
      "tpu.region"() ({
        %run_scoped3A_90 = tpu.sem_alloc : memref<!tpu.dma_semaphore, #tpu.memory_space<semaphore_mem>>
        %dma_start3A_91 = arith.constant 0 : i32
        %dma_start3A_92 = tpu.memref_slice %arg7[%add3A_88, %dma_start3A_91] : memref<79x128xi32, #tpu.memory_space<vmem>> -> memref<1x128xi32, #tpu.memory_space<vmem>>
        %dma_start3A_93 = tpu.memref_squeeze %dma_start3A_92 : memref<1x128xi32, #tpu.memory_space<vmem>> -> memref<128xi32, #tpu.memory_space<vmem>>
        %dma_start3A_94 = arith.constant 0 : i32
        %dma_start3A_95 = arith.constant 0 : i32
        %dma_start3A_96 = tpu.memref_slice %arg11[%dma_start3A_94, %dma_start3A_95] : memref<10008x64xf32, #tpu.memory_space<vmem_shared>> -> memref<10008x64xf32, #tpu.memory_space<vmem_shared>>
        tpu.enqueue_indirect_dma source(%arg9 : memref<128x64xf32, #tpu.memory_space<vmem>>) target(%dma_start3A_96 : memref<10008x64xf32, #tpu.memory_space<vmem_shared>>) offsets(%dma_start3A_93 : memref<128xi32, #tpu.memory_space<vmem>>) semaphore(%run_scoped3A_90 : memref<!tpu.dma_semaphore, #tpu.memory_space<semaphore_mem>>) {add = true}
        %dma_wait3A_97 = arith.constant 0 : i32
        %dma_wait3A_98 = tpu.memref_slice %arg7[%add3A_88, %dma_wait3A_97] : memref<79x128xi32, #tpu.memory_space<vmem>> -> memref<1x128xi32, #tpu.memory_space<vmem>>
        %dma_wait3A_99 = tpu.memref_squeeze %dma_wait3A_98 : memref<1x128xi32, #tpu.memory_space<vmem>> -> memref<128xi32, #tpu.memory_space<vmem>>
        %dma_wait3A_100 = arith.constant 0 : i32
        %dma_wait3A_101 = arith.constant 0 : i32
        %dma_wait3A_102 = tpu.memref_slice %arg11[%dma_wait3A_100, %dma_wait3A_101] : memref<10008x64xf32, #tpu.memory_space<vmem_shared>> -> memref<10008x64xf32, #tpu.memory_space<vmem_shared>>
        tpu.wait_indirect_dma semaphore(%run_scoped3A_90 : memref<!tpu.dma_semaphore, #tpu.memory_space<semaphore_mem>>) src(%arg9 : memref<128x64xf32, #tpu.memory_space<vmem>>) dst(%dma_wait3A_102 : memref<10008x64xf32, #tpu.memory_space<vmem_shared>>)
        tpu.yield
      }) : () -> ()
      %scan3A_89 = arith.constant 0 : i32
      scf.yield %scan3A_89 : i32
    }
    %scan3A_33 = arith.constant 39 : i32
    %dma_wait3A = arith.constant 78 : i32
    %dma_wait3A_34 = arith.constant 0 : i32
    %dma_wait3A_35 = tpu.memref_slice %arg6[%dma_wait3A, %dma_wait3A_34] : memref<79x128xi32, #tpu.memory_space<vmem>> -> memref<1x128xi32, #tpu.memory_space<vmem>>
    %dma_wait3A_36 = tpu.memref_squeeze %dma_wait3A_35 : memref<1x128xi32, #tpu.memory_space<vmem>> -> memref<128xi32, #tpu.memory_space<vmem>>
    %dma_wait3A_37 = arith.constant 0 : i32
    %dma_wait3A_38 = arith.constant 0 : i32
    %dma_wait3A_39 = tpu.memref_slice %arg2[%dma_wait3A_37, %dma_wait3A_38] : memref<10000x64xf32, #tpu.memory_space<hbm>> -> memref<10000x64xf32, #tpu.memory_space<hbm>>
    tpu.wait_indirect_dma semaphore(%arg12 : memref<!tpu.dma_semaphore, #tpu.memory_space<semaphore_mem>>) src(%dma_wait3A_39 : memref<10000x64xf32, #tpu.memory_space<hbm>>) dst(%arg8 : memref<128x64xf32, #tpu.memory_space<vmem>>)
    %run_scoped3A = arith.constant 78 : i32
    "tpu.region"() ({
      %run_scoped3A_53 = tpu.sem_alloc : memref<!tpu.dma_semaphore, #tpu.memory_space<semaphore_mem>>
      %dma_start3A_54 = arith.constant 0 : i32
      %dma_start3A_55 = tpu.memref_slice %arg7[%run_scoped3A, %dma_start3A_54] : memref<79x128xi32, #tpu.memory_space<vmem>> -> memref<1x128xi32, #tpu.memory_space<vmem>>
      %dma_start3A_56 = tpu.memref_squeeze %dma_start3A_55 : memref<1x128xi32, #tpu.memory_space<vmem>> -> memref<128xi32, #tpu.memory_space<vmem>>
      %dma_start3A_57 = arith.constant 0 : i32
      %dma_start3A_58 = arith.constant 0 : i32
      %dma_start3A_59 = tpu.memref_slice %arg11[%dma_start3A_57, %dma_start3A_58] : memref<10008x64xf32, #tpu.memory_space<vmem_shared>> -> memref<10008x64xf32, #tpu.memory_space<vmem_shared>>
      tpu.enqueue_indirect_dma source(%arg8 : memref<128x64xf32, #tpu.memory_space<vmem>>) target(%dma_start3A_59 : memref<10008x64xf32, #tpu.memory_space<vmem_shared>>) offsets(%dma_start3A_56 : memref<128xi32, #tpu.memory_space<vmem>>) semaphore(%run_scoped3A_53 : memref<!tpu.dma_semaphore, #tpu.memory_space<semaphore_mem>>) {add = true}
      %dma_wait3A_60 = arith.constant 0 : i32
      %dma_wait3A_61 = tpu.memref_slice %arg7[%run_scoped3A, %dma_wait3A_60] : memref<79x128xi32, #tpu.memory_space<vmem>> -> memref<1x128xi32, #tpu.memory_space<vmem>>
      %dma_wait3A_62 = tpu.memref_squeeze %dma_wait3A_61 : memref<1x128xi32, #tpu.memory_space<vmem>> -> memref<128xi32, #tpu.memory_space<vmem>>
      %dma_wait3A_63 = arith.constant 0 : i32
      %dma_wait3A_64 = arith.constant 0 : i32
      %dma_wait3A_65 = tpu.memref_slice %arg11[%dma_wait3A_63, %dma_wait3A_64] : memref<10008x64xf32, #tpu.memory_space<vmem_shared>> -> memref<10008x64xf32, #tpu.memory_space<vmem_shared>>
      tpu.wait_indirect_dma semaphore(%run_scoped3A_53 : memref<!tpu.dma_semaphore, #tpu.memory_space<semaphore_mem>>) src(%arg8 : memref<128x64xf32, #tpu.memory_space<vmem>>) dst(%dma_wait3A_65 : memref<10008x64xf32, #tpu.memory_space<vmem_shared>>)
      tpu.yield
    }) : () -> ()
    %barrier3A_40 = arith.constant 0 : index
    tpu.barrier barrier_id(%barrier3A_40)
    %while3A_41 = arith.constant 0 : i32
    %while3A_42 = arith.constant 0 : i32
    %while3A_43 = arith.subi %select_n3A, %while3A_41 : i32
    %while3A_44 = arith.addi %while3A_41, %while3A_43 : i32
    %while3A_45 = arith.constant 1 : i32
    %while3A_46 = arith.divsi %while3A_43, %while3A_45 : i32
    %while3A_47 = arith.muli %while3A_46, %while3A_45 : i32
    %while3A_48 = arith.addi %while3A_41, %while3A_47 : i32
    %while3A_49 = arith.constant 1 : i32
    %while3A_50 = scf.for %while3A_53 = %while3A_41 to %while3A_48 step %while3A_49 iter_args(%while3A_54 = %while3A_42) -> (i32)  : i32 {
      %mul3A_55 = arith.constant 640 : i32
      %mul3A_56 = arith.muli %arg1, %mul3A_55 : i32
      %mul3A_57 = arith.constant 80 : i32
      %mul3A_58 = arith.muli %while3A_53, %mul3A_57 : i32
      %add3A_59 = arith.addi %mul3A_56, %mul3A_58 : i32
      "tpu.region"() ({
        %run_scoped3A_61 = tpu.sem_alloc : memref<!tpu.dma_semaphore, #tpu.memory_space<semaphore_mem>>
        %dma_start3A_62 = arith.constant 0 : i32
        %dma_start3A_63 = tpu.memref_slice %arg11[%add3A_59, %dma_start3A_62] : memref<10008x64xf32, #tpu.memory_space<vmem_shared>> -> memref<80x64xf32, #tpu.memory_space<vmem_shared>>
        %dma_start3A_64 = arith.constant 0 : i32
        %dma_start3A_65 = tpu.memref_slice %arg11[%add3A_59, %dma_start3A_64] : memref<10008x64xf32, #tpu.memory_space<vmem_shared>> -> memref<80x64xf32, #tpu.memory_space<vmem_shared>>
        tpu.enqueue_dma source(%dma_start3A_65 : memref<80x64xf32, #tpu.memory_space<vmem_shared>>) target(%arg10 : memref<80x64xf32, #tpu.memory_space<vmem>>) target_semaphore(%run_scoped3A_61 : memref<!tpu.dma_semaphore, #tpu.memory_space<semaphore_mem>>)
        %dma_wait3A_66 = arith.constant 0 : i32
        %dma_wait3A_67 = tpu.memref_slice %arg11[%add3A_59, %dma_wait3A_66] : memref<10008x64xf32, #tpu.memory_space<vmem_shared>> -> memref<80x64xf32, #tpu.memory_space<vmem_shared>>
        %dma_wait3A_68 = arith.constant 0 : i32
        %dma_wait3A_69 = tpu.memref_slice %arg11[%add3A_59, %dma_wait3A_68] : memref<10008x64xf32, #tpu.memory_space<vmem_shared>> -> memref<80x64xf32, #tpu.memory_space<vmem_shared>>
        tpu.wait_dma2 semaphore(%run_scoped3A_61 : memref<!tpu.dma_semaphore, #tpu.memory_space<semaphore_mem>>) src(%dma_wait3A_69 : memref<80x64xf32, #tpu.memory_space<vmem_shared>>) dst(%arg10 : memref<80x64xf32, #tpu.memory_space<vmem>>)
        tpu.yield
      }) : () -> ()
      "tpu.region"() ({
        %run_scoped3A_61 = tpu.sem_alloc : memref<!tpu.dma_semaphore, #tpu.memory_space<semaphore_mem>>
        %dma_start3A_62 = arith.constant 0 : i32
        %dma_start3A_63 = arith.constant 0 : i32
        %dma_start3A_64 = tpu.memref_slice %arg5[%arg0, %dma_start3A_62, %dma_start3A_63] : memref<2x10008x64xf32, #tpu.memory_space<hbm>> -> memref<1x10008x64xf32, #tpu.memory_space<hbm>>
        %dma_start3A_65 = tpu.memref_squeeze %dma_start3A_64 : memref<1x10008x64xf32, #tpu.memory_space<hbm>> -> memref<10008x64xf32, #tpu.memory_space<hbm>>
        %dma_start3A_66 = arith.constant 0 : i32
        %dma_start3A_67 = tpu.memref_slice %dma_start3A_65[%add3A_59, %dma_start3A_66] : memref<10008x64xf32, #tpu.memory_space<hbm>> -> memref<80x64xf32, #tpu.memory_space<hbm>>
        %dma_start3A_68 = arith.constant 0 : i32
        %dma_start3A_69 = arith.constant 0 : i32
        %dma_start3A_70 = tpu.memref_slice %arg5[%arg0, %dma_start3A_68, %dma_start3A_69] : memref<2x10008x64xf32, #tpu.memory_space<hbm>> -> memref<1x10008x64xf32, #tpu.memory_space<hbm>>
        %dma_start3A_71 = tpu.memref_squeeze %dma_start3A_70 : memref<1x10008x64xf32, #tpu.memory_space<hbm>> -> memref<10008x64xf32, #tpu.memory_space<hbm>>
        %dma_start3A_72 = arith.constant 0 : i32
        %dma_start3A_73 = tpu.memref_slice %dma_start3A_71[%add3A_59, %dma_start3A_72] : memref<10008x64xf32, #tpu.memory_space<hbm>> -> memref<80x64xf32, #tpu.memory_space<hbm>>
        tpu.enqueue_dma source(%arg10 : memref<80x64xf32, #tpu.memory_space<vmem>>) target(%dma_start3A_73 : memref<80x64xf32, #tpu.memory_space<hbm>>) target_semaphore(%run_scoped3A_61 : memref<!tpu.dma_semaphore, #tpu.memory_space<semaphore_mem>>)
        %dma_wait3A_74 = arith.constant 0 : i32
        %dma_wait3A_75 = arith.constant 0 : i32
        %dma_wait3A_76 = tpu.memref_slice %arg5[%arg0, %dma_wait3A_74, %dma_wait3A_75] : memref<2x10008x64xf32, #tpu.memory_space<hbm>> -> memref<1x10008x64xf32, #tpu.memory_space<hbm>>
        %dma_wait3A_77 = tpu.memref_squeeze %dma_wait3A_76 : memref<1x10008x64xf32, #tpu.memory_space<hbm>> -> memref<10008x64xf32, #tpu.memory_space<hbm>>
        %dma_wait3A_78 = arith.constant 0 : i32
        %dma_wait3A_79 = tpu.memref_slice %dma_wait3A_77[%add3A_59, %dma_wait3A_78] : memref<10008x64xf32, #tpu.memory_space<hbm>> -> memref<80x64xf32, #tpu.memory_space<hbm>>
        %dma_wait3A_80 = arith.constant 0 : i32
        %dma_wait3A_81 = arith.constant 0 : i32
        %dma_wait3A_82 = tpu.memref_slice %arg5[%arg0, %dma_wait3A_80, %dma_wait3A_81] : memref<2x10008x64xf32, #tpu.memory_space<hbm>> -> memref<1x10008x64xf32, #tpu.memory_space<hbm>>
        %dma_wait3A_83 = tpu.memref_squeeze %dma_wait3A_82 : memref<1x10008x64xf32, #tpu.memory_space<hbm>> -> memref<10008x64xf32, #tpu.memory_space<hbm>>
        %dma_wait3A_84 = arith.constant 0 : i32
        %dma_wait3A_85 = tpu.memref_slice %dma_wait3A_83[%add3A_59, %dma_wait3A_84] : memref<10008x64xf32, #tpu.memory_space<hbm>> -> memref<80x64xf32, #tpu.memory_space<hbm>>
        tpu.wait_dma2 semaphore(%run_scoped3A_61 : memref<!tpu.dma_semaphore, #tpu.memory_space<semaphore_mem>>) src(%arg10 : memref<80x64xf32, #tpu.memory_space<vmem>>) dst(%dma_wait3A_85 : memref<80x64xf32, #tpu.memory_space<hbm>>)
        tpu.yield
      }) : () -> ()
      %while3A_60 = arith.constant 0 : i32
      scf.yield %while3A_60 : i32
    }
    %while3A_51 = arith.constant 1 : i32
    %while3A_52 = scf.for %while3A_53 = %while3A_48 to %while3A_44 step %while3A_51 iter_args(%while3A_54 = %while3A_50) -> (i32)  : i32 {
      %mul3A_55 = arith.constant 640 : i32
      %mul3A_56 = arith.muli %arg1, %mul3A_55 : i32
      %mul3A_57 = arith.constant 80 : i32
      %mul3A_58 = arith.muli %while3A_53, %mul3A_57 : i32
      %add3A_59 = arith.addi %mul3A_56, %mul3A_58 : i32
      "tpu.region"() ({
        %run_scoped3A_61 = tpu.sem_alloc : memref<!tpu.dma_semaphore, #tpu.memory_space<semaphore_mem>>
        %dma_start3A_62 = arith.constant 0 : i32
        %dma_start3A_63 = tpu.memref_slice %arg11[%add3A_59, %dma_start3A_62] : memref<10008x64xf32, #tpu.memory_space<vmem_shared>> -> memref<80x64xf32, #tpu.memory_space<vmem_shared>>
        %dma_start3A_64 = arith.constant 0 : i32
        %dma_start3A_65 = tpu.memref_slice %arg11[%add3A_59, %dma_start3A_64] : memref<10008x64xf32, #tpu.memory_space<vmem_shared>> -> memref<80x64xf32, #tpu.memory_space<vmem_shared>>
        tpu.enqueue_dma source(%dma_start3A_65 : memref<80x64xf32, #tpu.memory_space<vmem_shared>>) target(%arg10 : memref<80x64xf32, #tpu.memory_space<vmem>>) target_semaphore(%run_scoped3A_61 : memref<!tpu.dma_semaphore, #tpu.memory_space<semaphore_mem>>)
        %dma_wait3A_66 = arith.constant 0 : i32
        %dma_wait3A_67 = tpu.memref_slice %arg11[%add3A_59, %dma_wait3A_66] : memref<10008x64xf32, #tpu.memory_space<vmem_shared>> -> memref<80x64xf32, #tpu.memory_space<vmem_shared>>
        %dma_wait3A_68 = arith.constant 0 : i32
        %dma_wait3A_69 = tpu.memref_slice %arg11[%add3A_59, %dma_wait3A_68] : memref<10008x64xf32, #tpu.memory_space<vmem_shared>> -> memref<80x64xf32, #tpu.memory_space<vmem_shared>>
        tpu.wait_dma2 semaphore(%run_scoped3A_61 : memref<!tpu.dma_semaphore, #tpu.memory_space<semaphore_mem>>) src(%dma_wait3A_69 : memref<80x64xf32, #tpu.memory_space<vmem_shared>>) dst(%arg10 : memref<80x64xf32, #tpu.memory_space<vmem>>)
        tpu.yield
      }) : () -> ()
      "tpu.region"() ({
        %run_scoped3A_61 = tpu.sem_alloc : memref<!tpu.dma_semaphore, #tpu.memory_space<semaphore_mem>>
        %dma_start3A_62 = arith.constant 0 : i32
        %dma_start3A_63 = arith.constant 0 : i32
        %dma_start3A_64 = tpu.memref_slice %arg5[%arg0, %dma_start3A_62, %dma_start3A_63] : memref<2x10008x64xf32, #tpu.memory_space<hbm>> -> memref<1x10008x64xf32, #tpu.memory_space<hbm>>
        %dma_start3A_65 = tpu.memref_squeeze %dma_start3A_64 : memref<1x10008x64xf32, #tpu.memory_space<hbm>> -> memref<10008x64xf32, #tpu.memory_space<hbm>>
        %dma_start3A_66 = arith.constant 0 : i32
        %dma_start3A_67 = tpu.memref_slice %dma_start3A_65[%add3A_59, %dma_start3A_66] : memref<10008x64xf32, #tpu.memory_space<hbm>> -> memref<80x64xf32, #tpu.memory_space<hbm>>
        %dma_start3A_68 = arith.constant 0 : i32
        %dma_start3A_69 = arith.constant 0 : i32
        %dma_start3A_70 = tpu.memref_slice %arg5[%arg0, %dma_start3A_68, %dma_start3A_69] : memref<2x10008x64xf32, #tpu.memory_space<hbm>> -> memref<1x10008x64xf32, #tpu.memory_space<hbm>>
        %dma_start3A_71 = tpu.memref_squeeze %dma_start3A_70 : memref<1x10008x64xf32, #tpu.memory_space<hbm>> -> memref<10008x64xf32, #tpu.memory_space<hbm>>
        %dma_start3A_72 = arith.constant 0 : i32
        %dma_start3A_73 = tpu.memref_slice %dma_start3A_71[%add3A_59, %dma_start3A_72] : memref<10008x64xf32, #tpu.memory_space<hbm>> -> memref<80x64xf32, #tpu.memory_space<hbm>>
        tpu.enqueue_dma source(%arg10 : memref<80x64xf32, #tpu.memory_space<vmem>>) target(%dma_start3A_73 : memref<80x64xf32, #tpu.memory_space<hbm>>) target_semaphore(%run_scoped3A_61 : memref<!tpu.dma_semaphore, #tpu.memory_space<semaphore_mem>>)
        %dma_wait3A_74 = arith.constant 0 : i32
        %dma_wait3A_75 = arith.constant 0 : i32
        %dma_wait3A_76 = tpu.memref_slice %arg5[%arg0, %dma_wait3A_74, %dma_wait3A_75] : memref<2x10008x64xf32, #tpu.memory_space<hbm>> -> memref<1x10008x64xf32, #tpu.memory_space<hbm>>
        %dma_wait3A_77 = tpu.memref_squeeze %dma_wait3A_76 : memref<1x10008x64xf32, #tpu.memory_space<hbm>> -> memref<10008x64xf32, #tpu.memory_space<hbm>>
        %dma_wait3A_78 = arith.constant 0 : i32
        %dma_wait3A_79 = tpu.memref_slice %dma_wait3A_77[%add3A_59, %dma_wait3A_78] : memref<10008x64xf32, #tpu.memory_space<hbm>> -> memref<80x64xf32, #tpu.memory_space<hbm>>
        %dma_wait3A_80 = arith.constant 0 : i32
        %dma_wait3A_81 = arith.constant 0 : i32
        %dma_wait3A_82 = tpu.memref_slice %arg5[%arg0, %dma_wait3A_80, %dma_wait3A_81] : memref<2x10008x64xf32, #tpu.memory_space<hbm>> -> memref<1x10008x64xf32, #tpu.memory_space<hbm>>
        %dma_wait3A_83 = tpu.memref_squeeze %dma_wait3A_82 : memref<1x10008x64xf32, #tpu.memory_space<hbm>> -> memref<10008x64xf32, #tpu.memory_space<hbm>>
        %dma_wait3A_84 = arith.constant 0 : i32
        %dma_wait3A_85 = tpu.memref_slice %dma_wait3A_83[%add3A_59, %dma_wait3A_84] : memref<10008x64xf32, #tpu.memory_space<hbm>> -> memref<80x64xf32, #tpu.memory_space<hbm>>
        tpu.wait_dma2 semaphore(%run_scoped3A_61 : memref<!tpu.dma_semaphore, #tpu.memory_space<semaphore_mem>>) src(%arg10 : memref<80x64xf32, #tpu.memory_space<vmem>>) dst(%dma_wait3A_85 : memref<80x64xf32, #tpu.memory_space<hbm>>)
        tpu.yield
      }) : () -> ()
      %while3A_60 = arith.constant 0 : i32
      scf.yield %while3A_60 : i32
    }
    return
  }
}

#map = affine_map<(d0, d1) -> (0, 0)>
#map1 = affine_map<(d0, d1) -> (0, 0, 0)>
module attributes {stable_mosaic.version = 14 : i64} {
  func.func @run(%arg0: i32, %arg1: i32, %arg2: memref<10000x64xf32, #tpu.memory_space<hbm>>, %arg3: memref<32x79x128xi32, #tpu.memory_space<hbm>>, %arg4: memref<32x79x128xi32, #tpu.memory_space<hbm>>, %arg5: memref<2x10008x64xf32, #tpu.memory_space<hbm>>, %arg6: memref<79x128xi32, #tpu.memory_space<vmem>>, %arg7: memref<79x128xi32, #tpu.memory_space<vmem>>, %arg8: memref<128x64xf32, #tpu.memory_space<vmem>>, %arg9: memref<128x64xf32, #tpu.memory_space<vmem>>, %arg10: memref<80x64xf32, #tpu.memory_space<vmem>>, %arg11: memref<10008x64xf32, #tpu.memory_space<vmem_shared>>, %arg12: memref<!tpu.dma_semaphore, #tpu.memory_space<semaphore_mem>>, %arg13: memref<!tpu.dma_semaphore, #tpu.memory_space<semaphore_mem>>) attributes {dimension_semantics = [#tpu.dimension_semantics<core_parallel>, #tpu.dimension_semantics<subcore_parallel>], iteration_bounds = array<i64: 2, 16>, scalar_prefetch = 0 : i64, scratch_operands = 8 : i64, tpu.core_type = #tpu.core_type<sc_vector_subcore>, window_params = [{transform_indices = #map}, {transform_indices = #map1}, {transform_indices = #map1}, {transform_indices = #map1}]} {
    %mul3A = arith.constant 16 : i32
    %mul3A_0 = arith.muli %arg0, %mul3A : i32
    %add3A = arith.addi %mul3A_0, %arg1 : i32
    %eq3A = arith.constant 15 : i32
    %eq3A_1 = arith.cmpi eq, %arg1, %eq3A : i32
    %jit3A = arith.constant 5 : i32
    %jit3A_2 = arith.constant 8 : i32
    %select_n3A = arith.select %eq3A_1, %jit3A, %jit3A_2 : i32
    "tpu.region"() ({
      %run_scoped3A_53 = tpu.sem_alloc : memref<!tpu.dma_semaphore, #tpu.memory_space<semaphore_mem>>
      %dma_start3A_54 = arith.constant 0 : i32
      %dma_start3A_55 = arith.constant 0 : i32
      %dma_start3A_56 = tpu.memref_slice %arg3[%add3A, %dma_start3A_54, %dma_start3A_55] : memref<32x79x128xi32, #tpu.memory_space<hbm>> -> memref<1x79x128xi32, #tpu.memory_space<hbm>>
      %dma_start3A_57 = tpu.memref_squeeze %dma_start3A_56 : memref<1x79x128xi32, #tpu.memory_space<hbm>> -> memref<79x128xi32, #tpu.memory_space<hbm>>
      %dma_start3A_58 = arith.constant 0 : i32
      %dma_start3A_59 = arith.constant 0 : i32
      %dma_start3A_60 = tpu.memref_slice %arg3[%add3A, %dma_start3A_58, %dma_start3A_59] : memref<32x79x128xi32, #tpu.memory_space<hbm>> -> memref<1x79x128xi32, #tpu.memory_space<hbm>>
      %dma_start3A_61 = tpu.memref_squeeze %dma_start3A_60 : memref<1x79x128xi32, #tpu.memory_space<hbm>> -> memref<79x128xi32, #tpu.memory_space<hbm>>
      tpu.enqueue_dma source(%dma_start3A_61 : memref<79x128xi32, #tpu.memory_space<hbm>>) target(%arg6 : memref<79x128xi32, #tpu.memory_space<vmem>>) target_semaphore(%run_scoped3A_53 : memref<!tpu.dma_semaphore, #tpu.memory_space<semaphore_mem>>)
      %dma_wait3A_62 = arith.constant 0 : i32
      %dma_wait3A_63 = arith.constant 0 : i32
      %dma_wait3A_64 = tpu.memref_slice %arg3[%add3A, %dma_wait3A_62, %dma_wait3A_63] : memref<32x79x128xi32, #tpu.memory_space<hbm>> -> memref<1x79x128xi32, #tpu.memory_space<hbm>>
      %dma_wait3A_65 = tpu.memref_squeeze %dma_wait3A_64 : memref<1x79x128xi32, #tpu.memory_space<hbm>> -> memref<79x128xi32, #tpu.memory_space<hbm>>
      %dma_wait3A_66 = arith.constant 0 : i32
      %dma_wait3A_67 = arith.constant 0 : i32
      %dma_wait3A_68 = tpu.memref_slice %arg3[%add3A, %dma_wait3A_66, %dma_wait3A_67] : memref<32x79x128xi32, #tpu.memory_space<hbm>> -> memref<1x79x128xi32, #tpu.memory_space<hbm>>
      %dma_wait3A_69 = tpu.memref_squeeze %dma_wait3A_68 : memref<1x79x128xi32, #tpu.memory_space<hbm>> -> memref<79x128xi32, #tpu.memory_space<hbm>>
      tpu.wait_dma2 semaphore(%run_scoped3A_53 : memref<!tpu.dma_semaphore, #tpu.memory_space<semaphore_mem>>) src(%dma_wait3A_69 : memref<79x128xi32, #tpu.memory_space<hbm>>) dst(%arg6 : memref<79x128xi32, #tpu.memory_space<vmem>>)
      tpu.yield
    }) : () -> ()
    "tpu.region"() ({
      %run_scoped3A_53 = tpu.sem_alloc : memref<!tpu.dma_semaphore, #tpu.memory_space<semaphore_mem>>
      %dma_start3A_54 = arith.constant 0 : i32
      %dma_start3A_55 = arith.constant 0 : i32
      %dma_start3A_56 = tpu.memref_slice %arg4[%add3A, %dma_start3A_54, %dma_start3A_55] : memref<32x79x128xi32, #tpu.memory_space<hbm>> -> memref<1x79x128xi32, #tpu.memory_space<hbm>>
      %dma_start3A_57 = tpu.memref_squeeze %dma_start3A_56 : memref<1x79x128xi32, #tpu.memory_space<hbm>> -> memref<79x128xi32, #tpu.memory_space<hbm>>
      %dma_start3A_58 = arith.constant 0 : i32
      %dma_start3A_59 = arith.constant 0 : i32
      %dma_start3A_60 = tpu.memref_slice %arg4[%add3A, %dma_start3A_58, %dma_start3A_59] : memref<32x79x128xi32, #tpu.memory_space<hbm>> -> memref<1x79x128xi32, #tpu.memory_space<hbm>>
      %dma_start3A_61 = tpu.memref_squeeze %dma_start3A_60 : memref<1x79x128xi32, #tpu.memory_space<hbm>> -> memref<79x128xi32, #tpu.memory_space<hbm>>
      tpu.enqueue_dma source(%dma_start3A_61 : memref<79x128xi32, #tpu.memory_space<hbm>>) target(%arg7 : memref<79x128xi32, #tpu.memory_space<vmem>>) target_semaphore(%run_scoped3A_53 : memref<!tpu.dma_semaphore, #tpu.memory_space<semaphore_mem>>)
      %dma_wait3A_62 = arith.constant 0 : i32
      %dma_wait3A_63 = arith.constant 0 : i32
      %dma_wait3A_64 = tpu.memref_slice %arg4[%add3A, %dma_wait3A_62, %dma_wait3A_63] : memref<32x79x128xi32, #tpu.memory_space<hbm>> -> memref<1x79x128xi32, #tpu.memory_space<hbm>>
      %dma_wait3A_65 = tpu.memref_squeeze %dma_wait3A_64 : memref<1x79x128xi32, #tpu.memory_space<hbm>> -> memref<79x128xi32, #tpu.memory_space<hbm>>
      %dma_wait3A_66 = arith.constant 0 : i32
      %dma_wait3A_67 = arith.constant 0 : i32
      %dma_wait3A_68 = tpu.memref_slice %arg4[%add3A, %dma_wait3A_66, %dma_wait3A_67] : memref<32x79x128xi32, #tpu.memory_space<hbm>> -> memref<1x79x128xi32, #tpu.memory_space<hbm>>
      %dma_wait3A_69 = tpu.memref_squeeze %dma_wait3A_68 : memref<1x79x128xi32, #tpu.memory_space<hbm>> -> memref<79x128xi32, #tpu.memory_space<hbm>>
      tpu.wait_dma2 semaphore(%run_scoped3A_53 : memref<!tpu.dma_semaphore, #tpu.memory_space<semaphore_mem>>) src(%dma_wait3A_69 : memref<79x128xi32, #tpu.memory_space<hbm>>) dst(%arg7 : memref<79x128xi32, #tpu.memory_space<vmem>>)
      tpu.yield
    }) : () -> ()
    %broadcast_in_dim3A = arith.constant 0.000000e+00 : f32
    %broadcast_in_dim3A_3 = vector.broadcast %broadcast_in_dim3A : f32 to vector<16xf32>
    %scan3A = arith.constant 0 : i32
    %scan3A_4 = arith.constant 0 : i32
    %scan3A_5 = arith.constant 80 : i32
    %scan3A_6 = arith.addi %scan3A_4, %scan3A_5 : i32
    %scan3A_7 = arith.constant 1 : i32
    %scan3A_8 = scf.for %scan3A_53 = %scan3A_4 to %scan3A_6 step %scan3A_7 iter_args(%scan3A_54 = %scan3A) -> (i32)  : i32 {
      %swap3A = arith.index_cast %scan3A_53 : i32 to index
      %swap3A_55 = arith.constant 0 : index
      %swap3A_56 = tpu.vector_load %arg10[%swap3A, %swap3A_55] {strides = array<i32>} : memref<80x64xf32, #tpu.memory_space<vmem>>, vector<1x16xf32>,
      %swap3A_57 = vector.shape_cast %swap3A_56 : vector<1x16xf32> to vector<16xf32>
      %swap3A_58 = vector.shape_cast %broadcast_in_dim3A_3 : vector<16xf32> to vector<1x16xf32>
      tpu.vector_store %arg10[%swap3A, %swap3A_55], %swap3A_58 {strides = array<i32>} : memref<80x64xf32, #tpu.memory_space<vmem>>, vector<1x16xf32>,
      %swap3A_59 = arith.index_cast %scan3A_53 : i32 to index
      %swap3A_60 = arith.constant 16 : index
      %swap3A_61 = tpu.vector_load %arg10[%swap3A_59, %swap3A_60] {strides = array<i32>} : memref<80x64xf32, #tpu.memory_space<vmem>>, vector<1x16xf32>,
      %swap3A_62 = vector.shape_cast %swap3A_61 : vector<1x16xf32> to vector<16xf32>
      %swap3A_63 = vector.shape_cast %broadcast_in_dim3A_3 : vector<16xf32> to vector<1x16xf32>
      tpu.vector_store %arg10[%swap3A_59, %swap3A_60], %swap3A_63 {strides = array<i32>} : memref<80x64xf32, #tpu.memory_space<vmem>>, vector<1x16xf32>,
      %swap3A_64 = arith.index_cast %scan3A_53 : i32 to index
      %swap3A_65 = arith.constant 32 : index
      %swap3A_66 = tpu.vector_load %arg10[%swap3A_64, %swap3A_65] {strides = array<i32>} : memref<80x64xf32, #tpu.memory_space<vmem>>, vector<1x16xf32>,
      %swap3A_67 = vector.shape_cast %swap3A_66 : vector<1x16xf32> to vector<16xf32>
      %swap3A_68 = vector.shape_cast %broadcast_in_dim3A_3 : vector<16xf32> to vector<1x16xf32>
      tpu.vector_store %arg10[%swap3A_64, %swap3A_65], %swap3A_68 {strides = array<i32>} : memref<80x64xf32, #tpu.memory_space<vmem>>, vector<1x16xf32>,
      %swap3A_69 = arith.index_cast %scan3A_53 : i32 to index
      %swap3A_70 = arith.constant 48 : index
      %swap3A_71 = tpu.vector_load %arg10[%swap3A_69, %swap3A_70] {strides = array<i32>} : memref<80x64xf32, #tpu.memory_space<vmem>>, vector<1x16xf32>,
      %swap3A_72 = vector.shape_cast %swap3A_71 : vector<1x16xf32> to vector<16xf32>
      %swap3A_73 = vector.shape_cast %broadcast_in_dim3A_3 : vector<16xf32> to vector<1x16xf32>
      tpu.vector_store %arg10[%swap3A_69, %swap3A_70], %swap3A_73 {strides = array<i32>} : memref<80x64xf32, #tpu.memory_space<vmem>>, vector<1x16xf32>,
      %scan3A_74 = arith.constant 0 : i32
      scf.yield %scan3A_74 : i32
    }
    %scan3A_9 = arith.constant 80 : i32
    %while3A = arith.constant 0 : i32
    %while3A_10 = arith.constant 0 : i32
    %while3A_11 = arith.subi %select_n3A, %while3A : i32
    %while3A_12 = arith.addi %while3A, %while3A_11 : i32
    %while3A_13 = arith.constant 1 : i32
    %while3A_14 = arith.divsi %while3A_11, %while3A_13 : i32
    %while3A_15 = arith.muli %while3A_14, %while3A_13 : i32
    %while3A_16 = arith.addi %while3A, %while3A_15 : i32
    %while3A_17 = arith.constant 1 : i32
    %while3A_18 = scf.for %while3A_53 = %while3A to %while3A_16 step %while3A_17 iter_args(%while3A_54 = %while3A_10) -> (i32)  : i32 {
      %mul3A_55 = arith.constant 640 : i32
      %mul3A_56 = arith.muli %arg1, %mul3A_55 : i32
      %mul3A_57 = arith.constant 80 : i32
      %mul3A_58 = arith.muli %while3A_53, %mul3A_57 : i32
      %add3A_59 = arith.addi %mul3A_56, %mul3A_58 : i32
      "tpu.region"() ({
        %run_scoped3A_61 = tpu.sem_alloc : memref<!tpu.dma_semaphore, #tpu.memory_space<semaphore_mem>>
        %dma_start3A_62 = arith.constant 0 : i32
        %dma_start3A_63 = tpu.memref_slice %arg11[%add3A_59, %dma_start3A_62] : memref<10008x64xf32, #tpu.memory_space<vmem_shared>> -> memref<80x64xf32, #tpu.memory_space<vmem_shared>>
        %dma_start3A_64 = arith.constant 0 : i32
        %dma_start3A_65 = tpu.memref_slice %arg11[%add3A_59, %dma_start3A_64] : memref<10008x64xf32, #tpu.memory_space<vmem_shared>> -> memref<80x64xf32, #tpu.memory_space<vmem_shared>>
        tpu.enqueue_dma source(%arg10 : memref<80x64xf32, #tpu.memory_space<vmem>>) target(%dma_start3A_65 : memref<80x64xf32, #tpu.memory_space<vmem_shared>>) target_semaphore(%run_scoped3A_61 : memref<!tpu.dma_semaphore, #tpu.memory_space<semaphore_mem>>)
        %dma_wait3A_66 = arith.constant 0 : i32
        %dma_wait3A_67 = tpu.memref_slice %arg11[%add3A_59, %dma_wait3A_66] : memref<10008x64xf32, #tpu.memory_space<vmem_shared>> -> memref<80x64xf32, #tpu.memory_space<vmem_shared>>
        %dma_wait3A_68 = arith.constant 0 : i32
        %dma_wait3A_69 = tpu.memref_slice %arg11[%add3A_59, %dma_wait3A_68] : memref<10008x64xf32, #tpu.memory_space<vmem_shared>> -> memref<80x64xf32, #tpu.memory_space<vmem_shared>>
        tpu.wait_dma2 semaphore(%run_scoped3A_61 : memref<!tpu.dma_semaphore, #tpu.memory_space<semaphore_mem>>) src(%arg10 : memref<80x64xf32, #tpu.memory_space<vmem>>) dst(%dma_wait3A_69 : memref<80x64xf32, #tpu.memory_space<vmem_shared>>)
        tpu.yield
      }) : () -> ()
      %while3A_60 = arith.constant 0 : i32
      scf.yield %while3A_60 : i32
    }
    %while3A_19 = arith.constant 1 : i32
    %while3A_20 = scf.for %while3A_53 = %while3A_16 to %while3A_12 step %while3A_19 iter_args(%while3A_54 = %while3A_18) -> (i32)  : i32 {
      %mul3A_55 = arith.constant 640 : i32
      %mul3A_56 = arith.muli %arg1, %mul3A_55 : i32
      %mul3A_57 = arith.constant 80 : i32
      %mul3A_58 = arith.muli %while3A_53, %mul3A_57 : i32
      %add3A_59 = arith.addi %mul3A_56, %mul3A_58 : i32
      "tpu.region"() ({
        %run_scoped3A_61 = tpu.sem_alloc : memref<!tpu.dma_semaphore, #tpu.memory_space<semaphore_mem>>
        %dma_start3A_62 = arith.constant 0 : i32
        %dma_start3A_63 = tpu.memref_slice %arg11[%add3A_59, %dma_start3A_62] : memref<10008x64xf32, #tpu.memory_space<vmem_shared>> -> memref<80x64xf32, #tpu.memory_space<vmem_shared>>
        %dma_start3A_64 = arith.constant 0 : i32
        %dma_start3A_65 = tpu.memref_slice %arg11[%add3A_59, %dma_start3A_64] : memref<10008x64xf32, #tpu.memory_space<vmem_shared>> -> memref<80x64xf32, #tpu.memory_space<vmem_shared>>
        tpu.enqueue_dma source(%arg10 : memref<80x64xf32, #tpu.memory_space<vmem>>) target(%dma_start3A_65 : memref<80x64xf32, #tpu.memory_space<vmem_shared>>) target_semaphore(%run_scoped3A_61 : memref<!tpu.dma_semaphore, #tpu.memory_space<semaphore_mem>>)
        %dma_wait3A_66 = arith.constant 0 : i32
        %dma_wait3A_67 = tpu.memref_slice %arg11[%add3A_59, %dma_wait3A_66] : memref<10008x64xf32, #tpu.memory_space<vmem_shared>> -> memref<80x64xf32, #tpu.memory_space<vmem_shared>>
        %dma_wait3A_68 = arith.constant 0 : i32
        %dma_wait3A_69 = tpu.memref_slice %arg11[%add3A_59, %dma_wait3A_68] : memref<10008x64xf32, #tpu.memory_space<vmem_shared>> -> memref<80x64xf32, #tpu.memory_space<vmem_shared>>
        tpu.wait_dma2 semaphore(%run_scoped3A_61 : memref<!tpu.dma_semaphore, #tpu.memory_space<semaphore_mem>>) src(%arg10 : memref<80x64xf32, #tpu.memory_space<vmem>>) dst(%dma_wait3A_69 : memref<80x64xf32, #tpu.memory_space<vmem_shared>>)
        tpu.yield
      }) : () -> ()
      %while3A_60 = arith.constant 0 : i32
      scf.yield %while3A_60 : i32
    }
    %barrier3A = arith.constant 0 : index
    tpu.barrier barrier_id(%barrier3A)
    %dma_start3A = arith.constant 0 : i32
    %dma_start3A_21 = arith.constant 0 : i32
    %dma_start3A_22 = tpu.memref_slice %arg6[%dma_start3A, %dma_start3A_21] : memref<79x128xi32, #tpu.memory_space<vmem>> -> memref<1x128xi32, #tpu.memory_space<vmem>>
    %dma_start3A_23 = tpu.memref_squeeze %dma_start3A_22 : memref<1x128xi32, #tpu.memory_space<vmem>> -> memref<128xi32, #tpu.memory_space<vmem>>
    %dma_start3A_24 = arith.constant 0 : i32
    %dma_start3A_25 = arith.constant 0 : i32
    %dma_start3A_26 = tpu.memref_slice %arg2[%dma_start3A_24, %dma_start3A_25] : memref<10000x64xf32, #tpu.memory_space<hbm>> -> memref<10000x64xf32, #tpu.memory_space<hbm>>
    tpu.enqueue_indirect_dma source(%dma_start3A_26 : memref<10000x64xf32, #tpu.memory_space<hbm>>) target(%arg8 : memref<128x64xf32, #tpu.memory_space<vmem>>) offsets(%dma_start3A_23 : memref<128xi32, #tpu.memory_space<vmem>>) semaphore(%arg12 : memref<!tpu.dma_semaphore, #tpu.memory_space<semaphore_mem>>)
    %scan3A_27 = arith.constant 0 : i32
    %scan3A_28 = arith.constant 0 : i32
    %scan3A_29 = arith.constant 39 : i32
    %scan3A_30 = arith.addi %scan3A_28, %scan3A_29 : i32
    %scan3A_31 = arith.constant 1 : i32
    %scan3A_32 = scf.for %scan3A_53 = %scan3A_28 to %scan3A_30 step %scan3A_31 iter_args(%scan3A_54 = %scan3A_27) -> (i32)  : i32 {
      %mul3A_55 = arith.constant 2 : i32
      %mul3A_56 = arith.muli %mul3A_55, %scan3A_53 : i32
      %add3A_57 = arith.constant 1 : i32
      %add3A_58 = arith.addi %mul3A_56, %add3A_57 : i32
      %dma_start3A_59 = arith.constant 0 : i32
      %dma_start3A_60 = tpu.memref_slice %arg6[%add3A_58, %dma_start3A_59] : memref<79x128xi32, #tpu.memory_space<vmem>> -> memref<1x128xi32, #tpu.memory_space<vmem>>
      %dma_start3A_61 = tpu.memref_squeeze %dma_start3A_60 : memref<1x128xi32, #tpu.memory_space<vmem>> -> memref<128xi32, #tpu.memory_space<vmem>>
      %dma_start3A_62 = arith.constant 0 : i32
      %dma_start3A_63 = arith.constant 0 : i32
      %dma_start3A_64 = tpu.memref_slice %arg2[%dma_start3A_62, %dma_start3A_63] : memref<10000x64xf32, #tpu.memory_space<hbm>> -> memref<10000x64xf32, #tpu.memory_space<hbm>>
      tpu.enqueue_indirect_dma source(%dma_start3A_64 : memref<10000x64xf32, #tpu.memory_space<hbm>>) target(%arg9 : memref<128x64xf32, #tpu.memory_space<vmem>>) offsets(%dma_start3A_61 : memref<128xi32, #tpu.memory_space<vmem>>) semaphore(%arg13 : memref<!tpu.dma_semaphore, #tpu.memory_space<semaphore_mem>>)
      %dma_wait3A_65 = arith.constant 0 : i32
      %dma_wait3A_66 = tpu.memref_slice %arg6[%mul3A_56, %dma_wait3A_65] : memref<79x128xi32, #tpu.memory_space<vmem>> -> memref<1x128xi32, #tpu.memory_space<vmem>>
      %dma_wait3A_67 = tpu.memref_squeeze %dma_wait3A_66 : memref<1x128xi32, #tpu.memory_space<vmem>> -> memref<128xi32, #tpu.memory_space<vmem>>
      %dma_wait3A_68 = arith.constant 0 : i32
      %dma_wait3A_69 = arith.constant 0 : i32
      %dma_wait3A_70 = tpu.memref_slice %arg2[%dma_wait3A_68, %dma_wait3A_69] : memref<10000x64xf32, #tpu.memory_space<hbm>> -> memref<10000x64xf32, #tpu.memory_space<hbm>>
      tpu.wait_indirect_dma semaphore(%arg12 : memref<!tpu.dma_semaphore, #tpu.memory_space<semaphore_mem>>) src(%dma_wait3A_70 : memref<10000x64xf32, #tpu.memory_space<hbm>>) dst(%arg8 : memref<128x64xf32, #tpu.memory_space<vmem>>)
      "tpu.region"() ({
        %run_scoped3A_90 = tpu.sem_alloc : memref<!tpu.dma_semaphore, #tpu.memory_space<semaphore_mem>>
        %dma_start3A_91 = arith.constant 0 : i32
        %dma_start3A_92 = tpu.memref_slice %arg7[%mul3A_56, %dma_start3A_91] : memref<79x128xi32, #tpu.memory_space<vmem>> -> memref<1x128xi32, #tpu.memory_space<vmem>>
        %dma_start3A_93 = tpu.memref_squeeze %dma_start3A_92 : memref<1x128xi32, #tpu.memory_space<vmem>> -> memref<128xi32, #tpu.memory_space<vmem>>
        %dma_start3A_94 = arith.constant 0 : i32
        %dma_start3A_95 = arith.constant 0 : i32
        %dma_start3A_96 = tpu.memref_slice %arg11[%dma_start3A_94, %dma_start3A_95] : memref<10008x64xf32, #tpu.memory_space<vmem_shared>> -> memref<10008x64xf32, #tpu.memory_space<vmem_shared>>
        tpu.enqueue_indirect_dma source(%arg8 : memref<128x64xf32, #tpu.memory_space<vmem>>) target(%dma_start3A_96 : memref<10008x64xf32, #tpu.memory_space<vmem_shared>>) offsets(%dma_start3A_93 : memref<128xi32, #tpu.memory_space<vmem>>) semaphore(%run_scoped3A_90 : memref<!tpu.dma_semaphore, #tpu.memory_space<semaphore_mem>>) {add = true}
        %dma_wait3A_97 = arith.constant 0 : i32
        %dma_wait3A_98 = tpu.memref_slice %arg7[%mul3A_56, %dma_wait3A_97] : memref<79x128xi32, #tpu.memory_space<vmem>> -> memref<1x128xi32, #tpu.memory_space<vmem>>
        %dma_wait3A_99 = tpu.memref_squeeze %dma_wait3A_98 : memref<1x128xi32, #tpu.memory_space<vmem>> -> memref<128xi32, #tpu.memory_space<vmem>>
        %dma_wait3A_100 = arith.constant 0 : i32
        %dma_wait3A_101 = arith.constant 0 : i32
        %dma_wait3A_102 = tpu.memref_slice %arg11[%dma_wait3A_100, %dma_wait3A_101] : memref<10008x64xf32, #tpu.memory_space<vmem_shared>> -> memref<10008x64xf32, #tpu.memory_space<vmem_shared>>
        tpu.wait_indirect_dma semaphore(%run_scoped3A_90 : memref<!tpu.dma_semaphore, #tpu.memory_space<semaphore_mem>>) src(%arg8 : memref<128x64xf32, #tpu.memory_space<vmem>>) dst(%dma_wait3A_102 : memref<10008x64xf32, #tpu.memory_space<vmem_shared>>)
        tpu.yield
      }) : () -> ()
      %add3A_71 = arith.constant 2 : i32
      %add3A_72 = arith.addi %mul3A_56, %add3A_71 : i32
      %dma_start3A_73 = arith.constant 0 : i32
      %dma_start3A_74 = tpu.memref_slice %arg6[%add3A_72, %dma_start3A_73] : memref<79x128xi32, #tpu.memory_space<vmem>> -> memref<1x128xi32, #tpu.memory_space<vmem>>
      %dma_start3A_75 = tpu.memref_squeeze %dma_start3A_74 : memref<1x128xi32, #tpu.memory_space<vmem>> -> memref<128xi32, #tpu.memory_space<vmem>>
      %dma_start3A_76 = arith.constant 0 : i32
      %dma_start3A_77 = arith.constant 0 : i32
      %dma_start3A_78 = tpu.memref_slice %arg2[%dma_start3A_76, %dma_start3A_77] : memref<10000x64xf32, #tpu.memory_space<hbm>> -> memref<10000x64xf32, #tpu.memory_space<hbm>>
      tpu.enqueue_indirect_dma source(%dma_start3A_78 : memref<10000x64xf32, #tpu.memory_space<hbm>>) target(%arg8 : memref<128x64xf32, #tpu.memory_space<vmem>>) offsets(%dma_start3A_75 : memref<128xi32, #tpu.memory_space<vmem>>) semaphore(%arg12 : memref<!tpu.dma_semaphore, #tpu.memory_space<semaphore_mem>>)
      %add3A_79 = arith.constant 1 : i32
      %add3A_80 = arith.addi %mul3A_56, %add3A_79 : i32
      %dma_wait3A_81 = arith.constant 0 : i32
      %dma_wait3A_82 = tpu.memref_slice %arg6[%add3A_80, %dma_wait3A_81] : memref<79x128xi32, #tpu.memory_space<vmem>> -> memref<1x128xi32, #tpu.memory_space<vmem>>
      %dma_wait3A_83 = tpu.memref_squeeze %dma_wait3A_82 : memref<1x128xi32, #tpu.memory_space<vmem>> -> memref<128xi32, #tpu.memory_space<vmem>>
      %dma_wait3A_84 = arith.constant 0 : i32
      %dma_wait3A_85 = arith.constant 0 : i32
      %dma_wait3A_86 = tpu.memref_slice %arg2[%dma_wait3A_84, %dma_wait3A_85] : memref<10000x64xf32, #tpu.memory_space<hbm>> -> memref<10000x64xf32, #tpu.memory_space<hbm>>
      tpu.wait_indirect_dma semaphore(%arg13 : memref<!tpu.dma_semaphore, #tpu.memory_space<semaphore_mem>>) src(%dma_wait3A_86 : memref<10000x64xf32, #tpu.memory_space<hbm>>) dst(%arg9 : memref<128x64xf32, #tpu.memory_space<vmem>>)
      %add3A_87 = arith.constant 1 : i32
      %add3A_88 = arith.addi %mul3A_56, %add3A_87 : i32
      "tpu.region"() ({
        %run_scoped3A_90 = tpu.sem_alloc : memref<!tpu.dma_semaphore, #tpu.memory_space<semaphore_mem>>
        %dma_start3A_91 = arith.constant 0 : i32
        %dma_start3A_92 = tpu.memref_slice %arg7[%add3A_88, %dma_start3A_91] : memref<79x128xi32, #tpu.memory_space<vmem>> -> memref<1x128xi32, #tpu.memory_space<vmem>>
        %dma_start3A_93 = tpu.memref_squeeze %dma_start3A_92 : memref<1x128xi32, #tpu.memory_space<vmem>> -> memref<128xi32, #tpu.memory_space<vmem>>
        %dma_start3A_94 = arith.constant 0 : i32
        %dma_start3A_95 = arith.constant 0 : i32
        %dma_start3A_96 = tpu.memref_slice %arg11[%dma_start3A_94, %dma_start3A_95] : memref<10008x64xf32, #tpu.memory_space<vmem_shared>> -> memref<10008x64xf32, #tpu.memory_space<vmem_shared>>
        tpu.enqueue_indirect_dma source(%arg9 : memref<128x64xf32, #tpu.memory_space<vmem>>) target(%dma_start3A_96 : memref<10008x64xf32, #tpu.memory_space<vmem_shared>>) offsets(%dma_start3A_93 : memref<128xi32, #tpu.memory_space<vmem>>) semaphore(%run_scoped3A_90 : memref<!tpu.dma_semaphore, #tpu.memory_space<semaphore_mem>>) {add = true}
        %dma_wait3A_97 = arith.constant 0 : i32
        %dma_wait3A_98 = tpu.memref_slice %arg7[%add3A_88, %dma_wait3A_97] : memref<79x128xi32, #tpu.memory_space<vmem>> -> memref<1x128xi32, #tpu.memory_space<vmem>>
        %dma_wait3A_99 = tpu.memref_squeeze %dma_wait3A_98 : memref<1x128xi32, #tpu.memory_space<vmem>> -> memref<128xi32, #tpu.memory_space<vmem>>
        %dma_wait3A_100 = arith.constant 0 : i32
        %dma_wait3A_101 = arith.constant 0 : i32
        %dma_wait3A_102 = tpu.memref_slice %arg11[%dma_wait3A_100, %dma_wait3A_101] : memref<10008x64xf32, #tpu.memory_space<vmem_shared>> -> memref<10008x64xf32, #tpu.memory_space<vmem_shared>>
        tpu.wait_indirect_dma semaphore(%run_scoped3A_90 : memref<!tpu.dma_semaphore, #tpu.memory_space<semaphore_mem>>) src(%arg9 : memref<128x64xf32, #tpu.memory_space<vmem>>) dst(%dma_wait3A_102 : memref<10008x64xf32, #tpu.memory_space<vmem_shared>>)
        tpu.yield
      }) : () -> ()
      %scan3A_89 = arith.constant 0 : i32
      scf.yield %scan3A_89 : i32
    }
    %scan3A_33 = arith.constant 39 : i32
    %dma_wait3A = arith.constant 78 : i32
    %dma_wait3A_34 = arith.constant 0 : i32
    %dma_wait3A_35 = tpu.memref_slice %arg6[%dma_wait3A, %dma_wait3A_34] : memref<79x128xi32, #tpu.memory_space<vmem>> -> memref<1x128xi32, #tpu.memory_space<vmem>>
    %dma_wait3A_36 = tpu.memref_squeeze %dma_wait3A_35 : memref<1x128xi32, #tpu.memory_space<vmem>> -> memref<128xi32, #tpu.memory_space<vmem>>
    %dma_wait3A_37 = arith.constant 0 : i32
    %dma_wait3A_38 = arith.constant 0 : i32
    %dma_wait3A_39 = tpu.memref_slice %arg2[%dma_wait3A_37, %dma_wait3A_38] : memref<10000x64xf32, #tpu.memory_space<hbm>> -> memref<10000x64xf32, #tpu.memory_space<hbm>>
    tpu.wait_indirect_dma semaphore(%arg12 : memref<!tpu.dma_semaphore, #tpu.memory_space<semaphore_mem>>) src(%dma_wait3A_39 : memref<10000x64xf32, #tpu.memory_space<hbm>>) dst(%arg8 : memref<128x64xf32, #tpu.memory_space<vmem>>)
    %run_scoped3A = arith.constant 78 : i32
    "tpu.region"() ({
      %run_scoped3A_53 = tpu.sem_alloc : memref<!tpu.dma_semaphore, #tpu.memory_space<semaphore_mem>>
      %dma_start3A_54 = arith.constant 0 : i32
      %dma_start3A_55 = tpu.memref_slice %arg7[%run_scoped3A, %dma_start3A_54] : memref<79x128xi32, #tpu.memory_space<vmem>> -> memref<1x128xi32, #tpu.memory_space<vmem>>
      %dma_start3A_56 = tpu.memref_squeeze %dma_start3A_55 : memref<1x128xi32, #tpu.memory_space<vmem>> -> memref<128xi32, #tpu.memory_space<vmem>>
      %dma_start3A_57 = arith.constant 0 : i32
      %dma_start3A_58 = arith.constant 0 : i32
      %dma_start3A_59 = tpu.memref_slice %arg11[%dma_start3A_57, %dma_start3A_58] : memref<10008x64xf32, #tpu.memory_space<vmem_shared>> -> memref<10008x64xf32, #tpu.memory_space<vmem_shared>>
      tpu.enqueue_indirect_dma source(%arg8 : memref<128x64xf32, #tpu.memory_space<vmem>>) target(%dma_start3A_59 : memref<10008x64xf32, #tpu.memory_space<vmem_shared>>) offsets(%dma_start3A_56 : memref<128xi32, #tpu.memory_space<vmem>>) semaphore(%run_scoped3A_53 : memref<!tpu.dma_semaphore, #tpu.memory_space<semaphore_mem>>) {add = true}
      %dma_wait3A_60 = arith.constant 0 : i32
      %dma_wait3A_61 = tpu.memref_slice %arg7[%run_scoped3A, %dma_wait3A_60] : memref<79x128xi32, #tpu.memory_space<vmem>> -> memref<1x128xi32, #tpu.memory_space<vmem>>
      %dma_wait3A_62 = tpu.memref_squeeze %dma_wait3A_61 : memref<1x128xi32, #tpu.memory_space<vmem>> -> memref<128xi32, #tpu.memory_space<vmem>>
      %dma_wait3A_63 = arith.constant 0 : i32
      %dma_wait3A_64 = arith.constant 0 : i32
      %dma_wait3A_65 = tpu.memref_slice %arg11[%dma_wait3A_63, %dma_wait3A_64] : memref<10008x64xf32, #tpu.memory_space<vmem_shared>> -> memref<10008x64xf32, #tpu.memory_space<vmem_shared>>
      tpu.wait_indirect_dma semaphore(%run_scoped3A_53 : memref<!tpu.dma_semaphore, #tpu.memory_space<semaphore_mem>>) src(%arg8 : memref<128x64xf32, #tpu.memory_space<vmem>>) dst(%dma_wait3A_65 : memref<10008x64xf32, #tpu.memory_space<vmem_shared>>)
      tpu.yield
    }) : () -> ()
    %barrier3A_40 = arith.constant 0 : index
    tpu.barrier barrier_id(%barrier3A_40)
    %while3A_41 = arith.constant 0 : i32
    %while3A_42 = arith.constant 0 : i32
    %while3A_43 = arith.subi %select_n3A, %while3A_41 : i32
    %while3A_44 = arith.addi %while3A_41, %while3A_43 : i32
    %while3A_45 = arith.constant 1 : i32
    %while3A_46 = arith.divsi %while3A_43, %while3A_45 : i32
    %while3A_47 = arith.muli %while3A_46, %while3A_45 : i32
    %while3A_48 = arith.addi %while3A_41, %while3A_47 : i32
    %while3A_49 = arith.constant 1 : i32
    %while3A_50 = scf.for %while3A_53 = %while3A_41 to %while3A_48 step %while3A_49 iter_args(%while3A_54 = %while3A_42) -> (i32)  : i32 {
      %mul3A_55 = arith.constant 640 : i32
      %mul3A_56 = arith.muli %arg1, %mul3A_55 : i32
      %mul3A_57 = arith.constant 80 : i32
      %mul3A_58 = arith.muli %while3A_53, %mul3A_57 : i32
      %add3A_59 = arith.addi %mul3A_56, %mul3A_58 : i32
      "tpu.region"() ({
        %run_scoped3A_61 = tpu.sem_alloc : memref<!tpu.dma_semaphore, #tpu.memory_space<semaphore_mem>>
        %dma_start3A_62 = arith.constant 0 : i32
        %dma_start3A_63 = tpu.memref_slice %arg11[%add3A_59, %dma_start3A_62] : memref<10008x64xf32, #tpu.memory_space<vmem_shared>> -> memref<80x64xf32, #tpu.memory_space<vmem_shared>>
        %dma_start3A_64 = arith.constant 0 : i32
        %dma_start3A_65 = tpu.memref_slice %arg11[%add3A_59, %dma_start3A_64] : memref<10008x64xf32, #tpu.memory_space<vmem_shared>> -> memref<80x64xf32, #tpu.memory_space<vmem_shared>>
        tpu.enqueue_dma source(%dma_start3A_65 : memref<80x64xf32, #tpu.memory_space<vmem_shared>>) target(%arg10 : memref<80x64xf32, #tpu.memory_space<vmem>>) target_semaphore(%run_scoped3A_61 : memref<!tpu.dma_semaphore, #tpu.memory_space<semaphore_mem>>)
        %dma_wait3A_66 = arith.constant 0 : i32
        %dma_wait3A_67 = tpu.memref_slice %arg11[%add3A_59, %dma_wait3A_66] : memref<10008x64xf32, #tpu.memory_space<vmem_shared>> -> memref<80x64xf32, #tpu.memory_space<vmem_shared>>
        %dma_wait3A_68 = arith.constant 0 : i32
        %dma_wait3A_69 = tpu.memref_slice %arg11[%add3A_59, %dma_wait3A_68] : memref<10008x64xf32, #tpu.memory_space<vmem_shared>> -> memref<80x64xf32, #tpu.memory_space<vmem_shared>>
        tpu.wait_dma2 semaphore(%run_scoped3A_61 : memref<!tpu.dma_semaphore, #tpu.memory_space<semaphore_mem>>) src(%dma_wait3A_69 : memref<80x64xf32, #tpu.memory_space<vmem_shared>>) dst(%arg10 : memref<80x64xf32, #tpu.memory_space<vmem>>)
        tpu.yield
      }) : () -> ()
      "tpu.region"() ({
        %run_scoped3A_61 = tpu.sem_alloc : memref<!tpu.dma_semaphore, #tpu.memory_space<semaphore_mem>>
        %dma_start3A_62 = arith.constant 0 : i32
        %dma_start3A_63 = arith.constant 0 : i32
        %dma_start3A_64 = tpu.memref_slice %arg5[%arg0, %dma_start3A_62, %dma_start3A_63] : memref<2x10008x64xf32, #tpu.memory_space<hbm>> -> memref<1x10008x64xf32, #tpu.memory_space<hbm>>
        %dma_start3A_65 = tpu.memref_squeeze %dma_start3A_64 : memref<1x10008x64xf32, #tpu.memory_space<hbm>> -> memref<10008x64xf32, #tpu.memory_space<hbm>>
        %dma_start3A_66 = arith.constant 0 : i32
        %dma_start3A_67 = tpu.memref_slice %dma_start3A_65[%add3A_59, %dma_start3A_66] : memref<10008x64xf32, #tpu.memory_space<hbm>> -> memref<80x64xf32, #tpu.memory_space<hbm>>
        %dma_start3A_68 = arith.constant 0 : i32
        %dma_start3A_69 = arith.constant 0 : i32
        %dma_start3A_70 = tpu.memref_slice %arg5[%arg0, %dma_start3A_68, %dma_start3A_69] : memref<2x10008x64xf32, #tpu.memory_space<hbm>> -> memref<1x10008x64xf32, #tpu.memory_space<hbm>>
        %dma_start3A_71 = tpu.memref_squeeze %dma_start3A_70 : memref<1x10008x64xf32, #tpu.memory_space<hbm>> -> memref<10008x64xf32, #tpu.memory_space<hbm>>
        %dma_start3A_72 = arith.constant 0 : i32
        %dma_start3A_73 = tpu.memref_slice %dma_start3A_71[%add3A_59, %dma_start3A_72] : memref<10008x64xf32, #tpu.memory_space<hbm>> -> memref<80x64xf32, #tpu.memory_space<hbm>>
        tpu.enqueue_dma source(%arg10 : memref<80x64xf32, #tpu.memory_space<vmem>>) target(%dma_start3A_73 : memref<80x64xf32, #tpu.memory_space<hbm>>) target_semaphore(%run_scoped3A_61 : memref<!tpu.dma_semaphore, #tpu.memory_space<semaphore_mem>>)
        %dma_wait3A_74 = arith.constant 0 : i32
        %dma_wait3A_75 = arith.constant 0 : i32
        %dma_wait3A_76 = tpu.memref_slice %arg5[%arg0, %dma_wait3A_74, %dma_wait3A_75] : memref<2x10008x64xf32, #tpu.memory_space<hbm>> -> memref<1x10008x64xf32, #tpu.memory_space<hbm>>
        %dma_wait3A_77 = tpu.memref_squeeze %dma_wait3A_76 : memref<1x10008x64xf32, #tpu.memory_space<hbm>> -> memref<10008x64xf32, #tpu.memory_space<hbm>>
        %dma_wait3A_78 = arith.constant 0 : i32
        %dma_wait3A_79 = tpu.memref_slice %dma_wait3A_77[%add3A_59, %dma_wait3A_78] : memref<10008x64xf32, #tpu.memory_space<hbm>> -> memref<80x64xf32, #tpu.memory_space<hbm>>
        %dma_wait3A_80 = arith.constant 0 : i32
        %dma_wait3A_81 = arith.constant 0 : i32
        %dma_wait3A_82 = tpu.memref_slice %arg5[%arg0, %dma_wait3A_80, %dma_wait3A_81] : memref<2x10008x64xf32, #tpu.memory_space<hbm>> -> memref<1x10008x64xf32, #tpu.memory_space<hbm>>
        %dma_wait3A_83 = tpu.memref_squeeze %dma_wait3A_82 : memref<1x10008x64xf32, #tpu.memory_space<hbm>> -> memref<10008x64xf32, #tpu.memory_space<hbm>>
        %dma_wait3A_84 = arith.constant 0 : i32
        %dma_wait3A_85 = tpu.memref_slice %dma_wait3A_83[%add3A_59, %dma_wait3A_84] : memref<10008x64xf32, #tpu.memory_space<hbm>> -> memref<80x64xf32, #tpu.memory_space<hbm>>
        tpu.wait_dma2 semaphore(%run_scoped3A_61 : memref<!tpu.dma_semaphore, #tpu.memory_space<semaphore_mem>>) src(%arg10 : memref<80x64xf32, #tpu.memory_space<vmem>>) dst(%dma_wait3A_85 : memref<80x64xf32, #tpu.memory_space<hbm>>)
        tpu.yield
      }) : () -> ()
      %while3A_60 = arith.constant 0 : i32
      scf.yield %while3A_60 : i32
    }
    %while3A_51 = arith.constant 1 : i32
    %while3A_52 = scf.for %while3A_53 = %while3A_48 to %while3A_44 step %while3A_51 iter_args(%while3A_54 = %while3A_50) -> (i32)  : i32 {
      %mul3A_55 = arith.constant 640 : i32
      %mul3A_56 = arith.muli %arg1, %mul3A_55 : i32
      %mul3A_57 = arith.constant 80 : i32
      %mul3A_58 = arith.muli %while3A_53, %mul3A_57 : i32
      %add3A_59 = arith.addi %mul3A_56, %mul3A_58 : i32
      "tpu.region"() ({
        %run_scoped3A_61 = tpu.sem_alloc : memref<!tpu.dma_semaphore, #tpu.memory_space<semaphore_mem>>
        %dma_start3A_62 = arith.constant 0 : i32
        %dma_start3A_63 = tpu.memref_slice %arg11[%add3A_59, %dma_start3A_62] : memref<10008x64xf32, #tpu.memory_space<vmem_shared>> -> memref<80x64xf32, #tpu.memory_space<vmem_shared>>
        %dma_start3A_64 = arith.constant 0 : i32
        %dma_start3A_65 = tpu.memref_slice %arg11[%add3A_59, %dma_start3A_64] : memref<10008x64xf32, #tpu.memory_space<vmem_shared>> -> memref<80x64xf32, #tpu.memory_space<vmem_shared>>
        tpu.enqueue_dma source(%dma_start3A_65 : memref<80x64xf32, #tpu.memory_space<vmem_shared>>) target(%arg10 : memref<80x64xf32, #tpu.memory_space<vmem>>) target_semaphore(%run_scoped3A_61 : memref<!tpu.dma_semaphore, #tpu.memory_space<semaphore_mem>>)
        %dma_wait3A_66 = arith.constant 0 : i32
        %dma_wait3A_67 = tpu.memref_slice %arg11[%add3A_59, %dma_wait3A_66] : memref<10008x64xf32, #tpu.memory_space<vmem_shared>> -> memref<80x64xf32, #tpu.memory_space<vmem_shared>>
        %dma_wait3A_68 = arith.constant 0 : i32
        %dma_wait3A_69 = tpu.memref_slice %arg11[%add3A_59, %dma_wait3A_68] : memref<10008x64xf32, #tpu.memory_space<vmem_shared>> -> memref<80x64xf32, #tpu.memory_space<vmem_shared>>
        tpu.wait_dma2 semaphore(%run_scoped3A_61 : memref<!tpu.dma_semaphore, #tpu.memory_space<semaphore_mem>>) src(%dma_wait3A_69 : memref<80x64xf32, #tpu.memory_space<vmem_shared>>) dst(%arg10 : memref<80x64xf32, #tpu.memory_space<vmem>>)
        tpu.yield
      }) : () -> ()
      "tpu.region"() ({
        %run_scoped3A_61 = tpu.sem_alloc : memref<!tpu.dma_semaphore, #tpu.memory_space<semaphore_mem>>
        %dma_start3A_62 = arith.constant 0 : i32
        %dma_start3A_63 = arith.constant 0 : i32
        %dma_start3A_64 = tpu.memref_slice %arg5[%arg0, %dma_start3A_62, %dma_start3A_63] : memref<2x10008x64xf32, #tpu.memory_space<hbm>> -> memref<1x10008x64xf32, #tpu.memory_space<hbm>>
        %dma_start3A_65 = tpu.memref_squeeze %dma_start3A_64 : memref<1x10008x64xf32, #tpu.memory_space<hbm>> -> memref<10008x64xf32, #tpu.memory_space<hbm>>
        %dma_start3A_66 = arith.constant 0 : i32
        %dma_start3A_67 = tpu.memref_slice %dma_start3A_65[%add3A_59, %dma_start3A_66] : memref<10008x64xf32, #tpu.memory_space<hbm>> -> memref<80x64xf32, #tpu.memory_space<hbm>>
        %dma_start3A_68 = arith.constant 0 : i32
        %dma_start3A_69 = arith.constant 0 : i32
        %dma_start3A_70 = tpu.memref_slice %arg5[%arg0, %dma_start3A_68, %dma_start3A_69] : memref<2x10008x64xf32, #tpu.memory_space<hbm>> -> memref<1x10008x64xf32, #tpu.memory_space<hbm>>
        %dma_start3A_71 = tpu.memref_squeeze %dma_start3A_70 : memref<1x10008x64xf32, #tpu.memory_space<hbm>> -> memref<10008x64xf32, #tpu.memory_space<hbm>>
        %dma_start3A_72 = arith.constant 0 : i32
        %dma_start3A_73 = tpu.memref_slice %dma_start3A_71[%add3A_59, %dma_start3A_72] : memref<10008x64xf32, #tpu.memory_space<hbm>> -> memref<80x64xf32, #tpu.memory_space<hbm>>
        tpu.enqueue_dma source(%arg10 : memref<80x64xf32, #tpu.memory_space<vmem>>) target(%dma_start3A_73 : memref<80x64xf32, #tpu.memory_space<hbm>>) target_semaphore(%run_scoped3A_61 : memref<!tpu.dma_semaphore, #tpu.memory_space<semaphore_mem>>)
        %dma_wait3A_74 = arith.constant 0 : i32
        %dma_wait3A_75 = arith.constant 0 : i32
        %dma_wait3A_76 = tpu.memref_slice %arg5[%arg0, %dma_wait3A_74, %dma_wait3A_75] : memref<2x10008x64xf32, #tpu.memory_space<hbm>> -> memref<1x10008x64xf32, #tpu.memory_space<hbm>>
        %dma_wait3A_77 = tpu.memref_squeeze %dma_wait3A_76 : memref<1x10008x64xf32, #tpu.memory_space<hbm>> -> memref<10008x64xf32, #tpu.memory_space<hbm>>
        %dma_wait3A_78 = arith.constant 0 : i32
        %dma_wait3A_79 = tpu.memref_slice %dma_wait3A_77[%add3A_59, %dma_wait3A_78] : memref<10008x64xf32, #tpu.memory_space<hbm>> -> memref<80x64xf32, #tpu.memory_space<hbm>>
        %dma_wait3A_80 = arith.constant 0 : i32
        %dma_wait3A_81 = arith.constant 0 : i32
        %dma_wait3A_82 = tpu.memref_slice %arg5[%arg0, %dma_wait3A_80, %dma_wait3A_81] : memref<2x10008x64xf32, #tpu.memory_space<hbm>> -> memref<1x10008x64xf32, #tpu.memory_space<hbm>>
        %dma_wait3A_83 = tpu.memref_squeeze %dma_wait3A_82 : memref<1x10008x64xf32, #tpu.memory_space<hbm>> -> memref<10008x64xf32, #tpu.memory_space<hbm>>
        %dma_wait3A_84 = arith.constant 0 : i32
        %dma_wait3A_85 = tpu.memref_slice %dma_wait3A_83[%add3A_59, %dma_wait3A_84] : memref<10008x64xf32, #tpu.memory_space<hbm>> -> memref<80x64xf32, #tpu.memory_space<hbm>>
        tpu.wait_dma2 semaphore(%run_scoped3A_61 : memref<!tpu.dma_semaphore, #tpu.memory_space<semaphore_mem>>) src(%arg10 : memref<80x64xf32, #tpu.memory_space<vmem>>) dst(%dma_wait3A_85 : memref<80x64xf32, #tpu.memory_space<hbm>>)
        tpu.yield
      }) : () -> ()
      %while3A_60 = arith.constant 0 : i32
      scf.yield %while3A_60 : i32
    }
    return
  }
}

#map = affine_map<(d0, d1) -> (0, 0)>
#map1 = affine_map<(d0, d1) -> (0, 0, 0)>
module attributes {stable_mosaic.version = 14 : i64} {
  func.func @run(%arg0: i32, %arg1: i32, %arg2: memref<10000x64xf32, #tpu.memory_space<hbm>>, %arg3: memref<32x79x128xi32, #tpu.memory_space<hbm>>, %arg4: memref<32x79x128xi32, #tpu.memory_space<hbm>>, %arg5: memref<2x10008x64xf32, #tpu.memory_space<hbm>>, %arg6: memref<79x128xi32, #tpu.memory_space<vmem>>, %arg7: memref<79x128xi32, #tpu.memory_space<vmem>>, %arg8: memref<128x64xf32, #tpu.memory_space<vmem>>, %arg9: memref<128x64xf32, #tpu.memory_space<vmem>>, %arg10: memref<80x64xf32, #tpu.memory_space<vmem>>, %arg11: memref<10008x64xf32, #tpu.memory_space<vmem_shared>>, %arg12: memref<!tpu.dma_semaphore, #tpu.memory_space<semaphore_mem>>, %arg13: memref<!tpu.dma_semaphore, #tpu.memory_space<semaphore_mem>>) attributes {dimension_semantics = [#tpu.dimension_semantics<core_parallel>, #tpu.dimension_semantics<subcore_parallel>], iteration_bounds = array<i64: 2, 16>, scalar_prefetch = 0 : i64, scratch_operands = 8 : i64, tpu.core_type = #tpu.core_type<sc_vector_subcore>, window_params = [{transform_indices = #map}, {transform_indices = #map1}, {transform_indices = #map1}, {transform_indices = #map1}]} {
    %mul3A = arith.constant 16 : i32
    %mul3A_0 = arith.muli %arg0, %mul3A : i32
    %add3A = arith.addi %mul3A_0, %arg1 : i32
    %eq3A = arith.constant 15 : i32
    %eq3A_1 = arith.cmpi eq, %arg1, %eq3A : i32
    %jit3A = arith.constant 5 : i32
    %jit3A_2 = arith.constant 8 : i32
    %select_n3A = arith.select %eq3A_1, %jit3A, %jit3A_2 : i32
    "tpu.region"() ({
      %run_scoped3A_53 = tpu.sem_alloc : memref<!tpu.dma_semaphore, #tpu.memory_space<semaphore_mem>>
      %dma_start3A_54 = arith.constant 0 : i32
      %dma_start3A_55 = arith.constant 0 : i32
      %dma_start3A_56 = tpu.memref_slice %arg3[%add3A, %dma_start3A_54, %dma_start3A_55] : memref<32x79x128xi32, #tpu.memory_space<hbm>> -> memref<1x79x128xi32, #tpu.memory_space<hbm>>
      %dma_start3A_57 = tpu.memref_squeeze %dma_start3A_56 : memref<1x79x128xi32, #tpu.memory_space<hbm>> -> memref<79x128xi32, #tpu.memory_space<hbm>>
      %dma_start3A_58 = arith.constant 0 : i32
      %dma_start3A_59 = arith.constant 0 : i32
      %dma_start3A_60 = tpu.memref_slice %arg3[%add3A, %dma_start3A_58, %dma_start3A_59] : memref<32x79x128xi32, #tpu.memory_space<hbm>> -> memref<1x79x128xi32, #tpu.memory_space<hbm>>
      %dma_start3A_61 = tpu.memref_squeeze %dma_start3A_60 : memref<1x79x128xi32, #tpu.memory_space<hbm>> -> memref<79x128xi32, #tpu.memory_space<hbm>>
      tpu.enqueue_dma source(%dma_start3A_61 : memref<79x128xi32, #tpu.memory_space<hbm>>) target(%arg6 : memref<79x128xi32, #tpu.memory_space<vmem>>) target_semaphore(%run_scoped3A_53 : memref<!tpu.dma_semaphore, #tpu.memory_space<semaphore_mem>>)
      %dma_wait3A_62 = arith.constant 0 : i32
      %dma_wait3A_63 = arith.constant 0 : i32
      %dma_wait3A_64 = tpu.memref_slice %arg3[%add3A, %dma_wait3A_62, %dma_wait3A_63] : memref<32x79x128xi32, #tpu.memory_space<hbm>> -> memref<1x79x128xi32, #tpu.memory_space<hbm>>
      %dma_wait3A_65 = tpu.memref_squeeze %dma_wait3A_64 : memref<1x79x128xi32, #tpu.memory_space<hbm>> -> memref<79x128xi32, #tpu.memory_space<hbm>>
      %dma_wait3A_66 = arith.constant 0 : i32
      %dma_wait3A_67 = arith.constant 0 : i32
      %dma_wait3A_68 = tpu.memref_slice %arg3[%add3A, %dma_wait3A_66, %dma_wait3A_67] : memref<32x79x128xi32, #tpu.memory_space<hbm>> -> memref<1x79x128xi32, #tpu.memory_space<hbm>>
      %dma_wait3A_69 = tpu.memref_squeeze %dma_wait3A_68 : memref<1x79x128xi32, #tpu.memory_space<hbm>> -> memref<79x128xi32, #tpu.memory_space<hbm>>
      tpu.wait_dma2 semaphore(%run_scoped3A_53 : memref<!tpu.dma_semaphore, #tpu.memory_space<semaphore_mem>>) src(%dma_wait3A_69 : memref<79x128xi32, #tpu.memory_space<hbm>>) dst(%arg6 : memref<79x128xi32, #tpu.memory_space<vmem>>)
      tpu.yield
    }) : () -> ()
    "tpu.region"() ({
      %run_scoped3A_53 = tpu.sem_alloc : memref<!tpu.dma_semaphore, #tpu.memory_space<semaphore_mem>>
      %dma_start3A_54 = arith.constant 0 : i32
      %dma_start3A_55 = arith.constant 0 : i32
      %dma_start3A_56 = tpu.memref_slice %arg4[%add3A, %dma_start3A_54, %dma_start3A_55] : memref<32x79x128xi32, #tpu.memory_space<hbm>> -> memref<1x79x128xi32, #tpu.memory_space<hbm>>
      %dma_start3A_57 = tpu.memref_squeeze %dma_start3A_56 : memref<1x79x128xi32, #tpu.memory_space<hbm>> -> memref<79x128xi32, #tpu.memory_space<hbm>>
      %dma_start3A_58 = arith.constant 0 : i32
      %dma_start3A_59 = arith.constant 0 : i32
      %dma_start3A_60 = tpu.memref_slice %arg4[%add3A, %dma_start3A_58, %dma_start3A_59] : memref<32x79x128xi32, #tpu.memory_space<hbm>> -> memref<1x79x128xi32, #tpu.memory_space<hbm>>
      %dma_start3A_61 = tpu.memref_squeeze %dma_start3A_60 : memref<1x79x128xi32, #tpu.memory_space<hbm>> -> memref<79x128xi32, #tpu.memory_space<hbm>>
      tpu.enqueue_dma source(%dma_start3A_61 : memref<79x128xi32, #tpu.memory_space<hbm>>) target(%arg7 : memref<79x128xi32, #tpu.memory_space<vmem>>) target_semaphore(%run_scoped3A_53 : memref<!tpu.dma_semaphore, #tpu.memory_space<semaphore_mem>>)
      %dma_wait3A_62 = arith.constant 0 : i32
      %dma_wait3A_63 = arith.constant 0 : i32
      %dma_wait3A_64 = tpu.memref_slice %arg4[%add3A, %dma_wait3A_62, %dma_wait3A_63] : memref<32x79x128xi32, #tpu.memory_space<hbm>> -> memref<1x79x128xi32, #tpu.memory_space<hbm>>
      %dma_wait3A_65 = tpu.memref_squeeze %dma_wait3A_64 : memref<1x79x128xi32, #tpu.memory_space<hbm>> -> memref<79x128xi32, #tpu.memory_space<hbm>>
      %dma_wait3A_66 = arith.constant 0 : i32
      %dma_wait3A_67 = arith.constant 0 : i32
      %dma_wait3A_68 = tpu.memref_slice %arg4[%add3A, %dma_wait3A_66, %dma_wait3A_67] : memref<32x79x128xi32, #tpu.memory_space<hbm>> -> memref<1x79x128xi32, #tpu.memory_space<hbm>>
      %dma_wait3A_69 = tpu.memref_squeeze %dma_wait3A_68 : memref<1x79x128xi32, #tpu.memory_space<hbm>> -> memref<79x128xi32, #tpu.memory_space<hbm>>
      tpu.wait_dma2 semaphore(%run_scoped3A_53 : memref<!tpu.dma_semaphore, #tpu.memory_space<semaphore_mem>>) src(%dma_wait3A_69 : memref<79x128xi32, #tpu.memory_space<hbm>>) dst(%arg7 : memref<79x128xi32, #tpu.memory_space<vmem>>)
      tpu.yield
    }) : () -> ()
    %broadcast_in_dim3A = arith.constant 0.000000e+00 : f32
    %broadcast_in_dim3A_3 = vector.broadcast %broadcast_in_dim3A : f32 to vector<16xf32>
    %scan3A = arith.constant 0 : i32
    %scan3A_4 = arith.constant 0 : i32
    %scan3A_5 = arith.constant 80 : i32
    %scan3A_6 = arith.addi %scan3A_4, %scan3A_5 : i32
    %scan3A_7 = arith.constant 1 : i32
    %scan3A_8 = scf.for %scan3A_53 = %scan3A_4 to %scan3A_6 step %scan3A_7 iter_args(%scan3A_54 = %scan3A) -> (i32)  : i32 {
      %swap3A = arith.index_cast %scan3A_53 : i32 to index
      %swap3A_55 = arith.constant 0 : index
      %swap3A_56 = tpu.vector_load %arg10[%swap3A, %swap3A_55] {strides = array<i32>} : memref<80x64xf32, #tpu.memory_space<vmem>>, vector<1x16xf32>,
      %swap3A_57 = vector.shape_cast %swap3A_56 : vector<1x16xf32> to vector<16xf32>
      %swap3A_58 = vector.shape_cast %broadcast_in_dim3A_3 : vector<16xf32> to vector<1x16xf32>
      tpu.vector_store %arg10[%swap3A, %swap3A_55], %swap3A_58 {strides = array<i32>} : memref<80x64xf32, #tpu.memory_space<vmem>>, vector<1x16xf32>,
      %swap3A_59 = arith.index_cast %scan3A_53 : i32 to index
      %swap3A_60 = arith.constant 16 : index
      %swap3A_61 = tpu.vector_load %arg10[%swap3A_59, %swap3A_60] {strides = array<i32>} : memref<80x64xf32, #tpu.memory_space<vmem>>, vector<1x16xf32>,
      %swap3A_62 = vector.shape_cast %swap3A_61 : vector<1x16xf32> to vector<16xf32>
      %swap3A_63 = vector.shape_cast %broadcast_in_dim3A_3 : vector<16xf32> to vector<1x16xf32>
      tpu.vector_store %arg10[%swap3A_59, %swap3A_60], %swap3A_63 {strides = array<i32>} : memref<80x64xf32, #tpu.memory_space<vmem>>, vector<1x16xf32>,
      %swap3A_64 = arith.index_cast %scan3A_53 : i32 to index
      %swap3A_65 = arith.constant 32 : index
      %swap3A_66 = tpu.vector_load %arg10[%swap3A_64, %swap3A_65] {strides = array<i32>} : memref<80x64xf32, #tpu.memory_space<vmem>>, vector<1x16xf32>,
      %swap3A_67 = vector.shape_cast %swap3A_66 : vector<1x16xf32> to vector<16xf32>
      %swap3A_68 = vector.shape_cast %broadcast_in_dim3A_3 : vector<16xf32> to vector<1x16xf32>
      tpu.vector_store %arg10[%swap3A_64, %swap3A_65], %swap3A_68 {strides = array<i32>} : memref<80x64xf32, #tpu.memory_space<vmem>>, vector<1x16xf32>,
      %swap3A_69 = arith.index_cast %scan3A_53 : i32 to index
      %swap3A_70 = arith.constant 48 : index
      %swap3A_71 = tpu.vector_load %arg10[%swap3A_69, %swap3A_70] {strides = array<i32>} : memref<80x64xf32, #tpu.memory_space<vmem>>, vector<1x16xf32>,
      %swap3A_72 = vector.shape_cast %swap3A_71 : vector<1x16xf32> to vector<16xf32>
      %swap3A_73 = vector.shape_cast %broadcast_in_dim3A_3 : vector<16xf32> to vector<1x16xf32>
      tpu.vector_store %arg10[%swap3A_69, %swap3A_70], %swap3A_73 {strides = array<i32>} : memref<80x64xf32, #tpu.memory_space<vmem>>, vector<1x16xf32>,
      %scan3A_74 = arith.constant 0 : i32
      scf.yield %scan3A_74 : i32
    }
    %scan3A_9 = arith.constant 80 : i32
    %while3A = arith.constant 0 : i32
    %while3A_10 = arith.constant 0 : i32
    %while3A_11 = arith.subi %select_n3A, %while3A : i32
    %while3A_12 = arith.addi %while3A, %while3A_11 : i32
    %while3A_13 = arith.constant 1 : i32
    %while3A_14 = arith.divsi %while3A_11, %while3A_13 : i32
    %while3A_15 = arith.muli %while3A_14, %while3A_13 : i32
    %while3A_16 = arith.addi %while3A, %while3A_15 : i32
    %while3A_17 = arith.constant 1 : i32
    %while3A_18 = scf.for %while3A_53 = %while3A to %while3A_16 step %while3A_17 iter_args(%while3A_54 = %while3A_10) -> (i32)  : i32 {
      %mul3A_55 = arith.constant 640 : i32
      %mul3A_56 = arith.muli %arg1, %mul3A_55 : i32
      %mul3A_57 = arith.constant 80 : i32
      %mul3A_58 = arith.muli %while3A_53, %mul3A_57 : i32
      %add3A_59 = arith.addi %mul3A_56, %mul3A_58 : i32
      "tpu.region"() ({
        %run_scoped3A_61 = tpu.sem_alloc : memref<!tpu.dma_semaphore, #tpu.memory_space<semaphore_mem>>
        %dma_start3A_62 = arith.constant 0 : i32
        %dma_start3A_63 = tpu.memref_slice %arg11[%add3A_59, %dma_start3A_62] : memref<10008x64xf32, #tpu.memory_space<vmem_shared>> -> memref<80x64xf32, #tpu.memory_space<vmem_shared>>
        %dma_start3A_64 = arith.constant 0 : i32
        %dma_start3A_65 = tpu.memref_slice %arg11[%add3A_59, %dma_start3A_64] : memref<10008x64xf32, #tpu.memory_space<vmem_shared>> -> memref<80x64xf32, #tpu.memory_space<vmem_shared>>
        tpu.enqueue_dma source(%arg10 : memref<80x64xf32, #tpu.memory_space<vmem>>) target(%dma_start3A_65 : memref<80x64xf32, #tpu.memory_space<vmem_shared>>) target_semaphore(%run_scoped3A_61 : memref<!tpu.dma_semaphore, #tpu.memory_space<semaphore_mem>>)
        %dma_wait3A_66 = arith.constant 0 : i32
        %dma_wait3A_67 = tpu.memref_slice %arg11[%add3A_59, %dma_wait3A_66] : memref<10008x64xf32, #tpu.memory_space<vmem_shared>> -> memref<80x64xf32, #tpu.memory_space<vmem_shared>>
        %dma_wait3A_68 = arith.constant 0 : i32
        %dma_wait3A_69 = tpu.memref_slice %arg11[%add3A_59, %dma_wait3A_68] : memref<10008x64xf32, #tpu.memory_space<vmem_shared>> -> memref<80x64xf32, #tpu.memory_space<vmem_shared>>
        tpu.wait_dma2 semaphore(%run_scoped3A_61 : memref<!tpu.dma_semaphore, #tpu.memory_space<semaphore_mem>>) src(%arg10 : memref<80x64xf32, #tpu.memory_space<vmem>>) dst(%dma_wait3A_69 : memref<80x64xf32, #tpu.memory_space<vmem_shared>>)
        tpu.yield
      }) : () -> ()
      %while3A_60 = arith.constant 0 : i32
      scf.yield %while3A_60 : i32
    }
    %while3A_19 = arith.constant 1 : i32
    %while3A_20 = scf.for %while3A_53 = %while3A_16 to %while3A_12 step %while3A_19 iter_args(%while3A_54 = %while3A_18) -> (i32)  : i32 {
      %mul3A_55 = arith.constant 640 : i32
      %mul3A_56 = arith.muli %arg1, %mul3A_55 : i32
      %mul3A_57 = arith.constant 80 : i32
      %mul3A_58 = arith.muli %while3A_53, %mul3A_57 : i32
      %add3A_59 = arith.addi %mul3A_56, %mul3A_58 : i32
      "tpu.region"() ({
        %run_scoped3A_61 = tpu.sem_alloc : memref<!tpu.dma_semaphore, #tpu.memory_space<semaphore_mem>>
        %dma_start3A_62 = arith.constant 0 : i32
        %dma_start3A_63 = tpu.memref_slice %arg11[%add3A_59, %dma_start3A_62] : memref<10008x64xf32, #tpu.memory_space<vmem_shared>> -> memref<80x64xf32, #tpu.memory_space<vmem_shared>>
        %dma_start3A_64 = arith.constant 0 : i32
        %dma_start3A_65 = tpu.memref_slice %arg11[%add3A_59, %dma_start3A_64] : memref<10008x64xf32, #tpu.memory_space<vmem_shared>> -> memref<80x64xf32, #tpu.memory_space<vmem_shared>>
        tpu.enqueue_dma source(%arg10 : memref<80x64xf32, #tpu.memory_space<vmem>>) target(%dma_start3A_65 : memref<80x64xf32, #tpu.memory_space<vmem_shared>>) target_semaphore(%run_scoped3A_61 : memref<!tpu.dma_semaphore, #tpu.memory_space<semaphore_mem>>)
        %dma_wait3A_66 = arith.constant 0 : i32
        %dma_wait3A_67 = tpu.memref_slice %arg11[%add3A_59, %dma_wait3A_66] : memref<10008x64xf32, #tpu.memory_space<vmem_shared>> -> memref<80x64xf32, #tpu.memory_space<vmem_shared>>
        %dma_wait3A_68 = arith.constant 0 : i32
        %dma_wait3A_69 = tpu.memref_slice %arg11[%add3A_59, %dma_wait3A_68] : memref<10008x64xf32, #tpu.memory_space<vmem_shared>> -> memref<80x64xf32, #tpu.memory_space<vmem_shared>>
        tpu.wait_dma2 semaphore(%run_scoped3A_61 : memref<!tpu.dma_semaphore, #tpu.memory_space<semaphore_mem>>) src(%arg10 : memref<80x64xf32, #tpu.memory_space<vmem>>) dst(%dma_wait3A_69 : memref<80x64xf32, #tpu.memory_space<vmem_shared>>)
        tpu.yield
      }) : () -> ()
      %while3A_60 = arith.constant 0 : i32
      scf.yield %while3A_60 : i32
    }
    %barrier3A = arith.constant 0 : index
    tpu.barrier barrier_id(%barrier3A)
    %dma_start3A = arith.constant 0 : i32
    %dma_start3A_21 = arith.constant 0 : i32
    %dma_start3A_22 = tpu.memref_slice %arg6[%dma_start3A, %dma_start3A_21] : memref<79x128xi32, #tpu.memory_space<vmem>> -> memref<1x128xi32, #tpu.memory_space<vmem>>
    %dma_start3A_23 = tpu.memref_squeeze %dma_start3A_22 : memref<1x128xi32, #tpu.memory_space<vmem>> -> memref<128xi32, #tpu.memory_space<vmem>>
    %dma_start3A_24 = arith.constant 0 : i32
    %dma_start3A_25 = arith.constant 0 : i32
    %dma_start3A_26 = tpu.memref_slice %arg2[%dma_start3A_24, %dma_start3A_25] : memref<10000x64xf32, #tpu.memory_space<hbm>> -> memref<10000x64xf32, #tpu.memory_space<hbm>>
    tpu.enqueue_indirect_dma source(%dma_start3A_26 : memref<10000x64xf32, #tpu.memory_space<hbm>>) target(%arg8 : memref<128x64xf32, #tpu.memory_space<vmem>>) offsets(%dma_start3A_23 : memref<128xi32, #tpu.memory_space<vmem>>) semaphore(%arg12 : memref<!tpu.dma_semaphore, #tpu.memory_space<semaphore_mem>>)
    %scan3A_27 = arith.constant 0 : i32
    %scan3A_28 = arith.constant 0 : i32
    %scan3A_29 = arith.constant 39 : i32
    %scan3A_30 = arith.addi %scan3A_28, %scan3A_29 : i32
    %scan3A_31 = arith.constant 1 : i32
    %scan3A_32 = scf.for %scan3A_53 = %scan3A_28 to %scan3A_30 step %scan3A_31 iter_args(%scan3A_54 = %scan3A_27) -> (i32)  : i32 {
      %mul3A_55 = arith.constant 2 : i32
      %mul3A_56 = arith.muli %mul3A_55, %scan3A_53 : i32
      %add3A_57 = arith.constant 1 : i32
      %add3A_58 = arith.addi %mul3A_56, %add3A_57 : i32
      %dma_start3A_59 = arith.constant 0 : i32
      %dma_start3A_60 = tpu.memref_slice %arg6[%add3A_58, %dma_start3A_59] : memref<79x128xi32, #tpu.memory_space<vmem>> -> memref<1x128xi32, #tpu.memory_space<vmem>>
      %dma_start3A_61 = tpu.memref_squeeze %dma_start3A_60 : memref<1x128xi32, #tpu.memory_space<vmem>> -> memref<128xi32, #tpu.memory_space<vmem>>
      %dma_start3A_62 = arith.constant 0 : i32
      %dma_start3A_63 = arith.constant 0 : i32
      %dma_start3A_64 = tpu.memref_slice %arg2[%dma_start3A_62, %dma_start3A_63] : memref<10000x64xf32, #tpu.memory_space<hbm>> -> memref<10000x64xf32, #tpu.memory_space<hbm>>
      tpu.enqueue_indirect_dma source(%dma_start3A_64 : memref<10000x64xf32, #tpu.memory_space<hbm>>) target(%arg9 : memref<128x64xf32, #tpu.memory_space<vmem>>) offsets(%dma_start3A_61 : memref<128xi32, #tpu.memory_space<vmem>>) semaphore(%arg13 : memref<!tpu.dma_semaphore, #tpu.memory_space<semaphore_mem>>)
      %dma_wait3A_65 = arith.constant 0 : i32
      %dma_wait3A_66 = tpu.memref_slice %arg6[%mul3A_56, %dma_wait3A_65] : memref<79x128xi32, #tpu.memory_space<vmem>> -> memref<1x128xi32, #tpu.memory_space<vmem>>
      %dma_wait3A_67 = tpu.memref_squeeze %dma_wait3A_66 : memref<1x128xi32, #tpu.memory_space<vmem>> -> memref<128xi32, #tpu.memory_space<vmem>>
      %dma_wait3A_68 = arith.constant 0 : i32
      %dma_wait3A_69 = arith.constant 0 : i32
      %dma_wait3A_70 = tpu.memref_slice %arg2[%dma_wait3A_68, %dma_wait3A_69] : memref<10000x64xf32, #tpu.memory_space<hbm>> -> memref<10000x64xf32, #tpu.memory_space<hbm>>
      tpu.wait_indirect_dma semaphore(%arg12 : memref<!tpu.dma_semaphore, #tpu.memory_space<semaphore_mem>>) src(%dma_wait3A_70 : memref<10000x64xf32, #tpu.memory_space<hbm>>) dst(%arg8 : memref<128x64xf32, #tpu.memory_space<vmem>>)
      "tpu.region"() ({
        %run_scoped3A_90 = tpu.sem_alloc : memref<!tpu.dma_semaphore, #tpu.memory_space<semaphore_mem>>
        %dma_start3A_91 = arith.constant 0 : i32
        %dma_start3A_92 = tpu.memref_slice %arg7[%mul3A_56, %dma_start3A_91] : memref<79x128xi32, #tpu.memory_space<vmem>> -> memref<1x128xi32, #tpu.memory_space<vmem>>
        %dma_start3A_93 = tpu.memref_squeeze %dma_start3A_92 : memref<1x128xi32, #tpu.memory_space<vmem>> -> memref<128xi32, #tpu.memory_space<vmem>>
        %dma_start3A_94 = arith.constant 0 : i32
        %dma_start3A_95 = arith.constant 0 : i32
        %dma_start3A_96 = tpu.memref_slice %arg11[%dma_start3A_94, %dma_start3A_95] : memref<10008x64xf32, #tpu.memory_space<vmem_shared>> -> memref<10008x64xf32, #tpu.memory_space<vmem_shared>>
        tpu.enqueue_indirect_dma source(%arg8 : memref<128x64xf32, #tpu.memory_space<vmem>>) target(%dma_start3A_96 : memref<10008x64xf32, #tpu.memory_space<vmem_shared>>) offsets(%dma_start3A_93 : memref<128xi32, #tpu.memory_space<vmem>>) semaphore(%run_scoped3A_90 : memref<!tpu.dma_semaphore, #tpu.memory_space<semaphore_mem>>) {add = true}
        %dma_wait3A_97 = arith.constant 0 : i32
        %dma_wait3A_98 = tpu.memref_slice %arg7[%mul3A_56, %dma_wait3A_97] : memref<79x128xi32, #tpu.memory_space<vmem>> -> memref<1x128xi32, #tpu.memory_space<vmem>>
        %dma_wait3A_99 = tpu.memref_squeeze %dma_wait3A_98 : memref<1x128xi32, #tpu.memory_space<vmem>> -> memref<128xi32, #tpu.memory_space<vmem>>
        %dma_wait3A_100 = arith.constant 0 : i32
        %dma_wait3A_101 = arith.constant 0 : i32
        %dma_wait3A_102 = tpu.memref_slice %arg11[%dma_wait3A_100, %dma_wait3A_101] : memref<10008x64xf32, #tpu.memory_space<vmem_shared>> -> memref<10008x64xf32, #tpu.memory_space<vmem_shared>>
        tpu.wait_indirect_dma semaphore(%run_scoped3A_90 : memref<!tpu.dma_semaphore, #tpu.memory_space<semaphore_mem>>) src(%arg8 : memref<128x64xf32, #tpu.memory_space<vmem>>) dst(%dma_wait3A_102 : memref<10008x64xf32, #tpu.memory_space<vmem_shared>>)
        tpu.yield
      }) : () -> ()
      %add3A_71 = arith.constant 2 : i32
      %add3A_72 = arith.addi %mul3A_56, %add3A_71 : i32
      %dma_start3A_73 = arith.constant 0 : i32
      %dma_start3A_74 = tpu.memref_slice %arg6[%add3A_72, %dma_start3A_73] : memref<79x128xi32, #tpu.memory_space<vmem>> -> memref<1x128xi32, #tpu.memory_space<vmem>>
      %dma_start3A_75 = tpu.memref_squeeze %dma_start3A_74 : memref<1x128xi32, #tpu.memory_space<vmem>> -> memref<128xi32, #tpu.memory_space<vmem>>
      %dma_start3A_76 = arith.constant 0 : i32
      %dma_start3A_77 = arith.constant 0 : i32
      %dma_start3A_78 = tpu.memref_slice %arg2[%dma_start3A_76, %dma_start3A_77] : memref<10000x64xf32, #tpu.memory_space<hbm>> -> memref<10000x64xf32, #tpu.memory_space<hbm>>
      tpu.enqueue_indirect_dma source(%dma_start3A_78 : memref<10000x64xf32, #tpu.memory_space<hbm>>) target(%arg8 : memref<128x64xf32, #tpu.memory_space<vmem>>) offsets(%dma_start3A_75 : memref<128xi32, #tpu.memory_space<vmem>>) semaphore(%arg12 : memref<!tpu.dma_semaphore, #tpu.memory_space<semaphore_mem>>)
      %add3A_79 = arith.constant 1 : i32
      %add3A_80 = arith.addi %mul3A_56, %add3A_79 : i32
      %dma_wait3A_81 = arith.constant 0 : i32
      %dma_wait3A_82 = tpu.memref_slice %arg6[%add3A_80, %dma_wait3A_81] : memref<79x128xi32, #tpu.memory_space<vmem>> -> memref<1x128xi32, #tpu.memory_space<vmem>>
      %dma_wait3A_83 = tpu.memref_squeeze %dma_wait3A_82 : memref<1x128xi32, #tpu.memory_space<vmem>> -> memref<128xi32, #tpu.memory_space<vmem>>
      %dma_wait3A_84 = arith.constant 0 : i32
      %dma_wait3A_85 = arith.constant 0 : i32
      %dma_wait3A_86 = tpu.memref_slice %arg2[%dma_wait3A_84, %dma_wait3A_85] : memref<10000x64xf32, #tpu.memory_space<hbm>> -> memref<10000x64xf32, #tpu.memory_space<hbm>>
      tpu.wait_indirect_dma semaphore(%arg13 : memref<!tpu.dma_semaphore, #tpu.memory_space<semaphore_mem>>) src(%dma_wait3A_86 : memref<10000x64xf32, #tpu.memory_space<hbm>>) dst(%arg9 : memref<128x64xf32, #tpu.memory_space<vmem>>)
      %add3A_87 = arith.constant 1 : i32
      %add3A_88 = arith.addi %mul3A_56, %add3A_87 : i32
      "tpu.region"() ({
        %run_scoped3A_90 = tpu.sem_alloc : memref<!tpu.dma_semaphore, #tpu.memory_space<semaphore_mem>>
        %dma_start3A_91 = arith.constant 0 : i32
        %dma_start3A_92 = tpu.memref_slice %arg7[%add3A_88, %dma_start3A_91] : memref<79x128xi32, #tpu.memory_space<vmem>> -> memref<1x128xi32, #tpu.memory_space<vmem>>
        %dma_start3A_93 = tpu.memref_squeeze %dma_start3A_92 : memref<1x128xi32, #tpu.memory_space<vmem>> -> memref<128xi32, #tpu.memory_space<vmem>>
        %dma_start3A_94 = arith.constant 0 : i32
        %dma_start3A_95 = arith.constant 0 : i32
        %dma_start3A_96 = tpu.memref_slice %arg11[%dma_start3A_94, %dma_start3A_95] : memref<10008x64xf32, #tpu.memory_space<vmem_shared>> -> memref<10008x64xf32, #tpu.memory_space<vmem_shared>>
        tpu.enqueue_indirect_dma source(%arg9 : memref<128x64xf32, #tpu.memory_space<vmem>>) target(%dma_start3A_96 : memref<10008x64xf32, #tpu.memory_space<vmem_shared>>) offsets(%dma_start3A_93 : memref<128xi32, #tpu.memory_space<vmem>>) semaphore(%run_scoped3A_90 : memref<!tpu.dma_semaphore, #tpu.memory_space<semaphore_mem>>) {add = true}
        %dma_wait3A_97 = arith.constant 0 : i32
        %dma_wait3A_98 = tpu.memref_slice %arg7[%add3A_88, %dma_wait3A_97] : memref<79x128xi32, #tpu.memory_space<vmem>> -> memref<1x128xi32, #tpu.memory_space<vmem>>
        %dma_wait3A_99 = tpu.memref_squeeze %dma_wait3A_98 : memref<1x128xi32, #tpu.memory_space<vmem>> -> memref<128xi32, #tpu.memory_space<vmem>>
        %dma_wait3A_100 = arith.constant 0 : i32
        %dma_wait3A_101 = arith.constant 0 : i32
        %dma_wait3A_102 = tpu.memref_slice %arg11[%dma_wait3A_100, %dma_wait3A_101] : memref<10008x64xf32, #tpu.memory_space<vmem_shared>> -> memref<10008x64xf32, #tpu.memory_space<vmem_shared>>
        tpu.wait_indirect_dma semaphore(%run_scoped3A_90 : memref<!tpu.dma_semaphore, #tpu.memory_space<semaphore_mem>>) src(%arg9 : memref<128x64xf32, #tpu.memory_space<vmem>>) dst(%dma_wait3A_102 : memref<10008x64xf32, #tpu.memory_space<vmem_shared>>)
        tpu.yield
      }) : () -> ()
      %scan3A_89 = arith.constant 0 : i32
      scf.yield %scan3A_89 : i32
    }
    %scan3A_33 = arith.constant 39 : i32
    %dma_wait3A = arith.constant 78 : i32
    %dma_wait3A_34 = arith.constant 0 : i32
    %dma_wait3A_35 = tpu.memref_slice %arg6[%dma_wait3A, %dma_wait3A_34] : memref<79x128xi32, #tpu.memory_space<vmem>> -> memref<1x128xi32, #tpu.memory_space<vmem>>
    %dma_wait3A_36 = tpu.memref_squeeze %dma_wait3A_35 : memref<1x128xi32, #tpu.memory_space<vmem>> -> memref<128xi32, #tpu.memory_space<vmem>>
    %dma_wait3A_37 = arith.constant 0 : i32
    %dma_wait3A_38 = arith.constant 0 : i32
    %dma_wait3A_39 = tpu.memref_slice %arg2[%dma_wait3A_37, %dma_wait3A_38] : memref<10000x64xf32, #tpu.memory_space<hbm>> -> memref<10000x64xf32, #tpu.memory_space<hbm>>
    tpu.wait_indirect_dma semaphore(%arg12 : memref<!tpu.dma_semaphore, #tpu.memory_space<semaphore_mem>>) src(%dma_wait3A_39 : memref<10000x64xf32, #tpu.memory_space<hbm>>) dst(%arg8 : memref<128x64xf32, #tpu.memory_space<vmem>>)
    %run_scoped3A = arith.constant 78 : i32
    "tpu.region"() ({
      %run_scoped3A_53 = tpu.sem_alloc : memref<!tpu.dma_semaphore, #tpu.memory_space<semaphore_mem>>
      %dma_start3A_54 = arith.constant 0 : i32
      %dma_start3A_55 = tpu.memref_slice %arg7[%run_scoped3A, %dma_start3A_54] : memref<79x128xi32, #tpu.memory_space<vmem>> -> memref<1x128xi32, #tpu.memory_space<vmem>>
      %dma_start3A_56 = tpu.memref_squeeze %dma_start3A_55 : memref<1x128xi32, #tpu.memory_space<vmem>> -> memref<128xi32, #tpu.memory_space<vmem>>
      %dma_start3A_57 = arith.constant 0 : i32
      %dma_start3A_58 = arith.constant 0 : i32
      %dma_start3A_59 = tpu.memref_slice %arg11[%dma_start3A_57, %dma_start3A_58] : memref<10008x64xf32, #tpu.memory_space<vmem_shared>> -> memref<10008x64xf32, #tpu.memory_space<vmem_shared>>
      tpu.enqueue_indirect_dma source(%arg8 : memref<128x64xf32, #tpu.memory_space<vmem>>) target(%dma_start3A_59 : memref<10008x64xf32, #tpu.memory_space<vmem_shared>>) offsets(%dma_start3A_56 : memref<128xi32, #tpu.memory_space<vmem>>) semaphore(%run_scoped3A_53 : memref<!tpu.dma_semaphore, #tpu.memory_space<semaphore_mem>>) {add = true}
      %dma_wait3A_60 = arith.constant 0 : i32
      %dma_wait3A_61 = tpu.memref_slice %arg7[%run_scoped3A, %dma_wait3A_60] : memref<79x128xi32, #tpu.memory_space<vmem>> -> memref<1x128xi32, #tpu.memory_space<vmem>>
      %dma_wait3A_62 = tpu.memref_squeeze %dma_wait3A_61 : memref<1x128xi32, #tpu.memory_space<vmem>> -> memref<128xi32, #tpu.memory_space<vmem>>
      %dma_wait3A_63 = arith.constant 0 : i32
      %dma_wait3A_64 = arith.constant 0 : i32
      %dma_wait3A_65 = tpu.memref_slice %arg11[%dma_wait3A_63, %dma_wait3A_64] : memref<10008x64xf32, #tpu.memory_space<vmem_shared>> -> memref<10008x64xf32, #tpu.memory_space<vmem_shared>>
      tpu.wait_indirect_dma semaphore(%run_scoped3A_53 : memref<!tpu.dma_semaphore, #tpu.memory_space<semaphore_mem>>) src(%arg8 : memref<128x64xf32, #tpu.memory_space<vmem>>) dst(%dma_wait3A_65 : memref<10008x64xf32, #tpu.memory_space<vmem_shared>>)
      tpu.yield
    }) : () -> ()
    %barrier3A_40 = arith.constant 0 : index
    tpu.barrier barrier_id(%barrier3A_40)
    %while3A_41 = arith.constant 0 : i32
    %while3A_42 = arith.constant 0 : i32
    %while3A_43 = arith.subi %select_n3A, %while3A_41 : i32
    %while3A_44 = arith.addi %while3A_41, %while3A_43 : i32
    %while3A_45 = arith.constant 1 : i32
    %while3A_46 = arith.divsi %while3A_43, %while3A_45 : i32
    %while3A_47 = arith.muli %while3A_46, %while3A_45 : i32
    %while3A_48 = arith.addi %while3A_41, %while3A_47 : i32
    %while3A_49 = arith.constant 1 : i32
    %while3A_50 = scf.for %while3A_53 = %while3A_41 to %while3A_48 step %while3A_49 iter_args(%while3A_54 = %while3A_42) -> (i32)  : i32 {
      %mul3A_55 = arith.constant 640 : i32
      %mul3A_56 = arith.muli %arg1, %mul3A_55 : i32
      %mul3A_57 = arith.constant 80 : i32
      %mul3A_58 = arith.muli %while3A_53, %mul3A_57 : i32
      %add3A_59 = arith.addi %mul3A_56, %mul3A_58 : i32
      "tpu.region"() ({
        %run_scoped3A_61 = tpu.sem_alloc : memref<!tpu.dma_semaphore, #tpu.memory_space<semaphore_mem>>
        %dma_start3A_62 = arith.constant 0 : i32
        %dma_start3A_63 = tpu.memref_slice %arg11[%add3A_59, %dma_start3A_62] : memref<10008x64xf32, #tpu.memory_space<vmem_shared>> -> memref<80x64xf32, #tpu.memory_space<vmem_shared>>
        %dma_start3A_64 = arith.constant 0 : i32
        %dma_start3A_65 = tpu.memref_slice %arg11[%add3A_59, %dma_start3A_64] : memref<10008x64xf32, #tpu.memory_space<vmem_shared>> -> memref<80x64xf32, #tpu.memory_space<vmem_shared>>
        tpu.enqueue_dma source(%dma_start3A_65 : memref<80x64xf32, #tpu.memory_space<vmem_shared>>) target(%arg10 : memref<80x64xf32, #tpu.memory_space<vmem>>) target_semaphore(%run_scoped3A_61 : memref<!tpu.dma_semaphore, #tpu.memory_space<semaphore_mem>>)
        %dma_wait3A_66 = arith.constant 0 : i32
        %dma_wait3A_67 = tpu.memref_slice %arg11[%add3A_59, %dma_wait3A_66] : memref<10008x64xf32, #tpu.memory_space<vmem_shared>> -> memref<80x64xf32, #tpu.memory_space<vmem_shared>>
        %dma_wait3A_68 = arith.constant 0 : i32
        %dma_wait3A_69 = tpu.memref_slice %arg11[%add3A_59, %dma_wait3A_68] : memref<10008x64xf32, #tpu.memory_space<vmem_shared>> -> memref<80x64xf32, #tpu.memory_space<vmem_shared>>
        tpu.wait_dma2 semaphore(%run_scoped3A_61 : memref<!tpu.dma_semaphore, #tpu.memory_space<semaphore_mem>>) src(%dma_wait3A_69 : memref<80x64xf32, #tpu.memory_space<vmem_shared>>) dst(%arg10 : memref<80x64xf32, #tpu.memory_space<vmem>>)
        tpu.yield
      }) : () -> ()
      "tpu.region"() ({
        %run_scoped3A_61 = tpu.sem_alloc : memref<!tpu.dma_semaphore, #tpu.memory_space<semaphore_mem>>
        %dma_start3A_62 = arith.constant 0 : i32
        %dma_start3A_63 = arith.constant 0 : i32
        %dma_start3A_64 = tpu.memref_slice %arg5[%arg0, %dma_start3A_62, %dma_start3A_63] : memref<2x10008x64xf32, #tpu.memory_space<hbm>> -> memref<1x10008x64xf32, #tpu.memory_space<hbm>>
        %dma_start3A_65 = tpu.memref_squeeze %dma_start3A_64 : memref<1x10008x64xf32, #tpu.memory_space<hbm>> -> memref<10008x64xf32, #tpu.memory_space<hbm>>
        %dma_start3A_66 = arith.constant 0 : i32
        %dma_start3A_67 = tpu.memref_slice %dma_start3A_65[%add3A_59, %dma_start3A_66] : memref<10008x64xf32, #tpu.memory_space<hbm>> -> memref<80x64xf32, #tpu.memory_space<hbm>>
        %dma_start3A_68 = arith.constant 0 : i32
        %dma_start3A_69 = arith.constant 0 : i32
        %dma_start3A_70 = tpu.memref_slice %arg5[%arg0, %dma_start3A_68, %dma_start3A_69] : memref<2x10008x64xf32, #tpu.memory_space<hbm>> -> memref<1x10008x64xf32, #tpu.memory_space<hbm>>
        %dma_start3A_71 = tpu.memref_squeeze %dma_start3A_70 : memref<1x10008x64xf32, #tpu.memory_space<hbm>> -> memref<10008x64xf32, #tpu.memory_space<hbm>>
        %dma_start3A_72 = arith.constant 0 : i32
        %dma_start3A_73 = tpu.memref_slice %dma_start3A_71[%add3A_59, %dma_start3A_72] : memref<10008x64xf32, #tpu.memory_space<hbm>> -> memref<80x64xf32, #tpu.memory_space<hbm>>
        tpu.enqueue_dma source(%arg10 : memref<80x64xf32, #tpu.memory_space<vmem>>) target(%dma_start3A_73 : memref<80x64xf32, #tpu.memory_space<hbm>>) target_semaphore(%run_scoped3A_61 : memref<!tpu.dma_semaphore, #tpu.memory_space<semaphore_mem>>)
        %dma_wait3A_74 = arith.constant 0 : i32
        %dma_wait3A_75 = arith.constant 0 : i32
        %dma_wait3A_76 = tpu.memref_slice %arg5[%arg0, %dma_wait3A_74, %dma_wait3A_75] : memref<2x10008x64xf32, #tpu.memory_space<hbm>> -> memref<1x10008x64xf32, #tpu.memory_space<hbm>>
        %dma_wait3A_77 = tpu.memref_squeeze %dma_wait3A_76 : memref<1x10008x64xf32, #tpu.memory_space<hbm>> -> memref<10008x64xf32, #tpu.memory_space<hbm>>
        %dma_wait3A_78 = arith.constant 0 : i32
        %dma_wait3A_79 = tpu.memref_slice %dma_wait3A_77[%add3A_59, %dma_wait3A_78] : memref<10008x64xf32, #tpu.memory_space<hbm>> -> memref<80x64xf32, #tpu.memory_space<hbm>>
        %dma_wait3A_80 = arith.constant 0 : i32
        %dma_wait3A_81 = arith.constant 0 : i32
        %dma_wait3A_82 = tpu.memref_slice %arg5[%arg0, %dma_wait3A_80, %dma_wait3A_81] : memref<2x10008x64xf32, #tpu.memory_space<hbm>> -> memref<1x10008x64xf32, #tpu.memory_space<hbm>>
        %dma_wait3A_83 = tpu.memref_squeeze %dma_wait3A_82 : memref<1x10008x64xf32, #tpu.memory_space<hbm>> -> memref<10008x64xf32, #tpu.memory_space<hbm>>
        %dma_wait3A_84 = arith.constant 0 : i32
        %dma_wait3A_85 = tpu.memref_slice %dma_wait3A_83[%add3A_59, %dma_wait3A_84] : memref<10008x64xf32, #tpu.memory_space<hbm>> -> memref<80x64xf32, #tpu.memory_space<hbm>>
        tpu.wait_dma2 semaphore(%run_scoped3A_61 : memref<!tpu.dma_semaphore, #tpu.memory_space<semaphore_mem>>) src(%arg10 : memref<80x64xf32, #tpu.memory_space<vmem>>) dst(%dma_wait3A_85 : memref<80x64xf32, #tpu.memory_space<hbm>>)
        tpu.yield
      }) : () -> ()
      %while3A_60 = arith.constant 0 : i32
      scf.yield %while3A_60 : i32
    }
    %while3A_51 = arith.constant 1 : i32
    %while3A_52 = scf.for %while3A_53 = %while3A_48 to %while3A_44 step %while3A_51 iter_args(%while3A_54 = %while3A_50) -> (i32)  : i32 {
      %mul3A_55 = arith.constant 640 : i32
      %mul3A_56 = arith.muli %arg1, %mul3A_55 : i32
      %mul3A_57 = arith.constant 80 : i32
      %mul3A_58 = arith.muli %while3A_53, %mul3A_57 : i32
      %add3A_59 = arith.addi %mul3A_56, %mul3A_58 : i32
      "tpu.region"() ({
        %run_scoped3A_61 = tpu.sem_alloc : memref<!tpu.dma_semaphore, #tpu.memory_space<semaphore_mem>>
        %dma_start3A_62 = arith.constant 0 : i32
        %dma_start3A_63 = tpu.memref_slice %arg11[%add3A_59, %dma_start3A_62] : memref<10008x64xf32, #tpu.memory_space<vmem_shared>> -> memref<80x64xf32, #tpu.memory_space<vmem_shared>>
        %dma_start3A_64 = arith.constant 0 : i32
        %dma_start3A_65 = tpu.memref_slice %arg11[%add3A_59, %dma_start3A_64] : memref<10008x64xf32, #tpu.memory_space<vmem_shared>> -> memref<80x64xf32, #tpu.memory_space<vmem_shared>>
        tpu.enqueue_dma source(%dma_start3A_65 : memref<80x64xf32, #tpu.memory_space<vmem_shared>>) target(%arg10 : memref<80x64xf32, #tpu.memory_space<vmem>>) target_semaphore(%run_scoped3A_61 : memref<!tpu.dma_semaphore, #tpu.memory_space<semaphore_mem>>)
        %dma_wait3A_66 = arith.constant 0 : i32
        %dma_wait3A_67 = tpu.memref_slice %arg11[%add3A_59, %dma_wait3A_66] : memref<10008x64xf32, #tpu.memory_space<vmem_shared>> -> memref<80x64xf32, #tpu.memory_space<vmem_shared>>
        %dma_wait3A_68 = arith.constant 0 : i32
        %dma_wait3A_69 = tpu.memref_slice %arg11[%add3A_59, %dma_wait3A_68] : memref<10008x64xf32, #tpu.memory_space<vmem_shared>> -> memref<80x64xf32, #tpu.memory_space<vmem_shared>>
        tpu.wait_dma2 semaphore(%run_scoped3A_61 : memref<!tpu.dma_semaphore, #tpu.memory_space<semaphore_mem>>) src(%dma_wait3A_69 : memref<80x64xf32, #tpu.memory_space<vmem_shared>>) dst(%arg10 : memref<80x64xf32, #tpu.memory_space<vmem>>)
        tpu.yield
      }) : () -> ()
      "tpu.region"() ({
        %run_scoped3A_61 = tpu.sem_alloc : memref<!tpu.dma_semaphore, #tpu.memory_space<semaphore_mem>>
        %dma_start3A_62 = arith.constant 0 : i32
        %dma_start3A_63 = arith.constant 0 : i32
        %dma_start3A_64 = tpu.memref_slice %arg5[%arg0, %dma_start3A_62, %dma_start3A_63] : memref<2x10008x64xf32, #tpu.memory_space<hbm>> -> memref<1x10008x64xf32, #tpu.memory_space<hbm>>
        %dma_start3A_65 = tpu.memref_squeeze %dma_start3A_64 : memref<1x10008x64xf32, #tpu.memory_space<hbm>> -> memref<10008x64xf32, #tpu.memory_space<hbm>>
        %dma_start3A_66 = arith.constant 0 : i32
        %dma_start3A_67 = tpu.memref_slice %dma_start3A_65[%add3A_59, %dma_start3A_66] : memref<10008x64xf32, #tpu.memory_space<hbm>> -> memref<80x64xf32, #tpu.memory_space<hbm>>
        %dma_start3A_68 = arith.constant 0 : i32
        %dma_start3A_69 = arith.constant 0 : i32
        %dma_start3A_70 = tpu.memref_slice %arg5[%arg0, %dma_start3A_68, %dma_start3A_69] : memref<2x10008x64xf32, #tpu.memory_space<hbm>> -> memref<1x10008x64xf32, #tpu.memory_space<hbm>>
        %dma_start3A_71 = tpu.memref_squeeze %dma_start3A_70 : memref<1x10008x64xf32, #tpu.memory_space<hbm>> -> memref<10008x64xf32, #tpu.memory_space<hbm>>
        %dma_start3A_72 = arith.constant 0 : i32
        %dma_start3A_73 = tpu.memref_slice %dma_start3A_71[%add3A_59, %dma_start3A_72] : memref<10008x64xf32, #tpu.memory_space<hbm>> -> memref<80x64xf32, #tpu.memory_space<hbm>>
        tpu.enqueue_dma source(%arg10 : memref<80x64xf32, #tpu.memory_space<vmem>>) target(%dma_start3A_73 : memref<80x64xf32, #tpu.memory_space<hbm>>) target_semaphore(%run_scoped3A_61 : memref<!tpu.dma_semaphore, #tpu.memory_space<semaphore_mem>>)
        %dma_wait3A_74 = arith.constant 0 : i32
        %dma_wait3A_75 = arith.constant 0 : i32
        %dma_wait3A_76 = tpu.memref_slice %arg5[%arg0, %dma_wait3A_74, %dma_wait3A_75] : memref<2x10008x64xf32, #tpu.memory_space<hbm>> -> memref<1x10008x64xf32, #tpu.memory_space<hbm>>
        %dma_wait3A_77 = tpu.memref_squeeze %dma_wait3A_76 : memref<1x10008x64xf32, #tpu.memory_space<hbm>> -> memref<10008x64xf32, #tpu.memory_space<hbm>>
        %dma_wait3A_78 = arith.constant 0 : i32
        %dma_wait3A_79 = tpu.memref_slice %dma_wait3A_77[%add3A_59, %dma_wait3A_78] : memref<10008x64xf32, #tpu.memory_space<hbm>> -> memref<80x64xf32, #tpu.memory_space<hbm>>
        %dma_wait3A_80 = arith.constant 0 : i32
        %dma_wait3A_81 = arith.constant 0 : i32
        %dma_wait3A_82 = tpu.memref_slice %arg5[%arg0, %dma_wait3A_80, %dma_wait3A_81] : memref<2x10008x64xf32, #tpu.memory_space<hbm>> -> memref<1x10008x64xf32, #tpu.memory_space<hbm>>
        %dma_wait3A_83 = tpu.memref_squeeze %dma_wait3A_82 : memref<1x10008x64xf32, #tpu.memory_space<hbm>> -> memref<10008x64xf32, #tpu.memory_space<hbm>>
        %dma_wait3A_84 = arith.constant 0 : i32
        %dma_wait3A_85 = tpu.memref_slice %dma_wait3A_83[%add3A_59, %dma_wait3A_84] : memref<10008x64xf32, #tpu.memory_space<hbm>> -> memref<80x64xf32, #tpu.memory_space<hbm>>
        tpu.wait_dma2 semaphore(%run_scoped3A_61 : memref<!tpu.dma_semaphore, #tpu.memory_space<semaphore_mem>>) src(%arg10 : memref<80x64xf32, #tpu.memory_space<vmem>>) dst(%dma_wait3A_85 : memref<80x64xf32, #tpu.memory_space<hbm>>)
        tpu.yield
      }) : () -> ()
      %while3A_60 = arith.constant 0 : i32
      scf.yield %while3A_60 : i32
    }
    return
  }
}

module attributes {stable_mosaic.version = 14 : i64} {
  func.func @body(%arg0: i32, %arg1: i32, %arg2: memref<1000x256xf32, #tpu.memory_space<vmem>>, %arg3: memref<1000x1xi32, #tpu.memory_space<vmem>>, %arg4: memref<2x1000x8xf32, #tpu.memory_space<vmem>>, %arg5: memref<1x256xf32, #tpu.memory_space<vmem>>, %arg6: memref<1x256xf32, #tpu.memory_space<vmem>>, %arg7: memref<1x256xf32, #tpu.memory_space<vmem>>, %arg8: memref<256x128xf32, #tpu.memory_space<vmem>>, %arg9: memref<1000x128xf32, #tpu.memory_space<vmem>>, %arg10: memref<16x256xf32, #tpu.memory_space<vmem>>, %arg11: memref<16x256xf32, #tpu.memory_space<vmem>>, %arg12: memref<16x128xf32, #tpu.memory_space<vmem>>) attributes {dimension_semantics = [#tpu.dimension_semantics<arbitrary>, #tpu.dimension_semantics<arbitrary>], iteration_bounds = array<i64: 2, 10>, scalar_prefetch = 0 : i64, scratch_operands = 3 : i64, tpu.core_type = #tpu.core_type<tc>, window_params = [{transform_indices = @transform_0, window_bounds = array<i64: 1000, 256>}, {transform_indices = @transform_1, window_bounds = array<i64: 1000, 1>}, {transform_indices = @transform_2, window_bounds = array<i64: 2, 1000, 8>}, {pipeline_mode = #tpu.pipeline_mode<synchronous>, transform_indices = @transform_3, window_bounds = array<i64: 1, 256>}, {pipeline_mode = #tpu.pipeline_mode<synchronous>, transform_indices = @transform_4, window_bounds = array<i64: 1, 256>}, {pipeline_mode = #tpu.pipeline_mode<synchronous>, transform_indices = @transform_5, window_bounds = array<i64: 1, 256>}, {pipeline_mode = #tpu.pipeline_mode<synchronous>, transform_indices = @transform_6, window_bounds = array<i64: 256, 128>}, {transform_indices = @transform_7, window_bounds = array<i64: 1000, 128>}]} {
    %eq3A = arith.constant 0 : i32
    %eq3A_0 = arith.cmpi eq, %arg0, %eq3A : i32
    %eq3A_1 = arith.constant 0 : i32
    %eq3A_2 = arith.cmpi eq, %arg1, %eq3A_1 : i32
    %and3A = arith.andi %eq3A_0, %eq3A_2 : i1
    %convert_element_type3A = arith.extui %and3A : i1 to i32
    %cond3A = arith.constant 0 : i32
    %cond3A_3 = arith.cmpi ne, %convert_element_type3A, %cond3A : i32
    scf.if %cond3A_3 {
      %broadcast_in_dim3A = arith.constant 0.000000e+00 : f32
      %broadcast_in_dim3A_20 = vector.broadcast %broadcast_in_dim3A : f32 to vector<16x256xf32>
      %swap3A = arith.constant 0 : index
      %swap3A_21 = arith.constant 0 : index
      %swap3A_22 = vector.load %arg10[%swap3A, %swap3A_21] : memref<16x256xf32, #tpu.memory_space<vmem>>, vector<16x256xf32>
      tpu.vector_store %arg10[%swap3A, %swap3A_21], %broadcast_in_dim3A_20 {strides = array<i32>} : memref<16x256xf32, #tpu.memory_space<vmem>>, vector<16x256xf32>,
      %broadcast_in_dim3A_23 = arith.constant 0.000000e+00 : f32
      %broadcast_in_dim3A_24 = vector.broadcast %broadcast_in_dim3A_23 : f32 to vector<16x256xf32>
      %swap3A_25 = arith.constant 0 : index
      %swap3A_26 = arith.constant 0 : index
      %swap3A_27 = vector.load %arg11[%swap3A_25, %swap3A_26] : memref<16x256xf32, #tpu.memory_space<vmem>>, vector<16x256xf32>
      tpu.vector_store %arg11[%swap3A_25, %swap3A_26], %broadcast_in_dim3A_24 {strides = array<i32>} : memref<16x256xf32, #tpu.memory_space<vmem>>, vector<16x256xf32>,
      %broadcast_in_dim3A_28 = arith.constant 0.000000e+00 : f32
      %broadcast_in_dim3A_29 = vector.broadcast %broadcast_in_dim3A_28 : f32 to vector<16x128xf32>
      %swap3A_30 = arith.constant 0 : index
      %swap3A_31 = arith.constant 0 : index
      %swap3A_32 = vector.load %arg12[%swap3A_30, %swap3A_31] : memref<16x128xf32, #tpu.memory_space<vmem>>, vector<16x128xf32>
      tpu.vector_store %arg12[%swap3A_30, %swap3A_31], %broadcast_in_dim3A_29 {strides = array<i32>} : memref<16x128xf32, #tpu.memory_space<vmem>>, vector<16x128xf32>,
    } else {
    }
    %get3A = arith.constant 0 : index
    %get3A_4 = arith.constant 0 : index
    %get3A_5 = vector.load %arg3[%get3A, %get3A_4] : memref<1000x1xi32, #tpu.memory_space<vmem>>, vector<1000x1xi32>
    %iota3A = tpu.iota {dimensions = array<i32: 1>} : vector<1000x16xi32>
    %eq3A_6 = vector.broadcast %get3A_5 : vector<1000x1xi32> to vector<1000x16xi32>
    %eq3A_7 = arith.cmpi eq, %eq3A_6, %iota3A : vector<1000x16xi32>
    %convert_element_type3A_8 = arith.extui %eq3A_7 : vector<1000x16xi1> to vector<1000x16xi32>
    %convert_element_type3A_9 = arith.sitofp %convert_element_type3A_8 : vector<1000x16xi32> to vector<1000x16xf32>
    %eq3A_10 = arith.constant 0 : i32
    %eq3A_11 = arith.cmpi eq, %arg0, %eq3A_10 : i32
    %convert_element_type3A_12 = arith.extui %eq3A_11 : i1 to i32
    %cond3A_13 = arith.constant 0 : i32
    %cond3A_14 = arith.cmpi ne, %convert_element_type3A_12, %cond3A_13 : i32
    scf.if %cond3A_14 {
      %get3A_20 = arith.constant 0 : index
      %get3A_21 = arith.constant 0 : index
      %get3A_22 = vector.load %arg2[%get3A_20, %get3A_21] : memref<1000x256xf32, #tpu.memory_space<vmem>>, vector<1000x256xf32>
      %get3A_23 = arith.constant 0 : index
      %get3A_24 = arith.constant 0 : index
      %get3A_25 = vector.load %arg10[%get3A_23, %get3A_24] : memref<16x256xf32, #tpu.memory_space<vmem>>, vector<16x256xf32>
      %dot_general3A = arith.constant dense<0.000000e+00> : vector<16x256xf32>
      %dot_general3A_26 = tpu.matmul %convert_element_type3A_9, %get3A_22, %dot_general3A {dimension_numbers = #tpu.dot_dimension_numbers<[0], [0], [1], [1], [0, 1, 1, 1], [], []>, precision = #tpu.contract_precision<fp32>, transpose_lhs_hint = false} : vector<1000x16xf32>, vector<1000x256xf32>, vector<16x256xf32> -> vector<16x256xf32>
      %add3A = arith.addf %get3A_25, %dot_general3A_26 : vector<16x256xf32>
      %swap3A = arith.constant 0 : index
      %swap3A_27 = arith.constant 0 : index
      %swap3A_28 = vector.load %arg10[%swap3A, %swap3A_27] : memref<16x256xf32, #tpu.memory_space<vmem>>, vector<16x256xf32>
      tpu.vector_store %arg10[%swap3A, %swap3A_27], %add3A {strides = array<i32>} : memref<16x256xf32, #tpu.memory_space<vmem>>, vector<16x256xf32>,
      %get3A_29 = arith.constant 0 : index
      %get3A_30 = arith.constant 0 : index
      %get3A_31 = vector.load %arg11[%get3A_29, %get3A_30] : memref<16x256xf32, #tpu.memory_space<vmem>>, vector<16x256xf32>
      %mul3A = arith.mulf %get3A_22, %get3A_22 : vector<1000x256xf32>
      %dot_general3A_32 = arith.constant dense<0.000000e+00> : vector<16x256xf32>
      %dot_general3A_33 = tpu.matmul %convert_element_type3A_9, %mul3A, %dot_general3A_32 {dimension_numbers = #tpu.dot_dimension_numbers<[0], [0], [1], [1], [0, 1, 1, 1], [], []>, precision = #tpu.contract_precision<fp32>, transpose_lhs_hint = false} : vector<1000x16xf32>, vector<1000x256xf32>, vector<16x256xf32> -> vector<16x256xf32>
      %add3A_34 = arith.addf %get3A_31, %dot_general3A_33 : vector<16x256xf32>
      %swap3A_35 = arith.constant 0 : index
      %swap3A_36 = arith.constant 0 : index
      %swap3A_37 = vector.load %arg11[%swap3A_35, %swap3A_36] : memref<16x256xf32, #tpu.memory_space<vmem>>, vector<16x256xf32>
      tpu.vector_store %arg11[%swap3A_35, %swap3A_36], %add3A_34 {strides = array<i32>} : memref<16x256xf32, #tpu.memory_space<vmem>>, vector<16x256xf32>,
      %get3A_38 = arith.constant 0 : index
      %get3A_39 = arith.constant 0 : index
      %get3A_40 = vector.load %arg12[%get3A_38, %get3A_39] : memref<16x128xf32, #tpu.memory_space<vmem>>, vector<16x128xf32>
      %reduce_sum3A = arith.constant dense<0.000000e+00> : vector<16xf32>
      %reduce_sum3A_41 = vector.multi_reduction <add>, %convert_element_type3A_9, %reduce_sum3A [0] : vector<1000x16xf32> to vector<16xf32>
      %broadcast_in_dim3A = vector.shape_cast %reduce_sum3A_41 : vector<16xf32> to vector<16x1xf32>
      %broadcast_in_dim3A_42 = vector.shape_cast %broadcast_in_dim3A : vector<16x1xf32> to vector<16x1xf32>
      %broadcast_in_dim3A_43 = vector.broadcast %broadcast_in_dim3A_42 : vector<16x1xf32> to vector<16x128xf32>
      %add3A_44 = arith.addf %get3A_40, %broadcast_in_dim3A_43 : vector<16x128xf32>
      %swap3A_45 = arith.constant 0 : index
      %swap3A_46 = arith.constant 0 : index
      %swap3A_47 = vector.load %arg12[%swap3A_45, %swap3A_46] : memref<16x128xf32, #tpu.memory_space<vmem>>, vector<16x128xf32>
      tpu.vector_store %arg12[%swap3A_45, %swap3A_46], %add3A_44 {strides = array<i32>} : memref<16x128xf32, #tpu.memory_space<vmem>>, vector<16x128xf32>,
    } else {
    }
    %eq3A_15 = arith.constant 1 : i32
    %eq3A_16 = arith.cmpi eq, %arg0, %eq3A_15 : i32
    %convert_element_type3A_17 = arith.extui %eq3A_16 : i1 to i32
    %cond3A_18 = arith.constant 0 : i32
    %cond3A_19 = arith.cmpi ne, %convert_element_type3A_17, %cond3A_18 : i32
    scf.if %cond3A_19 {
      %get3A_20 = arith.constant 0 : index
      %get3A_21 = arith.constant 0 : index
      %get3A_22 = vector.load %arg12[%get3A_20, %get3A_21] : memref<16x128xf32, #tpu.memory_space<vmem>>, vector<16x128xf32>
      %slice3A = vector.extract_strided_slice %get3A_22 {offsets = [0, 0], sizes = [16, 1], strides = [1, 1]} : vector<16x128xf32> to vector<16x1xf32>
      %max3A = arith.constant 1.000000e+00 : f32
      %max3A_23 = vector.broadcast %max3A : f32 to vector<16x1xf32>
      %max3A_24 = arith.maximumf %slice3A, %max3A_23 : vector<16x1xf32>
      %get3A_25 = arith.constant 0 : index
      %get3A_26 = arith.constant 0 : index
      %get3A_27 = vector.load %arg10[%get3A_25, %get3A_26] : memref<16x256xf32, #tpu.memory_space<vmem>>, vector<16x256xf32>
      %div3A = vector.broadcast %max3A_24 : vector<16x1xf32> to vector<16x256xf32>
      %div3A_28 = arith.divf %get3A_27, %div3A : vector<16x256xf32>
      %get3A_29 = arith.constant 0 : index
      %get3A_30 = arith.constant 0 : index
      %get3A_31 = vector.load %arg7[%get3A_29, %get3A_30] : memref<1x256xf32, #tpu.memory_space<vmem>>, vector<1x256xf32>
      %mul3A = vector.broadcast %get3A_31 : vector<1x256xf32> to vector<16x256xf32>
      %mul3A_32 = arith.mulf %mul3A, %div3A_28 : vector<16x256xf32>
      %get3A_33 = arith.constant 0 : index
      %get3A_34 = arith.constant 0 : index
      %get3A_35 = vector.load %arg11[%get3A_33, %get3A_34] : memref<16x256xf32, #tpu.memory_space<vmem>>, vector<16x256xf32>
      %mul3A_36 = arith.constant 2.000000e+00 : f32
      %mul3A_37 = vector.broadcast %mul3A_36 : f32 to vector<16x256xf32>
      %mul3A_38 = arith.mulf %mul3A_37, %mul3A_32 : vector<16x256xf32>
      %mul3A_39 = arith.mulf %mul3A_38, %get3A_27 : vector<16x256xf32>
      %sub3A = arith.subf %get3A_35, %mul3A_39 : vector<16x256xf32>
      %mul3A_40 = vector.broadcast %slice3A : vector<16x1xf32> to vector<16x256xf32>
      %mul3A_41 = arith.mulf %mul3A_40, %mul3A_32 : vector<16x256xf32>
      %mul3A_42 = arith.mulf %mul3A_41, %mul3A_32 : vector<16x256xf32>
      %add3A = arith.addf %sub3A, %mul3A_42 : vector<16x256xf32>
      %div3A_43 = vector.broadcast %max3A_24 : vector<16x1xf32> to vector<16x256xf32>
      %div3A_44 = arith.divf %add3A, %div3A_43 : vector<16x256xf32>
      %add3A_45 = arith.constant 9.99999974E-6 : f32
      %add3A_46 = vector.broadcast %add3A_45 : f32 to vector<16x256xf32>
      %add3A_47 = arith.addf %div3A_44, %add3A_46 : vector<16x256xf32>
      %sqrt3A = math.sqrt %add3A_47 : vector<16x256xf32>
      %get3A_48 = arith.constant 0 : index
      %get3A_49 = arith.constant 0 : index
      %get3A_50 = vector.load %arg5[%get3A_48, %get3A_49] : memref<1x256xf32, #tpu.memory_space<vmem>>, vector<1x256xf32>
      %div3A_51 = vector.broadcast %get3A_50 : vector<1x256xf32> to vector<16x256xf32>
      %div3A_52 = arith.divf %div3A_51, %sqrt3A : vector<16x256xf32>
      %get3A_53 = arith.constant 0 : index
      %get3A_54 = arith.constant 0 : index
      %get3A_55 = vector.load %arg6[%get3A_53, %get3A_54] : memref<1x256xf32, #tpu.memory_space<vmem>>, vector<1x256xf32>
      %get3A_56 = arith.constant 0 : index
      %get3A_57 = arith.constant 0 : index
      %get3A_58 = vector.load %arg5[%get3A_56, %get3A_57] : memref<1x256xf32, #tpu.memory_space<vmem>>, vector<1x256xf32>
      %mul3A_59 = vector.broadcast %get3A_58 : vector<1x256xf32> to vector<16x256xf32>
      %mul3A_60 = arith.mulf %mul3A_59, %mul3A_32 : vector<16x256xf32>
      %div3A_61 = arith.divf %mul3A_60, %sqrt3A : vector<16x256xf32>
      %sub3A_62 = vector.broadcast %get3A_55 : vector<1x256xf32> to vector<16x256xf32>
      %sub3A_63 = arith.subf %sub3A_62, %div3A_61 : vector<16x256xf32>
      %get3A_64 = arith.constant 0 : index
      %get3A_65 = arith.constant 0 : index
      %get3A_66 = vector.load %arg8[%get3A_64, %get3A_65] : memref<256x128xf32, #tpu.memory_space<vmem>>, vector<256x128xf32>
      %dot_general3A = arith.constant dense<0.000000e+00> : vector<16x128xf32>
      %dot_general3A_67 = tpu.matmul %sub3A_63, %get3A_66, %dot_general3A {dimension_numbers = #tpu.dot_dimension_numbers<[1], [0], [0], [1], [0, 0, 1, 1], [], []>, precision = #tpu.contract_precision<fp32>, transpose_lhs_hint = false} : vector<16x256xf32>, vector<256x128xf32>, vector<16x128xf32> -> vector<16x128xf32>
      %dot_general3A_68 = arith.constant dense<0.000000e+00> : vector<1000x256xf32>
      %dot_general3A_69 = tpu.matmul %convert_element_type3A_9, %div3A_52, %dot_general3A_68 {dimension_numbers = #tpu.dot_dimension_numbers<[1], [0], [0], [1], [0, 0, 1, 1], [], []>, precision = #tpu.contract_precision<fp32>, transpose_lhs_hint = false} : vector<1000x16xf32>, vector<16x256xf32>, vector<1000x256xf32> -> vector<1000x256xf32>
      %dot_general3A_70 = arith.constant dense<0.000000e+00> : vector<1000x128xf32>
      %dot_general3A_71 = tpu.matmul %convert_element_type3A_9, %dot_general3A_67, %dot_general3A_70 {dimension_numbers = #tpu.dot_dimension_numbers<[1], [0], [0], [1], [0, 0, 1, 1], [], []>, precision = #tpu.contract_precision<fp32>, transpose_lhs_hint = false} : vector<1000x16xf32>, vector<16x128xf32>, vector<1000x128xf32> -> vector<1000x128xf32>
      %get3A_72 = arith.constant 0 : index
      %get3A_73 = arith.constant 0 : index
      %get3A_74 = vector.load %arg2[%get3A_72, %get3A_73] : memref<1000x256xf32, #tpu.memory_space<vmem>>, vector<1000x256xf32>
      %mul3A_75 = arith.mulf %dot_general3A_69, %get3A_74 : vector<1000x256xf32>
      %get3A_76 = arith.constant 0 : index
      %get3A_77 = arith.constant 0 : index
      %get3A_78 = vector.load %arg8[%get3A_76, %get3A_77] : memref<256x128xf32, #tpu.memory_space<vmem>>, vector<256x128xf32>
      %dot_general3A_79 = arith.constant dense<0.000000e+00> : vector<1000x128xf32>
      %dot_general3A_80 = tpu.matmul %mul3A_75, %get3A_78, %dot_general3A_79 {dimension_numbers = #tpu.dot_dimension_numbers<[1], [0], [0], [1], [0, 0, 1, 1], [], []>, precision = #tpu.contract_precision<fp32>, transpose_lhs_hint = false} : vector<1000x256xf32>, vector<256x128xf32>, vector<1000x128xf32> -> vector<1000x128xf32>
      %add3A_81 = arith.addf %dot_general3A_80, %dot_general3A_71 : vector<1000x128xf32>
      %get3A_82 = arith.constant 0 : index
      %get3A_83 = arith.constant 0 : index
      %get3A_84 = arith.constant 0 : index
      %get3A_85 = vector.load %arg4[%get3A_82, %get3A_83, %get3A_84] : memref<2x1000x8xf32, #tpu.memory_space<vmem>>, vector<1x1000x8xf32>
      %get3A_86 = vector.shape_cast %get3A_85 : vector<1x1000x8xf32> to vector<1000x8xf32>
      %slice3A_87 = vector.extract_strided_slice %get3A_86 {offsets = [0, 0], sizes = [1000, 1], strides = [1, 1]} : vector<1000x8xf32> to vector<1000x1xf32>
      %add3A_88 = arith.constant 1.000000e+00 : f32
      %add3A_89 = vector.broadcast %add3A_88 : f32 to vector<1000x1xf32>
      %add3A_90 = arith.addf %add3A_89, %slice3A_87 : vector<1000x1xf32>
      %get3A_91 = arith.constant 1 : index
      %get3A_92 = arith.constant 0 : index
      %get3A_93 = arith.constant 0 : index
      %get3A_94 = vector.load %arg4[%get3A_91, %get3A_92, %get3A_93] : memref<2x1000x8xf32, #tpu.memory_space<vmem>>, vector<1x1000x8xf32>
      %get3A_95 = vector.shape_cast %get3A_94 : vector<1x1000x8xf32> to vector<1000x8xf32>
      %slice3A_96 = vector.extract_strided_slice %get3A_95 {offsets = [0, 0], sizes = [1000, 1], strides = [1, 1]} : vector<1000x8xf32> to vector<1000x1xf32>
      %add3A_97 = arith.addf %add3A_90, %slice3A_96 : vector<1000x1xf32>
      %rsqrt3A = math.rsqrt %add3A_97 : vector<1000x1xf32>
      %mul3A_98 = vector.broadcast %rsqrt3A : vector<1000x1xf32> to vector<1000x128xf32>
      %mul3A_99 = arith.mulf %add3A_81, %mul3A_98 : vector<1000x128xf32>
      %swap3A = arith.constant 0 : index
      %swap3A_100 = arith.constant 0 : index
      %swap3A_101 = vector.load %arg9[%swap3A, %swap3A_100] : memref<1000x128xf32, #tpu.memory_space<vmem>>, vector<1000x128xf32>
      tpu.vector_store %arg9[%swap3A, %swap3A_100], %mul3A_99 {strides = array<i32>} : memref<1000x128xf32, #tpu.memory_space<vmem>>, vector<1000x128xf32>,
    } else {
    }
    return
  }
  func.func @transform_0(%arg0: i32, %arg1: i32) -> (i32, i32) {
    %c0_i32 = arith.constant 0 : i32
    %c0_i32_0 = arith.constant 0 : i32
    return %arg1, %c0_i32 : i32, i32
  }
  func.func @transform_1(%arg0: i32, %arg1: i32) -> (i32, i32) {
    %c0_i32 = arith.constant 0 : i32
    %c0_i32_0 = arith.constant 0 : i32
    return %arg1, %c0_i32 : i32, i32
  }
  func.func @transform_2(%arg0: i32, %arg1: i32) -> (i32, i32, i32) {
    %c0_i32 = arith.constant 0 : i32
    %c0_i32_0 = arith.constant 0 : i32
    %c0_i32_1 = arith.constant 0 : i32
    return %c0_i32, %arg1, %c0_i32_0 : i32, i32, i32
  }
  func.func @transform_3(%arg0: i32, %arg1: i32) -> (i32, i32) {
    %c0_i32 = arith.constant 0 : i32
    %c0_i32_0 = arith.constant 0 : i32
    %c0_i32_1 = arith.constant 0 : i32
    return %c0_i32, %c0_i32_0 : i32, i32
  }
  func.func @transform_4(%arg0: i32, %arg1: i32) -> (i32, i32) {
    %c0_i32 = arith.constant 0 : i32
    %c0_i32_0 = arith.constant 0 : i32
    %c0_i32_1 = arith.constant 0 : i32
    return %c0_i32, %c0_i32_0 : i32, i32
  }
  func.func @transform_5(%arg0: i32, %arg1: i32) -> (i32, i32) {
    %c0_i32 = arith.constant 0 : i32
    %c0_i32_0 = arith.constant 0 : i32
    %c0_i32_1 = arith.constant 0 : i32
    return %c0_i32, %c0_i32_0 : i32, i32
  }
  func.func @transform_6(%arg0: i32, %arg1: i32) -> (i32, i32) {
    %c0_i32 = arith.constant 0 : i32
    %c0_i32_0 = arith.constant 0 : i32
    %c0_i32_1 = arith.constant 0 : i32
    return %c0_i32, %c0_i32_0 : i32, i32
  }
  func.func @transform_7(%arg0: i32, %arg1: i32) -> (i32, i32) {
    %mul3A = arith.muli %arg0, %arg1 : i32
    %c0_i32 = arith.constant 0 : i32
    %c0_i32_0 = arith.constant 0 : i32
    return %mul3A, %c0_i32 : i32, i32
  }
}

module attributes {stable_mosaic.version = 14 : i64} {
  func.func @body(%arg0: i32, %arg1: i32, %arg2: memref<2x1000x128xf32, #tpu.memory_space<vmem>>, %arg3: memref<1000x128xf32, #tpu.memory_space<vmem>>, %arg4: memref<2x1000x8xf32, #tpu.memory_space<vmem>>, %arg5: memref<1000x1xi32, #tpu.memory_space<vmem>>, %arg6: memref<1x128xf32, #tpu.memory_space<vmem>>, %arg7: memref<1x128xf32, #tpu.memory_space<vmem>>, %arg8: memref<1x128xf32, #tpu.memory_space<vmem>>, %arg9: memref<1x128xf32, #tpu.memory_space<vmem>>, %arg10: memref<128x128xf32, #tpu.memory_space<vmem>>, %arg11: memref<1000x128xf32, #tpu.memory_space<vmem>>, %arg12: memref<16x128xf32, #tpu.memory_space<vmem>>, %arg13: memref<10000x128xf32, #tpu.memory_space<vmem>>, %arg14: memref<16x128xf32, #tpu.memory_space<vmem>>, %arg15: memref<16x128xf32, #tpu.memory_space<vmem>>, %arg16: memref<16x128xf32, #tpu.memory_space<vmem>>) attributes {dimension_semantics = [#tpu.dimension_semantics<arbitrary>, #tpu.dimension_semantics<arbitrary>], iteration_bounds = array<i64: 2, 10>, scalar_prefetch = 0 : i64, scratch_operands = 4 : i64, tpu.core_type = #tpu.core_type<tc>, window_params = [{transform_indices = @transform_0, window_bounds = array<i64: 2, 1000, 128>}, {transform_indices = @transform_1, window_bounds = array<i64: 1000, 128>}, {transform_indices = @transform_2, window_bounds = array<i64: 2, 1000, 8>}, {transform_indices = @transform_3, window_bounds = array<i64: 1000, 1>}, {pipeline_mode = #tpu.pipeline_mode<synchronous>, transform_indices = @transform_4, window_bounds = array<i64: 1, 128>}, {pipeline_mode = #tpu.pipeline_mode<synchronous>, transform_indices = @transform_5, window_bounds = array<i64: 1, 128>}, {pipeline_mode = #tpu.pipeline_mode<synchronous>, transform_indices = @transform_6, window_bounds = array<i64: 1, 128>}, {pipeline_mode = #tpu.pipeline_mode<synchronous>, transform_indices = @transform_7, window_bounds = array<i64: 1, 128>}, {pipeline_mode = #tpu.pipeline_mode<synchronous>, transform_indices = @transform_8, window_bounds = array<i64: 128, 128>}, {transform_indices = @transform_9, window_bounds = array<i64: 1000, 128>}, {pipeline_mode = #tpu.pipeline_mode<synchronous>, transform_indices = @transform_10, window_bounds = array<i64: 16, 128>}]} {
    %eq3A = arith.constant 0 : i32
    %eq3A_0 = arith.cmpi eq, %arg0, %eq3A : i32
    %eq3A_1 = arith.constant 0 : i32
    %eq3A_2 = arith.cmpi eq, %arg1, %eq3A_1 : i32
    %and3A = arith.andi %eq3A_0, %eq3A_2 : i1
    %convert_element_type3A = arith.extui %and3A : i1 to i32
    %cond3A = arith.constant 0 : i32
    %cond3A_3 = arith.cmpi ne, %convert_element_type3A, %cond3A : i32
    scf.if %cond3A_3 {
      %broadcast_in_dim3A = arith.constant 0.000000e+00 : f32
      %broadcast_in_dim3A_20 = vector.broadcast %broadcast_in_dim3A : f32 to vector<16x128xf32>
      %swap3A = arith.constant 0 : index
      %swap3A_21 = arith.constant 0 : index
      %swap3A_22 = vector.load %arg14[%swap3A, %swap3A_21] : memref<16x128xf32, #tpu.memory_space<vmem>>, vector<16x128xf32>
      tpu.vector_store %arg14[%swap3A, %swap3A_21], %broadcast_in_dim3A_20 {strides = array<i32>} : memref<16x128xf32, #tpu.memory_space<vmem>>, vector<16x128xf32>,
      %broadcast_in_dim3A_23 = arith.constant 0.000000e+00 : f32
      %broadcast_in_dim3A_24 = vector.broadcast %broadcast_in_dim3A_23 : f32 to vector<16x128xf32>
      %swap3A_25 = arith.constant 0 : index
      %swap3A_26 = arith.constant 0 : index
      %swap3A_27 = vector.load %arg15[%swap3A_25, %swap3A_26] : memref<16x128xf32, #tpu.memory_space<vmem>>, vector<16x128xf32>
      tpu.vector_store %arg15[%swap3A_25, %swap3A_26], %broadcast_in_dim3A_24 {strides = array<i32>} : memref<16x128xf32, #tpu.memory_space<vmem>>, vector<16x128xf32>,
      %broadcast_in_dim3A_28 = arith.constant 0.000000e+00 : f32
      %broadcast_in_dim3A_29 = vector.broadcast %broadcast_in_dim3A_28 : f32 to vector<16x128xf32>
      %swap3A_30 = arith.constant 0 : index
      %swap3A_31 = arith.constant 0 : index
      %swap3A_32 = vector.load %arg16[%swap3A_30, %swap3A_31] : memref<16x128xf32, #tpu.memory_space<vmem>>, vector<16x128xf32>
      tpu.vector_store %arg16[%swap3A_30, %swap3A_31], %broadcast_in_dim3A_29 {strides = array<i32>} : memref<16x128xf32, #tpu.memory_space<vmem>>, vector<16x128xf32>,
    } else {
    }
    %get3A = arith.constant 0 : index
    %get3A_4 = arith.constant 0 : index
    %get3A_5 = vector.load %arg5[%get3A, %get3A_4] : memref<1000x1xi32, #tpu.memory_space<vmem>>, vector<1000x1xi32>
    %iota3A = tpu.iota {dimensions = array<i32: 1>} : vector<1000x16xi32>
    %eq3A_6 = vector.broadcast %get3A_5 : vector<1000x1xi32> to vector<1000x16xi32>
    %eq3A_7 = arith.cmpi eq, %eq3A_6, %iota3A : vector<1000x16xi32>
    %convert_element_type3A_8 = arith.extui %eq3A_7 : vector<1000x16xi1> to vector<1000x16xi32>
    %convert_element_type3A_9 = arith.sitofp %convert_element_type3A_8 : vector<1000x16xi32> to vector<1000x16xf32>
    %eq3A_10 = arith.constant 0 : i32
    %eq3A_11 = arith.cmpi eq, %arg0, %eq3A_10 : i32
    %convert_element_type3A_12 = arith.extui %eq3A_11 : i1 to i32
    %cond3A_13 = arith.constant 0 : i32
    %cond3A_14 = arith.cmpi ne, %convert_element_type3A_12, %cond3A_13 : i32
    scf.if %cond3A_14 {
      %get3A_20 = arith.constant 0 : index
      %get3A_21 = arith.constant 0 : index
      %get3A_22 = arith.constant 0 : index
      %get3A_23 = vector.load %arg4[%get3A_20, %get3A_21, %get3A_22] : memref<2x1000x8xf32, #tpu.memory_space<vmem>>, vector<1x1000x8xf32>
      %get3A_24 = vector.shape_cast %get3A_23 : vector<1x1000x8xf32> to vector<1000x8xf32>
      %slice3A = vector.extract_strided_slice %get3A_24 {offsets = [0, 0], sizes = [1000, 1], strides = [1, 1]} : vector<1000x8xf32> to vector<1000x1xf32>
      %add3A = arith.constant 1.000000e+00 : f32
      %add3A_25 = vector.broadcast %add3A : f32 to vector<1000x1xf32>
      %add3A_26 = arith.addf %add3A_25, %slice3A : vector<1000x1xf32>
      %get3A_27 = arith.constant 1 : index
      %get3A_28 = arith.constant 0 : index
      %get3A_29 = arith.constant 0 : index
      %get3A_30 = vector.load %arg4[%get3A_27, %get3A_28, %get3A_29] : memref<2x1000x8xf32, #tpu.memory_space<vmem>>, vector<1x1000x8xf32>
      %get3A_31 = vector.shape_cast %get3A_30 : vector<1x1000x8xf32> to vector<1000x8xf32>
      %slice3A_32 = vector.extract_strided_slice %get3A_31 {offsets = [0, 0], sizes = [1000, 1], strides = [1, 1]} : vector<1000x8xf32> to vector<1000x1xf32>
      %add3A_33 = arith.addf %add3A_26, %slice3A_32 : vector<1000x1xf32>
      %rsqrt3A = math.rsqrt %add3A_33 : vector<1000x1xf32>
      %get3A_34 = arith.constant 0 : index
      %get3A_35 = arith.constant 0 : index
      %get3A_36 = arith.constant 0 : index
      %get3A_37 = vector.load %arg2[%get3A_34, %get3A_35, %get3A_36] : memref<2x1000x128xf32, #tpu.memory_space<vmem>>, vector<1x1000x128xf32>
      %get3A_38 = vector.shape_cast %get3A_37 : vector<1x1000x128xf32> to vector<1000x128xf32>
      %get3A_39 = arith.constant 1 : index
      %get3A_40 = arith.constant 0 : index
      %get3A_41 = arith.constant 0 : index
      %get3A_42 = vector.load %arg2[%get3A_39, %get3A_40, %get3A_41] : memref<2x1000x128xf32, #tpu.memory_space<vmem>>, vector<1x1000x128xf32>
      %get3A_43 = vector.shape_cast %get3A_42 : vector<1x1000x128xf32> to vector<1000x128xf32>
      %add3A_44 = arith.addf %get3A_38, %get3A_43 : vector<1000x128xf32>
      %get3A_45 = arith.constant 0 : index
      %get3A_46 = arith.constant 0 : index
      %get3A_47 = vector.load %arg3[%get3A_45, %get3A_46] : memref<1000x128xf32, #tpu.memory_space<vmem>>, vector<1000x128xf32>
      %add3A_48 = arith.addf %add3A_44, %get3A_47 : vector<1000x128xf32>
      %mul3A = vector.broadcast %rsqrt3A : vector<1000x1xf32> to vector<1000x128xf32>
      %mul3A_49 = arith.mulf %mul3A, %add3A_48 : vector<1000x128xf32>
      %get3A_50 = arith.constant 0 : index
      %get3A_51 = arith.constant 0 : index
      %get3A_52 = vector.load %arg6[%get3A_50, %get3A_51] : memref<1x128xf32, #tpu.memory_space<vmem>>, vector<1x128xf32>
      %add3A_53 = vector.broadcast %get3A_52 : vector<1x128xf32> to vector<1000x128xf32>
      %add3A_54 = arith.addf %mul3A_49, %add3A_53 : vector<1000x128xf32>
      %ge3A = arith.constant 0.000000e+00 : f32
      %ge3A_55 = vector.broadcast %ge3A : f32 to vector<1000x128xf32>
      %ge3A_56 = arith.cmpf oge, %add3A_54, %ge3A_55 : vector<1000x128xf32>
      %mul3A_57 = arith.constant 0.00999999977 : f32
      %mul3A_58 = vector.broadcast %mul3A_57 : f32 to vector<1000x128xf32>
      %mul3A_59 = arith.mulf %mul3A_58, %add3A_54 : vector<1000x128xf32>
      %select_n3A = arith.select %ge3A_56, %add3A_54, %mul3A_59 : vector<1000x128xi1>, vector<1000x128xf32>
      %mul3A_60 = arith.constant 1000 : i32
      %mul3A_61 = arith.muli %arg1, %mul3A_60 : i32
      %swap3A = arith.index_cast %mul3A_61 : i32 to index
      %swap3A_62 = arith.constant 0 : index
      %swap3A_63 = vector.load %arg13[%swap3A, %swap3A_62] : memref<10000x128xf32, #tpu.memory_space<vmem>>, vector<1000x128xf32>
      tpu.vector_store %arg13[%swap3A, %swap3A_62], %select_n3A {strides = array<i32>} : memref<10000x128xf32, #tpu.memory_space<vmem>>, vector<1000x128xf32>,
      %get3A_64 = arith.constant 0 : index
      %get3A_65 = arith.constant 0 : index
      %get3A_66 = vector.load %arg14[%get3A_64, %get3A_65] : memref<16x128xf32, #tpu.memory_space<vmem>>, vector<16x128xf32>
      %dot_general3A = arith.constant dense<0.000000e+00> : vector<16x128xf32>
      %dot_general3A_67 = tpu.matmul %convert_element_type3A_9, %select_n3A, %dot_general3A {dimension_numbers = #tpu.dot_dimension_numbers<[0], [0], [1], [1], [0, 1, 1, 1], [], []>, precision = #tpu.contract_precision<fp32>, transpose_lhs_hint = false} : vector<1000x16xf32>, vector<1000x128xf32>, vector<16x128xf32> -> vector<16x128xf32>
      %add3A_68 = arith.addf %get3A_66, %dot_general3A_67 : vector<16x128xf32>
      %swap3A_69 = arith.constant 0 : index
      %swap3A_70 = arith.constant 0 : index
      %swap3A_71 = vector.load %arg14[%swap3A_69, %swap3A_70] : memref<16x128xf32, #tpu.memory_space<vmem>>, vector<16x128xf32>
      tpu.vector_store %arg14[%swap3A_69, %swap3A_70], %add3A_68 {strides = array<i32>} : memref<16x128xf32, #tpu.memory_space<vmem>>, vector<16x128xf32>,
      %get3A_72 = arith.constant 0 : index
      %get3A_73 = arith.constant 0 : index
      %get3A_74 = vector.load %arg15[%get3A_72, %get3A_73] : memref<16x128xf32, #tpu.memory_space<vmem>>, vector<16x128xf32>
      %mul3A_75 = arith.mulf %select_n3A, %select_n3A : vector<1000x128xf32>
      %dot_general3A_76 = arith.constant dense<0.000000e+00> : vector<16x128xf32>
      %dot_general3A_77 = tpu.matmul %convert_element_type3A_9, %mul3A_75, %dot_general3A_76 {dimension_numbers = #tpu.dot_dimension_numbers<[0], [0], [1], [1], [0, 1, 1, 1], [], []>, precision = #tpu.contract_precision<fp32>, transpose_lhs_hint = false} : vector<1000x16xf32>, vector<1000x128xf32>, vector<16x128xf32> -> vector<16x128xf32>
      %add3A_78 = arith.addf %get3A_74, %dot_general3A_77 : vector<16x128xf32>
      %swap3A_79 = arith.constant 0 : index
      %swap3A_80 = arith.constant 0 : index
      %swap3A_81 = vector.load %arg15[%swap3A_79, %swap3A_80] : memref<16x128xf32, #tpu.memory_space<vmem>>, vector<16x128xf32>
      tpu.vector_store %arg15[%swap3A_79, %swap3A_80], %add3A_78 {strides = array<i32>} : memref<16x128xf32, #tpu.memory_space<vmem>>, vector<16x128xf32>,
      %get3A_82 = arith.constant 0 : index
      %get3A_83 = arith.constant 0 : index
      %get3A_84 = vector.load %arg16[%get3A_82, %get3A_83] : memref<16x128xf32, #tpu.memory_space<vmem>>, vector<16x128xf32>
      %reduce_sum3A = arith.constant dense<0.000000e+00> : vector<16xf32>
      %reduce_sum3A_85 = vector.multi_reduction <add>, %convert_element_type3A_9, %reduce_sum3A [0] : vector<1000x16xf32> to vector<16xf32>
      %broadcast_in_dim3A = vector.shape_cast %reduce_sum3A_85 : vector<16xf32> to vector<16x1xf32>
      %broadcast_in_dim3A_86 = vector.shape_cast %broadcast_in_dim3A : vector<16x1xf32> to vector<16x1xf32>
      %broadcast_in_dim3A_87 = vector.broadcast %broadcast_in_dim3A_86 : vector<16x1xf32> to vector<16x128xf32>
      %add3A_88 = arith.addf %get3A_84, %broadcast_in_dim3A_87 : vector<16x128xf32>
      %swap3A_89 = arith.constant 0 : index
      %swap3A_90 = arith.constant 0 : index
      %swap3A_91 = vector.load %arg16[%swap3A_89, %swap3A_90] : memref<16x128xf32, #tpu.memory_space<vmem>>, vector<16x128xf32>
      tpu.vector_store %arg16[%swap3A_89, %swap3A_90], %add3A_88 {strides = array<i32>} : memref<16x128xf32, #tpu.memory_space<vmem>>, vector<16x128xf32>,
    } else {
    }
    %eq3A_15 = arith.constant 1 : i32
    %eq3A_16 = arith.cmpi eq, %arg0, %eq3A_15 : i32
    %convert_element_type3A_17 = arith.extui %eq3A_16 : i1 to i32
    %cond3A_18 = arith.constant 0 : i32
    %cond3A_19 = arith.cmpi ne, %convert_element_type3A_17, %cond3A_18 : i32
    scf.if %cond3A_19 {
      %get3A_20 = arith.constant 0 : index
      %get3A_21 = arith.constant 0 : index
      %get3A_22 = vector.load %arg16[%get3A_20, %get3A_21] : memref<16x128xf32, #tpu.memory_space<vmem>>, vector<16x128xf32>
      %slice3A = vector.extract_strided_slice %get3A_22 {offsets = [0, 0], sizes = [16, 1], strides = [1, 1]} : vector<16x128xf32> to vector<16x1xf32>
      %max3A = arith.constant 1.000000e+00 : f32
      %max3A_23 = vector.broadcast %max3A : f32 to vector<16x1xf32>
      %max3A_24 = arith.maximumf %slice3A, %max3A_23 : vector<16x1xf32>
      %get3A_25 = arith.constant 0 : index
      %get3A_26 = arith.constant 0 : index
      %get3A_27 = vector.load %arg14[%get3A_25, %get3A_26] : memref<16x128xf32, #tpu.memory_space<vmem>>, vector<16x128xf32>
      %div3A = vector.broadcast %max3A_24 : vector<16x1xf32> to vector<16x128xf32>
      %div3A_28 = arith.divf %get3A_27, %div3A : vector<16x128xf32>
      %get3A_29 = arith.constant 0 : index
      %get3A_30 = arith.constant 0 : index
      %get3A_31 = vector.load %arg9[%get3A_29, %get3A_30] : memref<1x128xf32, #tpu.memory_space<vmem>>, vector<1x128xf32>
      %mul3A = vector.broadcast %get3A_31 : vector<1x128xf32> to vector<16x128xf32>
      %mul3A_32 = arith.mulf %mul3A, %div3A_28 : vector<16x128xf32>
      %get3A_33 = arith.constant 0 : index
      %get3A_34 = arith.constant 0 : index
      %get3A_35 = vector.load %arg15[%get3A_33, %get3A_34] : memref<16x128xf32, #tpu.memory_space<vmem>>, vector<16x128xf32>
      %mul3A_36 = arith.constant 2.000000e+00 : f32
      %mul3A_37 = vector.broadcast %mul3A_36 : f32 to vector<16x128xf32>
      %mul3A_38 = arith.mulf %mul3A_37, %mul3A_32 : vector<16x128xf32>
      %mul3A_39 = arith.mulf %mul3A_38, %get3A_27 : vector<16x128xf32>
      %sub3A = arith.subf %get3A_35, %mul3A_39 : vector<16x128xf32>
      %mul3A_40 = vector.broadcast %slice3A : vector<16x1xf32> to vector<16x128xf32>
      %mul3A_41 = arith.mulf %mul3A_40, %mul3A_32 : vector<16x128xf32>
      %mul3A_42 = arith.mulf %mul3A_41, %mul3A_32 : vector<16x128xf32>
      %add3A = arith.addf %sub3A, %mul3A_42 : vector<16x128xf32>
      %div3A_43 = vector.broadcast %max3A_24 : vector<16x1xf32> to vector<16x128xf32>
      %div3A_44 = arith.divf %add3A, %div3A_43 : vector<16x128xf32>
      %add3A_45 = arith.constant 9.99999974E-6 : f32
      %add3A_46 = vector.broadcast %add3A_45 : f32 to vector<16x128xf32>
      %add3A_47 = arith.addf %div3A_44, %add3A_46 : vector<16x128xf32>
      %sqrt3A = math.sqrt %add3A_47 : vector<16x128xf32>
      %get3A_48 = arith.constant 0 : index
      %get3A_49 = arith.constant 0 : index
      %get3A_50 = vector.load %arg7[%get3A_48, %get3A_49] : memref<1x128xf32, #tpu.memory_space<vmem>>, vector<1x128xf32>
      %div3A_51 = vector.broadcast %get3A_50 : vector<1x128xf32> to vector<16x128xf32>
      %div3A_52 = arith.divf %div3A_51, %sqrt3A : vector<16x128xf32>
      %get3A_53 = arith.constant 0 : index
      %get3A_54 = arith.constant 0 : index
      %get3A_55 = vector.load %arg8[%get3A_53, %get3A_54] : memref<1x128xf32, #tpu.memory_space<vmem>>, vector<1x128xf32>
      %get3A_56 = arith.constant 0 : index
      %get3A_57 = arith.constant 0 : index
      %get3A_58 = vector.load %arg7[%get3A_56, %get3A_57] : memref<1x128xf32, #tpu.memory_space<vmem>>, vector<1x128xf32>
      %mul3A_59 = vector.broadcast %get3A_58 : vector<1x128xf32> to vector<16x128xf32>
      %mul3A_60 = arith.mulf %mul3A_59, %mul3A_32 : vector<16x128xf32>
      %div3A_61 = arith.divf %mul3A_60, %sqrt3A : vector<16x128xf32>
      %sub3A_62 = vector.broadcast %get3A_55 : vector<1x128xf32> to vector<16x128xf32>
      %sub3A_63 = arith.subf %sub3A_62, %div3A_61 : vector<16x128xf32>
      %get3A_64 = arith.constant 0 : index
      %get3A_65 = arith.constant 0 : index
      %get3A_66 = vector.load %arg10[%get3A_64, %get3A_65] : memref<128x128xf32, #tpu.memory_space<vmem>>, vector<128x128xf32>
      %dot_general3A = arith.constant dense<0.000000e+00> : vector<16x128xf32>
      %dot_general3A_67 = tpu.matmul %sub3A_63, %get3A_66, %dot_general3A {dimension_numbers = #tpu.dot_dimension_numbers<[1], [0], [0], [1], [0, 0, 1, 1], [], []>, precision = #tpu.contract_precision<fp32>, transpose_lhs_hint = false} : vector<16x128xf32>, vector<128x128xf32>, vector<16x128xf32> -> vector<16x128xf32>
      %dot_general3A_68 = arith.constant dense<0.000000e+00> : vector<1000x128xf32>
      %dot_general3A_69 = tpu.matmul %convert_element_type3A_9, %div3A_52, %dot_general3A_68 {dimension_numbers = #tpu.dot_dimension_numbers<[1], [0], [0], [1], [0, 0, 1, 1], [], []>, precision = #tpu.contract_precision<fp32>, transpose_lhs_hint = false} : vector<1000x16xf32>, vector<16x128xf32>, vector<1000x128xf32> -> vector<1000x128xf32>
      %dot_general3A_70 = arith.constant dense<0.000000e+00> : vector<1000x128xf32>
      %dot_general3A_71 = tpu.matmul %convert_element_type3A_9, %dot_general3A_67, %dot_general3A_70 {dimension_numbers = #tpu.dot_dimension_numbers<[1], [0], [0], [1], [0, 0, 1, 1], [], []>, precision = #tpu.contract_precision<fp32>, transpose_lhs_hint = false} : vector<1000x16xf32>, vector<16x128xf32>, vector<1000x128xf32> -> vector<1000x128xf32>
      %mul3A_72 = arith.constant 1000 : i32
      %mul3A_73 = arith.muli %arg1, %mul3A_72 : i32
      %get3A_74 = arith.index_cast %mul3A_73 : i32 to index
      %get3A_75 = arith.constant 0 : index
      %get3A_76 = vector.load %arg13[%get3A_74, %get3A_75] : memref<10000x128xf32, #tpu.memory_space<vmem>>, vector<1000x128xf32>
      %mul3A_77 = arith.mulf %dot_general3A_69, %get3A_76 : vector<1000x128xf32>
      %get3A_78 = arith.constant 0 : index
      %get3A_79 = arith.constant 0 : index
      %get3A_80 = vector.load %arg10[%get3A_78, %get3A_79] : memref<128x128xf32, #tpu.memory_space<vmem>>, vector<128x128xf32>
      %dot_general3A_81 = arith.constant dense<0.000000e+00> : vector<1000x128xf32>
      %dot_general3A_82 = tpu.matmul %mul3A_77, %get3A_80, %dot_general3A_81 {dimension_numbers = #tpu.dot_dimension_numbers<[1], [0], [0], [1], [0, 0, 1, 1], [], []>, precision = #tpu.contract_precision<fp32>, transpose_lhs_hint = false} : vector<1000x128xf32>, vector<128x128xf32>, vector<1000x128xf32> -> vector<1000x128xf32>
      %add3A_83 = arith.addf %dot_general3A_82, %dot_general3A_71 : vector<1000x128xf32>
      %get3A_84 = arith.constant 0 : index
      %get3A_85 = arith.constant 0 : index
      %get3A_86 = arith.constant 0 : index
      %get3A_87 = vector.load %arg4[%get3A_84, %get3A_85, %get3A_86] : memref<2x1000x8xf32, #tpu.memory_space<vmem>>, vector<1x1000x8xf32>
      %get3A_88 = vector.shape_cast %get3A_87 : vector<1x1000x8xf32> to vector<1000x8xf32>
      %slice3A_89 = vector.extract_strided_slice %get3A_88 {offsets = [0, 0], sizes = [1000, 1], strides = [1, 1]} : vector<1000x8xf32> to vector<1000x1xf32>
      %add3A_90 = arith.constant 1.000000e+00 : f32
      %add3A_91 = vector.broadcast %add3A_90 : f32 to vector<1000x1xf32>
      %add3A_92 = arith.addf %add3A_91, %slice3A_89 : vector<1000x1xf32>
      %get3A_93 = arith.constant 1 : index
      %get3A_94 = arith.constant 0 : index
      %get3A_95 = arith.constant 0 : index
      %get3A_96 = vector.load %arg4[%get3A_93, %get3A_94, %get3A_95] : memref<2x1000x8xf32, #tpu.memory_space<vmem>>, vector<1x1000x8xf32>
      %get3A_97 = vector.shape_cast %get3A_96 : vector<1x1000x8xf32> to vector<1000x8xf32>
      %slice3A_98 = vector.extract_strided_slice %get3A_97 {offsets = [0, 0], sizes = [1000, 1], strides = [1, 1]} : vector<1000x8xf32> to vector<1000x1xf32>
      %add3A_99 = arith.addf %add3A_92, %slice3A_98 : vector<1000x1xf32>
      %rsqrt3A = math.rsqrt %add3A_99 : vector<1000x1xf32>
      %mul3A_100 = vector.broadcast %rsqrt3A : vector<1000x1xf32> to vector<1000x128xf32>
      %mul3A_101 = arith.mulf %add3A_83, %mul3A_100 : vector<1000x128xf32>
      %swap3A = arith.constant 0 : index
      %swap3A_102 = arith.constant 0 : index
      %swap3A_103 = vector.load %arg11[%swap3A, %swap3A_102] : memref<1000x128xf32, #tpu.memory_space<vmem>>, vector<1000x128xf32>
      tpu.vector_store %arg11[%swap3A, %swap3A_102], %mul3A_101 {strides = array<i32>} : memref<1000x128xf32, #tpu.memory_space<vmem>>, vector<1000x128xf32>,
      %get3A_104 = arith.constant 0 : index
      %get3A_105 = arith.constant 0 : index
      %get3A_106 = vector.load %arg14[%get3A_104, %get3A_105] : memref<16x128xf32, #tpu.memory_space<vmem>>, vector<16x128xf32>
      %swap3A_107 = arith.constant 0 : index
      %swap3A_108 = arith.constant 0 : index
      %swap3A_109 = vector.load %arg12[%swap3A_107, %swap3A_108] : memref<16x128xf32, #tpu.memory_space<vmem>>, vector<16x128xf32>
      tpu.vector_store %arg12[%swap3A_107, %swap3A_108], %get3A_106 {strides = array<i32>} : memref<16x128xf32, #tpu.memory_space<vmem>>, vector<16x128xf32>,
    } else {
    }
    return
  }
  func.func @transform_0(%arg0: i32, %arg1: i32) -> (i32, i32, i32) {
    %c0_i32 = arith.constant 0 : i32
    %c0_i32_0 = arith.constant 0 : i32
    %c0_i32_1 = arith.constant 0 : i32
    return %c0_i32, %arg1, %c0_i32_0 : i32, i32, i32
  }
  func.func @transform_1(%arg0: i32, %arg1: i32) -> (i32, i32) {
    %c0_i32 = arith.constant 0 : i32
    %c0_i32_0 = arith.constant 0 : i32
    return %arg1, %c0_i32 : i32, i32
  }
  func.func @transform_2(%arg0: i32, %arg1: i32) -> (i32, i32, i32) {
    %c0_i32 = arith.constant 0 : i32
    %c0_i32_0 = arith.constant 0 : i32
    %c0_i32_1 = arith.constant 0 : i32
    return %c0_i32, %arg1, %c0_i32_0 : i32, i32, i32
  }
  func.func @transform_3(%arg0: i32, %arg1: i32) -> (i32, i32) {
    %c0_i32 = arith.constant 0 : i32
    %c0_i32_0 = arith.constant 0 : i32
    return %arg1, %c0_i32 : i32, i32
  }
  func.func @transform_4(%arg0: i32, %arg1: i32) -> (i32, i32) {
    %c0_i32 = arith.constant 0 : i32
    %c0_i32_0 = arith.constant 0 : i32
    %c0_i32_1 = arith.constant 0 : i32
    return %c0_i32, %c0_i32_0 : i32, i32
  }
  func.func @transform_5(%arg0: i32, %arg1: i32) -> (i32, i32) {
    %c0_i32 = arith.constant 0 : i32
    %c0_i32_0 = arith.constant 0 : i32
    %c0_i32_1 = arith.constant 0 : i32
    return %c0_i32, %c0_i32_0 : i32, i32
  }
  func.func @transform_6(%arg0: i32, %arg1: i32) -> (i32, i32) {
    %c0_i32 = arith.constant 0 : i32
    %c0_i32_0 = arith.constant 0 : i32
    %c0_i32_1 = arith.constant 0 : i32
    return %c0_i32, %c0_i32_0 : i32, i32
  }
  func.func @transform_7(%arg0: i32, %arg1: i32) -> (i32, i32) {
    %c0_i32 = arith.constant 0 : i32
    %c0_i32_0 = arith.constant 0 : i32
    %c0_i32_1 = arith.constant 0 : i32
    return %c0_i32, %c0_i32_0 : i32, i32
  }
  func.func @transform_8(%arg0: i32, %arg1: i32) -> (i32, i32) {
    %c0_i32 = arith.constant 0 : i32
    %c0_i32_0 = arith.constant 0 : i32
    %c0_i32_1 = arith.constant 0 : i32
    return %c0_i32, %c0_i32_0 : i32, i32
  }
  func.func @transform_9(%arg0: i32, %arg1: i32) -> (i32, i32) {
    %mul3A = arith.muli %arg0, %arg1 : i32
    %c0_i32 = arith.constant 0 : i32
    %c0_i32_0 = arith.constant 0 : i32
    return %mul3A, %c0_i32 : i32, i32
  }
  func.func @transform_10(%arg0: i32, %arg1: i32) -> (i32, i32) {
    %c0_i32 = arith.constant 0 : i32
    %c0_i32_0 = arith.constant 0 : i32
    %c0_i32_1 = arith.constant 0 : i32
    return %c0_i32, %c0_i32_0 : i32, i32
  }
}

module attributes {stable_mosaic.version = 14 : i64} {
  func.func @body(%arg0: i32, %arg1: memref<2x1000x128xf32, #tpu.memory_space<vmem>>, %arg2: memref<1000x128xf32, #tpu.memory_space<vmem>>, %arg3: memref<2x1000x8xf32, #tpu.memory_space<vmem>>, %arg4: memref<1000x1xi32, #tpu.memory_space<vmem>>, %arg5: memref<1x128xf32, #tpu.memory_space<vmem>>, %arg6: memref<16x128xf32, #tpu.memory_space<vmem>>, %arg7: memref<1x128xf32, #tpu.memory_space<vmem>>, %arg8: memref<1x128xf32, #tpu.memory_space<vmem>>, %arg9: memref<1x128xf32, #tpu.memory_space<vmem>>, %arg10: memref<1x128xf32, #tpu.memory_space<vmem>>, %arg11: memref<128x128xf32, #tpu.memory_space<vmem>>, %arg12: memref<128x128xf32, #tpu.memory_space<vmem>>, %arg13: memref<1x128xf32, #tpu.memory_space<vmem>>, %arg14: memref<1x128xf32, #tpu.memory_space<vmem>>, %arg15: memref<1x128xf32, #tpu.memory_space<vmem>>, %arg16: memref<128x1xf32, #tpu.memory_space<vmem>>, %arg17: memref<1x1xf32, #tpu.memory_space<vmem>>, %arg18: memref<16x1xf32, #tpu.memory_space<vmem>>, %arg19: memref<16x128xf32, #tpu.memory_space<vmem>>, %arg20: memref<16x128xf32, #tpu.memory_space<vmem>>) attributes {dimension_semantics = [#tpu.dimension_semantics<arbitrary>], iteration_bounds = array<i64: 10>, scalar_prefetch = 0 : i64, scratch_operands = 2 : i64, tpu.core_type = #tpu.core_type<tc>, window_params = [{transform_indices = @transform_0, window_bounds = array<i64: 2, 1000, 128>}, {transform_indices = @transform_1, window_bounds = array<i64: 1000, 128>}, {transform_indices = @transform_2, window_bounds = array<i64: 2, 1000, 8>}, {transform_indices = @transform_3, window_bounds = array<i64: 1000, 1>}, {pipeline_mode = #tpu.pipeline_mode<synchronous>, transform_indices = @transform_4, window_bounds = array<i64: 1, 128>}, {pipeline_mode = #tpu.pipeline_mode<synchronous>, transform_indices = @transform_5, window_bounds = array<i64: 16, 128>}, {pipeline_mode = #tpu.pipeline_mode<synchronous>, transform_indices = @transform_6, window_bounds = array<i64: 1, 128>}, {pipeline_mode = #tpu.pipeline_mode<synchronous>, transform_indices = @transform_7, window_bounds = array<i64: 1, 128>}, {pipeline_mode = #tpu.pipeline_mode<synchronous>, transform_indices = @transform_8, window_bounds = array<i64: 1, 128>}, {pipeline_mode = #tpu.pipeline_mode<synchronous>, transform_indices = @transform_9, window_bounds = array<i64: 1, 128>}, {pipeline_mode = #tpu.pipeline_mode<synchronous>, transform_indices = @transform_10, window_bounds = array<i64: 128, 128>}, {pipeline_mode = #tpu.pipeline_mode<synchronous>, transform_indices = @transform_11, window_bounds = array<i64: 128, 128>}, {pipeline_mode = #tpu.pipeline_mode<synchronous>, transform_indices = @transform_12, window_bounds = array<i64: 1, 128>}, {pipeline_mode = #tpu.pipeline_mode<synchronous>, transform_indices = @transform_13, window_bounds = array<i64: 1, 128>}, {pipeline_mode = #tpu.pipeline_mode<synchronous>, transform_indices = @transform_14, window_bounds = array<i64: 1, 128>}, {pipeline_mode = #tpu.pipeline_mode<synchronous>, transform_indices = @transform_15, window_bounds = array<i64: 128, 1>}, {pipeline_mode = #tpu.pipeline_mode<synchronous>, transform_indices = @transform_16, window_bounds = array<i64: 1, 1>}, {pipeline_mode = #tpu.pipeline_mode<synchronous>, transform_indices = @transform_17, window_bounds = array<i64: 16, 1>}]} {
    %eq3A = arith.constant 0 : i32
    %eq3A_0 = arith.cmpi eq, %arg0, %eq3A : i32
    %convert_element_type3A = arith.extui %eq3A_0 : i1 to i32
    %cond3A = arith.constant 0 : i32
    %cond3A_1 = arith.cmpi ne, %convert_element_type3A, %cond3A : i32
    scf.if %cond3A_1 {
      %broadcast_in_dim3A_70 = arith.constant 0.000000e+00 : f32
      %broadcast_in_dim3A_71 = vector.broadcast %broadcast_in_dim3A_70 : f32 to vector<16x128xf32>
      %swap3A_72 = arith.constant 0 : index
      %swap3A_73 = arith.constant 0 : index
      %swap3A_74 = vector.load %arg19[%swap3A_72, %swap3A_73] : memref<16x128xf32, #tpu.memory_space<vmem>>, vector<16x128xf32>
      tpu.vector_store %arg19[%swap3A_72, %swap3A_73], %broadcast_in_dim3A_71 {strides = array<i32>} : memref<16x128xf32, #tpu.memory_space<vmem>>, vector<16x128xf32>,
      %broadcast_in_dim3A_75 = arith.constant 0.000000e+00 : f32
      %broadcast_in_dim3A_76 = vector.broadcast %broadcast_in_dim3A_75 : f32 to vector<16x128xf32>
      %swap3A_77 = arith.constant 0 : index
      %swap3A_78 = arith.constant 0 : index
      %swap3A_79 = vector.load %arg20[%swap3A_77, %swap3A_78] : memref<16x128xf32, #tpu.memory_space<vmem>>, vector<16x128xf32>
      tpu.vector_store %arg20[%swap3A_77, %swap3A_78], %broadcast_in_dim3A_76 {strides = array<i32>} : memref<16x128xf32, #tpu.memory_space<vmem>>, vector<16x128xf32>,
    } else {
    }
    %get3A = arith.constant 0 : index
    %get3A_2 = arith.constant 0 : index
    %get3A_3 = arith.constant 0 : index
    %get3A_4 = vector.load %arg3[%get3A, %get3A_2, %get3A_3] : memref<2x1000x8xf32, #tpu.memory_space<vmem>>, vector<1x1000x8xf32>
    %get3A_5 = vector.shape_cast %get3A_4 : vector<1x1000x8xf32> to vector<1000x8xf32>
    %slice3A = vector.extract_strided_slice %get3A_5 {offsets = [0, 0], sizes = [1000, 1], strides = [1, 1]} : vector<1000x8xf32> to vector<1000x1xf32>
    %add3A = arith.constant 1.000000e+00 : f32
    %add3A_6 = vector.broadcast %add3A : f32 to vector<1000x1xf32>
    %add3A_7 = arith.addf %add3A_6, %slice3A : vector<1000x1xf32>
    %get3A_8 = arith.constant 1 : index
    %get3A_9 = arith.constant 0 : index
    %get3A_10 = arith.constant 0 : index
    %get3A_11 = vector.load %arg3[%get3A_8, %get3A_9, %get3A_10] : memref<2x1000x8xf32, #tpu.memory_space<vmem>>, vector<1x1000x8xf32>
    %get3A_12 = vector.shape_cast %get3A_11 : vector<1x1000x8xf32> to vector<1000x8xf32>
    %slice3A_13 = vector.extract_strided_slice %get3A_12 {offsets = [0, 0], sizes = [1000, 1], strides = [1, 1]} : vector<1000x8xf32> to vector<1000x1xf32>
    %add3A_14 = arith.addf %add3A_7, %slice3A_13 : vector<1000x1xf32>
    %rsqrt3A = math.rsqrt %add3A_14 : vector<1000x1xf32>
    %get3A_15 = arith.constant 0 : index
    %get3A_16 = arith.constant 0 : index
    %get3A_17 = arith.constant 0 : index
    %get3A_18 = vector.load %arg1[%get3A_15, %get3A_16, %get3A_17] : memref<2x1000x128xf32, #tpu.memory_space<vmem>>, vector<1x1000x128xf32>
    %get3A_19 = vector.shape_cast %get3A_18 : vector<1x1000x128xf32> to vector<1000x128xf32>
    %get3A_20 = arith.constant 1 : index
    %get3A_21 = arith.constant 0 : index
    %get3A_22 = arith.constant 0 : index
    %get3A_23 = vector.load %arg1[%get3A_20, %get3A_21, %get3A_22] : memref<2x1000x128xf32, #tpu.memory_space<vmem>>, vector<1x1000x128xf32>
    %get3A_24 = vector.shape_cast %get3A_23 : vector<1x1000x128xf32> to vector<1000x128xf32>
    %add3A_25 = arith.addf %get3A_19, %get3A_24 : vector<1000x128xf32>
    %get3A_26 = arith.constant 0 : index
    %get3A_27 = arith.constant 0 : index
    %get3A_28 = vector.load %arg2[%get3A_26, %get3A_27] : memref<1000x128xf32, #tpu.memory_space<vmem>>, vector<1000x128xf32>
    %add3A_29 = arith.addf %add3A_25, %get3A_28 : vector<1000x128xf32>
    %mul3A = vector.broadcast %rsqrt3A : vector<1000x1xf32> to vector<1000x128xf32>
    %mul3A_30 = arith.mulf %mul3A, %add3A_29 : vector<1000x128xf32>
    %get3A_31 = arith.constant 0 : index
    %get3A_32 = arith.constant 0 : index
    %get3A_33 = vector.load %arg5[%get3A_31, %get3A_32] : memref<1x128xf32, #tpu.memory_space<vmem>>, vector<1x128xf32>
    %add3A_34 = vector.broadcast %get3A_33 : vector<1x128xf32> to vector<1000x128xf32>
    %add3A_35 = arith.addf %mul3A_30, %add3A_34 : vector<1000x128xf32>
    %ge3A = arith.constant 0.000000e+00 : f32
    %ge3A_36 = vector.broadcast %ge3A : f32 to vector<1000x128xf32>
    %ge3A_37 = arith.cmpf oge, %add3A_35, %ge3A_36 : vector<1000x128xf32>
    %mul3A_38 = arith.constant 0.00999999977 : f32
    %mul3A_39 = vector.broadcast %mul3A_38 : f32 to vector<1000x128xf32>
    %mul3A_40 = arith.mulf %mul3A_39, %add3A_35 : vector<1000x128xf32>
    %select_n3A = arith.select %ge3A_37, %add3A_35, %mul3A_40 : vector<1000x128xi1>, vector<1000x128xf32>
    %get3A_41 = arith.constant 0 : index
    %get3A_42 = arith.constant 0 : index
    %get3A_43 = vector.load %arg4[%get3A_41, %get3A_42] : memref<1000x1xi32, #tpu.memory_space<vmem>>, vector<1000x1xi32>
    %iota3A = tpu.iota {dimensions = array<i32: 1>} : vector<1000x16xi32>
    %eq3A_44 = vector.broadcast %get3A_43 : vector<1000x1xi32> to vector<1000x16xi32>
    %eq3A_45 = arith.cmpi eq, %eq3A_44, %iota3A : vector<1000x16xi32>
    %convert_element_type3A_46 = arith.extui %eq3A_45 : vector<1000x16xi1> to vector<1000x16xi32>
    %convert_element_type3A_47 = arith.sitofp %convert_element_type3A_46 : vector<1000x16xi32> to vector<1000x16xf32>
    %get3A_48 = arith.constant 0 : index
    %get3A_49 = arith.constant 0 : index
    %get3A_50 = vector.load %arg19[%get3A_48, %get3A_49] : memref<16x128xf32, #tpu.memory_space<vmem>>, vector<16x128xf32>
    %dot_general3A = arith.constant dense<0.000000e+00> : vector<16x128xf32>
    %dot_general3A_51 = tpu.matmul %convert_element_type3A_47, %select_n3A, %dot_general3A {dimension_numbers = #tpu.dot_dimension_numbers<[0], [0], [1], [1], [0, 1, 1, 1], [], []>, precision = #tpu.contract_precision<fp32>, transpose_lhs_hint = false} : vector<1000x16xf32>, vector<1000x128xf32>, vector<16x128xf32> -> vector<16x128xf32>
    %add3A_52 = arith.addf %get3A_50, %dot_general3A_51 : vector<16x128xf32>
    %swap3A = arith.constant 0 : index
    %swap3A_53 = arith.constant 0 : index
    %swap3A_54 = vector.load %arg19[%swap3A, %swap3A_53] : memref<16x128xf32, #tpu.memory_space<vmem>>, vector<16x128xf32>
    tpu.vector_store %arg19[%swap3A, %swap3A_53], %add3A_52 {strides = array<i32>} : memref<16x128xf32, #tpu.memory_space<vmem>>, vector<16x128xf32>,
    %get3A_55 = arith.constant 0 : index
    %get3A_56 = arith.constant 0 : index
    %get3A_57 = vector.load %arg20[%get3A_55, %get3A_56] : memref<16x128xf32, #tpu.memory_space<vmem>>, vector<16x128xf32>
    %reduce_sum3A = arith.constant dense<0.000000e+00> : vector<16xf32>
    %reduce_sum3A_58 = vector.multi_reduction <add>, %convert_element_type3A_47, %reduce_sum3A [0] : vector<1000x16xf32> to vector<16xf32>
    %broadcast_in_dim3A = vector.shape_cast %reduce_sum3A_58 : vector<16xf32> to vector<16x1xf32>
    %broadcast_in_dim3A_59 = vector.shape_cast %broadcast_in_dim3A : vector<16x1xf32> to vector<16x1xf32>
    %broadcast_in_dim3A_60 = vector.broadcast %broadcast_in_dim3A_59 : vector<16x1xf32> to vector<16x128xf32>
    %add3A_61 = arith.addf %get3A_57, %broadcast_in_dim3A_60 : vector<16x128xf32>
    %swap3A_62 = arith.constant 0 : index
    %swap3A_63 = arith.constant 0 : index
    %swap3A_64 = vector.load %arg20[%swap3A_62, %swap3A_63] : memref<16x128xf32, #tpu.memory_space<vmem>>, vector<16x128xf32>
    tpu.vector_store %arg20[%swap3A_62, %swap3A_63], %add3A_61 {strides = array<i32>} : memref<16x128xf32, #tpu.memory_space<vmem>>, vector<16x128xf32>,
    %eq3A_65 = arith.constant 9 : i32
    %eq3A_66 = arith.cmpi eq, %arg0, %eq3A_65 : i32
    %convert_element_type3A_67 = arith.extui %eq3A_66 : i1 to i32
    %cond3A_68 = arith.constant 0 : i32
    %cond3A_69 = arith.cmpi ne, %convert_element_type3A_67, %cond3A_68 : i32
    scf.if %cond3A_69 {
      %get3A_70 = arith.constant 0 : index
      %get3A_71 = arith.constant 0 : index
      %get3A_72 = vector.load %arg20[%get3A_70, %get3A_71] : memref<16x128xf32, #tpu.memory_space<vmem>>, vector<16x128xf32>
      %slice3A_73 = vector.extract_strided_slice %get3A_72 {offsets = [0, 0], sizes = [16, 1], strides = [1, 1]} : vector<16x128xf32> to vector<16x1xf32>
      %max3A = arith.constant 1.000000e+00 : f32
      %max3A_74 = vector.broadcast %max3A : f32 to vector<16x1xf32>
      %max3A_75 = arith.maximumf %slice3A_73, %max3A_74 : vector<16x1xf32>
      %get3A_76 = arith.constant 0 : index
      %get3A_77 = arith.constant 0 : index
      %get3A_78 = vector.load %arg6[%get3A_76, %get3A_77] : memref<16x128xf32, #tpu.memory_space<vmem>>, vector<16x128xf32>
      %div3A = vector.broadcast %max3A_75 : vector<16x1xf32> to vector<16x128xf32>
      %div3A_79 = arith.divf %get3A_78, %div3A : vector<16x128xf32>
      %get3A_80 = arith.constant 0 : index
      %get3A_81 = arith.constant 0 : index
      %get3A_82 = vector.load %arg19[%get3A_80, %get3A_81] : memref<16x128xf32, #tpu.memory_space<vmem>>, vector<16x128xf32>
      %div3A_83 = vector.broadcast %max3A_75 : vector<16x1xf32> to vector<16x128xf32>
      %div3A_84 = arith.divf %get3A_82, %div3A_83 : vector<16x128xf32>
      %get3A_85 = arith.constant 0 : index
      %get3A_86 = arith.constant 0 : index
      %get3A_87 = vector.load %arg7[%get3A_85, %get3A_86] : memref<1x128xf32, #tpu.memory_space<vmem>>, vector<1x128xf32>
      %get3A_88 = arith.constant 0 : index
      %get3A_89 = arith.constant 0 : index
      %get3A_90 = vector.load %arg8[%get3A_88, %get3A_89] : memref<1x128xf32, #tpu.memory_space<vmem>>, vector<1x128xf32>
      %reduce_sum3A_91 = arith.constant dense<0.000000e+00> : vector<128xf32>
      %reduce_sum3A_92 = vector.multi_reduction <add>, %div3A_79, %reduce_sum3A_91 [0] : vector<16x128xf32> to vector<128xf32>
      %broadcast_in_dim3A_93 = vector.shape_cast %reduce_sum3A_92 : vector<128xf32> to vector<1x128xf32>
      %div3A_94 = arith.constant 1.600000e+01 : f32
      %div3A_95 = vector.broadcast %div3A_94 : f32 to vector<1x128xf32>
      %div3A_96 = arith.divf %broadcast_in_dim3A_93, %div3A_95 : vector<1x128xf32>
      %sub3A = vector.broadcast %div3A_96 : vector<1x128xf32> to vector<16x128xf32>
      %sub3A_97 = arith.subf %div3A_79, %sub3A : vector<16x128xf32>
      %sub3A_98 = vector.broadcast %div3A_96 : vector<1x128xf32> to vector<16x128xf32>
      %sub3A_99 = arith.subf %div3A_79, %sub3A_98 : vector<16x128xf32>
      %mul3A_100 = arith.mulf %sub3A_97, %sub3A_99 : vector<16x128xf32>
      %reduce_sum3A_101 = arith.constant dense<0.000000e+00> : vector<128xf32>
      %reduce_sum3A_102 = vector.multi_reduction <add>, %mul3A_100, %reduce_sum3A_101 [0] : vector<16x128xf32> to vector<128xf32>
      %broadcast_in_dim3A_103 = vector.shape_cast %reduce_sum3A_102 : vector<128xf32> to vector<1x128xf32>
      %div3A_104 = arith.constant 1.600000e+01 : f32
      %div3A_105 = vector.broadcast %div3A_104 : f32 to vector<1x128xf32>
      %div3A_106 = arith.divf %broadcast_in_dim3A_103, %div3A_105 : vector<1x128xf32>
      %sub3A_107 = vector.broadcast %div3A_96 : vector<1x128xf32> to vector<16x128xf32>
      %sub3A_108 = arith.subf %div3A_79, %sub3A_107 : vector<16x128xf32>
      %add3A_109 = arith.constant 9.99999974E-6 : f32
      %add3A_110 = vector.broadcast %add3A_109 : f32 to vector<1x128xf32>
      %add3A_111 = arith.addf %div3A_106, %add3A_110 : vector<1x128xf32>
      %sqrt3A = math.sqrt %add3A_111 : vector<1x128xf32>
      %div3A_112 = vector.broadcast %sqrt3A : vector<1x128xf32> to vector<16x128xf32>
      %div3A_113 = arith.divf %sub3A_108, %div3A_112 : vector<16x128xf32>
      %mul3A_114 = vector.broadcast %get3A_87 : vector<1x128xf32> to vector<16x128xf32>
      %mul3A_115 = arith.mulf %div3A_113, %mul3A_114 : vector<16x128xf32>
      %add3A_116 = vector.broadcast %get3A_90 : vector<1x128xf32> to vector<16x128xf32>
      %add3A_117 = arith.addf %mul3A_115, %add3A_116 : vector<16x128xf32>
      %get3A_118 = arith.constant 0 : index
      %get3A_119 = arith.constant 0 : index
      %get3A_120 = vector.load %arg11[%get3A_118, %get3A_119] : memref<128x128xf32, #tpu.memory_space<vmem>>, vector<128x128xf32>
      %dot_general3A_121 = arith.constant dense<0.000000e+00> : vector<16x128xf32>
      %dot_general3A_122 = tpu.matmul %add3A_117, %get3A_120, %dot_general3A_121 {dimension_numbers = #tpu.dot_dimension_numbers<[1], [0], [0], [1], [0, 0, 1, 1], [], []>, precision = #tpu.contract_precision<fp32>, transpose_lhs_hint = false} : vector<16x128xf32>, vector<128x128xf32>, vector<16x128xf32> -> vector<16x128xf32>
      %get3A_123 = arith.constant 0 : index
      %get3A_124 = arith.constant 0 : index
      %get3A_125 = vector.load %arg9[%get3A_123, %get3A_124] : memref<1x128xf32, #tpu.memory_space<vmem>>, vector<1x128xf32>
      %get3A_126 = arith.constant 0 : index
      %get3A_127 = arith.constant 0 : index
      %get3A_128 = vector.load %arg10[%get3A_126, %get3A_127] : memref<1x128xf32, #tpu.memory_space<vmem>>, vector<1x128xf32>
      %reduce_sum3A_129 = arith.constant dense<0.000000e+00> : vector<128xf32>
      %reduce_sum3A_130 = vector.multi_reduction <add>, %div3A_84, %reduce_sum3A_129 [0] : vector<16x128xf32> to vector<128xf32>
      %broadcast_in_dim3A_131 = vector.shape_cast %reduce_sum3A_130 : vector<128xf32> to vector<1x128xf32>
      %div3A_132 = arith.constant 1.600000e+01 : f32
      %div3A_133 = vector.broadcast %div3A_132 : f32 to vector<1x128xf32>
      %div3A_134 = arith.divf %broadcast_in_dim3A_131, %div3A_133 : vector<1x128xf32>
      %sub3A_135 = vector.broadcast %div3A_134 : vector<1x128xf32> to vector<16x128xf32>
      %sub3A_136 = arith.subf %div3A_84, %sub3A_135 : vector<16x128xf32>
      %sub3A_137 = vector.broadcast %div3A_134 : vector<1x128xf32> to vector<16x128xf32>
      %sub3A_138 = arith.subf %div3A_84, %sub3A_137 : vector<16x128xf32>
      %mul3A_139 = arith.mulf %sub3A_136, %sub3A_138 : vector<16x128xf32>
      %reduce_sum3A_140 = arith.constant dense<0.000000e+00> : vector<128xf32>
      %reduce_sum3A_141 = vector.multi_reduction <add>, %mul3A_139, %reduce_sum3A_140 [0] : vector<16x128xf32> to vector<128xf32>
      %broadcast_in_dim3A_142 = vector.shape_cast %reduce_sum3A_141 : vector<128xf32> to vector<1x128xf32>
      %div3A_143 = arith.constant 1.600000e+01 : f32
      %div3A_144 = vector.broadcast %div3A_143 : f32 to vector<1x128xf32>
      %div3A_145 = arith.divf %broadcast_in_dim3A_142, %div3A_144 : vector<1x128xf32>
      %sub3A_146 = vector.broadcast %div3A_134 : vector<1x128xf32> to vector<16x128xf32>
      %sub3A_147 = arith.subf %div3A_84, %sub3A_146 : vector<16x128xf32>
      %add3A_148 = arith.constant 9.99999974E-6 : f32
      %add3A_149 = vector.broadcast %add3A_148 : f32 to vector<1x128xf32>
      %add3A_150 = arith.addf %div3A_145, %add3A_149 : vector<1x128xf32>
      %sqrt3A_151 = math.sqrt %add3A_150 : vector<1x128xf32>
      %div3A_152 = vector.broadcast %sqrt3A_151 : vector<1x128xf32> to vector<16x128xf32>
      %div3A_153 = arith.divf %sub3A_147, %div3A_152 : vector<16x128xf32>
      %mul3A_154 = vector.broadcast %get3A_125 : vector<1x128xf32> to vector<16x128xf32>
      %mul3A_155 = arith.mulf %div3A_153, %mul3A_154 : vector<16x128xf32>
      %add3A_156 = vector.broadcast %get3A_128 : vector<1x128xf32> to vector<16x128xf32>
      %add3A_157 = arith.addf %mul3A_155, %add3A_156 : vector<16x128xf32>
      %get3A_158 = arith.constant 0 : index
      %get3A_159 = arith.constant 0 : index
      %get3A_160 = vector.load %arg12[%get3A_158, %get3A_159] : memref<128x128xf32, #tpu.memory_space<vmem>>, vector<128x128xf32>
      %dot_general3A_161 = arith.constant dense<0.000000e+00> : vector<16x128xf32>
      %dot_general3A_162 = tpu.matmul %add3A_157, %get3A_160, %dot_general3A_161 {dimension_numbers = #tpu.dot_dimension_numbers<[1], [0], [0], [1], [0, 0, 1, 1], [], []>, precision = #tpu.contract_precision<fp32>, transpose_lhs_hint = false} : vector<16x128xf32>, vector<128x128xf32>, vector<16x128xf32> -> vector<16x128xf32>
      %add3A_163 = arith.addf %dot_general3A_122, %dot_general3A_162 : vector<16x128xf32>
      %get3A_164 = arith.constant 0 : index
      %get3A_165 = arith.constant 0 : index
      %get3A_166 = vector.load %arg13[%get3A_164, %get3A_165] : memref<1x128xf32, #tpu.memory_space<vmem>>, vector<1x128xf32>
      %add3A_167 = vector.broadcast %get3A_166 : vector<1x128xf32> to vector<16x128xf32>
      %add3A_168 = arith.addf %add3A_163, %add3A_167 : vector<16x128xf32>
      %ge3A_169 = arith.constant 0.000000e+00 : f32
      %ge3A_170 = vector.broadcast %ge3A_169 : f32 to vector<16x128xf32>
      %ge3A_171 = arith.cmpf oge, %add3A_168, %ge3A_170 : vector<16x128xf32>
      %mul3A_172 = arith.constant 0.00999999977 : f32
      %mul3A_173 = vector.broadcast %mul3A_172 : f32 to vector<16x128xf32>
      %mul3A_174 = arith.mulf %mul3A_173, %add3A_168 : vector<16x128xf32>
      %select_n3A_175 = arith.select %ge3A_171, %add3A_168, %mul3A_174 : vector<16x128xi1>, vector<16x128xf32>
      %get3A_176 = arith.constant 0 : index
      %get3A_177 = arith.constant 0 : index
      %get3A_178 = vector.load %arg14[%get3A_176, %get3A_177] : memref<1x128xf32, #tpu.memory_space<vmem>>, vector<1x128xf32>
      %get3A_179 = arith.constant 0 : index
      %get3A_180 = arith.constant 0 : index
      %get3A_181 = vector.load %arg15[%get3A_179, %get3A_180] : memref<1x128xf32, #tpu.memory_space<vmem>>, vector<1x128xf32>
      %reduce_sum3A_182 = arith.constant dense<0.000000e+00> : vector<128xf32>
      %reduce_sum3A_183 = vector.multi_reduction <add>, %select_n3A_175, %reduce_sum3A_182 [0] : vector<16x128xf32> to vector<128xf32>
      %broadcast_in_dim3A_184 = vector.shape_cast %reduce_sum3A_183 : vector<128xf32> to vector<1x128xf32>
      %div3A_185 = arith.constant 1.600000e+01 : f32
      %div3A_186 = vector.broadcast %div3A_185 : f32 to vector<1x128xf32>
      %div3A_187 = arith.divf %broadcast_in_dim3A_184, %div3A_186 : vector<1x128xf32>
      %sub3A_188 = vector.broadcast %div3A_187 : vector<1x128xf32> to vector<16x128xf32>
      %sub3A_189 = arith.subf %select_n3A_175, %sub3A_188 : vector<16x128xf32>
      %sub3A_190 = vector.broadcast %div3A_187 : vector<1x128xf32> to vector<16x128xf32>
      %sub3A_191 = arith.subf %select_n3A_175, %sub3A_190 : vector<16x128xf32>
      %mul3A_192 = arith.mulf %sub3A_189, %sub3A_191 : vector<16x128xf32>
      %reduce_sum3A_193 = arith.constant dense<0.000000e+00> : vector<128xf32>
      %reduce_sum3A_194 = vector.multi_reduction <add>, %mul3A_192, %reduce_sum3A_193 [0] : vector<16x128xf32> to vector<128xf32>
      %broadcast_in_dim3A_195 = vector.shape_cast %reduce_sum3A_194 : vector<128xf32> to vector<1x128xf32>
      %div3A_196 = arith.constant 1.600000e+01 : f32
      %div3A_197 = vector.broadcast %div3A_196 : f32 to vector<1x128xf32>
      %div3A_198 = arith.divf %broadcast_in_dim3A_195, %div3A_197 : vector<1x128xf32>
      %sub3A_199 = vector.broadcast %div3A_187 : vector<1x128xf32> to vector<16x128xf32>
      %sub3A_200 = arith.subf %select_n3A_175, %sub3A_199 : vector<16x128xf32>
      %add3A_201 = arith.constant 9.99999974E-6 : f32
      %add3A_202 = vector.broadcast %add3A_201 : f32 to vector<1x128xf32>
      %add3A_203 = arith.addf %div3A_198, %add3A_202 : vector<1x128xf32>
      %sqrt3A_204 = math.sqrt %add3A_203 : vector<1x128xf32>
      %div3A_205 = vector.broadcast %sqrt3A_204 : vector<1x128xf32> to vector<16x128xf32>
      %div3A_206 = arith.divf %sub3A_200, %div3A_205 : vector<16x128xf32>
      %mul3A_207 = vector.broadcast %get3A_178 : vector<1x128xf32> to vector<16x128xf32>
      %mul3A_208 = arith.mulf %div3A_206, %mul3A_207 : vector<16x128xf32>
      %add3A_209 = vector.broadcast %get3A_181 : vector<1x128xf32> to vector<16x128xf32>
      %add3A_210 = arith.addf %mul3A_208, %add3A_209 : vector<16x128xf32>
      %get3A_211 = arith.constant 0 : index
      %get3A_212 = arith.constant 0 : index
      %get3A_213 = vector.load %arg16[%get3A_211, %get3A_212] : memref<128x1xf32, #tpu.memory_space<vmem>>, vector<128x1xf32>
      %dot_general3A_214 = arith.constant dense<0.000000e+00> : vector<16x1xf32>
      %dot_general3A_215 = tpu.matmul %add3A_210, %get3A_213, %dot_general3A_214 {dimension_numbers = #tpu.dot_dimension_numbers<[1], [0], [0], [1], [0, 0, 1, 1], [], []>, precision = #tpu.contract_precision<fp32>, transpose_lhs_hint = false} : vector<16x128xf32>, vector<128x1xf32>, vector<16x1xf32> -> vector<16x1xf32>
      %get3A_216 = arith.constant 0 : index
      %get3A_217 = arith.constant 0 : index
      %get3A_218 = vector.load %arg17[%get3A_216, %get3A_217] : memref<1x1xf32, #tpu.memory_space<vmem>>, vector<1x1xf32>
      %add3A_219 = vector.broadcast %get3A_218 : vector<1x1xf32> to vector<16x1xf32>
      %add3A_220 = arith.addf %dot_general3A_215, %add3A_219 : vector<16x1xf32>
      %swap3A_221 = arith.constant 0 : index
      %swap3A_222 = arith.constant 0 : index
      %swap3A_223 = vector.load %arg18[%swap3A_221, %swap3A_222] : memref<16x1xf32, #tpu.memory_space<vmem>>, vector<16x1xf32>
      tpu.vector_store %arg18[%swap3A_221, %swap3A_222], %add3A_220 {strides = array<i32>} : memref<16x1xf32, #tpu.memory_space<vmem>>, vector<16x1xf32>,
    } else {
    }
    return
  }
  func.func @transform_0(%arg0: i32) -> (i32, i32, i32) {
    %c0_i32 = arith.constant 0 : i32
    %c0_i32_0 = arith.constant 0 : i32
    %c0_i32_1 = arith.constant 0 : i32
    return %c0_i32, %arg0, %c0_i32_0 : i32, i32, i32
  }
  func.func @transform_1(%arg0: i32) -> (i32, i32) {
    %c0_i32 = arith.constant 0 : i32
    %c0_i32_0 = arith.constant 0 : i32
    return %arg0, %c0_i32 : i32, i32
  }
  func.func @transform_2(%arg0: i32) -> (i32, i32, i32) {
    %c0_i32 = arith.constant 0 : i32
    %c0_i32_0 = arith.constant 0 : i32
    %c0_i32_1 = arith.constant 0 : i32
    return %c0_i32, %arg0, %c0_i32_0 : i32, i32, i32
  }
  func.func @transform_3(%arg0: i32) -> (i32, i32) {
    %c0_i32 = arith.constant 0 : i32
    %c0_i32_0 = arith.constant 0 : i32
    return %arg0, %c0_i32 : i32, i32
  }
  func.func @transform_4(%arg0: i32) -> (i32, i32) {
    %c0_i32 = arith.constant 0 : i32
    %c0_i32_0 = arith.constant 0 : i32
    %c0_i32_1 = arith.constant 0 : i32
    return %c0_i32, %c0_i32_0 : i32, i32
  }
  func.func @transform_5(%arg0: i32) -> (i32, i32) {
    %c0_i32 = arith.constant 0 : i32
    %c0_i32_0 = arith.constant 0 : i32
    %c0_i32_1 = arith.constant 0 : i32
    return %c0_i32, %c0_i32_0 : i32, i32
  }
  func.func @transform_6(%arg0: i32) -> (i32, i32) {
    %c0_i32 = arith.constant 0 : i32
    %c0_i32_0 = arith.constant 0 : i32
    %c0_i32_1 = arith.constant 0 : i32
    return %c0_i32, %c0_i32_0 : i32, i32
  }
  func.func @transform_7(%arg0: i32) -> (i32, i32) {
    %c0_i32 = arith.constant 0 : i32
    %c0_i32_0 = arith.constant 0 : i32
    %c0_i32_1 = arith.constant 0 : i32
    return %c0_i32, %c0_i32_0 : i32, i32
  }
  func.func @transform_8(%arg0: i32) -> (i32, i32) {
    %c0_i32 = arith.constant 0 : i32
    %c0_i32_0 = arith.constant 0 : i32
    %c0_i32_1 = arith.constant 0 : i32
    return %c0_i32, %c0_i32_0 : i32, i32
  }
  func.func @transform_9(%arg0: i32) -> (i32, i32) {
    %c0_i32 = arith.constant 0 : i32
    %c0_i32_0 = arith.constant 0 : i32
    %c0_i32_1 = arith.constant 0 : i32
    return %c0_i32, %c0_i32_0 : i32, i32
  }
  func.func @transform_10(%arg0: i32) -> (i32, i32) {
    %c0_i32 = arith.constant 0 : i32
    %c0_i32_0 = arith.constant 0 : i32
    %c0_i32_1 = arith.constant 0 : i32
    return %c0_i32, %c0_i32_0 : i32, i32
  }
  func.func @transform_11(%arg0: i32) -> (i32, i32) {
    %c0_i32 = arith.constant 0 : i32
    %c0_i32_0 = arith.constant 0 : i32
    %c0_i32_1 = arith.constant 0 : i32
    return %c0_i32, %c0_i32_0 : i32, i32
  }
  func.func @transform_12(%arg0: i32) -> (i32, i32) {
    %c0_i32 = arith.constant 0 : i32
    %c0_i32_0 = arith.constant 0 : i32
    %c0_i32_1 = arith.constant 0 : i32
    return %c0_i32, %c0_i32_0 : i32, i32
  }
  func.func @transform_13(%arg0: i32) -> (i32, i32) {
    %c0_i32 = arith.constant 0 : i32
    %c0_i32_0 = arith.constant 0 : i32
    %c0_i32_1 = arith.constant 0 : i32
    return %c0_i32, %c0_i32_0 : i32, i32
  }
  func.func @transform_14(%arg0: i32) -> (i32, i32) {
    %c0_i32 = arith.constant 0 : i32
    %c0_i32_0 = arith.constant 0 : i32
    %c0_i32_1 = arith.constant 0 : i32
    return %c0_i32, %c0_i32_0 : i32, i32
  }
  func.func @transform_15(%arg0: i32) -> (i32, i32) {
    %c0_i32 = arith.constant 0 : i32
    %c0_i32_0 = arith.constant 0 : i32
    %c0_i32_1 = arith.constant 0 : i32
    return %c0_i32, %c0_i32_0 : i32, i32
  }
  func.func @transform_16(%arg0: i32) -> (i32, i32) {
    %c0_i32 = arith.constant 0 : i32
    %c0_i32_0 = arith.constant 0 : i32
    %c0_i32_1 = arith.constant 0 : i32
    return %c0_i32, %c0_i32_0 : i32, i32
  }
  func.func @transform_17(%arg0: i32) -> (i32, i32) {
    %c0_i32 = arith.constant 0 : i32
    %c0_i32_0 = arith.constant 0 : i32
    %c0_i32_1 = arith.constant 0 : i32
    return %c0_i32, %c0_i32_0 : i32, i32
  }
}

</mosaic_0001>

<sc_bundles>
// kernel: kernel.10.cloned.1.call-start
scs
__scs_entry_jumppad:
0x0: {  	(pc) =	sbr.rel $0x88, $3  }
0x1: {  	(tag) =	ssettag $0x0;
	lr =	simm.s32 $0x1  }
0x2: {  	[smem:$0x3F8B] =	sst lr;
	_ =	strace $0xD0000000  }
0x3: {  	_ = 	snop  }
0x4: {  	_ = 	snop  }
0x5: {  	_ = 	snop  }
0x6: {  	_ = 	snop  }
0x7: {  	_ = 	snop  }
__scs_overlays_trampoline_lowered:
0x8: {  	[smem:$0x3F9A] =	sst s0  }
0x9: {  	[smem:$0x3F9B] =	sst s1  }
0xa: {  	[smem:$0x3F9C] =	sst s2  }
0xb: {  	[smem:$0x3F9D] =	sst s3  }
0xc: {  	[smem:$0x3F9E] =	sst s4  }
0xd: {  	[smem:$0x3F9F] =	sst s5  }
0xe: {  	[smem:$0x3FA0] =	sst s6  }
0xf: {  	[smem:$0x3FA1] =	sst s7  }
0x10: {  	[smem:$0x3FA2] =	sst s8  }
0x11: {  	[smem:$0x3FA3] =	sst s9;
	s0 =	simm.s32 @!p0 $0x0  }
0x12: {  	s1 =	sld [smem:$0x3F89];
	s0 =	simm.s32 @p0 $0x1  }
0x13: {  	[smem:$0x3FA4] =	sst s0;
	s0 =	simm.s32 @!p1 $0x0  }
0x14: {  	s2 =	sld [smem:$0x3F88];
	s0 =	simm.s32 @p1 $0x1  }
0x15: {  	[smem:$0x3FA5] =	sst s0;
	s0 =	simm.s32 @!p2 $0x0  }
0x16: {  	s3 =	sld [smem:$0x3FDB];
	s0 =	simm.s32 @p2 $0x1  }
0x17: {  	s4 =	simm.s32 $0x1BF5;
	[smem:$0x3FA7] =	sst s0  }
0x18: {  	s0 =	sld [smem:$0x3F8A];
	_ =	swait.ge [sflag:s4], $0x0  }
0x19: {  	s7 =	sld [smem:$0x3F8B]  }
0x1a: {  	s8 =	sadd.s32 $0xFFFFE003, lr  }
0x1b: {  	s9 =	sadd.s32 $0xFFFFFEF7, lr;
	s5 =	simm.s32 $0xFFFFFFFF;
	p2 =	slt.u32 s8, $0xFFFFF086  }
0x1c: {  	p1 =	slt.u32 s9, $0xF7A;
	s5 =	simm.s32 @!p2 $0x0  }
0x1d: {  	s5 =	simm.s32 @p1 $0x1;
	p0 =	seq.s32 s7, s2  }
0x1e: {  	s7 =	smul.u32 @!p0 $0xF7A, s2;
	p2 =	seq.s32 @!p0 s5, $0x0  }
0x1f: {  	s9 =	smul.u32 $0xF7A, s1;
	s8 =	simm.s32 @!p0 $0x1BF5;
	p2 =	por !p2, p0  }
0x20: {  	[sflag:s8] =	ssyncset.s32 @!p0 $0xFFFFF086;
	s6 =	sadd.s32 @!p0 s3, s7;
	s7 =	simm.s32 @!p0 $0x108  }
0x21: {  	s3 =	sadd.s32 s3, s9;
	s6 =	sadd.s32 @!p0 $0x88, s6;
	s7 =	simm.s32 @p2 $0x1082  }
0x22: {  	[simem:s7], [sflag:s8] =	dma.local @!p0 [hbm:s6], $0xF7A  }
0x23: {  	s9 =	sor.u32 $0xD0000000, s2;
	s6 =	simm.s32 $0x108;
	_ =	swait.ge @!p0 [sflag:s8], $0x0  }
0x24: {  	s3 =	sadd.s32 $0x88, s3;
	s6 =	simm.s32 @!p1 $0x1082;
	[sflag:s4] =	ssyncset.s32 $0xFFFFF086  }
0x25: {  	[simem:s6], [sflag:s4] =	dma.local [hbm:s3], $0xF7A  }
0x26: {  	[smem:$0x3F8B] =	sst s1;
	(tag) =	ssettag s2;
	_ =	strace s9  }
0x27: {  	s1 =	sld [smem:$0x3F9B]  }
0x28: {  	s2 =	sld [smem:$0x3F9C]  }
0x29: {  	s4 =	sld [smem:$0x3F9E]  }
0x2a: {  	p0 =	seq.s32 s5, $0x0;
	s5 =	sld [smem:$0x3F9F]  }
0x2b: {  	s6 =	sld [smem:$0x3FA0]  }
0x2c: {  	s7 =	sld [smem:$0x3FA1]  }
0x2d: {  	s3 =	simm.s32 $0x108;
	s8 =	sld [smem:$0x3FA2]  }
0x2e: {  	s3 =	simm.s32 @!p0 $0x1082;
	s9 =	sld [smem:$0x3FA3]  }
0x2f: {  	lr =	sadd.s32 s0, s3;
	s0 =	sld [smem:$0x3F9A]  }
0x30: {  	s3 =	sld [smem:$0x3F9D]  }
0x31: {  	[smem:$0x3FA6] =	sst s10  }
0x32: {  	s10 =	sld [smem:$0x3FA4];
	_ =	sdelay $0x3  }
0x33: {  	p0 =	seq.s32 s10, $0x1;
	s10 =	sld [smem:$0x3FA6];
	_ =	sdelay $0x3  }
0x34: {  	[smem:$0x3FA6] =	sst s10  }
0x35: {  	s10 =	sld [smem:$0x3FA5];
	_ =	sdelay $0x3  }
0x36: {  	p1 =	seq.s32 s10, $0x1;
	s10 =	sld [smem:$0x3FA6];
	_ =	sdelay $0x3  }
0x37: {  	[smem:$0x3FA6] =	sst s10  }
0x38: {  	s10 =	sld [smem:$0x3FA7]  }
0x39: {  	_ = 	snop;
	(pc) =	sbr.ind lr, $3  }
0x3a: {  	_ = 	snop  }
0x3b: {  	_ = 	snop  }
0x3c: {  	p2 =	seq.s32 s10, $0x1;
	s10 =	sld [smem:$0x3FA6]  }
0x3d: {  	_ =	shalt  }
0x3e: {  	_ =	shalt  }
0x3f: {  	_ =	shalt  }
0x40: {  	_ =	shalt  }
0x41: {  	_ =	shalt  }
0x42: {  	_ =	shalt  }
0x43: {  	_ =	shalt  }
0x44: {  	_ =	shalt  }
0x45: {  	_ =	shalt  }
0x46: {  	_ =	shalt  }
0x47: {  	_ =	shalt  }
0x48: {  	_ =	shalt  }
0x49: {  	_ =	shalt  }
0x4a: {  	_ =	shalt  }
0x4b: {  	_ =	shalt  }
0x4c: {  	_ =	shalt  }
0x4d: {  	_ =	shalt  }
0x4e: {  	_ =	shalt  }
0x4f: {  	_ =	shalt  }
0x50: {  	_ =	shalt  }
0x51: {  	_ =	shalt  }
0x52: {  	_ =	shalt  }
0x53: {  	_ =	shalt  }
0x54: {  	_ =	shalt  }
0x55: {  	_ =	shalt  }
0x56: {  	_ =	shalt  }
0x57: {  	_ =	shalt  }
0x58: {  	_ =	shalt  }
0x59: {  	_ =	shalt  }
0x5a: {  	_ =	shalt  }
0x5b: {  	_ =	shalt  }
0x5c: {  	_ =	shalt  }
0x5d: {  	_ =	shalt  }
0x5e: {  	_ =	shalt  }
0x5f: {  	_ =	shalt  }
0x60: {  	_ =	shalt  }
0x61: {  	_ =	shalt  }
0x62: {  	_ =	shalt  }
0x63: {  	_ =	shalt  }
0x64: {  	_ =	shalt  }
0x65: {  	_ =	shalt  }
0x66: {  	_ =	shalt  }
0x67: {  	_ =	shalt  }
0x68: {  	_ =	shalt  }
0x69: {  	_ =	shalt  }
0x6a: {  	_ =	shalt  }
0x6b: {  	_ =	shalt  }
0x6c: {  	_ =	shalt  }
0x6d: {  	_ =	shalt  }
0x6e: {  	_ =	shalt  }
0x6f: {  	_ =	shalt  }
0x70: {  	_ =	shalt  }
0x71: {  	_ =	shalt  }
0x72: {  	_ =	shalt  }
0x73: {  	_ =	shalt  }
0x74: {  	_ =	shalt  }
0x75: {  	_ =	shalt  }
0x76: {  	_ =	shalt  }
0x77: {  	_ =	shalt  }
0x78: {  	_ =	shalt  }
0x79: {  	_ =	shalt  }
0x7a: {  	_ =	shalt  }
0x7b: {  	_ =	shalt  }
0x7c: {  	_ =	shalt  }
0x7d: {  	_ =	shalt  }
0x7e: {  	_ =	shalt  }
0x7f: {  	_ =	shalt  }
0x80: {  	_ =	shalt  }
0x81: {  	_ =	shalt  }
0x82: {  	_ =	shalt  }
0x83: {  	_ =	shalt  }
0x84: {  	_ =	shalt  }
0x85: {  	_ =	shalt  }
0x86: {  	_ =	shalt  }
0x87: {  	_ =	shalt  }
.Lfunc_end0:
.L_simem_size_0:
called_computation_lowered:
.L_overlay_start_0:
0x88: {  	s2 =	sld [smem:$0x3FD9]  }
0x89: {  	s3 =	sld [smem:$0x3FFE];
	_ =	sdelay $0x1  }
0x8a: {  	s1 =	srdreg.scid  }
0x8b: {  	s0 =	sand.u32 $0x1, s1  }
0x8c: {  	s16 =	sshll.u32 s0, $0xA;
	s2 =	sadd.s32 s3, s2  }
0x8d: {  	s2 =	sadd.s32 s2, s16  }
0x8e: {  	[smem:$0x3FB2] =	sst s2  }
0x8f: {  	_ = 	snop  }
0x90: {  	(tm) =	ssettm $0x1  }
0x91: {  	s17 =	sld [smem:$0x3FFB];
	_ =	sdelay $0x3  }
0x92: {  	_ =	strace s17  }
0x93: {  	s2 =	sld [smem:$0x3FFC];
	_ =	sdelay $0x3  }
0x94: {  	_ =	strace s2  }
0x95: {  	s2 =	sld [smem:$0x3FFD];
	_ =	sdelay $0x3  }
0x96: {  	_ =	strace s2  }
0x97: {  	_ =	strace $0x8FFFFFFF  }
0x98: {  	s18 =	sld [smem:$0x3FDB];
	_ =	sdelay $0x1  }
0x99: {  	s19 =	simm.s32 $_scs_section_size  }
0x9a: {  	s4 =	simm.s32 $_size__tile_overlayer_lowered;
	s5 =	simm.s32 $_tile_overlayer_lowered  }
0x9b: {  	s22 =	simm.s32 $0x1BFF;
	s21 =	sshll.u32 s5, $0x1;
	s2 =	sadd.s32 s19, s18  }
0x9c: {  	s6 =	simm.s32 $0x0;
	s20 =	sshll.u32 s4, $0x1;
	s4 =	sadd.s32 s21, s2  }
0x9d: {  	[timem:s6], [sflag:s22] =	dma.local [hbm:s4], s20  }
0x9e: {  	_ =	swait.ge [sflag:s22], s20  }
0x9f: {  	s3 =	ssub.s32 $0x0, s20;
	[sflag:s22] =	ssyncset.done $0x0  }
0xa0: {  	[sflag:s22] =	ssyncadd.s32 s3;
	_ =	sdelay $0x1  }
0xa1: {  	s23 =	simm.s32 $0x1B8B  }
0xa2: {  	_ =	swait.ge [sflag:s23], $0x1  }
0xa3: {  	[sflag:s23] =	ssyncset.done $0x0  }
0xa4: {  	s25 =	simm.s32 $0x1B8E;
	s24 =	sld [smem:$0x3FFE];
	[sflag:s23] =	ssyncadd.s32 $0xFFFFFFFF  }
0xa5: {  	s26 =	simm.s32 $execute0_lowered;
	[smem:$0x3FD2] =	sst s25  }
0xa6: {  	s4 =	sshll.u32 s26, $0x1;
	_ =	strace $0x80000046;
	[dreg:$0x1] =	wrdreg $0xFFFFFFFF  }
0xa7: {  	s28 =	simm.s32 $_size_execute0_lowered;
	s2 =	sadd.s32 s2, s4;
	[dreg:$0x0] =	wrdreg $0x0  }
0xa8: {  	s4 =	sshll.u32 s28, $0x1;
	[dreg:$0x2] =	wrdreg s2  }
0xa9: {  	[dreg:$0x3] =	wrdreg s4  }
0xaa: {  	[dreg:$0x4] =	wrdreg $0xC0  }
0xab: {  	_ =	task [dreg:s6], $0x5FFFF  }
0xac: {  	[dreg:$0x1] =	wrdreg $0xFFFFFFFF  }
0xad: {  	[dreg:$0x0] =	wrdreg $0x60  }
0xae: {  	[dreg:$0x2] =	wrdreg s24  }
0xaf: {  	[dreg:$0x3] =	wrdreg $0x2E000  }
0xb0: {  	[dreg:$0x4] =	wrdreg $0x9  }
0xb1: {  	_ =	task.clear_ibuf [dreg:s6], $0x5FFFF;
	_ =	strace $0x90000046  }
0xb2: {  	s29 =	simm.s32 $0x9;
	_ =	strace $0x80000048  }
0xb3: {  	_ =	swait.ge [sflag:s29], $0x1  }
0xb4: {  	[sflag:s29] =	ssyncadd.s32 $0xFFFFFFFF  }
0xb5: {  	_ =	strace $0x90000048  }
0xb6: {  	_ =	sfence  }
0xb7: {  	s30 =	sld [smem:$0x0];
	_ =	sdelay $0x2  }
0xb8: {  	s31 =	sshll.u32 s1, $0xD;
	s1 =	sshrl.u32 s1, $0x2  }
0xb9: {  	s3 =	sand.u32 $0x4000, s31;
	s1 =	sadd.s32 s1, s30  }
0xba: {  	s0 =	sor.u32 s3, s0;
	s1 =	sshll.u32 s1, $0x11  }
0xbb: {  	s0 =	sor.u32 s1, s0  }
0xbc: {  	s0 =	sadd.s32 $0x8F2B, s0  }
0xbd: {  	[sflag:s0] =	ssyncadd.remote.s32 $0x1  }
0xbe: {  	_ =	sfence.sel $0xFFFF  }
0xbf: {  	[dreg:$0x0] =	wrdreg $0xFFFFFFFF;
	(pc) =	sbr.abs _section_cstart, $3  }
0xc0: {  	[dreg:$0x1] =	wrdreg $0xFFFFFFFF  }
0xc1: {  	_ =	task.clear_ibuf [dreg:s6], $0x2FFFF;
	_ =	strace $0x9FFFFFFF  }
0xc2: {  	(tm) =	ssettm $0x7FFFFFFF  }
0xc3: {  	_ =	shalt  }
tec
execute0_lowered:
.L_overlay_start_1:
0x0: {  	(tag) =	ssettag $0x1  }
0x1: {  	s0 =	srdreg.scid;
	s6 =	rddreg [dreg:$0x0]  }
0x2: {  	s2 =	rddreg [dreg:$0x1];
	s1 =	stileid.u32;
	s3 =	simm.s32 $0x0  }
0x3: {  	s13 =	simm.s32 $0x2780;
	s14 =	simm.s32 $0x2B80;
	s15 =	simm.s32 $0x80  }
0x4: {  	s16 =	simm.s32 $0x0;
	s4 =	sand.u32 $0x1, s0;
	s0 =	rddreg [dreg:$0x2]  }
0x5: {  	[smem:$0x7FF] =	sst s3;
	p0 =	seq.s32 s1, $0xF;
	s12 =	smul.u32 $0x5000, s1  }
0x6: {  	s5 =	sshll.u32 s4, $0x4;
	_ =	strace $0x80000047;
	s7 =	smul.u32 $0x2718, s4  }
0x7: {  	s8 =	ssub.s32 $0x2, s4;
	s4 =	sadd.s32 $0xF000, s6;
	s5 =	sor.u32 s1, s5  }
0x8: {  	s10 =	sshrl.u32 s8, $0x1;
	s31 =	sshrl.u32 s12, $0x2;
	s5 =	smul.u32 $0x4F0, s5  }
0x9: {  	s12 =	simm.s32 $0x1;
	s11 =	sadd.s32 s7, s6;
	s10 =	ssub.s32 s8, s10  }
0xa: {  	s9 =	sadd.s32 s5, s6;
	s5 =	sadd.s32 $0xEE00, s6;
	s6 =	simm.s32 $0x5  }
0xb: {  	s8 =	smul.u32 $0x280, s1;
	s10 =	smax.u32 s10, $0x1;
	s6 =	simm.s32 @!p0 $0x8  }
0xc: {  	s7 =	sadd.s32 $0x5000, s9;
	s9 =	sadd.s32 $0xF200, s11;
	s11 =	sadd.s32 s31, s2  }
.LBB2_1:
0xd: {  	[tilespmem:s3], [sflag:$0x1] =	stream.linear.gather [hbm4b:s7+s3], $0x2780, $0x38;
	[tilespmem:$0x4190] =	vst v63  }
0xe: {  	_ =	swait.ge [sflag:s12], $0x2780  }
0xf: {  	[sflag:s12] =	ssyncset.done $0x0  }
0x10: {  	[sflag:s12] =	ssyncadd.s32 $0xFFFFD880  }
0x11: {  	[tilespmem:s13], [sflag:$0x1] =	stream.linear.gather [hbm4b:s4+s3], $0x400, $0x38;
	[tilespmem:$0x4190] =	vst v63  }
0x12: {  	_ =	swait.ge [sflag:s12], $0x400  }
0x13: {  	[sflag:s12] =	ssyncset.done $0x0  }
0x14: {  	[sflag:s12] =	ssyncadd.s32 $0xFFFFFC00  }
0x15: {  	[tilespmem:s14], [sflag:$0x1] =	stream.linear.gather [hbm4b:s5+s3], $0x280, $0x38;
	[tilespmem:$0x4190] =	vst v63  }
0x16: {  	p0 =	sne.s32 s6, $0x1;
	_ =	swait.ge [sflag:s12], $0x280  }
.Ltmp0:
0x17: {  	[sflag:s12] =	ssyncset.done $0x0;
	(pc) =	sbr.rel @!p0 .LBB2_3-.Ltmp0, $4  }
0x18: {  	[sflag:s12] =	ssyncadd.s32 $0xFFFFFD80  }
0x19: {  	[spmem:s11] =	stream.linear.scatter [tilespmem:s14], [sflag:$0x1], $0x280, $0x38;
	[tilespmem:$0x4190] =	vst v63  }
0x1a: {  	_ =	swait.ge [sflag:s12], $0x280  }
0x1b: {  	s17 =	sadd.s32 $0xFFFFFFFF, s6;
	s18 =	smov.u32 s11;
	[sflag:s12] =	ssyncset.done $0x0  }
.LBB2_2:
0x1c: {  	p1 =	sne.s32 s17, $0x1;
	[sflag:s12] =	ssyncadd.s32 $0xFFFFFD80;
	s18 =	sadd.s32 $0x280, s18  }
.Ltmp1:
0x1d: {  	s17 =	sadd.s32 $0xFFFFFFFF, s17;
	(pc) =	sbr.rel @p1 .LBB2_2-.Ltmp1, $4  }
0x1e: {  	_ = 	snop  }
0x1f: {  	[spmem:s18] =	stream.linear.scatter [tilespmem:s14], [sflag:$0x1], $0x280, $0x38;
	[tilespmem:$0x4190] =	vst v63  }
0x20: {  	_ =	swait.ge [sflag:s12], $0x280  }
0x21: {  	[sflag:s12] =	ssyncset.done $0x0  }
.LBB2_3:
0x22: {  	[sflag:s12] =	ssyncadd.s32 $0xFFFFFD80  }
0x23: {  	s17 =	simm.s32 $0x0;
	[bflag:$0x0] =	sbarrier.arrive $0xFFFF  }
0x24: {  	[spmem:s2] =	stream.indirect.scatter.add.f32 [tilespmem:s13], [sflag:$0x1], $0x8, s17, s15, $0xb8;
	[tilespmem:$0x4190] =	vst v63  }
0x25: {  	_ =	swait.ge [sflag:s12], $0x400  }
0x26: {  	s17 =	simm.s32 $0x200;
	[sflag:s12] =	ssyncset.done $0x0  }
.LBB2_4:
0x27: {  	s18 =	sshra.s32 s17, $0x2;
	[sflag:s12] =	ssyncadd.s32 $0xFFFFFC00;
	p1 =	sne.s32 s17, $0x9C00  }
0x28: {  	[spmem:s2] =	stream.indirect.scatter.add.f32 [tilespmem:s13], [sflag:$0x1], $0x8, s18, s15, $0xb8;
	[tilespmem:$0x4190] =	vst v63  }
.Ltmp2:
0x29: {  	_ = 	snop;
	(pc) =	sbr.rel @p1 .LBB2_4-.Ltmp2, $4  }
0x2a: {  	_ = 	snop  }
0x2b: {  	s17 =	sadd.s32 $0x200, s17  }
0x2c: {  	_ =	swait.ge [sflag:s12], $0x400  }
0x2d: {  	[sflag:s12] =	ssyncset.done $0x0  }
0x2e: {  	[sflag:s12] =	ssyncadd.s32 $0xFFFFFC00  }
0x2f: {  	[bflag:$0x0] =	sbarrier.arrive $0xFFFF  }
0x30: {  	[tilespmem:s14], [sflag:$0x1] =	stream.linear.gather [spmem:s11], $0x280, $0x38;
	[tilespmem:$0x4190] =	vst v63  }
0x31: {  	_ =	swait.ge [sflag:s12], $0x280  }
.Ltmp3:
0x32: {  	[sflag:s12] =	ssyncset.done $0x0;
	(pc) =	sbr.rel @!p0 .LBB2_7-.Ltmp3, $4  }
0x33: {  	s17 =	sadd.s32 s8, s9;
	[sflag:s12] =	ssyncadd.s32 $0xFFFFFD80  }
0x34: {  	[hbm4b:s17+s3] =	stream.linear.scatter [tilespmem:s14], [sflag:$0x1], $0x280, $0x38;
	[tilespmem:$0x4190] =	vst v63  }
0x35: {  	s18 =	smov.u32 s8;
	_ =	swait.ge [sflag:s12], $0x280  }
0x36: {  	s19 =	smov.u32 s11;
	s17 =	sadd.s32 $0xFFFFFFFF, s6;
	[sflag:s12] =	ssyncset.done $0x0  }
.LBB2_6:
0x37: {  	[sflag:s12] =	ssyncadd.s32 $0xFFFFFD80;
	s18 =	sadd.s32 $0x50, s18;
	s19 =	sadd.s32 $0x280, s19  }
0x38: {  	[tilespmem:s14], [sflag:$0x1] =	stream.linear.gather [spmem:s19], $0x280, $0x38;
	[tilespmem:$0x4190] =	vst v63  }
0x39: {  	p0 =	sne.s32 s17, $0x1;
	s17 =	sadd.s32 $0xFFFFFFFF, s17;
	_ =	swait.ge [sflag:s12], $0x280  }
.Ltmp4:
0x3a: {  	[sflag:s12] =	ssyncset.done $0x0;
	(pc) =	sbr.rel @p0 .LBB2_6-.Ltmp4, $4  }
0x3b: {  	s20 =	sadd.s32 s18, s9;
	[sflag:s12] =	ssyncadd.s32 $0xFFFFFD80  }
0x3c: {  	[hbm4b:s20+s3] =	stream.linear.scatter [tilespmem:s14], [sflag:$0x1], $0x280, $0x38;
	[tilespmem:$0x4190] =	vst v63  }
0x3d: {  	_ =	swait.ge [sflag:s12], $0x280  }
0x3e: {  	[sflag:s12] =	ssyncset.done $0x0  }
.LBB2_7:
0x3f: {  	s16 =	sadd.s32 $0x1, s16  }
0x40: {  	p0 =	sne.s32 s16, s10  }
.Ltmp5:
0x41: {  	_ = 	snop;
	(pc) =	sbr.rel @p0 .LBB2_1-.Ltmp5, $2  }
0x42: {  	_ =	sdelay $0x2  }
0x43: {  	[sflag:s12] =	ssyncadd.s32 $0xFFFFFD80  }
0x44: {  	_ =	sfence.sel $0x180000  }
0x45: {  	[bflag:$0x0] =	sbarrier.arrive $0xFFFF  }
0x46: {  	p0 =	sne.s32 s1, $0x0;
	_ =	strace $0x90000047  }
0x47: {  	s0 =	sadd.s32 @!p0 $0x100000, s0;
	[bflag:$0x2] =	sbarrier.arrive $0xFFFF  }
0x48: {  	[sflag:s0] =	ssyncadd.tile.s32 @!p0 $0x1;
	_ =	shalt  }
.Lfunc_end2:
_tile_overlayer_lowered:
.L_overlay_start_2:
0x49: {  	(tag) =	ssettag $0x2  }
0x4a: {  	s0 =	rddreg [dreg:$0x0];
	s2 =	stileid.u32  }
0x4b: {  	s1 =	rddreg [dreg:$0x1];
	p0 =	sne.s32 s2, $0x0  }
0x4c: {  	s3 =	rddreg [dreg:$0x2];
	[bflag:$0x3] =	sbarrier.arrive $0xFFFF;
	s2 =	simm.s32 @!p0 $0x1C01  }
0x4d: {  	[timem:s3], [sflag:s2] =	dma.local @!p0 [hbm:s0], s1  }
0x4e: {  	s0 =	simm.s32 @!p0 $0x1  }
0x4f: {  	_ =	swait.ge @!p0 [sflag:s0], s1  }
0x50: {  	s1 =	ssub.s32 @!p0 $0x0, s1;
	[sflag:s0] =	ssyncset.done @!p0 $0x0  }
0x51: {  	[sflag:s0] =	ssyncadd.s32 @!p0 s1  }
0x52: {  	[bflag:$0x3] =	sbarrier.arrive $0xFFFF  }
0x53: {  	_ =	shalt  }

// kernel: kernel.13.cloned.1.call-start
scs
__scs_entry_jumppad:
0x0: {  	(pc) =	sbr.rel $0x88, $3  }
0x1: {  	(tag) =	ssettag $0x0;
	lr =	simm.s32 $0x1  }
0x2: {  	[smem:$0x3F8B] =	sst lr;
	_ =	strace $0xD0000000  }
0x3: {  	_ = 	snop  }
0x4: {  	_ = 	snop  }
0x5: {  	_ = 	snop  }
0x6: {  	_ = 	snop  }
0x7: {  	_ = 	snop  }
__scs_overlays_trampoline_lowered:
0x8: {  	[smem:$0x3F9A] =	sst s0  }
0x9: {  	[smem:$0x3F9B] =	sst s1  }
0xa: {  	[smem:$0x3F9C] =	sst s2  }
0xb: {  	[smem:$0x3F9D] =	sst s3  }
0xc: {  	[smem:$0x3F9E] =	sst s4  }
0xd: {  	[smem:$0x3F9F] =	sst s5  }
0xe: {  	[smem:$0x3FA0] =	sst s6  }
0xf: {  	[smem:$0x3FA1] =	sst s7  }
0x10: {  	[smem:$0x3FA2] =	sst s8  }
0x11: {  	[smem:$0x3FA3] =	sst s9;
	s0 =	simm.s32 @!p0 $0x0  }
0x12: {  	s1 =	sld [smem:$0x3F89];
	s0 =	simm.s32 @p0 $0x1  }
0x13: {  	[smem:$0x3FA4] =	sst s0;
	s0 =	simm.s32 @!p1 $0x0  }
0x14: {  	s2 =	sld [smem:$0x3F88];
	s0 =	simm.s32 @p1 $0x1  }
0x15: {  	[smem:$0x3FA5] =	sst s0;
	s0 =	simm.s32 @!p2 $0x0  }
0x16: {  	s3 =	sld [smem:$0x3FDB];
	s0 =	simm.s32 @p2 $0x1  }
0x17: {  	s4 =	simm.s32 $0x1BF5;
	[smem:$0x3FA7] =	sst s0  }
0x18: {  	s0 =	sld [smem:$0x3F8A];
	_ =	swait.ge [sflag:s4], $0x0  }
0x19: {  	s7 =	sld [smem:$0x3F8B]  }
0x1a: {  	s8 =	sadd.s32 $0xFFFFE003, lr  }
0x1b: {  	s9 =	sadd.s32 $0xFFFFFEF7, lr;
	s5 =	simm.s32 $0xFFFFFFFF;
	p2 =	slt.u32 s8, $0xFFFFF086  }
0x1c: {  	p1 =	slt.u32 s9, $0xF7A;
	s5 =	simm.s32 @!p2 $0x0  }
0x1d: {  	s5 =	simm.s32 @p1 $0x1;
	p0 =	seq.s32 s7, s2  }
0x1e: {  	s7 =	smul.u32 @!p0 $0xF7A, s2;
	p2 =	seq.s32 @!p0 s5, $0x0  }
0x1f: {  	s9 =	smul.u32 $0xF7A, s1;
	s8 =	simm.s32 @!p0 $0x1BF5;
	p2 =	por !p2, p0  }
0x20: {  	[sflag:s8] =	ssyncset.s32 @!p0 $0xFFFFF086;
	s6 =	sadd.s32 @!p0 s3, s7;
	s7 =	simm.s32 @!p0 $0x108  }
0x21: {  	s3 =	sadd.s32 s3, s9;
	s6 =	sadd.s32 @!p0 $0x88, s6;
	s7 =	simm.s32 @p2 $0x1082  }
0x22: {  	[simem:s7], [sflag:s8] =	dma.local @!p0 [hbm:s6], $0xF7A  }
0x23: {  	s9 =	sor.u32 $0xD0000000, s2;
	s6 =	simm.s32 $0x108;
	_ =	swait.ge @!p0 [sflag:s8], $0x0  }
0x24: {  	s3 =	sadd.s32 $0x88, s3;
	s6 =	simm.s32 @!p1 $0x1082;
	[sflag:s4] =	ssyncset.s32 $0xFFFFF086  }
0x25: {  	[simem:s6], [sflag:s4] =	dma.local [hbm:s3], $0xF7A  }
0x26: {  	[smem:$0x3F8B] =	sst s1;
	(tag) =	ssettag s2;
	_ =	strace s9  }
0x27: {  	s1 =	sld [smem:$0x3F9B]  }
0x28: {  	s2 =	sld [smem:$0x3F9C]  }
0x29: {  	s4 =	sld [smem:$0x3F9E]  }
0x2a: {  	p0 =	seq.s32 s5, $0x0;
	s5 =	sld [smem:$0x3F9F]  }
0x2b: {  	s6 =	sld [smem:$0x3FA0]  }
0x2c: {  	s7 =	sld [smem:$0x3FA1]  }
0x2d: {  	s3 =	simm.s32 $0x108;
	s8 =	sld [smem:$0x3FA2]  }
0x2e: {  	s3 =	simm.s32 @!p0 $0x1082;
	s9 =	sld [smem:$0x3FA3]  }
0x2f: {  	lr =	sadd.s32 s0, s3;
	s0 =	sld [smem:$0x3F9A]  }
0x30: {  	s3 =	sld [smem:$0x3F9D]  }
0x31: {  	[smem:$0x3FA6] =	sst s10  }
0x32: {  	s10 =	sld [smem:$0x3FA4];
	_ =	sdelay $0x3  }
0x33: {  	p0 =	seq.s32 s10, $0x1;
	s10 =	sld [smem:$0x3FA6];
	_ =	sdelay $0x3  }
0x34: {  	[smem:$0x3FA6] =	sst s10  }
0x35: {  	s10 =	sld [smem:$0x3FA5];
	_ =	sdelay $0x3  }
0x36: {  	p1 =	seq.s32 s10, $0x1;
	s10 =	sld [smem:$0x3FA6];
	_ =	sdelay $0x3  }
0x37: {  	[smem:$0x3FA6] =	sst s10  }
0x38: {  	s10 =	sld [smem:$0x3FA7]  }
0x39: {  	_ = 	snop;
	(pc) =	sbr.ind lr, $3  }
0x3a: {  	_ = 	snop  }
0x3b: {  	_ = 	snop  }
0x3c: {  	p2 =	seq.s32 s10, $0x1;
	s10 =	sld [smem:$0x3FA6]  }
0x3d: {  	_ =	shalt  }
0x3e: {  	_ =	shalt  }
0x3f: {  	_ =	shalt  }
0x40: {  	_ =	shalt  }
0x41: {  	_ =	shalt  }
0x42: {  	_ =	shalt  }
0x43: {  	_ =	shalt  }
0x44: {  	_ =	shalt  }
0x45: {  	_ =	shalt  }
0x46: {  	_ =	shalt  }
0x47: {  	_ =	shalt  }
0x48: {  	_ =	shalt  }
0x49: {  	_ =	shalt  }
0x4a: {  	_ =	shalt  }
0x4b: {  	_ =	shalt  }
0x4c: {  	_ =	shalt  }
0x4d: {  	_ =	shalt  }
0x4e: {  	_ =	shalt  }
0x4f: {  	_ =	shalt  }
0x50: {  	_ =	shalt  }
0x51: {  	_ =	shalt  }
0x52: {  	_ =	shalt  }
0x53: {  	_ =	shalt  }
0x54: {  	_ =	shalt  }
0x55: {  	_ =	shalt  }
0x56: {  	_ =	shalt  }
0x57: {  	_ =	shalt  }
0x58: {  	_ =	shalt  }
0x59: {  	_ =	shalt  }
0x5a: {  	_ =	shalt  }
0x5b: {  	_ =	shalt  }
0x5c: {  	_ =	shalt  }
0x5d: {  	_ =	shalt  }
0x5e: {  	_ =	shalt  }
0x5f: {  	_ =	shalt  }
0x60: {  	_ =	shalt  }
0x61: {  	_ =	shalt  }
0x62: {  	_ =	shalt  }
0x63: {  	_ =	shalt  }
0x64: {  	_ =	shalt  }
0x65: {  	_ =	shalt  }
0x66: {  	_ =	shalt  }
0x67: {  	_ =	shalt  }
0x68: {  	_ =	shalt  }
0x69: {  	_ =	shalt  }
0x6a: {  	_ =	shalt  }
0x6b: {  	_ =	shalt  }
0x6c: {  	_ =	shalt  }
0x6d: {  	_ =	shalt  }
0x6e: {  	_ =	shalt  }
0x6f: {  	_ =	shalt  }
0x70: {  	_ =	shalt  }
0x71: {  	_ =	shalt  }
0x72: {  	_ =	shalt  }
0x73: {  	_ =	shalt  }
0x74: {  	_ =	shalt  }
0x75: {  	_ =	shalt  }
0x76: {  	_ =	shalt  }
0x77: {  	_ =	shalt  }
0x78: {  	_ =	shalt  }
0x79: {  	_ =	shalt  }
0x7a: {  	_ =	shalt  }
0x7b: {  	_ =	shalt  }
0x7c: {  	_ =	shalt  }
0x7d: {  	_ =	shalt  }
0x7e: {  	_ =	shalt  }
0x7f: {  	_ =	shalt  }
0x80: {  	_ =	shalt  }
0x81: {  	_ =	shalt  }
0x82: {  	_ =	shalt  }
0x83: {  	_ =	shalt  }
0x84: {  	_ =	shalt  }
0x85: {  	_ =	shalt  }
0x86: {  	_ =	shalt  }
0x87: {  	_ =	shalt  }
.Lfunc_end0:
.L_simem_size_0:
called_computation.1_lowered:
.L_overlay_start_0:
0x88: {  	s2 =	sld [smem:$0x3FD9]  }
0x89: {  	s3 =	sld [smem:$0x3FFE];
	_ =	sdelay $0x1  }
0x8a: {  	s1 =	srdreg.scid  }
0x8b: {  	s0 =	sand.u32 $0x1, s1  }
0x8c: {  	s16 =	sshll.u32 s0, $0xA;
	s2 =	sadd.s32 s3, s2  }
0x8d: {  	s2 =	sadd.s32 s2, s16  }
0x8e: {  	[smem:$0x3FB2] =	sst s2  }
0x8f: {  	_ = 	snop  }
0x90: {  	(tm) =	ssettm $0x1  }
0x91: {  	s17 =	sld [smem:$0x3FFB];
	_ =	sdelay $0x3  }
0x92: {  	_ =	strace s17  }
0x93: {  	s2 =	sld [smem:$0x3FFC];
	_ =	sdelay $0x3  }
0x94: {  	_ =	strace s2  }
0x95: {  	s2 =	sld [smem:$0x3FFD];
	_ =	sdelay $0x3  }
0x96: {  	_ =	strace s2  }
0x97: {  	_ =	strace $0x8FFFFFFF  }
0x98: {  	s18 =	sld [smem:$0x3FDB];
	_ =	sdelay $0x1  }
0x99: {  	s19 =	simm.s32 $_scs_section_size  }
0x9a: {  	s4 =	simm.s32 $_size__tile_overlayer_lowered;
	s5 =	simm.s32 $_tile_overlayer_lowered  }
0x9b: {  	s22 =	simm.s32 $0x1BFF;
	s21 =	sshll.u32 s5, $0x1;
	s2 =	sadd.s32 s19, s18  }
0x9c: {  	s6 =	simm.s32 $0x0;
	s20 =	sshll.u32 s4, $0x1;
	s4 =	sadd.s32 s21, s2  }
0x9d: {  	[timem:s6], [sflag:s22] =	dma.local [hbm:s4], s20  }
0x9e: {  	_ =	swait.ge [sflag:s22], s20  }
0x9f: {  	s3 =	ssub.s32 $0x0, s20;
	[sflag:s22] =	ssyncset.done $0x0  }
0xa0: {  	[sflag:s22] =	ssyncadd.s32 s3;
	_ =	sdelay $0x1  }
0xa1: {  	s23 =	simm.s32 $0x1B8B  }
0xa2: {  	_ =	swait.ge [sflag:s23], $0x1  }
0xa3: {  	[sflag:s23] =	ssyncset.done $0x0  }
0xa4: {  	s25 =	simm.s32 $0x1B8E;
	s24 =	sld [smem:$0x3FFE];
	[sflag:s23] =	ssyncadd.s32 $0xFFFFFFFF  }
0xa5: {  	s26 =	simm.s32 $execute0_lowered;
	[smem:$0x3FD2] =	sst s25  }
0xa6: {  	s4 =	sshll.u32 s26, $0x1;
	_ =	strace $0x80000049;
	[dreg:$0x1] =	wrdreg $0xFFFFFFFF  }
0xa7: {  	s28 =	simm.s32 $_size_execute0_lowered;
	s2 =	sadd.s32 s2, s4;
	[dreg:$0x0] =	wrdreg $0x0  }
0xa8: {  	s4 =	sshll.u32 s28, $0x1;
	[dreg:$0x2] =	wrdreg s2  }
0xa9: {  	[dreg:$0x3] =	wrdreg s4  }
0xaa: {  	[dreg:$0x4] =	wrdreg $0xC0  }
0xab: {  	_ =	task [dreg:s6], $0x5FFFF  }
0xac: {  	[dreg:$0x1] =	wrdreg $0xFFFFFFFF  }
0xad: {  	[dreg:$0x0] =	wrdreg $0x60  }
0xae: {  	[dreg:$0x2] =	wrdreg s24  }
0xaf: {  	[dreg:$0x3] =	wrdreg $0xA3000  }
0xb0: {  	[dreg:$0x4] =	wrdreg $0x9  }
0xb1: {  	_ =	task.clear_ibuf [dreg:s6], $0x5FFFF;
	_ =	strace $0x90000049  }
0xb2: {  	s29 =	simm.s32 $0x9;
	_ =	strace $0x8000004B  }
0xb3: {  	_ =	swait.ge [sflag:s29], $0x1  }
0xb4: {  	[sflag:s29] =	ssyncadd.s32 $0xFFFFFFFF  }
0xb5: {  	_ =	strace $0x9000004B  }
0xb6: {  	_ =	sfence  }
0xb7: {  	s30 =	sld [smem:$0x0];
	_ =	sdelay $0x2  }
0xb8: {  	s31 =	sshll.u32 s1, $0xD;
	s1 =	sshrl.u32 s1, $0x2  }
0xb9: {  	s3 =	sand.u32 $0x4000, s31;
	s1 =	sadd.s32 s1, s30  }
0xba: {  	s0 =	sor.u32 s3, s0;
	s1 =	sshll.u32 s1, $0x11  }
0xbb: {  	s0 =	sor.u32 s1, s0  }
0xbc: {  	s0 =	sadd.s32 $0x8F2B, s0  }
0xbd: {  	[sflag:s0] =	ssyncadd.remote.s32 $0x1  }
0xbe: {  	_ =	sfence.sel $0xFFFF  }
0xbf: {  	[dreg:$0x0] =	wrdreg $0xFFFFFFFF;
	(pc) =	sbr.abs _section_cstart, $3  }
0xc0: {  	[dreg:$0x1] =	wrdreg $0xFFFFFFFF  }
0xc1: {  	_ =	task.clear_ibuf [dreg:s6], $0x2FFFF;
	_ =	strace $0x9FFFFFFF  }
0xc2: {  	(tm) =	ssettm $0x7FFFFFFF  }
0xc3: {  	_ =	shalt  }
tec
execute0_lowered:
.L_overlay_start_1:
0x0: {  	(tag) =	ssettag $0x1  }
0x1: {  	s5 =	rddreg [dreg:$0x0]  }
0x2: {  	s0 =	srdreg.scid;
	s2 =	rddreg [dreg:$0x1];
	s3 =	simm.s32 $0x0  }
0x3: {  	s13 =	simm.s32 $0x2780;
	s14 =	simm.s32 $0x8F00;
	s15 =	simm.s32 $0x80  }
0x4: {  	s16 =	simm.s32 $0x4F00;
	s17 =	simm.s32 $0x6F00;
	s18 =	simm.s32 $0x1  }
0x5: {  	s19 =	simm.s32 $0x2;
	s20 =	simm.s32 $0x4E80;
	s21 =	simm.s32 $0x0  }
0x6: {  	s4 =	sand.u32 $0x1, s0;
	s0 =	stileid.u32;
	[smem:$0x7FF] =	sst s3  }
0x7: {  	s1 =	sshll.u32 s4, $0x4;
	s7 =	smul.u32 $0x138C0, s4;
	s8 =	ssub.s32 $0x2, s4  }
0x8: {  	s4 =	sadd.s32 $0x1E000, s5;
	p0 =	seq.s32 s0, $0xF;
	s12 =	smul.u32 $0x28000, s0  }
0x9: {  	s6 =	sor.u32 s0, s1;
	s1 =	rddreg [dreg:$0x2];
	_ =	strace $0x8000004A  }
0xa: {  	s9 =	sshrl.u32 s8, $0x1;
	s6 =	smul.u32 $0x4F0, s6;
	s11 =	sadd.s32 s7, s5  }
0xb: {  	s9 =	ssub.s32 s8, s9;
	s31 =	sshrl.u32 s12, $0x2;
	s12 =	simm.s32 $0x3  }
0xc: {  	s8 =	sadd.s32 $0x31A00, s11;
	s10 =	sadd.s32 s6, s5;
	s5 =	simm.s32 $0x5  }
0xd: {  	s9 =	smax.u32 s9, $0x1;
	s11 =	smul.u32 $0xA000, s0;
	s5 =	simm.s32 @!p0 $0x8  }
0xe: {  	v0 =	vimm.f32 $0.0e+00;
	s6 =	sadd.s32 $0x14200, s10;
	s7 =	sadd.s32 $0x5000, s10;
	s10 =	sadd.s32 s31, s2  }
.LBB2_1:
0xf: {  	[tilespmem:s3], [sflag:$0x3] =	stream.linear.gather [hbm4b:s6+s3], $0x2780, $0x38;
	[tilespmem:$0x13F60] =	vst v63  }
0x10: {  	_ =	swait.ge [sflag:s12], $0x2780  }
0x11: {  	[sflag:s12] =	ssyncset.done $0x0  }
0x12: {  	[sflag:s12] =	ssyncadd.s32 $0xFFFFD880  }
0x13: {  	[tilespmem:s13], [sflag:$0x3] =	stream.linear.gather [hbm4b:s7+s3], $0x2780, $0x38;
	[tilespmem:$0x13F60] =	vst v63  }
0x14: {  	_ =	swait.ge [sflag:s12], $0x2780  }
0x15: {  	[sflag:s12] =	ssyncset.done $0x0  }
0x16: {  	s23 =	simm.s32 $0x100;
	s22 =	simm.s32 $0x0;
	[sflag:s12] =	ssyncadd.s32 $0xFFFFD880  }
.LBB2_2:
0x17: {  	p0 =	sne.s32 s23, $0x4F00;
	[tilespmem:s22+$0x8F30] =	vst v0;
	s24 =	smov.u32 s23;
	s23 =	sadd.s32 $0x100, s23  }
.Ltmp0:
0x18: {  	[tilespmem:s22+$0x8F20] =	vst v0;
	(pc) =	sbr.rel @p0 .LBB2_2-.Ltmp0, $3  }
0x19: {  	[tilespmem:s22+$0x8F00] =	vst v0  }
0x1a: {  	[tilespmem:s22+$0x8F10] =	vst v0;
	_ =	sdelay $0x1  }
0x1b: {  	s22 =	sshra.s32 s24, $0x2  }
0x1c: {  	[tilespmem:s22+$0x8F30] =	vst v0  }
0x1d: {  	[tilespmem:s22+$0x8F20] =	vst v0;
	p0 =	sne.s32 s5, $0x1  }
.Ltmp1:
0x1e: {  	[tilespmem:s22+$0x8F00] =	vst v0;
	(pc) =	sbr.rel @!p0 .LBB2_5-.Ltmp1, $4  }
0x1f: {  	[tilespmem:s22+$0x8F10] =	vst v0  }
0x20: {  	[spmem:s10] =	stream.linear.scatter [tilespmem:s14], [sflag:$0x3], $0x1400, $0x38;
	[tilespmem:$0x13F60] =	vst v63  }
0x21: {  	_ =	swait.ge [sflag:s12], $0x1400  }
0x22: {  	s22 =	sadd.s32 $0xFFFFFFFF, s5;
	s23 =	smov.u32 s10;
	[sflag:s12] =	ssyncset.done $0x0  }
.LBB2_4:
0x23: {  	p1 =	sne.s32 s22, $0x1;
	[sflag:s12] =	ssyncadd.s32 $0xFFFFEC00;
	s23 =	sadd.s32 $0x1400, s23  }
.Ltmp2:
0x24: {  	s22 =	sadd.s32 $0xFFFFFFFF, s22;
	(pc) =	sbr.rel @p1 .LBB2_4-.Ltmp2, $4  }
0x25: {  	_ = 	snop  }
0x26: {  	[spmem:s23] =	stream.linear.scatter [tilespmem:s14], [sflag:$0x3], $0x1400, $0x38;
	[tilespmem:$0x13F60] =	vst v63  }
0x27: {  	_ =	swait.ge [sflag:s12], $0x1400  }
0x28: {  	[sflag:s12] =	ssyncset.done $0x0  }
.LBB2_5:
0x29: {  	[sflag:s12] =	ssyncadd.s32 $0xFFFFEC00  }
0x2a: {  	s22 =	simm.s32 $0x0;
	[bflag:$0x0] =	sbarrier.arrive $0xFFFF  }
0x2b: {  	[tilespmem:s16], [sflag:$0x1] =	stream.indirect.gather [hbm4b:s4+s15], $0x40, s22, s15, $0xb8;
	[tilespmem:$0x13F60] =	vst v63  }
0x2c: {  	s28 =	simm.s32 $0x80  }
0x2d: {  	[tilespmem:s17], [sflag:$0x2] =	stream.indirect.gather [hbm4b:s4+s15], $0x40, s28, s15, $0xb8;
	[tilespmem:$0x13F60] =	vst v63  }
0x2e: {  	_ =	swait.ge [sflag:s18], $0x2000  }
0x2f: {  	[sflag:s18] =	ssyncset.done $0x0  }
0x30: {  	s29 =	simm.s32 $0x2780;
	[sflag:s18] =	ssyncadd.s32 $0xFFFFE000  }
0x31: {  	[spmem:s2] =	stream.indirect.scatter.add.f32 [tilespmem:s16], [sflag:$0x3], $0x40, s29, s15, $0xb8;
	[tilespmem:$0x13F60] =	vst v63  }
0x32: {  	_ =	swait.ge [sflag:s12], $0x2000  }
0x33: {  	[sflag:s12] =	ssyncset.done $0x0  }
0x34: {  	s30 =	simm.s32 $0x100;
	[sflag:s12] =	ssyncadd.s32 $0xFFFFE000  }
0x35: {  	[tilespmem:s16], [sflag:$0x1] =	stream.indirect.gather [hbm4b:s4+s15], $0x40, s30, s15, $0xb8;
	[tilespmem:$0x13F60] =	vst v63  }
0x36: {  	_ =	swait.ge [sflag:s19], $0x2000  }
0x37: {  	[sflag:s19] =	ssyncset.done $0x0  }
0x38: {  	s31 =	simm.s32 $0x2800;
	[sflag:s19] =	ssyncadd.s32 $0xFFFFE000  }
0x39: {  	[spmem:s2] =	stream.indirect.scatter.add.f32 [tilespmem:s17], [sflag:$0x3], $0x40, s31, s15, $0xb8;
	[tilespmem:$0x13F60] =	vst v63  }
0x3a: {  	_ =	swait.ge [sflag:s12], $0x2000  }
0x3b: {  	s23 =	simm.s32 $0x800;
	s22 =	simm.s32 $0x100;
	[sflag:s12] =	ssyncset.done $0x0  }
.LBB2_6:
0x3c: {  	s24 =	sadd.s32 $0x80, s22  }
0x3d: {  	[sflag:s12] =	ssyncadd.s32 $0xFFFFE000;
	s25 =	smov.u32 s23;
	s26 =	sadd.s32 $0x400, s23  }
0x3e: {  	[tilespmem:s17], [sflag:$0x2] =	stream.indirect.gather [hbm4b:s4+s15], $0x40, s24, s15, $0xb8;
	[tilespmem:$0x13F60] =	vst v63  }
0x3f: {  	p1 =	sne.s32 s23, $0x9800;
	_ =	swait.ge [sflag:s18], $0x2000  }
0x40: {  	[sflag:s18] =	ssyncset.done $0x0  }
0x41: {  	s23 =	sadd.s32 $0x2780, s22;
	[sflag:s18] =	ssyncadd.s32 $0xFFFFE000  }
0x42: {  	[spmem:s2] =	stream.indirect.scatter.add.f32 [tilespmem:s16], [sflag:$0x3], $0x40, s23, s15, $0xb8;
	[tilespmem:$0x13F60] =	vst v63  }
0x43: {  	_ =	swait.ge [sflag:s12], $0x2000  }
0x44: {  	[sflag:s12] =	ssyncset.done $0x0  }
0x45: {  	s23 =	sadd.s32 $0x100, s22;
	[sflag:s12] =	ssyncadd.s32 $0xFFFFE000  }
0x46: {  	[tilespmem:s16], [sflag:$0x1] =	stream.indirect.gather [hbm4b:s4+s15], $0x40, s23, s15, $0xb8;
	[tilespmem:$0x13F60] =	vst v63  }
0x47: {  	_ =	swait.ge [sflag:s19], $0x2000  }
.Ltmp3:
0x48: {  	[sflag:s19] =	ssyncset.done $0x0;
	(pc) =	sbr.rel @p1 .LBB2_6-.Ltmp3, $4  }
0x49: {  	s22 =	sadd.s32 $0x2800, s22;
	[sflag:s19] =	ssyncadd.s32 $0xFFFFE000  }
0x4a: {  	[spmem:s2] =	stream.indirect.scatter.add.f32 [tilespmem:s17], [sflag:$0x3], $0x40, s22, s15, $0xb8;
	[tilespmem:$0x13F60] =	vst v63  }
0x4b: {  	_ =	swait.ge [sflag:s12], $0x2000  }
0x4c: {  	s23 =	smov.u32 s26;
	s22 =	sshra.s32 s25, $0x2;
	[sflag:s12] =	ssyncset.done $0x0  }
0x4d: {  	s23 =	sadd.s32 $0x80, s22;
	[sflag:s12] =	ssyncadd.s32 $0xFFFFE000  }
0x4e: {  	[tilespmem:s17], [sflag:$0x2] =	stream.indirect.gather [hbm4b:s4+s15], $0x40, s23, s15, $0xb8;
	[tilespmem:$0x13F60] =	vst v63  }
0x4f: {  	_ =	swait.ge [sflag:s18], $0x2000  }
0x50: {  	[sflag:s18] =	ssyncset.done $0x0  }
0x51: {  	s28 =	sadd.s32 $0x2780, s22;
	[sflag:s18] =	ssyncadd.s32 $0xFFFFE000  }
0x52: {  	[spmem:s2] =	stream.indirect.scatter.add.f32 [tilespmem:s16], [sflag:$0x3], $0x40, s28, s15, $0xb8;
	[tilespmem:$0x13F60] =	vst v63  }
0x53: {  	_ =	swait.ge [sflag:s12], $0x2000  }
0x54: {  	[sflag:s12] =	ssyncset.done $0x0  }
0x55: {  	s29 =	sadd.s32 $0x100, s22;
	[sflag:s12] =	ssyncadd.s32 $0xFFFFE000  }
0x56: {  	[tilespmem:s16], [sflag:$0x1] =	stream.indirect.gather [hbm4b:s4+s15], $0x40, s29, s15, $0xb8;
	[tilespmem:$0x13F60] =	vst v63  }
0x57: {  	_ =	swait.ge [sflag:s19], $0x2000  }
0x58: {  	[sflag:s19] =	ssyncset.done $0x0  }
0x59: {  	s30 =	sadd.s32 $0x2800, s22;
	[sflag:s19] =	ssyncadd.s32 $0xFFFFE000  }
0x5a: {  	[spmem:s2] =	stream.indirect.scatter.add.f32 [tilespmem:s17], [sflag:$0x3], $0x40, s30, s15, $0xb8;
	[tilespmem:$0x13F60] =	vst v63  }
0x5b: {  	_ =	swait.ge [sflag:s12], $0x2000  }
0x5c: {  	[sflag:s12] =	ssyncset.done $0x0  }
0x5d: {  	[sflag:s12] =	ssyncadd.s32 $0xFFFFE000  }
0x5e: {  	_ =	swait.ge [sflag:s18], $0x2000  }
0x5f: {  	[sflag:s18] =	ssyncset.done $0x0  }
0x60: {  	[sflag:s18] =	ssyncadd.s32 $0xFFFFE000  }
0x61: {  	[spmem:s2] =	stream.indirect.scatter.add.f32 [tilespmem:s16], [sflag:$0x3], $0x40, s20, s15, $0xb8;
	[tilespmem:$0x13F60] =	vst v63  }
0x62: {  	_ =	swait.ge [sflag:s12], $0x2000  }
0x63: {  	[sflag:s12] =	ssyncset.done $0x0  }
0x64: {  	[sflag:s12] =	ssyncadd.s32 $0xFFFFE000  }
0x65: {  	[bflag:$0x0] =	sbarrier.arrive $0xFFFF  }
0x66: {  	[tilespmem:s14], [sflag:$0x3] =	stream.linear.gather [spmem:s10], $0x1400, $0x38;
	[tilespmem:$0x13F60] =	vst v63  }
0x67: {  	_ =	swait.ge [sflag:s12], $0x1400  }
.Ltmp4:
0x68: {  	s31 =	sshrl.u32 s11, $0x3;
	[sflag:s12] =	ssyncset.done $0x0;
	(pc) =	sbr.rel @!p0 .LBB2_9-.Ltmp4, $4  }
0x69: {  	s22 =	sadd.s32 s31, s8;
	[sflag:s12] =	ssyncadd.s32 $0xFFFFEC00  }
0x6a: {  	[hbm4b:s22+s3] =	stream.linear.scatter [tilespmem:s14], [sflag:$0x3], $0x1400, $0x38;
	[tilespmem:$0x13F60] =	vst v63  }
0x6b: {  	s24 =	smov.u32 s11;
	_ =	swait.ge [sflag:s12], $0x1400  }
0x6c: {  	s23 =	smov.u32 s10;
	s22 =	sadd.s32 $0xFFFFFFFF, s5;
	[sflag:s12] =	ssyncset.done $0x0  }
.LBB2_8:
0x6d: {  	[sflag:s12] =	ssyncadd.s32 $0xFFFFEC00;
	s23 =	sadd.s32 $0x1400, s23;
	s24 =	sadd.s32 $0x1400, s24  }
0x6e: {  	[tilespmem:s14], [sflag:$0x3] =	stream.linear.gather [spmem:s23], $0x1400, $0x38;
	[tilespmem:$0x13F60] =	vst v63  }
0x6f: {  	p0 =	sne.s32 s22, $0x1;
	s22 =	sadd.s32 $0xFFFFFFFF, s22;
	_ =	swait.ge [sflag:s12], $0x1400  }
.Ltmp5:
0x70: {  	s25 =	sshrl.u32 s24, $0x3;
	[sflag:s12] =	ssyncset.done $0x0;
	(pc) =	sbr.rel @p0 .LBB2_8-.Ltmp5, $4  }
0x71: {  	s25 =	sadd.s32 s25, s8;
	[sflag:s12] =	ssyncadd.s32 $0xFFFFEC00  }
0x72: {  	[hbm4b:s25+s3] =	stream.linear.scatter [tilespmem:s14], [sflag:$0x3], $0x1400, $0x38;
	[tilespmem:$0x13F60] =	vst v63  }
0x73: {  	_ =	swait.ge [sflag:s12], $0x1400  }
0x74: {  	[sflag:s12] =	ssyncset.done $0x0  }
.LBB2_9:
0x75: {  	s21 =	sadd.s32 $0x1, s21  }
0x76: {  	p0 =	sne.s32 s21, s9  }
.Ltmp6:
0x77: {  	_ = 	snop;
	(pc) =	sbr.rel @p0 .LBB2_1-.Ltmp6, $2  }
0x78: {  	_ =	sdelay $0x2  }
0x79: {  	[sflag:s12] =	ssyncadd.s32 $0xFFFFEC00  }
0x7a: {  	_ =	sfence.sel $0x180000  }
0x7b: {  	[bflag:$0x0] =	sbarrier.arrive $0xFFFF  }
0x7c: {  	p0 =	sne.s32 s0, $0x0;
	_ =	strace $0x9000004A  }
0x7d: {  	s0 =	sadd.s32 @!p0 $0x100000, s1;
	[bflag:$0x2] =	sbarrier.arrive $0xFFFF  }
0x7e: {  	[sflag:s0] =	ssyncadd.tile.s32 @!p0 $0x1;
	_ =	shalt  }
.Lfunc_end2:
_tile_overlayer_lowered:
.L_overlay_start_2:
0x7f: {  	(tag) =	ssettag $0x2  }
0x80: {  	s0 =	rddreg [dreg:$0x0];
	s2 =	stileid.u32  }
0x81: {  	s1 =	rddreg [dreg:$0x1];
	p0 =	sne.s32 s2, $0x0  }
0x82: {  	s3 =	rddreg [dreg:$0x2];
	[bflag:$0x3] =	sbarrier.arrive $0xFFFF;
	s2 =	simm.s32 @!p0 $0x1C03  }
0x83: {  	[timem:s3], [sflag:s2] =	dma.local @!p0 [hbm:s0], s1  }
0x84: {  	s0 =	simm.s32 @!p0 $0x3  }
0x85: {  	_ =	swait.ge @!p0 [sflag:s0], s1  }
0x86: {  	s1 =	ssub.s32 @!p0 $0x0, s1;
	[sflag:s0] =	ssyncset.done @!p0 $0x0  }
0x87: {  	[sflag:s0] =	ssyncadd.s32 @!p0 s1  }
0x88: {  	[bflag:$0x3] =	sbarrier.arrive $0xFFFF  }
0x89: {  	_ =	shalt  }

// kernel: kernel.16.cloned.1.call-start
scs
__scs_entry_jumppad:
0x0: {  	(pc) =	sbr.rel $0x88, $3  }
0x1: {  	(tag) =	ssettag $0x0;
	lr =	simm.s32 $0x1  }
0x2: {  	[smem:$0x3F8B] =	sst lr;
	_ =	strace $0xD0000000  }
0x3: {  	_ = 	snop  }
0x4: {  	_ = 	snop  }
0x5: {  	_ = 	snop  }
0x6: {  	_ = 	snop  }
0x7: {  	_ = 	snop  }
__scs_overlays_trampoline_lowered:
0x8: {  	[smem:$0x3F9A] =	sst s0  }
0x9: {  	[smem:$0x3F9B] =	sst s1  }
0xa: {  	[smem:$0x3F9C] =	sst s2  }
0xb: {  	[smem:$0x3F9D] =	sst s3  }
0xc: {  	[smem:$0x3F9E] =	sst s4  }
0xd: {  	[smem:$0x3F9F] =	sst s5  }
0xe: {  	[smem:$0x3FA0] =	sst s6  }
0xf: {  	[smem:$0x3FA1] =	sst s7  }
0x10: {  	[smem:$0x3FA2] =	sst s8  }
0x11: {  	[smem:$0x3FA3] =	sst s9;
	s0 =	simm.s32 @!p0 $0x0  }
0x12: {  	s1 =	sld [smem:$0x3F89];
	s0 =	simm.s32 @p0 $0x1  }
0x13: {  	[smem:$0x3FA4] =	sst s0;
	s0 =	simm.s32 @!p1 $0x0  }
0x14: {  	s2 =	sld [smem:$0x3F88];
	s0 =	simm.s32 @p1 $0x1  }
0x15: {  	[smem:$0x3FA5] =	sst s0;
	s0 =	simm.s32 @!p2 $0x0  }
0x16: {  	s3 =	sld [smem:$0x3FDB];
	s0 =	simm.s32 @p2 $0x1  }
0x17: {  	s4 =	simm.s32 $0x1BF5;
	[smem:$0x3FA7] =	sst s0  }
0x18: {  	s0 =	sld [smem:$0x3F8A];
	_ =	swait.ge [sflag:s4], $0x0  }
0x19: {  	s7 =	sld [smem:$0x3F8B]  }
0x1a: {  	s8 =	sadd.s32 $0xFFFFE003, lr  }
0x1b: {  	s9 =	sadd.s32 $0xFFFFFEF7, lr;
	s5 =	simm.s32 $0xFFFFFFFF;
	p2 =	slt.u32 s8, $0xFFFFF086  }
0x1c: {  	p1 =	slt.u32 s9, $0xF7A;
	s5 =	simm.s32 @!p2 $0x0  }
0x1d: {  	s5 =	simm.s32 @p1 $0x1;
	p0 =	seq.s32 s7, s2  }
0x1e: {  	s7 =	smul.u32 @!p0 $0xF7A, s2;
	p2 =	seq.s32 @!p0 s5, $0x0  }
0x1f: {  	s9 =	smul.u32 $0xF7A, s1;
	s8 =	simm.s32 @!p0 $0x1BF5;
	p2 =	por !p2, p0  }
0x20: {  	[sflag:s8] =	ssyncset.s32 @!p0 $0xFFFFF086;
	s6 =	sadd.s32 @!p0 s3, s7;
	s7 =	simm.s32 @!p0 $0x108  }
0x21: {  	s3 =	sadd.s32 s3, s9;
	s6 =	sadd.s32 @!p0 $0x88, s6;
	s7 =	simm.s32 @p2 $0x1082  }
0x22: {  	[simem:s7], [sflag:s8] =	dma.local @!p0 [hbm:s6], $0xF7A  }
0x23: {  	s9 =	sor.u32 $0xD0000000, s2;
	s6 =	simm.s32 $0x108;
	_ =	swait.ge @!p0 [sflag:s8], $0x0  }
0x24: {  	s3 =	sadd.s32 $0x88, s3;
	s6 =	simm.s32 @!p1 $0x1082;
	[sflag:s4] =	ssyncset.s32 $0xFFFFF086  }
0x25: {  	[simem:s6], [sflag:s4] =	dma.local [hbm:s3], $0xF7A  }
0x26: {  	[smem:$0x3F8B] =	sst s1;
	(tag) =	ssettag s2;
	_ =	strace s9  }
0x27: {  	s1 =	sld [smem:$0x3F9B]  }
0x28: {  	s2 =	sld [smem:$0x3F9C]  }
0x29: {  	s4 =	sld [smem:$0x3F9E]  }
0x2a: {  	p0 =	seq.s32 s5, $0x0;
	s5 =	sld [smem:$0x3F9F]  }
0x2b: {  	s6 =	sld [smem:$0x3FA0]  }
0x2c: {  	s7 =	sld [smem:$0x3FA1]  }
0x2d: {  	s3 =	simm.s32 $0x108;
	s8 =	sld [smem:$0x3FA2]  }
0x2e: {  	s3 =	simm.s32 @!p0 $0x1082;
	s9 =	sld [smem:$0x3FA3]  }
0x2f: {  	lr =	sadd.s32 s0, s3;
	s0 =	sld [smem:$0x3F9A]  }
0x30: {  	s3 =	sld [smem:$0x3F9D]  }
0x31: {  	[smem:$0x3FA6] =	sst s10  }
0x32: {  	s10 =	sld [smem:$0x3FA4];
	_ =	sdelay $0x3  }
0x33: {  	p0 =	seq.s32 s10, $0x1;
	s10 =	sld [smem:$0x3FA6];
	_ =	sdelay $0x3  }
0x34: {  	[smem:$0x3FA6] =	sst s10  }
0x35: {  	s10 =	sld [smem:$0x3FA5];
	_ =	sdelay $0x3  }
0x36: {  	p1 =	seq.s32 s10, $0x1;
	s10 =	sld [smem:$0x3FA6];
	_ =	sdelay $0x3  }
0x37: {  	[smem:$0x3FA6] =	sst s10  }
0x38: {  	s10 =	sld [smem:$0x3FA7]  }
0x39: {  	_ = 	snop;
	(pc) =	sbr.ind lr, $3  }
0x3a: {  	_ = 	snop  }
0x3b: {  	_ = 	snop  }
0x3c: {  	p2 =	seq.s32 s10, $0x1;
	s10 =	sld [smem:$0x3FA6]  }
0x3d: {  	_ =	shalt  }
0x3e: {  	_ =	shalt  }
0x3f: {  	_ =	shalt  }
0x40: {  	_ =	shalt  }
0x41: {  	_ =	shalt  }
0x42: {  	_ =	shalt  }
0x43: {  	_ =	shalt  }
0x44: {  	_ =	shalt  }
0x45: {  	_ =	shalt  }
0x46: {  	_ =	shalt  }
0x47: {  	_ =	shalt  }
0x48: {  	_ =	shalt  }
0x49: {  	_ =	shalt  }
0x4a: {  	_ =	shalt  }
0x4b: {  	_ =	shalt  }
0x4c: {  	_ =	shalt  }
0x4d: {  	_ =	shalt  }
0x4e: {  	_ =	shalt  }
0x4f: {  	_ =	shalt  }
0x50: {  	_ =	shalt  }
0x51: {  	_ =	shalt  }
0x52: {  	_ =	shalt  }
0x53: {  	_ =	shalt  }
0x54: {  	_ =	shalt  }
0x55: {  	_ =	shalt  }
0x56: {  	_ =	shalt  }
0x57: {  	_ =	shalt  }
0x58: {  	_ =	shalt  }
0x59: {  	_ =	shalt  }
0x5a: {  	_ =	shalt  }
0x5b: {  	_ =	shalt  }
0x5c: {  	_ =	shalt  }
0x5d: {  	_ =	shalt  }
0x5e: {  	_ =	shalt  }
0x5f: {  	_ =	shalt  }
0x60: {  	_ =	shalt  }
0x61: {  	_ =	shalt  }
0x62: {  	_ =	shalt  }
0x63: {  	_ =	shalt  }
0x64: {  	_ =	shalt  }
0x65: {  	_ =	shalt  }
0x66: {  	_ =	shalt  }
0x67: {  	_ =	shalt  }
0x68: {  	_ =	shalt  }
0x69: {  	_ =	shalt  }
0x6a: {  	_ =	shalt  }
0x6b: {  	_ =	shalt  }
0x6c: {  	_ =	shalt  }
0x6d: {  	_ =	shalt  }
0x6e: {  	_ =	shalt  }
0x6f: {  	_ =	shalt  }
0x70: {  	_ =	shalt  }
0x71: {  	_ =	shalt  }
0x72: {  	_ =	shalt  }
0x73: {  	_ =	shalt  }
0x74: {  	_ =	shalt  }
0x75: {  	_ =	shalt  }
0x76: {  	_ =	shalt  }
0x77: {  	_ =	shalt  }
0x78: {  	_ =	shalt  }
0x79: {  	_ =	shalt  }
0x7a: {  	_ =	shalt  }
0x7b: {  	_ =	shalt  }
0x7c: {  	_ =	shalt  }
0x7d: {  	_ =	shalt  }
0x7e: {  	_ =	shalt  }
0x7f: {  	_ =	shalt  }
0x80: {  	_ =	shalt  }
0x81: {  	_ =	shalt  }
0x82: {  	_ =	shalt  }
0x83: {  	_ =	shalt  }
0x84: {  	_ =	shalt  }
0x85: {  	_ =	shalt  }
0x86: {  	_ =	shalt  }
0x87: {  	_ =	shalt  }
.Lfunc_end0:
.L_simem_size_0:
called_computation.2_lowered:
.L_overlay_start_0:
0x88: {  	s2 =	sld [smem:$0x3FD9]  }
0x89: {  	s3 =	sld [smem:$0x3FFE];
	_ =	sdelay $0x1  }
0x8a: {  	s1 =	srdreg.scid  }
0x8b: {  	s0 =	sand.u32 $0x1, s1  }
0x8c: {  	s17 =	sshll.u32 s0, $0xA;
	s2 =	sadd.s32 s3, s2  }
0x8d: {  	s2 =	sadd.s32 s2, s17  }
0x8e: {  	[smem:$0x3FB2] =	sst s2  }
0x8f: {  	_ = 	snop  }
0x90: {  	(tm) =	ssettm $0x1  }
0x91: {  	s18 =	sld [smem:$0x3FFB];
	_ =	sdelay $0x3  }
0x92: {  	_ =	strace s18  }
0x93: {  	s2 =	sld [smem:$0x3FFC];
	_ =	sdelay $0x3  }
0x94: {  	_ =	strace s2  }
0x95: {  	s2 =	sld [smem:$0x3FFD];
	_ =	sdelay $0x3  }
0x96: {  	_ =	strace s2  }
0x97: {  	_ =	strace $0x8FFFFFFF  }
0x98: {  	s19 =	sld [smem:$0x3FDB];
	_ =	sdelay $0x1  }
0x99: {  	s20 =	simm.s32 $_scs_section_size  }
0x9a: {  	s4 =	simm.s32 $_size__tile_overlayer_lowered;
	s5 =	simm.s32 $_tile_overlayer_lowered  }
0x9b: {  	s6 =	simm.s32 $0x1BFF;
	s21 =	sshll.u32 s5, $0x1;
	s3 =	sadd.s32 s20, s19  }
0x9c: {  	s22 =	simm.s32 $0x0;
	s4 =	sshll.u32 s4, $0x1;
	s5 =	sadd.s32 s21, s3  }
0x9d: {  	[timem:s22], [sflag:s6] =	dma.local [hbm:s5], s4  }
0x9e: {  	_ =	swait.ge [sflag:s6], s4  }
0x9f: {  	s4 =	ssub.s32 $0x0, s4;
	[sflag:s6] =	ssyncset.done $0x0  }
0xa0: {  	[sflag:s6] =	ssyncadd.s32 s4;
	_ =	sdelay $0x1  }
0xa1: {  	s23 =	simm.s32 $0x1B8B  }
0xa2: {  	_ =	swait.ge [sflag:s23], $0x1  }
0xa3: {  	[sflag:s23] =	ssyncset.done $0x0  }
0xa4: {  	[sflag:s23] =	ssyncadd.s32 $0xFFFFFFFF  }
0xa5: {  	s4 =	sld [smem:$0x0]  }
0xa6: {  	s5 =	sand.u32 $0xFFFFFFFE, s1  }
0xa7: {  	p0 =	sne.s32 s1, s5  }
0xa8: {  	s5 =	sshll.u32 @p0 s5, $0xE  }
0xa9: {  	s5 =	sadd.s32 @p0 $0x11B8D, s5;
	s6 =	sshll.u32 @p0 s4, $0x11  }
0xaa: {  	s5 =	sor.u32 @p0 s6, s5  }
0xab: {  	[sflag:s5] =	ssyncadd.remote.s32 @p0 $0x1;
	_ =	sdelay $0x1  }
0xac: {  	s5 =	simm.s32 @p0 $0x1B8D  }
0xad: {  	_ =	swait.eq @p0 [sflag:s5], $0x1  }
0xae: {  	[sflag:s5] =	ssyncadd.s32 @p0 $0xFFFFFFFF  }
0xaf: {  	s6 =	sshll.u32 @!p0 s1, $0xE  }
0xb0: {  	s6 =	sor.u32 @!p0 $0x4000, s6;
	s5 =	simm.s32 @!p0 $0x1B8D  }
0xb1: {  	s4 =	sshll.u32 @!p0 s4, $0x11;
	s6 =	sadd.s32 @!p0 $0x11B8D, s6;
	_ =	swait.eq @!p0 [sflag:s5], $0x1  }
0xb2: {  	s4 =	sor.u32 @!p0 s4, s6;
	[sflag:s5] =	ssyncadd.s32 @!p0 $0xFFFFFFFF  }
0xb3: {  	s25 =	simm.s32 $0x1B8E;
	s24 =	sld [smem:$0x3FFE];
	[sflag:s4] =	ssyncadd.remote.s32 @!p0 $0x1  }
0xb4: {  	s26 =	simm.s32 $execute0_lowered;
	[smem:$0x3FD2] =	sst s25  }
0xb5: {  	s5 =	sshll.u32 s26, $0x1;
	_ =	strace $0x8000004C;
	[dreg:$0x1] =	wrdreg $0xFFFFFFFF  }
0xb6: {  	s28 =	simm.s32 $_size_execute0_lowered;
	s3 =	sadd.s32 s3, s5;
	[dreg:$0x0] =	wrdreg $0x0  }
0xb7: {  	s5 =	sshll.u32 s28, $0x1;
	[dreg:$0x2] =	wrdreg s3  }
0xb8: {  	[dreg:$0x3] =	wrdreg s5  }
0xb9: {  	[dreg:$0x4] =	wrdreg $0xC0  }
0xba: {  	_ =	task [dreg:s22], $0x5FFFF  }
0xbb: {  	[dreg:$0x1] =	wrdreg $0xFFFFFFFF  }
0xbc: {  	[dreg:$0x0] =	wrdreg $0x60  }
0xbd: {  	[dreg:$0x2] =	wrdreg s24  }
0xbe: {  	[dreg:$0x3] =	wrdreg $0xA3000  }
0xbf: {  	[dreg:$0x4] =	wrdreg $0xA  }
0xc0: {  	_ =	task.clear_ibuf [dreg:s22], $0x5FFFF;
	_ =	strace $0x9000004C  }
0xc1: {  	s29 =	simm.s32 $0xA;
	_ =	strace $0x8000004E  }
0xc2: {  	_ =	swait.ge [sflag:s29], $0x1  }
0xc3: {  	[sflag:s29] =	ssyncadd.s32 $0xFFFFFFFF  }
0xc4: {  	_ =	strace $0x9000004E  }
0xc5: {  	_ =	sfence  }
0xc6: {  	s30 =	sld [smem:$0x0];
	_ =	sdelay $0x2  }
0xc7: {  	s31 =	sshll.u32 s1, $0xD;
	s1 =	sshrl.u32 s1, $0x2  }
0xc8: {  	s4 =	sand.u32 $0x4000, s31;
	s1 =	sadd.s32 s1, s30  }
0xc9: {  	s0 =	sor.u32 s4, s0;
	s1 =	sshll.u32 s1, $0x11  }
0xca: {  	s0 =	sor.u32 s1, s0  }
0xcb: {  	s0 =	sadd.s32 $0x8F2B, s0  }
0xcc: {  	[sflag:s0] =	ssyncadd.remote.s32 $0x1  }
0xcd: {  	_ =	sfence.sel $0xFFFF  }
0xce: {  	[dreg:$0x0] =	wrdreg $0xFFFFFFFF;
	(pc) =	sbr.abs _section_cstart, $3  }
0xcf: {  	[dreg:$0x1] =	wrdreg $0xFFFFFFFF  }
0xd0: {  	_ =	task.clear_ibuf [dreg:s22], $0x2FFFF;
	_ =	strace $0x9FFFFFFF  }
0xd1: {  	(tm) =	ssettm $0x7FFFFFFF  }
tec
execute0_lowered:
.L_overlay_start_1:
0x0: {  	(tag) =	ssettag $0x1  }
0x1: {  	s5 =	rddreg [dreg:$0x0]  }
0x2: {  	s0 =	srdreg.scid;
	s2 =	rddreg [dreg:$0x1];
	s3 =	simm.s32 $0x0  }
0x3: {  	s13 =	simm.s32 $0x2780;
	s14 =	simm.s32 $0x8F00;
	s15 =	simm.s32 $0x80  }
0x4: {  	s16 =	simm.s32 $0x4F00;
	s17 =	simm.s32 $0x6F00;
	s18 =	simm.s32 $0x1  }
0x5: {  	s19 =	simm.s32 $0x2;
	s20 =	simm.s32 $0x4E80;
	s21 =	simm.s32 $0x0  }
0x6: {  	s4 =	sand.u32 $0x1, s0;
	s0 =	stileid.u32;
	[smem:$0x7FF] =	sst s3  }
0x7: {  	s1 =	sshll.u32 s4, $0x4;
	s7 =	smul.u32 $0x138C0, s4;
	s8 =	ssub.s32 $0x2, s4  }
0x8: {  	s4 =	sadd.s32 $0xBA600, s5;
	p0 =	seq.s32 s0, $0xF;
	s12 =	smul.u32 $0x28000, s0  }
0x9: {  	s6 =	sor.u32 s0, s1;
	s1 =	rddreg [dreg:$0x2];
	_ =	strace $0x8000004D  }
0xa: {  	s9 =	sshrl.u32 s8, $0x1;
	s6 =	smul.u32 $0x4F0, s6;
	s11 =	sadd.s32 s7, s5  }
0xb: {  	s9 =	ssub.s32 s8, s9;
	s31 =	sshrl.u32 s12, $0x2;
	s12 =	simm.s32 $0x3  }
0xc: {  	s8 =	sadd.s32 $0xCE000, s11;
	s10 =	sadd.s32 s6, s5;
	s5 =	simm.s32 $0x5  }
0xd: {  	s9 =	smax.u32 s9, $0x1;
	s11 =	smul.u32 $0xA000, s0;
	s5 =	simm.s32 @!p0 $0x8  }
0xe: {  	v0 =	vimm.f32 $0.0e+00;
	s6 =	sadd.s32 $0x14200, s10;
	s7 =	sadd.s32 $0x5000, s10;
	s10 =	sadd.s32 s31, s2  }
.LBB2_1:
0xf: {  	[tilespmem:s3], [sflag:$0x3] =	stream.linear.gather [hbm4b:s6+s3], $0x2780, $0x38;
	[tilespmem:$0x13F60] =	vst v63  }
0x10: {  	_ =	swait.ge [sflag:s12], $0x2780  }
0x11: {  	[sflag:s12] =	ssyncset.done $0x0  }
0x12: {  	[sflag:s12] =	ssyncadd.s32 $0xFFFFD880  }
0x13: {  	[tilespmem:s13], [sflag:$0x3] =	stream.linear.gather [hbm4b:s7+s3], $0x2780, $0x38;
	[tilespmem:$0x13F60] =	vst v63  }
0x14: {  	_ =	swait.ge [sflag:s12], $0x2780  }
0x15: {  	[sflag:s12] =	ssyncset.done $0x0  }
0x16: {  	s23 =	simm.s32 $0x100;
	s22 =	simm.s32 $0x0;
	[sflag:s12] =	ssyncadd.s32 $0xFFFFD880  }
.LBB2_2:
0x17: {  	p0 =	sne.s32 s23, $0x4F00;
	[tilespmem:s22+$0x8F30] =	vst v0;
	s24 =	smov.u32 s23;
	s23 =	sadd.s32 $0x100, s23  }
.Ltmp0:
0x18: {  	[tilespmem:s22+$0x8F20] =	vst v0;
	(pc) =	sbr.rel @p0 .LBB2_2-.Ltmp0, $3  }
0x19: {  	[tilespmem:s22+$0x8F00] =	vst v0  }
0x1a: {  	[tilespmem:s22+$0x8F10] =	vst v0;
	_ =	sdelay $0x1  }
0x1b: {  	s22 =	sshra.s32 s24, $0x2  }
0x1c: {  	[tilespmem:s22+$0x8F30] =	vst v0  }
0x1d: {  	[tilespmem:s22+$0x8F20] =	vst v0;
	p0 =	sne.s32 s5, $0x1  }
.Ltmp1:
0x1e: {  	[tilespmem:s22+$0x8F00] =	vst v0;
	(pc) =	sbr.rel @!p0 .LBB2_5-.Ltmp1, $4  }
0x1f: {  	[tilespmem:s22+$0x8F10] =	vst v0  }
0x20: {  	[spmem:s10] =	stream.linear.scatter [tilespmem:s14], [sflag:$0x3], $0x1400, $0x38;
	[tilespmem:$0x13F60] =	vst v63  }
0x21: {  	_ =	swait.ge [sflag:s12], $0x1400  }
0x22: {  	s22 =	sadd.s32 $0xFFFFFFFF, s5;
	s23 =	smov.u32 s10;
	[sflag:s12] =	ssyncset.done $0x0  }
.LBB2_4:
0x23: {  	p1 =	sne.s32 s22, $0x1;
	[sflag:s12] =	ssyncadd.s32 $0xFFFFEC00;
	s23 =	sadd.s32 $0x1400, s23  }
.Ltmp2:
0x24: {  	s22 =	sadd.s32 $0xFFFFFFFF, s22;
	(pc) =	sbr.rel @p1 .LBB2_4-.Ltmp2, $4  }
0x25: {  	_ = 	snop  }
0x26: {  	[spmem:s23] =	stream.linear.scatter [tilespmem:s14], [sflag:$0x3], $0x1400, $0x38;
	[tilespmem:$0x13F60] =	vst v63  }
0x27: {  	_ =	swait.ge [sflag:s12], $0x1400  }
0x28: {  	[sflag:s12] =	ssyncset.done $0x0  }
.LBB2_5:
0x29: {  	[sflag:s12] =	ssyncadd.s32 $0xFFFFEC00  }
0x2a: {  	s22 =	simm.s32 $0x0;
	[bflag:$0x0] =	sbarrier.arrive $0xFFFF  }
0x2b: {  	[tilespmem:s16], [sflag:$0x1] =	stream.indirect.gather [hbm4b:s4+s15], $0x40, s22, s15, $0xb8;
	[tilespmem:$0x13F60] =	vst v63  }
0x2c: {  	s28 =	simm.s32 $0x80  }
0x2d: {  	[tilespmem:s17], [sflag:$0x2] =	stream.indirect.gather [hbm4b:s4+s15], $0x40, s28, s15, $0xb8;
	[tilespmem:$0x13F60] =	vst v63  }
0x2e: {  	_ =	swait.ge [sflag:s18], $0x2000  }
0x2f: {  	[sflag:s18] =	ssyncset.done $0x0  }
0x30: {  	s29 =	simm.s32 $0x2780;
	[sflag:s18] =	ssyncadd.s32 $0xFFFFE000  }
0x31: {  	[spmem:s2] =	stream.indirect.scatter.add.f32 [tilespmem:s16], [sflag:$0x3], $0x40, s29, s15, $0xb8;
	[tilespmem:$0x13F60] =	vst v63  }
0x32: {  	_ =	swait.ge [sflag:s12], $0x2000  }
0x33: {  	[sflag:s12] =	ssyncset.done $0x0  }
0x34: {  	s30 =	simm.s32 $0x100;
	[sflag:s12] =	ssyncadd.s32 $0xFFFFE000  }
0x35: {  	[tilespmem:s16], [sflag:$0x1] =	stream.indirect.gather [hbm4b:s4+s15], $0x40, s30, s15, $0xb8;
	[tilespmem:$0x13F60] =	vst v63  }
0x36: {  	_ =	swait.ge [sflag:s19], $0x2000  }
0x37: {  	[sflag:s19] =	ssyncset.done $0x0  }
0x38: {  	s31 =	simm.s32 $0x2800;
	[sflag:s19] =	ssyncadd.s32 $0xFFFFE000  }
0x39: {  	[spmem:s2] =	stream.indirect.scatter.add.f32 [tilespmem:s17], [sflag:$0x3], $0x40, s31, s15, $0xb8;
	[tilespmem:$0x13F60] =	vst v63  }
0x3a: {  	_ =	swait.ge [sflag:s12], $0x2000  }
0x3b: {  	s23 =	simm.s32 $0x800;
	s22 =	simm.s32 $0x100;
	[sflag:s12] =	ssyncset.done $0x0  }
.LBB2_6:
0x3c: {  	s24 =	sadd.s32 $0x80, s22  }
0x3d: {  	[sflag:s12] =	ssyncadd.s32 $0xFFFFE000;
	s25 =	smov.u32 s23;
	s26 =	sadd.s32 $0x400, s23  }
0x3e: {  	[tilespmem:s17], [sflag:$0x2] =	stream.indirect.gather [hbm4b:s4+s15], $0x40, s24, s15, $0xb8;
	[tilespmem:$0x13F60] =	vst v63  }
0x3f: {  	p1 =	sne.s32 s23, $0x9800;
	_ =	swait.ge [sflag:s18], $0x2000  }
0x40: {  	[sflag:s18] =	ssyncset.done $0x0  }
0x41: {  	s23 =	sadd.s32 $0x2780, s22;
	[sflag:s18] =	ssyncadd.s32 $0xFFFFE000  }
0x42: {  	[spmem:s2] =	stream.indirect.scatter.add.f32 [tilespmem:s16], [sflag:$0x3], $0x40, s23, s15, $0xb8;
	[tilespmem:$0x13F60] =	vst v63  }
0x43: {  	_ =	swait.ge [sflag:s12], $0x2000  }
0x44: {  	[sflag:s12] =	ssyncset.done $0x0  }
0x45: {  	s23 =	sadd.s32 $0x100, s22;
	[sflag:s12] =	ssyncadd.s32 $0xFFFFE000  }
0x46: {  	[tilespmem:s16], [sflag:$0x1] =	stream.indirect.gather [hbm4b:s4+s15], $0x40, s23, s15, $0xb8;
	[tilespmem:$0x13F60] =	vst v63  }
0x47: {  	_ =	swait.ge [sflag:s19], $0x2000  }
.Ltmp3:
0x48: {  	[sflag:s19] =	ssyncset.done $0x0;
	(pc) =	sbr.rel @p1 .LBB2_6-.Ltmp3, $4  }
0x49: {  	s22 =	sadd.s32 $0x2800, s22;
	[sflag:s19] =	ssyncadd.s32 $0xFFFFE000  }
0x4a: {  	[spmem:s2] =	stream.indirect.scatter.add.f32 [tilespmem:s17], [sflag:$0x3], $0x40, s22, s15, $0xb8;
	[tilespmem:$0x13F60] =	vst v63  }
0x4b: {  	_ =	swait.ge [sflag:s12], $0x2000  }
0x4c: {  	s23 =	smov.u32 s26;
	s22 =	sshra.s32 s25, $0x2;
	[sflag:s12] =	ssyncset.done $0x0  }
0x4d: {  	s23 =	sadd.s32 $0x80, s22;
	[sflag:s12] =	ssyncadd.s32 $0xFFFFE000  }
0x4e: {  	[tilespmem:s17], [sflag:$0x2] =	stream.indirect.gather [hbm4b:s4+s15], $0x40, s23, s15, $0xb8;
	[tilespmem:$0x13F60] =	vst v63  }
0x4f: {  	_ =	swait.ge [sflag:s18], $0x2000  }
0x50: {  	[sflag:s18] =	ssyncset.done $0x0  }
0x51: {  	s28 =	sadd.s32 $0x2780, s22;
	[sflag:s18] =	ssyncadd.s32 $0xFFFFE000  }
0x52: {  	[spmem:s2] =	stream.indirect.scatter.add.f32 [tilespmem:s16], [sflag:$0x3], $0x40, s28, s15, $0xb8;
	[tilespmem:$0x13F60] =	vst v63  }
0x53: {  	_ =	swait.ge [sflag:s12], $0x2000  }
0x54: {  	[sflag:s12] =	ssyncset.done $0x0  }
0x55: {  	s29 =	sadd.s32 $0x100, s22;
	[sflag:s12] =	ssyncadd.s32 $0xFFFFE000  }
0x56: {  	[tilespmem:s16], [sflag:$0x1] =	stream.indirect.gather [hbm4b:s4+s15], $0x40, s29, s15, $0xb8;
	[tilespmem:$0x13F60] =	vst v63  }
0x57: {  	_ =	swait.ge [sflag:s19], $0x2000  }
0x58: {  	[sflag:s19] =	ssyncset.done $0x0  }
0x59: {  	s30 =	sadd.s32 $0x2800, s22;
	[sflag:s19] =	ssyncadd.s32 $0xFFFFE000  }
0x5a: {  	[spmem:s2] =	stream.indirect.scatter.add.f32 [tilespmem:s17], [sflag:$0x3], $0x40, s30, s15, $0xb8;
	[tilespmem:$0x13F60] =	vst v63  }
0x5b: {  	_ =	swait.ge [sflag:s12], $0x2000  }
0x5c: {  	[sflag:s12] =	ssyncset.done $0x0  }
0x5d: {  	[sflag:s12] =	ssyncadd.s32 $0xFFFFE000  }
0x5e: {  	_ =	swait.ge [sflag:s18], $0x2000  }
0x5f: {  	[sflag:s18] =	ssyncset.done $0x0  }
0x60: {  	[sflag:s18] =	ssyncadd.s32 $0xFFFFE000  }
0x61: {  	[spmem:s2] =	stream.indirect.scatter.add.f32 [tilespmem:s16], [sflag:$0x3], $0x40, s20, s15, $0xb8;
	[tilespmem:$0x13F60] =	vst v63  }
0x62: {  	_ =	swait.ge [sflag:s12], $0x2000  }
0x63: {  	[sflag:s12] =	ssyncset.done $0x0  }
0x64: {  	[sflag:s12] =	ssyncadd.s32 $0xFFFFE000  }
0x65: {  	[bflag:$0x0] =	sbarrier.arrive $0xFFFF  }
0x66: {  	[tilespmem:s14], [sflag:$0x3] =	stream.linear.gather [spmem:s10], $0x1400, $0x38;
	[tilespmem:$0x13F60] =	vst v63  }
0x67: {  	_ =	swait.ge [sflag:s12], $0x1400  }
.Ltmp4:
0x68: {  	s31 =	sshrl.u32 s11, $0x3;
	[sflag:s12] =	ssyncset.done $0x0;
	(pc) =	sbr.rel @!p0 .LBB2_9-.Ltmp4, $4  }
0x69: {  	s22 =	sadd.s32 s31, s8;
	[sflag:s12] =	ssyncadd.s32 $0xFFFFEC00  }
0x6a: {  	[hbm4b:s22+s3] =	stream.linear.scatter [tilespmem:s14], [sflag:$0x3], $0x1400, $0x38;
	[tilespmem:$0x13F60] =	vst v63  }
0x6b: {  	s24 =	smov.u32 s11;
	_ =	swait.ge [sflag:s12], $0x1400  }
0x6c: {  	s23 =	smov.u32 s10;
	s22 =	sadd.s32 $0xFFFFFFFF, s5;
	[sflag:s12] =	ssyncset.done $0x0  }
.LBB2_8:
0x6d: {  	[sflag:s12] =	ssyncadd.s32 $0xFFFFEC00;
	s23 =	sadd.s32 $0x1400, s23;
	s24 =	sadd.s32 $0x1400, s24  }
0x6e: {  	[tilespmem:s14], [sflag:$0x3] =	stream.linear.gather [spmem:s23], $0x1400, $0x38;
	[tilespmem:$0x13F60] =	vst v63  }
0x6f: {  	p0 =	sne.s32 s22, $0x1;
	s22 =	sadd.s32 $0xFFFFFFFF, s22;
	_ =	swait.ge [sflag:s12], $0x1400  }
.Ltmp5:
0x70: {  	s25 =	sshrl.u32 s24, $0x3;
	[sflag:s12] =	ssyncset.done $0x0;
	(pc) =	sbr.rel @p0 .LBB2_8-.Ltmp5, $4  }
0x71: {  	s25 =	sadd.s32 s25, s8;
	[sflag:s12] =	ssyncadd.s32 $0xFFFFEC00  }
0x72: {  	[hbm4b:s25+s3] =	stream.linear.scatter [tilespmem:s14], [sflag:$0x3], $0x1400, $0x38;
	[tilespmem:$0x13F60] =	vst v63  }
0x73: {  	_ =	swait.ge [sflag:s12], $0x1400  }
0x74: {  	[sflag:s12] =	ssyncset.done $0x0  }
.LBB2_9:
0x75: {  	s21 =	sadd.s32 $0x1, s21  }
0x76: {  	p0 =	sne.s32 s21, s9  }
.Ltmp6:
0x77: {  	_ = 	snop;
	(pc) =	sbr.rel @p0 .LBB2_1-.Ltmp6, $2  }
0x78: {  	_ =	sdelay $0x2  }
0x79: {  	[sflag:s12] =	ssyncadd.s32 $0xFFFFEC00  }
0x7a: {  	_ =	sfence.sel $0x180000  }
0x7b: {  	[bflag:$0x0] =	sbarrier.arrive $0xFFFF  }
0x7c: {  	p0 =	sne.s32 s0, $0x0;
	_ =	strace $0x9000004D  }
0x7d: {  	s0 =	sadd.s32 @!p0 $0x100000, s1;
	[bflag:$0x2] =	sbarrier.arrive $0xFFFF  }
0x7e: {  	[sflag:s0] =	ssyncadd.tile.s32 @!p0 $0x1;
	_ =	shalt  }
.Lfunc_end2:
_tile_overlayer_lowered:
.L_overlay_start_2:
0x7f: {  	(tag) =	ssettag $0x2  }
0x80: {  	s0 =	rddreg [dreg:$0x0];
	s2 =	stileid.u32  }
0x81: {  	s1 =	rddreg [dreg:$0x1];
	p0 =	sne.s32 s2, $0x0  }
0x82: {  	s3 =	rddreg [dreg:$0x2];
	[bflag:$0x3] =	sbarrier.arrive $0xFFFF;
	s2 =	simm.s32 @!p0 $0x1C03  }
0x83: {  	[timem:s3], [sflag:s2] =	dma.local @!p0 [hbm:s0], s1  }
0x84: {  	s0 =	simm.s32 @!p0 $0x3  }
0x85: {  	_ =	swait.ge @!p0 [sflag:s0], s1  }
0x86: {  	s1 =	ssub.s32 @!p0 $0x0, s1;
	[sflag:s0] =	ssyncset.done @!p0 $0x0  }
0x87: {  	[sflag:s0] =	ssyncadd.s32 @!p0 s1  }
0x88: {  	[bflag:$0x3] =	sbarrier.arrive $0xFFFF  }
0x89: {  	_ =	shalt  }

// kernel: kernel.19.cloned.1.call-start
scs
__scs_entry_jumppad:
0x0: {  	(pc) =	sbr.rel $0x88, $3  }
0x1: {  	(tag) =	ssettag $0x0;
	lr =	simm.s32 $0x1  }
0x2: {  	[smem:$0x3F8B] =	sst lr;
	_ =	strace $0xD0000000  }
0x3: {  	_ = 	snop  }
0x4: {  	_ = 	snop  }
0x5: {  	_ = 	snop  }
0x6: {  	_ = 	snop  }
0x7: {  	_ = 	snop  }
__scs_overlays_trampoline_lowered:
0x8: {  	[smem:$0x3F9A] =	sst s0  }
0x9: {  	[smem:$0x3F9B] =	sst s1  }
0xa: {  	[smem:$0x3F9C] =	sst s2  }
0xb: {  	[smem:$0x3F9D] =	sst s3  }
0xc: {  	[smem:$0x3F9E] =	sst s4  }
0xd: {  	[smem:$0x3F9F] =	sst s5  }
0xe: {  	[smem:$0x3FA0] =	sst s6  }
0xf: {  	[smem:$0x3FA1] =	sst s7  }
0x10: {  	[smem:$0x3FA2] =	sst s8  }
0x11: {  	[smem:$0x3FA3] =	sst s9;
	s0 =	simm.s32 @!p0 $0x0  }
0x12: {  	s1 =	sld [smem:$0x3F89];
	s0 =	simm.s32 @p0 $0x1  }
0x13: {  	[smem:$0x3FA4] =	sst s0;
	s0 =	simm.s32 @!p1 $0x0  }
0x14: {  	s2 =	sld [smem:$0x3F88];
	s0 =	simm.s32 @p1 $0x1  }
0x15: {  	[smem:$0x3FA5] =	sst s0;
	s0 =	simm.s32 @!p2 $0x0  }
0x16: {  	s3 =	sld [smem:$0x3FDB];
	s0 =	simm.s32 @p2 $0x1  }
0x17: {  	s4 =	simm.s32 $0x1BF5;
	[smem:$0x3FA7] =	sst s0  }
0x18: {  	s0 =	sld [smem:$0x3F8A];
	_ =	swait.ge [sflag:s4], $0x0  }
0x19: {  	s7 =	sld [smem:$0x3F8B]  }
0x1a: {  	s8 =	sadd.s32 $0xFFFFE003, lr  }
0x1b: {  	s9 =	sadd.s32 $0xFFFFFEF7, lr;
	s5 =	simm.s32 $0xFFFFFFFF;
	p2 =	slt.u32 s8, $0xFFFFF086  }
0x1c: {  	p1 =	slt.u32 s9, $0xF7A;
	s5 =	simm.s32 @!p2 $0x0  }
0x1d: {  	s5 =	simm.s32 @p1 $0x1;
	p0 =	seq.s32 s7, s2  }
0x1e: {  	s7 =	smul.u32 @!p0 $0xF7A, s2;
	p2 =	seq.s32 @!p0 s5, $0x0  }
0x1f: {  	s9 =	smul.u32 $0xF7A, s1;
	s8 =	simm.s32 @!p0 $0x1BF5;
	p2 =	por !p2, p0  }
0x20: {  	[sflag:s8] =	ssyncset.s32 @!p0 $0xFFFFF086;
	s6 =	sadd.s32 @!p0 s3, s7;
	s7 =	simm.s32 @!p0 $0x108  }
0x21: {  	s3 =	sadd.s32 s3, s9;
	s6 =	sadd.s32 @!p0 $0x88, s6;
	s7 =	simm.s32 @p2 $0x1082  }
0x22: {  	[simem:s7], [sflag:s8] =	dma.local @!p0 [hbm:s6], $0xF7A  }
0x23: {  	s9 =	sor.u32 $0xD0000000, s2;
	s6 =	simm.s32 $0x108;
	_ =	swait.ge @!p0 [sflag:s8], $0x0  }
0x24: {  	s3 =	sadd.s32 $0x88, s3;
	s6 =	simm.s32 @!p1 $0x1082;
	[sflag:s4] =	ssyncset.s32 $0xFFFFF086  }
0x25: {  	[simem:s6], [sflag:s4] =	dma.local [hbm:s3], $0xF7A  }
0x26: {  	[smem:$0x3F8B] =	sst s1;
	(tag) =	ssettag s2;
	_ =	strace s9  }
0x27: {  	s1 =	sld [smem:$0x3F9B]  }
0x28: {  	s2 =	sld [smem:$0x3F9C]  }
0x29: {  	s4 =	sld [smem:$0x3F9E]  }
0x2a: {  	p0 =	seq.s32 s5, $0x0;
	s5 =	sld [smem:$0x3F9F]  }
0x2b: {  	s6 =	sld [smem:$0x3FA0]  }
0x2c: {  	s7 =	sld [smem:$0x3FA1]  }
0x2d: {  	s3 =	simm.s32 $0x108;
	s8 =	sld [smem:$0x3FA2]  }
0x2e: {  	s3 =	simm.s32 @!p0 $0x1082;
	s9 =	sld [smem:$0x3FA3]  }
0x2f: {  	lr =	sadd.s32 s0, s3;
	s0 =	sld [smem:$0x3F9A]  }
0x30: {  	s3 =	sld [smem:$0x3F9D]  }
0x31: {  	[smem:$0x3FA6] =	sst s10  }
0x32: {  	s10 =	sld [smem:$0x3FA4];
	_ =	sdelay $0x3  }
0x33: {  	p0 =	seq.s32 s10, $0x1;
	s10 =	sld [smem:$0x3FA6];
	_ =	sdelay $0x3  }
0x34: {  	[smem:$0x3FA6] =	sst s10  }
0x35: {  	s10 =	sld [smem:$0x3FA5];
	_ =	sdelay $0x3  }
0x36: {  	p1 =	seq.s32 s10, $0x1;
	s10 =	sld [smem:$0x3FA6];
	_ =	sdelay $0x3  }
0x37: {  	[smem:$0x3FA6] =	sst s10  }
0x38: {  	s10 =	sld [smem:$0x3FA7]  }
0x39: {  	_ = 	snop;
	(pc) =	sbr.ind lr, $3  }
0x3a: {  	_ = 	snop  }
0x3b: {  	_ = 	snop  }
0x3c: {  	p2 =	seq.s32 s10, $0x1;
	s10 =	sld [smem:$0x3FA6]  }
0x3d: {  	_ =	shalt  }
0x3e: {  	_ =	shalt  }
0x3f: {  	_ =	shalt  }
0x40: {  	_ =	shalt  }
0x41: {  	_ =	shalt  }
0x42: {  	_ =	shalt  }
0x43: {  	_ =	shalt  }
0x44: {  	_ =	shalt  }
0x45: {  	_ =	shalt  }
0x46: {  	_ =	shalt  }
0x47: {  	_ =	shalt  }
0x48: {  	_ =	shalt  }
0x49: {  	_ =	shalt  }
0x4a: {  	_ =	shalt  }
0x4b: {  	_ =	shalt  }
0x4c: {  	_ =	shalt  }
0x4d: {  	_ =	shalt  }
0x4e: {  	_ =	shalt  }
0x4f: {  	_ =	shalt  }
0x50: {  	_ =	shalt  }
0x51: {  	_ =	shalt  }
0x52: {  	_ =	shalt  }
0x53: {  	_ =	shalt  }
0x54: {  	_ =	shalt  }
0x55: {  	_ =	shalt  }
0x56: {  	_ =	shalt  }
0x57: {  	_ =	shalt  }
0x58: {  	_ =	shalt  }
0x59: {  	_ =	shalt  }
0x5a: {  	_ =	shalt  }
0x5b: {  	_ =	shalt  }
0x5c: {  	_ =	shalt  }
0x5d: {  	_ =	shalt  }
0x5e: {  	_ =	shalt  }
0x5f: {  	_ =	shalt  }
0x60: {  	_ =	shalt  }
0x61: {  	_ =	shalt  }
0x62: {  	_ =	shalt  }
0x63: {  	_ =	shalt  }
0x64: {  	_ =	shalt  }
0x65: {  	_ =	shalt  }
0x66: {  	_ =	shalt  }
0x67: {  	_ =	shalt  }
0x68: {  	_ =	shalt  }
0x69: {  	_ =	shalt  }
0x6a: {  	_ =	shalt  }
0x6b: {  	_ =	shalt  }
0x6c: {  	_ =	shalt  }
0x6d: {  	_ =	shalt  }
0x6e: {  	_ =	shalt  }
0x6f: {  	_ =	shalt  }
0x70: {  	_ =	shalt  }
0x71: {  	_ =	shalt  }
0x72: {  	_ =	shalt  }
0x73: {  	_ =	shalt  }
0x74: {  	_ =	shalt  }
0x75: {  	_ =	shalt  }
0x76: {  	_ =	shalt  }
0x77: {  	_ =	shalt  }
0x78: {  	_ =	shalt  }
0x79: {  	_ =	shalt  }
0x7a: {  	_ =	shalt  }
0x7b: {  	_ =	shalt  }
0x7c: {  	_ =	shalt  }
0x7d: {  	_ =	shalt  }
0x7e: {  	_ =	shalt  }
0x7f: {  	_ =	shalt  }
0x80: {  	_ =	shalt  }
0x81: {  	_ =	shalt  }
0x82: {  	_ =	shalt  }
0x83: {  	_ =	shalt  }
0x84: {  	_ =	shalt  }
0x85: {  	_ =	shalt  }
0x86: {  	_ =	shalt  }
0x87: {  	_ =	shalt  }
.Lfunc_end0:
.L_simem_size_0:
called_computation.3_lowered:
.L_overlay_start_0:
0x88: {  	s2 =	sld [smem:$0x3FD9]  }
0x89: {  	s3 =	sld [smem:$0x3FFE];
	_ =	sdelay $0x1  }
0x8a: {  	s1 =	srdreg.scid  }
0x8b: {  	s0 =	sand.u32 $0x1, s1  }
0x8c: {  	s16 =	sshll.u32 s0, $0xA;
	s2 =	sadd.s32 s3, s2  }
0x8d: {  	s2 =	sadd.s32 s2, s16  }
0x8e: {  	[smem:$0x3FB2] =	sst s2  }
0x8f: {  	_ = 	snop  }
0x90: {  	(tm) =	ssettm $0x1  }
0x91: {  	s17 =	sld [smem:$0x3FFB];
	_ =	sdelay $0x3  }
0x92: {  	_ =	strace s17  }
0x93: {  	s2 =	sld [smem:$0x3FFC];
	_ =	sdelay $0x3  }
0x94: {  	_ =	strace s2  }
0x95: {  	s2 =	sld [smem:$0x3FFD];
	_ =	sdelay $0x3  }
0x96: {  	_ =	strace s2  }
0x97: {  	_ =	strace $0x8FFFFFFF  }
0x98: {  	s18 =	sld [smem:$0x3FDB];
	_ =	sdelay $0x1  }
0x99: {  	s19 =	simm.s32 $_scs_section_size  }
0x9a: {  	s4 =	simm.s32 $_size__tile_overlayer_lowered;
	s5 =	simm.s32 $_tile_overlayer_lowered  }
0x9b: {  	s22 =	simm.s32 $0x1BFF;
	s21 =	sshll.u32 s5, $0x1;
	s2 =	sadd.s32 s19, s18  }
0x9c: {  	s6 =	simm.s32 $0x0;
	s20 =	sshll.u32 s4, $0x1;
	s4 =	sadd.s32 s21, s2  }
0x9d: {  	[timem:s6], [sflag:s22] =	dma.local [hbm:s4], s20  }
0x9e: {  	_ =	swait.ge [sflag:s22], s20  }
0x9f: {  	s3 =	ssub.s32 $0x0, s20;
	[sflag:s22] =	ssyncset.done $0x0  }
0xa0: {  	[sflag:s22] =	ssyncadd.s32 s3;
	_ =	sdelay $0x1  }
0xa1: {  	s23 =	simm.s32 $0x1B8B  }
0xa2: {  	_ =	swait.ge [sflag:s23], $0x1  }
0xa3: {  	[sflag:s23] =	ssyncset.done $0x0  }
0xa4: {  	s25 =	simm.s32 $0x1B8E;
	s24 =	sld [smem:$0x3FFE];
	[sflag:s23] =	ssyncadd.s32 $0xFFFFFFFF  }
0xa5: {  	s26 =	simm.s32 $execute0_lowered;
	[smem:$0x3FD2] =	sst s25  }
0xa6: {  	s4 =	sshll.u32 s26, $0x1;
	_ =	strace $0x8000004F;
	[dreg:$0x1] =	wrdreg $0xFFFFFFFF  }
0xa7: {  	s28 =	simm.s32 $_size_execute0_lowered;
	s2 =	sadd.s32 s2, s4;
	[dreg:$0x0] =	wrdreg $0x0  }
0xa8: {  	s4 =	sshll.u32 s28, $0x1;
	[dreg:$0x2] =	wrdreg s2  }
0xa9: {  	[dreg:$0x3] =	wrdreg s4  }
0xaa: {  	[dreg:$0x4] =	wrdreg $0xC0  }
0xab: {  	_ =	task [dreg:s6], $0x5FFFF  }
0xac: {  	[dreg:$0x1] =	wrdreg $0xFFFFFFFF  }
0xad: {  	[dreg:$0x0] =	wrdreg $0x60  }
0xae: {  	[dreg:$0x2] =	wrdreg s24  }
0xaf: {  	[dreg:$0x3] =	wrdreg $0xA3000  }
0xb0: {  	[dreg:$0x4] =	wrdreg $0x9  }
0xb1: {  	_ =	task.clear_ibuf [dreg:s6], $0x5FFFF;
	_ =	strace $0x9000004F  }
0xb2: {  	s29 =	simm.s32 $0x9;
	_ =	strace $0x80000051  }
0xb3: {  	_ =	swait.ge [sflag:s29], $0x1  }
0xb4: {  	[sflag:s29] =	ssyncadd.s32 $0xFFFFFFFF  }
0xb5: {  	_ =	strace $0x90000051  }
0xb6: {  	_ =	sfence  }
0xb7: {  	s30 =	sld [smem:$0x0];
	_ =	sdelay $0x2  }
0xb8: {  	s31 =	sshll.u32 s1, $0xD;
	s1 =	sshrl.u32 s1, $0x2  }
0xb9: {  	s3 =	sand.u32 $0x4000, s31;
	s1 =	sadd.s32 s1, s30  }
0xba: {  	s0 =	sor.u32 s3, s0;
	s1 =	sshll.u32 s1, $0x11  }
0xbb: {  	s0 =	sor.u32 s1, s0  }
0xbc: {  	s0 =	sadd.s32 $0x8F2B, s0  }
0xbd: {  	[sflag:s0] =	ssyncadd.remote.s32 $0x1  }
0xbe: {  	_ =	sfence.sel $0xFFFF  }
0xbf: {  	[dreg:$0x0] =	wrdreg $0xFFFFFFFF;
	(pc) =	sbr.abs _section_cstart, $3  }
0xc0: {  	[dreg:$0x1] =	wrdreg $0xFFFFFFFF  }
0xc1: {  	_ =	task.clear_ibuf [dreg:s6], $0x2FFFF;
	_ =	strace $0x9FFFFFFF  }
0xc2: {  	(tm) =	ssettm $0x7FFFFFFF  }
0xc3: {  	_ =	shalt  }
tec
execute0_lowered:
.L_overlay_start_1:
0x0: {  	(tag) =	ssettag $0x1  }
0x1: {  	s5 =	rddreg [dreg:$0x0]  }
0x2: {  	s0 =	srdreg.scid;
	s2 =	rddreg [dreg:$0x1];
	s3 =	simm.s32 $0x0  }
0x3: {  	s13 =	simm.s32 $0x2780;
	s14 =	simm.s32 $0x8F00;
	s15 =	simm.s32 $0x80  }
0x4: {  	s16 =	simm.s32 $0x4F00;
	s17 =	simm.s32 $0x6F00;
	s18 =	simm.s32 $0x1  }
0x5: {  	s19 =	simm.s32 $0x2;
	s20 =	simm.s32 $0x4E80;
	s21 =	simm.s32 $0x0  }
0x6: {  	s4 =	sand.u32 $0x1, s0;
	s0 =	stileid.u32;
	[smem:$0x7FF] =	sst s3  }
0x7: {  	s1 =	sshll.u32 s4, $0x4;
	s7 =	smul.u32 $0x138C0, s4;
	s8 =	ssub.s32 $0x2, s4  }
0x8: {  	s4 =	sadd.s32 $0x1E000, s5;
	p0 =	seq.s32 s0, $0xF;
	s12 =	smul.u32 $0x28000, s0  }
0x9: {  	s6 =	sor.u32 s0, s1;
	s1 =	rddreg [dreg:$0x2];
	_ =	strace $0x80000050  }
0xa: {  	s9 =	sshrl.u32 s8, $0x1;
	s6 =	smul.u32 $0x4F0, s6;
	s11 =	sadd.s32 s7, s5  }
0xb: {  	s9 =	ssub.s32 s8, s9;
	s31 =	sshrl.u32 s12, $0x2;
	s12 =	simm.s32 $0x3  }
0xc: {  	s8 =	sadd.s32 $0x31A00, s11;
	s10 =	sadd.s32 s6, s5;
	s5 =	simm.s32 $0x5  }
0xd: {  	s9 =	smax.u32 s9, $0x1;
	s11 =	smul.u32 $0xA000, s0;
	s5 =	simm.s32 @!p0 $0x8  }
0xe: {  	v0 =	vimm.f32 $0.0e+00;
	s6 =	sadd.s32 $0x14200, s10;
	s7 =	sadd.s32 $0x5000, s10;
	s10 =	sadd.s32 s31, s2  }
.LBB2_1:
0xf: {  	[tilespmem:s3], [sflag:$0x3] =	stream.linear.gather [hbm4b:s6+s3], $0x2780, $0x38;
	[tilespmem:$0x13F60] =	vst v63  }
0x10: {  	_ =	swait.ge [sflag:s12], $0x2780  }
0x11: {  	[sflag:s12] =	ssyncset.done $0x0  }
0x12: {  	[sflag:s12] =	ssyncadd.s32 $0xFFFFD880  }
0x13: {  	[tilespmem:s13], [sflag:$0x3] =	stream.linear.gather [hbm4b:s7+s3], $0x2780, $0x38;
	[tilespmem:$0x13F60] =	vst v63  }
0x14: {  	_ =	swait.ge [sflag:s12], $0x2780  }
0x15: {  	[sflag:s12] =	ssyncset.done $0x0  }
0x16: {  	s23 =	simm.s32 $0x100;
	s22 =	simm.s32 $0x0;
	[sflag:s12] =	ssyncadd.s32 $0xFFFFD880  }
.LBB2_2:
0x17: {  	p0 =	sne.s32 s23, $0x4F00;
	[tilespmem:s22+$0x8F30] =	vst v0;
	s24 =	smov.u32 s23;
	s23 =	sadd.s32 $0x100, s23  }
.Ltmp0:
0x18: {  	[tilespmem:s22+$0x8F20] =	vst v0;
	(pc) =	sbr.rel @p0 .LBB2_2-.Ltmp0, $3  }
0x19: {  	[tilespmem:s22+$0x8F00] =	vst v0  }
0x1a: {  	[tilespmem:s22+$0x8F10] =	vst v0;
	_ =	sdelay $0x1  }
0x1b: {  	s22 =	sshra.s32 s24, $0x2  }
0x1c: {  	[tilespmem:s22+$0x8F30] =	vst v0  }
0x1d: {  	[tilespmem:s22+$0x8F20] =	vst v0;
	p0 =	sne.s32 s5, $0x1  }
.Ltmp1:
0x1e: {  	[tilespmem:s22+$0x8F00] =	vst v0;
	(pc) =	sbr.rel @!p0 .LBB2_5-.Ltmp1, $4  }
0x1f: {  	[tilespmem:s22+$0x8F10] =	vst v0  }
0x20: {  	[spmem:s10] =	stream.linear.scatter [tilespmem:s14], [sflag:$0x3], $0x1400, $0x38;
	[tilespmem:$0x13F60] =	vst v63  }
0x21: {  	_ =	swait.ge [sflag:s12], $0x1400  }
0x22: {  	s22 =	sadd.s32 $0xFFFFFFFF, s5;
	s23 =	smov.u32 s10;
	[sflag:s12] =	ssyncset.done $0x0  }
.LBB2_4:
0x23: {  	p1 =	sne.s32 s22, $0x1;
	[sflag:s12] =	ssyncadd.s32 $0xFFFFEC00;
	s23 =	sadd.s32 $0x1400, s23  }
.Ltmp2:
0x24: {  	s22 =	sadd.s32 $0xFFFFFFFF, s22;
	(pc) =	sbr.rel @p1 .LBB2_4-.Ltmp2, $4  }
0x25: {  	_ = 	snop  }
0x26: {  	[spmem:s23] =	stream.linear.scatter [tilespmem:s14], [sflag:$0x3], $0x1400, $0x38;
	[tilespmem:$0x13F60] =	vst v63  }
0x27: {  	_ =	swait.ge [sflag:s12], $0x1400  }
0x28: {  	[sflag:s12] =	ssyncset.done $0x0  }
.LBB2_5:
0x29: {  	[sflag:s12] =	ssyncadd.s32 $0xFFFFEC00  }
0x2a: {  	s22 =	simm.s32 $0x0;
	[bflag:$0x0] =	sbarrier.arrive $0xFFFF  }
0x2b: {  	[tilespmem:s16], [sflag:$0x1] =	stream.indirect.gather [hbm4b:s4+s15], $0x40, s22, s15, $0xb8;
	[tilespmem:$0x13F60] =	vst v63  }
0x2c: {  	s28 =	simm.s32 $0x80  }
0x2d: {  	[tilespmem:s17], [sflag:$0x2] =	stream.indirect.gather [hbm4b:s4+s15], $0x40, s28, s15, $0xb8;
	[tilespmem:$0x13F60] =	vst v63  }
0x2e: {  	_ =	swait.ge [sflag:s18], $0x2000  }
0x2f: {  	[sflag:s18] =	ssyncset.done $0x0  }
0x30: {  	s29 =	simm.s32 $0x2780;
	[sflag:s18] =	ssyncadd.s32 $0xFFFFE000  }
0x31: {  	[spmem:s2] =	stream.indirect.scatter.add.f32 [tilespmem:s16], [sflag:$0x3], $0x40, s29, s15, $0xb8;
	[tilespmem:$0x13F60] =	vst v63  }
0x32: {  	_ =	swait.ge [sflag:s12], $0x2000  }
0x33: {  	[sflag:s12] =	ssyncset.done $0x0  }
0x34: {  	s30 =	simm.s32 $0x100;
	[sflag:s12] =	ssyncadd.s32 $0xFFFFE000  }
0x35: {  	[tilespmem:s16], [sflag:$0x1] =	stream.indirect.gather [hbm4b:s4+s15], $0x40, s30, s15, $0xb8;
	[tilespmem:$0x13F60] =	vst v63  }
0x36: {  	_ =	swait.ge [sflag:s19], $0x2000  }
0x37: {  	[sflag:s19] =	ssyncset.done $0x0  }
0x38: {  	s31 =	simm.s32 $0x2800;
	[sflag:s19] =	ssyncadd.s32 $0xFFFFE000  }
0x39: {  	[spmem:s2] =	stream.indirect.scatter.add.f32 [tilespmem:s17], [sflag:$0x3], $0x40, s31, s15, $0xb8;
	[tilespmem:$0x13F60] =	vst v63  }
0x3a: {  	_ =	swait.ge [sflag:s12], $0x2000  }
0x3b: {  	s23 =	simm.s32 $0x800;
	s22 =	simm.s32 $0x100;
	[sflag:s12] =	ssyncset.done $0x0  }
.LBB2_6:
0x3c: {  	s24 =	sadd.s32 $0x80, s22  }
0x3d: {  	[sflag:s12] =	ssyncadd.s32 $0xFFFFE000;
	s25 =	smov.u32 s23;
	s26 =	sadd.s32 $0x400, s23  }
0x3e: {  	[tilespmem:s17], [sflag:$0x2] =	stream.indirect.gather [hbm4b:s4+s15], $0x40, s24, s15, $0xb8;
	[tilespmem:$0x13F60] =	vst v63  }
0x3f: {  	p1 =	sne.s32 s23, $0x9800;
	_ =	swait.ge [sflag:s18], $0x2000  }
0x40: {  	[sflag:s18] =	ssyncset.done $0x0  }
0x41: {  	s23 =	sadd.s32 $0x2780, s22;
	[sflag:s18] =	ssyncadd.s32 $0xFFFFE000  }
0x42: {  	[spmem:s2] =	stream.indirect.scatter.add.f32 [tilespmem:s16], [sflag:$0x3], $0x40, s23, s15, $0xb8;
	[tilespmem:$0x13F60] =	vst v63  }
0x43: {  	_ =	swait.ge [sflag:s12], $0x2000  }
0x44: {  	[sflag:s12] =	ssyncset.done $0x0  }
0x45: {  	s23 =	sadd.s32 $0x100, s22;
	[sflag:s12] =	ssyncadd.s32 $0xFFFFE000  }
0x46: {  	[tilespmem:s16], [sflag:$0x1] =	stream.indirect.gather [hbm4b:s4+s15], $0x40, s23, s15, $0xb8;
	[tilespmem:$0x13F60] =	vst v63  }
0x47: {  	_ =	swait.ge [sflag:s19], $0x2000  }
.Ltmp3:
0x48: {  	[sflag:s19] =	ssyncset.done $0x0;
	(pc) =	sbr.rel @p1 .LBB2_6-.Ltmp3, $4  }
0x49: {  	s22 =	sadd.s32 $0x2800, s22;
	[sflag:s19] =	ssyncadd.s32 $0xFFFFE000  }
0x4a: {  	[spmem:s2] =	stream.indirect.scatter.add.f32 [tilespmem:s17], [sflag:$0x3], $0x40, s22, s15, $0xb8;
	[tilespmem:$0x13F60] =	vst v63  }
0x4b: {  	_ =	swait.ge [sflag:s12], $0x2000  }
0x4c: {  	s23 =	smov.u32 s26;
	s22 =	sshra.s32 s25, $0x2;
	[sflag:s12] =	ssyncset.done $0x0  }
0x4d: {  	s23 =	sadd.s32 $0x80, s22;
	[sflag:s12] =	ssyncadd.s32 $0xFFFFE000  }
0x4e: {  	[tilespmem:s17], [sflag:$0x2] =	stream.indirect.gather [hbm4b:s4+s15], $0x40, s23, s15, $0xb8;
	[tilespmem:$0x13F60] =	vst v63  }
0x4f: {  	_ =	swait.ge [sflag:s18], $0x2000  }
0x50: {  	[sflag:s18] =	ssyncset.done $0x0  }
0x51: {  	s28 =	sadd.s32 $0x2780, s22;
	[sflag:s18] =	ssyncadd.s32 $0xFFFFE000  }
0x52: {  	[spmem:s2] =	stream.indirect.scatter.add.f32 [tilespmem:s16], [sflag:$0x3], $0x40, s28, s15, $0xb8;
	[tilespmem:$0x13F60] =	vst v63  }
0x53: {  	_ =	swait.ge [sflag:s12], $0x2000  }
0x54: {  	[sflag:s12] =	ssyncset.done $0x0  }
0x55: {  	s29 =	sadd.s32 $0x100, s22;
	[sflag:s12] =	ssyncadd.s32 $0xFFFFE000  }
0x56: {  	[tilespmem:s16], [sflag:$0x1] =	stream.indirect.gather [hbm4b:s4+s15], $0x40, s29, s15, $0xb8;
	[tilespmem:$0x13F60] =	vst v63  }
0x57: {  	_ =	swait.ge [sflag:s19], $0x2000  }
0x58: {  	[sflag:s19] =	ssyncset.done $0x0  }
0x59: {  	s30 =	sadd.s32 $0x2800, s22;
	[sflag:s19] =	ssyncadd.s32 $0xFFFFE000  }
0x5a: {  	[spmem:s2] =	stream.indirect.scatter.add.f32 [tilespmem:s17], [sflag:$0x3], $0x40, s30, s15, $0xb8;
	[tilespmem:$0x13F60] =	vst v63  }
0x5b: {  	_ =	swait.ge [sflag:s12], $0x2000  }
0x5c: {  	[sflag:s12] =	ssyncset.done $0x0  }
0x5d: {  	[sflag:s12] =	ssyncadd.s32 $0xFFFFE000  }
0x5e: {  	_ =	swait.ge [sflag:s18], $0x2000  }
0x5f: {  	[sflag:s18] =	ssyncset.done $0x0  }
0x60: {  	[sflag:s18] =	ssyncadd.s32 $0xFFFFE000  }
0x61: {  	[spmem:s2] =	stream.indirect.scatter.add.f32 [tilespmem:s16], [sflag:$0x3], $0x40, s20, s15, $0xb8;
	[tilespmem:$0x13F60] =	vst v63  }
0x62: {  	_ =	swait.ge [sflag:s12], $0x2000  }
0x63: {  	[sflag:s12] =	ssyncset.done $0x0  }
0x64: {  	[sflag:s12] =	ssyncadd.s32 $0xFFFFE000  }
0x65: {  	[bflag:$0x0] =	sbarrier.arrive $0xFFFF  }
0x66: {  	[tilespmem:s14], [sflag:$0x3] =	stream.linear.gather [spmem:s10], $0x1400, $0x38;
	[tilespmem:$0x13F60] =	vst v63  }
0x67: {  	_ =	swait.ge [sflag:s12], $0x1400  }
.Ltmp4:
0x68: {  	s31 =	sshrl.u32 s11, $0x3;
	[sflag:s12] =	ssyncset.done $0x0;
	(pc) =	sbr.rel @!p0 .LBB2_9-.Ltmp4, $4  }
0x69: {  	s22 =	sadd.s32 s31, s8;
	[sflag:s12] =	ssyncadd.s32 $0xFFFFEC00  }
0x6a: {  	[hbm4b:s22+s3] =	stream.linear.scatter [tilespmem:s14], [sflag:$0x3], $0x1400, $0x38;
	[tilespmem:$0x13F60] =	vst v63  }
0x6b: {  	s24 =	smov.u32 s11;
	_ =	swait.ge [sflag:s12], $0x1400  }
0x6c: {  	s23 =	smov.u32 s10;
	s22 =	sadd.s32 $0xFFFFFFFF, s5;
	[sflag:s12] =	ssyncset.done $0x0  }
.LBB2_8:
0x6d: {  	[sflag:s12] =	ssyncadd.s32 $0xFFFFEC00;
	s23 =	sadd.s32 $0x1400, s23;
	s24 =	sadd.s32 $0x1400, s24  }
0x6e: {  	[tilespmem:s14], [sflag:$0x3] =	stream.linear.gather [spmem:s23], $0x1400, $0x38;
	[tilespmem:$0x13F60] =	vst v63  }
0x6f: {  	p0 =	sne.s32 s22, $0x1;
	s22 =	sadd.s32 $0xFFFFFFFF, s22;
	_ =	swait.ge [sflag:s12], $0x1400  }
.Ltmp5:
0x70: {  	s25 =	sshrl.u32 s24, $0x3;
	[sflag:s12] =	ssyncset.done $0x0;
	(pc) =	sbr.rel @p0 .LBB2_8-.Ltmp5, $4  }
0x71: {  	s25 =	sadd.s32 s25, s8;
	[sflag:s12] =	ssyncadd.s32 $0xFFFFEC00  }
0x72: {  	[hbm4b:s25+s3] =	stream.linear.scatter [tilespmem:s14], [sflag:$0x3], $0x1400, $0x38;
	[tilespmem:$0x13F60] =	vst v63  }
0x73: {  	_ =	swait.ge [sflag:s12], $0x1400  }
0x74: {  	[sflag:s12] =	ssyncset.done $0x0  }
.LBB2_9:
0x75: {  	s21 =	sadd.s32 $0x1, s21  }
0x76: {  	p0 =	sne.s32 s21, s9  }
.Ltmp6:
0x77: {  	_ = 	snop;
	(pc) =	sbr.rel @p0 .LBB2_1-.Ltmp6, $2  }
0x78: {  	_ =	sdelay $0x2  }
0x79: {  	[sflag:s12] =	ssyncadd.s32 $0xFFFFEC00  }
0x7a: {  	_ =	sfence.sel $0x180000  }
0x7b: {  	[bflag:$0x0] =	sbarrier.arrive $0xFFFF  }
0x7c: {  	p0 =	sne.s32 s0, $0x0;
	_ =	strace $0x90000050  }
0x7d: {  	s0 =	sadd.s32 @!p0 $0x100000, s1;
	[bflag:$0x2] =	sbarrier.arrive $0xFFFF  }
0x7e: {  	[sflag:s0] =	ssyncadd.tile.s32 @!p0 $0x1;
	_ =	shalt  }
.Lfunc_end2:
_tile_overlayer_lowered:
.L_overlay_start_2:
0x7f: {  	(tag) =	ssettag $0x2  }
0x80: {  	s0 =	rddreg [dreg:$0x0];
	s2 =	stileid.u32  }
0x81: {  	s1 =	rddreg [dreg:$0x1];
	p0 =	sne.s32 s2, $0x0  }
0x82: {  	s3 =	rddreg [dreg:$0x2];
	[bflag:$0x3] =	sbarrier.arrive $0xFFFF;
	s2 =	simm.s32 @!p0 $0x1C03  }
0x83: {  	[timem:s3], [sflag:s2] =	dma.local @!p0 [hbm:s0], s1  }
0x84: {  	s0 =	simm.s32 @!p0 $0x3  }
0x85: {  	_ =	swait.ge @!p0 [sflag:s0], s1  }
0x86: {  	s1 =	ssub.s32 @!p0 $0x0, s1;
	[sflag:s0] =	ssyncset.done @!p0 $0x0  }
0x87: {  	[sflag:s0] =	ssyncadd.s32 @!p0 s1  }
0x88: {  	[bflag:$0x3] =	sbarrier.arrive $0xFFFF  }
0x89: {  	_ =	shalt  }

// kernel: kernel.22.cloned.1.call-start
scs
__scs_entry_jumppad:
0x0: {  	(pc) =	sbr.rel $0x88, $3  }
0x1: {  	(tag) =	ssettag $0x0;
	lr =	simm.s32 $0x1  }
0x2: {  	[smem:$0x3F8B] =	sst lr;
	_ =	strace $0xD0000000  }
0x3: {  	_ = 	snop  }
0x4: {  	_ = 	snop  }
0x5: {  	_ = 	snop  }
0x6: {  	_ = 	snop  }
0x7: {  	_ = 	snop  }
__scs_overlays_trampoline_lowered:
0x8: {  	[smem:$0x3F9A] =	sst s0  }
0x9: {  	[smem:$0x3F9B] =	sst s1  }
0xa: {  	[smem:$0x3F9C] =	sst s2  }
0xb: {  	[smem:$0x3F9D] =	sst s3  }
0xc: {  	[smem:$0x3F9E] =	sst s4  }
0xd: {  	[smem:$0x3F9F] =	sst s5  }
0xe: {  	[smem:$0x3FA0] =	sst s6  }
0xf: {  	[smem:$0x3FA1] =	sst s7  }
0x10: {  	[smem:$0x3FA2] =	sst s8  }
0x11: {  	[smem:$0x3FA3] =	sst s9;
	s0 =	simm.s32 @!p0 $0x0  }
0x12: {  	s1 =	sld [smem:$0x3F89];
	s0 =	simm.s32 @p0 $0x1  }
0x13: {  	[smem:$0x3FA4] =	sst s0;
	s0 =	simm.s32 @!p1 $0x0  }
0x14: {  	s2 =	sld [smem:$0x3F88];
	s0 =	simm.s32 @p1 $0x1  }
0x15: {  	[smem:$0x3FA5] =	sst s0;
	s0 =	simm.s32 @!p2 $0x0  }
0x16: {  	s3 =	sld [smem:$0x3FDB];
	s0 =	simm.s32 @p2 $0x1  }
0x17: {  	s4 =	simm.s32 $0x1BF5;
	[smem:$0x3FA7] =	sst s0  }
0x18: {  	s0 =	sld [smem:$0x3F8A];
	_ =	swait.ge [sflag:s4], $0x0  }
0x19: {  	s7 =	sld [smem:$0x3F8B]  }
0x1a: {  	s8 =	sadd.s32 $0xFFFFE003, lr  }
0x1b: {  	s9 =	sadd.s32 $0xFFFFFEF7, lr;
	s5 =	simm.s32 $0xFFFFFFFF;
	p2 =	slt.u32 s8, $0xFFFFF086  }
0x1c: {  	p1 =	slt.u32 s9, $0xF7A;
	s5 =	simm.s32 @!p2 $0x0  }
0x1d: {  	s5 =	simm.s32 @p1 $0x1;
	p0 =	seq.s32 s7, s2  }
0x1e: {  	s7 =	smul.u32 @!p0 $0xF7A, s2;
	p2 =	seq.s32 @!p0 s5, $0x0  }
0x1f: {  	s9 =	smul.u32 $0xF7A, s1;
	s8 =	simm.s32 @!p0 $0x1BF5;
	p2 =	por !p2, p0  }
0x20: {  	[sflag:s8] =	ssyncset.s32 @!p0 $0xFFFFF086;
	s6 =	sadd.s32 @!p0 s3, s7;
	s7 =	simm.s32 @!p0 $0x108  }
0x21: {  	s3 =	sadd.s32 s3, s9;
	s6 =	sadd.s32 @!p0 $0x88, s6;
	s7 =	simm.s32 @p2 $0x1082  }
0x22: {  	[simem:s7], [sflag:s8] =	dma.local @!p0 [hbm:s6], $0xF7A  }
0x23: {  	s9 =	sor.u32 $0xD0000000, s2;
	s6 =	simm.s32 $0x108;
	_ =	swait.ge @!p0 [sflag:s8], $0x0  }
0x24: {  	s3 =	sadd.s32 $0x88, s3;
	s6 =	simm.s32 @!p1 $0x1082;
	[sflag:s4] =	ssyncset.s32 $0xFFFFF086  }
0x25: {  	[simem:s6], [sflag:s4] =	dma.local [hbm:s3], $0xF7A  }
0x26: {  	[smem:$0x3F8B] =	sst s1;
	(tag) =	ssettag s2;
	_ =	strace s9  }
0x27: {  	s1 =	sld [smem:$0x3F9B]  }
0x28: {  	s2 =	sld [smem:$0x3F9C]  }
0x29: {  	s4 =	sld [smem:$0x3F9E]  }
0x2a: {  	p0 =	seq.s32 s5, $0x0;
	s5 =	sld [smem:$0x3F9F]  }
0x2b: {  	s6 =	sld [smem:$0x3FA0]  }
0x2c: {  	s7 =	sld [smem:$0x3FA1]  }
0x2d: {  	s3 =	simm.s32 $0x108;
	s8 =	sld [smem:$0x3FA2]  }
0x2e: {  	s3 =	simm.s32 @!p0 $0x1082;
	s9 =	sld [smem:$0x3FA3]  }
0x2f: {  	lr =	sadd.s32 s0, s3;
	s0 =	sld [smem:$0x3F9A]  }
0x30: {  	s3 =	sld [smem:$0x3F9D]  }
0x31: {  	[smem:$0x3FA6] =	sst s10  }
0x32: {  	s10 =	sld [smem:$0x3FA4];
	_ =	sdelay $0x3  }
0x33: {  	p0 =	seq.s32 s10, $0x1;
	s10 =	sld [smem:$0x3FA6];
	_ =	sdelay $0x3  }
0x34: {  	[smem:$0x3FA6] =	sst s10  }
0x35: {  	s10 =	sld [smem:$0x3FA5];
	_ =	sdelay $0x3  }
0x36: {  	p1 =	seq.s32 s10, $0x1;
	s10 =	sld [smem:$0x3FA6];
	_ =	sdelay $0x3  }
0x37: {  	[smem:$0x3FA6] =	sst s10  }
0x38: {  	s10 =	sld [smem:$0x3FA7]  }
0x39: {  	_ = 	snop;
	(pc) =	sbr.ind lr, $3  }
0x3a: {  	_ = 	snop  }
0x3b: {  	_ = 	snop  }
0x3c: {  	p2 =	seq.s32 s10, $0x1;
	s10 =	sld [smem:$0x3FA6]  }
0x3d: {  	_ =	shalt  }
0x3e: {  	_ =	shalt  }
0x3f: {  	_ =	shalt  }
0x40: {  	_ =	shalt  }
0x41: {  	_ =	shalt  }
0x42: {  	_ =	shalt  }
0x43: {  	_ =	shalt  }
0x44: {  	_ =	shalt  }
0x45: {  	_ =	shalt  }
0x46: {  	_ =	shalt  }
0x47: {  	_ =	shalt  }
0x48: {  	_ =	shalt  }
0x49: {  	_ =	shalt  }
0x4a: {  	_ =	shalt  }
0x4b: {  	_ =	shalt  }
0x4c: {  	_ =	shalt  }
0x4d: {  	_ =	shalt  }
0x4e: {  	_ =	shalt  }
0x4f: {  	_ =	shalt  }
0x50: {  	_ =	shalt  }
0x51: {  	_ =	shalt  }
0x52: {  	_ =	shalt  }
0x53: {  	_ =	shalt  }
0x54: {  	_ =	shalt  }
0x55: {  	_ =	shalt  }
0x56: {  	_ =	shalt  }
0x57: {  	_ =	shalt  }
0x58: {  	_ =	shalt  }
0x59: {  	_ =	shalt  }
0x5a: {  	_ =	shalt  }
0x5b: {  	_ =	shalt  }
0x5c: {  	_ =	shalt  }
0x5d: {  	_ =	shalt  }
0x5e: {  	_ =	shalt  }
0x5f: {  	_ =	shalt  }
0x60: {  	_ =	shalt  }
0x61: {  	_ =	shalt  }
0x62: {  	_ =	shalt  }
0x63: {  	_ =	shalt  }
0x64: {  	_ =	shalt  }
0x65: {  	_ =	shalt  }
0x66: {  	_ =	shalt  }
0x67: {  	_ =	shalt  }
0x68: {  	_ =	shalt  }
0x69: {  	_ =	shalt  }
0x6a: {  	_ =	shalt  }
0x6b: {  	_ =	shalt  }
0x6c: {  	_ =	shalt  }
0x6d: {  	_ =	shalt  }
0x6e: {  	_ =	shalt  }
0x6f: {  	_ =	shalt  }
0x70: {  	_ =	shalt  }
0x71: {  	_ =	shalt  }
0x72: {  	_ =	shalt  }
0x73: {  	_ =	shalt  }
0x74: {  	_ =	shalt  }
0x75: {  	_ =	shalt  }
0x76: {  	_ =	shalt  }
0x77: {  	_ =	shalt  }
0x78: {  	_ =	shalt  }
0x79: {  	_ =	shalt  }
0x7a: {  	_ =	shalt  }
0x7b: {  	_ =	shalt  }
0x7c: {  	_ =	shalt  }
0x7d: {  	_ =	shalt  }
0x7e: {  	_ =	shalt  }
0x7f: {  	_ =	shalt  }
0x80: {  	_ =	shalt  }
0x81: {  	_ =	shalt  }
0x82: {  	_ =	shalt  }
0x83: {  	_ =	shalt  }
0x84: {  	_ =	shalt  }
0x85: {  	_ =	shalt  }
0x86: {  	_ =	shalt  }
0x87: {  	_ =	shalt  }
.Lfunc_end0:
.L_simem_size_0:
called_computation.4_lowered:
.L_overlay_start_0:
0x88: {  	s2 =	sld [smem:$0x3FD9]  }
0x89: {  	s3 =	sld [smem:$0x3FFE];
	_ =	sdelay $0x1  }
0x8a: {  	s1 =	srdreg.scid  }
0x8b: {  	s0 =	sand.u32 $0x1, s1  }
0x8c: {  	s17 =	sshll.u32 s0, $0xA;
	s2 =	sadd.s32 s3, s2  }
0x8d: {  	s2 =	sadd.s32 s2, s17  }
0x8e: {  	[smem:$0x3FB2] =	sst s2  }
0x8f: {  	_ = 	snop  }
0x90: {  	(tm) =	ssettm $0x1  }
0x91: {  	s18 =	sld [smem:$0x3FFB];
	_ =	sdelay $0x3  }
0x92: {  	_ =	strace s18  }
0x93: {  	s2 =	sld [smem:$0x3FFC];
	_ =	sdelay $0x3  }
0x94: {  	_ =	strace s2  }
0x95: {  	s2 =	sld [smem:$0x3FFD];
	_ =	sdelay $0x3  }
0x96: {  	_ =	strace s2  }
0x97: {  	_ =	strace $0x8FFFFFFF  }
0x98: {  	s19 =	sld [smem:$0x3FDB];
	_ =	sdelay $0x1  }
0x99: {  	s20 =	simm.s32 $_scs_section_size  }
0x9a: {  	s4 =	simm.s32 $_size__tile_overlayer_lowered;
	s5 =	simm.s32 $_tile_overlayer_lowered  }
0x9b: {  	s6 =	simm.s32 $0x1BFF;
	s21 =	sshll.u32 s5, $0x1;
	s3 =	sadd.s32 s20, s19  }
0x9c: {  	s22 =	simm.s32 $0x0;
	s4 =	sshll.u32 s4, $0x1;
	s5 =	sadd.s32 s21, s3  }
0x9d: {  	[timem:s22], [sflag:s6] =	dma.local [hbm:s5], s4  }
0x9e: {  	_ =	swait.ge [sflag:s6], s4  }
0x9f: {  	s4 =	ssub.s32 $0x0, s4;
	[sflag:s6] =	ssyncset.done $0x0  }
0xa0: {  	[sflag:s6] =	ssyncadd.s32 s4;
	_ =	sdelay $0x1  }
0xa1: {  	s23 =	simm.s32 $0x1B8B  }
0xa2: {  	_ =	swait.ge [sflag:s23], $0x1  }
0xa3: {  	[sflag:s23] =	ssyncset.done $0x0  }
0xa4: {  	[sflag:s23] =	ssyncadd.s32 $0xFFFFFFFF  }
0xa5: {  	s4 =	sld [smem:$0x0]  }
0xa6: {  	s5 =	sand.u32 $0xFFFFFFFE, s1  }
0xa7: {  	p0 =	sne.s32 s1, s5  }
0xa8: {  	s5 =	sshll.u32 @p0 s5, $0xE  }
0xa9: {  	s5 =	sadd.s32 @p0 $0x11B8D, s5;
	s6 =	sshll.u32 @p0 s4, $0x11  }
0xaa: {  	s5 =	sor.u32 @p0 s6, s5  }
0xab: {  	[sflag:s5] =	ssyncadd.remote.s32 @p0 $0x1;
	_ =	sdelay $0x1  }
0xac: {  	s5 =	simm.s32 @p0 $0x1B8D  }
0xad: {  	_ =	swait.eq @p0 [sflag:s5], $0x1  }
0xae: {  	[sflag:s5] =	ssyncadd.s32 @p0 $0xFFFFFFFF  }
0xaf: {  	s6 =	sshll.u32 @!p0 s1, $0xE  }
0xb0: {  	s6 =	sor.u32 @!p0 $0x4000, s6;
	s5 =	simm.s32 @!p0 $0x1B8D  }
0xb1: {  	s4 =	sshll.u32 @!p0 s4, $0x11;
	s6 =	sadd.s32 @!p0 $0x11B8D, s6;
	_ =	swait.eq @!p0 [sflag:s5], $0x1  }
0xb2: {  	s4 =	sor.u32 @!p0 s4, s6;
	[sflag:s5] =	ssyncadd.s32 @!p0 $0xFFFFFFFF  }
0xb3: {  	s25 =	simm.s32 $0x1B8E;
	s24 =	sld [smem:$0x3FFE];
	[sflag:s4] =	ssyncadd.remote.s32 @!p0 $0x1  }
0xb4: {  	s26 =	simm.s32 $execute0_lowered;
	[smem:$0x3FD2] =	sst s25  }
0xb5: {  	s5 =	sshll.u32 s26, $0x1;
	_ =	strace $0x80000052;
	[dreg:$0x1] =	wrdreg $0xFFFFFFFF  }
0xb6: {  	s28 =	simm.s32 $_size_execute0_lowered;
	s3 =	sadd.s32 s3, s5;
	[dreg:$0x0] =	wrdreg $0x0  }
0xb7: {  	s5 =	sshll.u32 s28, $0x1;
	[dreg:$0x2] =	wrdreg s3  }
0xb8: {  	[dreg:$0x3] =	wrdreg s5  }
0xb9: {  	[dreg:$0x4] =	wrdreg $0xC0  }
0xba: {  	_ =	task [dreg:s22], $0x5FFFF  }
0xbb: {  	[dreg:$0x1] =	wrdreg $0xFFFFFFFF  }
0xbc: {  	[dreg:$0x0] =	wrdreg $0x60  }
0xbd: {  	[dreg:$0x2] =	wrdreg s24  }
0xbe: {  	[dreg:$0x3] =	wrdreg $0xA3000  }
0xbf: {  	[dreg:$0x4] =	wrdreg $0xA  }
0xc0: {  	_ =	task.clear_ibuf [dreg:s22], $0x5FFFF;
	_ =	strace $0x90000052  }
0xc1: {  	s29 =	simm.s32 $0xA;
	_ =	strace $0x80000054  }
0xc2: {  	_ =	swait.ge [sflag:s29], $0x1  }
0xc3: {  	[sflag:s29] =	ssyncadd.s32 $0xFFFFFFFF  }
0xc4: {  	_ =	strace $0x90000054  }
0xc5: {  	_ =	sfence  }
0xc6: {  	s30 =	sld [smem:$0x0];
	_ =	sdelay $0x2  }
0xc7: {  	s31 =	sshll.u32 s1, $0xD;
	s1 =	sshrl.u32 s1, $0x2  }
0xc8: {  	s4 =	sand.u32 $0x4000, s31;
	s1 =	sadd.s32 s1, s30  }
0xc9: {  	s0 =	sor.u32 s4, s0;
	s1 =	sshll.u32 s1, $0x11  }
0xca: {  	s0 =	sor.u32 s1, s0  }
0xcb: {  	s0 =	sadd.s32 $0x8F2B, s0  }
0xcc: {  	[sflag:s0] =	ssyncadd.remote.s32 $0x1  }
0xcd: {  	_ =	sfence.sel $0xFFFF  }
0xce: {  	[dreg:$0x0] =	wrdreg $0xFFFFFFFF;
	(pc) =	sbr.abs _section_cstart, $3  }
0xcf: {  	[dreg:$0x1] =	wrdreg $0xFFFFFFFF  }
0xd0: {  	_ =	task.clear_ibuf [dreg:s22], $0x2FFFF;
	_ =	strace $0x9FFFFFFF  }
0xd1: {  	(tm) =	ssettm $0x7FFFFFFF  }
tec
execute0_lowered:
.L_overlay_start_1:
0x0: {  	(tag) =	ssettag $0x1  }
0x1: {  	s5 =	rddreg [dreg:$0x0]  }
0x2: {  	s0 =	srdreg.scid;
	s2 =	rddreg [dreg:$0x1];
	s3 =	simm.s32 $0x0  }
0x3: {  	s13 =	simm.s32 $0x2780;
	s14 =	simm.s32 $0x8F00;
	s15 =	simm.s32 $0x80  }
0x4: {  	s16 =	simm.s32 $0x4F00;
	s17 =	simm.s32 $0x6F00;
	s18 =	simm.s32 $0x1  }
0x5: {  	s19 =	simm.s32 $0x2;
	s20 =	simm.s32 $0x4E80;
	s21 =	simm.s32 $0x0  }
0x6: {  	s4 =	sand.u32 $0x1, s0;
	s0 =	stileid.u32;
	[smem:$0x7FF] =	sst s3  }
0x7: {  	s1 =	sshll.u32 s4, $0x4;
	s7 =	smul.u32 $0x138C0, s4;
	s8 =	ssub.s32 $0x2, s4  }
0x8: {  	s4 =	sadd.s32 $0xBA600, s5;
	p0 =	seq.s32 s0, $0xF;
	s12 =	smul.u32 $0x28000, s0  }
0x9: {  	s6 =	sor.u32 s0, s1;
	s1 =	rddreg [dreg:$0x2];
	_ =	strace $0x80000053  }
0xa: {  	s9 =	sshrl.u32 s8, $0x1;
	s6 =	smul.u32 $0x4F0, s6;
	s11 =	sadd.s32 s7, s5  }
0xb: {  	s9 =	ssub.s32 s8, s9;
	s31 =	sshrl.u32 s12, $0x2;
	s12 =	simm.s32 $0x3  }
0xc: {  	s8 =	sadd.s32 $0xCE000, s11;
	s10 =	sadd.s32 s6, s5;
	s5 =	simm.s32 $0x5  }
0xd: {  	s9 =	smax.u32 s9, $0x1;
	s11 =	smul.u32 $0xA000, s0;
	s5 =	simm.s32 @!p0 $0x8  }
0xe: {  	v0 =	vimm.f32 $0.0e+00;
	s6 =	sadd.s32 $0x14200, s10;
	s7 =	sadd.s32 $0x5000, s10;
	s10 =	sadd.s32 s31, s2  }
.LBB2_1:
0xf: {  	[tilespmem:s3], [sflag:$0x3] =	stream.linear.gather [hbm4b:s6+s3], $0x2780, $0x38;
	[tilespmem:$0x13F60] =	vst v63  }
0x10: {  	_ =	swait.ge [sflag:s12], $0x2780  }
0x11: {  	[sflag:s12] =	ssyncset.done $0x0  }
0x12: {  	[sflag:s12] =	ssyncadd.s32 $0xFFFFD880  }
0x13: {  	[tilespmem:s13], [sflag:$0x3] =	stream.linear.gather [hbm4b:s7+s3], $0x2780, $0x38;
	[tilespmem:$0x13F60] =	vst v63  }
0x14: {  	_ =	swait.ge [sflag:s12], $0x2780  }
0x15: {  	[sflag:s12] =	ssyncset.done $0x0  }
0x16: {  	s23 =	simm.s32 $0x100;
	s22 =	simm.s32 $0x0;
	[sflag:s12] =	ssyncadd.s32 $0xFFFFD880  }
.LBB2_2:
0x17: {  	p0 =	sne.s32 s23, $0x4F00;
	[tilespmem:s22+$0x8F30] =	vst v0;
	s24 =	smov.u32 s23;
	s23 =	sadd.s32 $0x100, s23  }
.Ltmp0:
0x18: {  	[tilespmem:s22+$0x8F20] =	vst v0;
	(pc) =	sbr.rel @p0 .LBB2_2-.Ltmp0, $3  }
0x19: {  	[tilespmem:s22+$0x8F00] =	vst v0  }
0x1a: {  	[tilespmem:s22+$0x8F10] =	vst v0;
	_ =	sdelay $0x1  }
0x1b: {  	s22 =	sshra.s32 s24, $0x2  }
0x1c: {  	[tilespmem:s22+$0x8F30] =	vst v0  }
0x1d: {  	[tilespmem:s22+$0x8F20] =	vst v0;
	p0 =	sne.s32 s5, $0x1  }
.Ltmp1:
0x1e: {  	[tilespmem:s22+$0x8F00] =	vst v0;
	(pc) =	sbr.rel @!p0 .LBB2_5-.Ltmp1, $4  }
0x1f: {  	[tilespmem:s22+$0x8F10] =	vst v0  }
0x20: {  	[spmem:s10] =	stream.linear.scatter [tilespmem:s14], [sflag:$0x3], $0x1400, $0x38;
	[tilespmem:$0x13F60] =	vst v63  }
0x21: {  	_ =	swait.ge [sflag:s12], $0x1400  }
0x22: {  	s22 =	sadd.s32 $0xFFFFFFFF, s5;
	s23 =	smov.u32 s10;
	[sflag:s12] =	ssyncset.done $0x0  }
.LBB2_4:
0x23: {  	p1 =	sne.s32 s22, $0x1;
	[sflag:s12] =	ssyncadd.s32 $0xFFFFEC00;
	s23 =	sadd.s32 $0x1400, s23  }
.Ltmp2:
0x24: {  	s22 =	sadd.s32 $0xFFFFFFFF, s22;
	(pc) =	sbr.rel @p1 .LBB2_4-.Ltmp2, $4  }
0x25: {  	_ = 	snop  }
0x26: {  	[spmem:s23] =	stream.linear.scatter [tilespmem:s14], [sflag:$0x3], $0x1400, $0x38;
	[tilespmem:$0x13F60] =	vst v63  }
0x27: {  	_ =	swait.ge [sflag:s12], $0x1400  }
0x28: {  	[sflag:s12] =	ssyncset.done $0x0  }
.LBB2_5:
0x29: {  	[sflag:s12] =	ssyncadd.s32 $0xFFFFEC00  }
0x2a: {  	s22 =	simm.s32 $0x0;
	[bflag:$0x0] =	sbarrier.arrive $0xFFFF  }
0x2b: {  	[tilespmem:s16], [sflag:$0x1] =	stream.indirect.gather [hbm4b:s4+s15], $0x40, s22, s15, $0xb8;
	[tilespmem:$0x13F60] =	vst v63  }
0x2c: {  	s28 =	simm.s32 $0x80  }
0x2d: {  	[tilespmem:s17], [sflag:$0x2] =	stream.indirect.gather [hbm4b:s4+s15], $0x40, s28, s15, $0xb8;
	[tilespmem:$0x13F60] =	vst v63  }
0x2e: {  	_ =	swait.ge [sflag:s18], $0x2000  }
0x2f: {  	[sflag:s18] =	ssyncset.done $0x0  }
0x30: {  	s29 =	simm.s32 $0x2780;
	[sflag:s18] =	ssyncadd.s32 $0xFFFFE000  }
0x31: {  	[spmem:s2] =	stream.indirect.scatter.add.f32 [tilespmem:s16], [sflag:$0x3], $0x40, s29, s15, $0xb8;
	[tilespmem:$0x13F60] =	vst v63  }
0x32: {  	_ =	swait.ge [sflag:s12], $0x2000  }
0x33: {  	[sflag:s12] =	ssyncset.done $0x0  }
0x34: {  	s30 =	simm.s32 $0x100;
	[sflag:s12] =	ssyncadd.s32 $0xFFFFE000  }
0x35: {  	[tilespmem:s16], [sflag:$0x1] =	stream.indirect.gather [hbm4b:s4+s15], $0x40, s30, s15, $0xb8;
	[tilespmem:$0x13F60] =	vst v63  }
0x36: {  	_ =	swait.ge [sflag:s19], $0x2000  }
0x37: {  	[sflag:s19] =	ssyncset.done $0x0  }
0x38: {  	s31 =	simm.s32 $0x2800;
	[sflag:s19] =	ssyncadd.s32 $0xFFFFE000  }
0x39: {  	[spmem:s2] =	stream.indirect.scatter.add.f32 [tilespmem:s17], [sflag:$0x3], $0x40, s31, s15, $0xb8;
	[tilespmem:$0x13F60] =	vst v63  }
0x3a: {  	_ =	swait.ge [sflag:s12], $0x2000  }
0x3b: {  	s23 =	simm.s32 $0x800;
	s22 =	simm.s32 $0x100;
	[sflag:s12] =	ssyncset.done $0x0  }
.LBB2_6:
0x3c: {  	s24 =	sadd.s32 $0x80, s22  }
0x3d: {  	[sflag:s12] =	ssyncadd.s32 $0xFFFFE000;
	s25 =	smov.u32 s23;
	s26 =	sadd.s32 $0x400, s23  }
0x3e: {  	[tilespmem:s17], [sflag:$0x2] =	stream.indirect.gather [hbm4b:s4+s15], $0x40, s24, s15, $0xb8;
	[tilespmem:$0x13F60] =	vst v63  }
0x3f: {  	p1 =	sne.s32 s23, $0x9800;
	_ =	swait.ge [sflag:s18], $0x2000  }
0x40: {  	[sflag:s18] =	ssyncset.done $0x0  }
0x41: {  	s23 =	sadd.s32 $0x2780, s22;
	[sflag:s18] =	ssyncadd.s32 $0xFFFFE000  }
0x42: {  	[spmem:s2] =	stream.indirect.scatter.add.f32 [tilespmem:s16], [sflag:$0x3], $0x40, s23, s15, $0xb8;
	[tilespmem:$0x13F60] =	vst v63  }
0x43: {  	_ =	swait.ge [sflag:s12], $0x2000  }
0x44: {  	[sflag:s12] =	ssyncset.done $0x0  }
0x45: {  	s23 =	sadd.s32 $0x100, s22;
	[sflag:s12] =	ssyncadd.s32 $0xFFFFE000  }
0x46: {  	[tilespmem:s16], [sflag:$0x1] =	stream.indirect.gather [hbm4b:s4+s15], $0x40, s23, s15, $0xb8;
	[tilespmem:$0x13F60] =	vst v63  }
0x47: {  	_ =	swait.ge [sflag:s19], $0x2000  }
.Ltmp3:
0x48: {  	[sflag:s19] =	ssyncset.done $0x0;
	(pc) =	sbr.rel @p1 .LBB2_6-.Ltmp3, $4  }
0x49: {  	s22 =	sadd.s32 $0x2800, s22;
	[sflag:s19] =	ssyncadd.s32 $0xFFFFE000  }
0x4a: {  	[spmem:s2] =	stream.indirect.scatter.add.f32 [tilespmem:s17], [sflag:$0x3], $0x40, s22, s15, $0xb8;
	[tilespmem:$0x13F60] =	vst v63  }
0x4b: {  	_ =	swait.ge [sflag:s12], $0x2000  }
0x4c: {  	s23 =	smov.u32 s26;
	s22 =	sshra.s32 s25, $0x2;
	[sflag:s12] =	ssyncset.done $0x0  }
0x4d: {  	s23 =	sadd.s32 $0x80, s22;
	[sflag:s12] =	ssyncadd.s32 $0xFFFFE000  }
0x4e: {  	[tilespmem:s17], [sflag:$0x2] =	stream.indirect.gather [hbm4b:s4+s15], $0x40, s23, s15, $0xb8;
	[tilespmem:$0x13F60] =	vst v63  }
0x4f: {  	_ =	swait.ge [sflag:s18], $0x2000  }
0x50: {  	[sflag:s18] =	ssyncset.done $0x0  }
0x51: {  	s28 =	sadd.s32 $0x2780, s22;
	[sflag:s18] =	ssyncadd.s32 $0xFFFFE000  }
0x52: {  	[spmem:s2] =	stream.indirect.scatter.add.f32 [tilespmem:s16], [sflag:$0x3], $0x40, s28, s15, $0xb8;
	[tilespmem:$0x13F60] =	vst v63  }
0x53: {  	_ =	swait.ge [sflag:s12], $0x2000  }
0x54: {  	[sflag:s12] =	ssyncset.done $0x0  }
0x55: {  	s29 =	sadd.s32 $0x100, s22;
	[sflag:s12] =	ssyncadd.s32 $0xFFFFE000  }
0x56: {  	[tilespmem:s16], [sflag:$0x1] =	stream.indirect.gather [hbm4b:s4+s15], $0x40, s29, s15, $0xb8;
	[tilespmem:$0x13F60] =	vst v63  }
0x57: {  	_ =	swait.ge [sflag:s19], $0x2000  }
0x58: {  	[sflag:s19] =	ssyncset.done $0x0  }
0x59: {  	s30 =	sadd.s32 $0x2800, s22;
	[sflag:s19] =	ssyncadd.s32 $0xFFFFE000  }
0x5a: {  	[spmem:s2] =	stream.indirect.scatter.add.f32 [tilespmem:s17], [sflag:$0x3], $0x40, s30, s15, $0xb8;
	[tilespmem:$0x13F60] =	vst v63  }
0x5b: {  	_ =	swait.ge [sflag:s12], $0x2000  }
0x5c: {  	[sflag:s12] =	ssyncset.done $0x0  }
0x5d: {  	[sflag:s12] =	ssyncadd.s32 $0xFFFFE000  }
0x5e: {  	_ =	swait.ge [sflag:s18], $0x2000  }
0x5f: {  	[sflag:s18] =	ssyncset.done $0x0  }
0x60: {  	[sflag:s18] =	ssyncadd.s32 $0xFFFFE000  }
0x61: {  	[spmem:s2] =	stream.indirect.scatter.add.f32 [tilespmem:s16], [sflag:$0x3], $0x40, s20, s15, $0xb8;
	[tilespmem:$0x13F60] =	vst v63  }
0x62: {  	_ =	swait.ge [sflag:s12], $0x2000  }
0x63: {  	[sflag:s12] =	ssyncset.done $0x0  }
0x64: {  	[sflag:s12] =	ssyncadd.s32 $0xFFFFE000  }
0x65: {  	[bflag:$0x0] =	sbarrier.arrive $0xFFFF  }
0x66: {  	[tilespmem:s14], [sflag:$0x3] =	stream.linear.gather [spmem:s10], $0x1400, $0x38;
	[tilespmem:$0x13F60] =	vst v63  }
0x67: {  	_ =	swait.ge [sflag:s12], $0x1400  }
.Ltmp4:
0x68: {  	s31 =	sshrl.u32 s11, $0x3;
	[sflag:s12] =	ssyncset.done $0x0;
	(pc) =	sbr.rel @!p0 .LBB2_9-.Ltmp4, $4  }
0x69: {  	s22 =	sadd.s32 s31, s8;
	[sflag:s12] =	ssyncadd.s32 $0xFFFFEC00  }
0x6a: {  	[hbm4b:s22+s3] =	stream.linear.scatter [tilespmem:s14], [sflag:$0x3], $0x1400, $0x38;
	[tilespmem:$0x13F60] =	vst v63  }
0x6b: {  	s24 =	smov.u32 s11;
	_ =	swait.ge [sflag:s12], $0x1400  }
0x6c: {  	s23 =	smov.u32 s10;
	s22 =	sadd.s32 $0xFFFFFFFF, s5;
	[sflag:s12] =	ssyncset.done $0x0  }
.LBB2_8:
0x6d: {  	[sflag:s12] =	ssyncadd.s32 $0xFFFFEC00;
	s23 =	sadd.s32 $0x1400, s23;
	s24 =	sadd.s32 $0x1400, s24  }
0x6e: {  	[tilespmem:s14], [sflag:$0x3] =	stream.linear.gather [spmem:s23], $0x1400, $0x38;
	[tilespmem:$0x13F60] =	vst v63  }
0x6f: {  	p0 =	sne.s32 s22, $0x1;
	s22 =	sadd.s32 $0xFFFFFFFF, s22;
	_ =	swait.ge [sflag:s12], $0x1400  }
.Ltmp5:
0x70: {  	s25 =	sshrl.u32 s24, $0x3;
	[sflag:s12] =	ssyncset.done $0x0;
	(pc) =	sbr.rel @p0 .LBB2_8-.Ltmp5, $4  }
0x71: {  	s25 =	sadd.s32 s25, s8;
	[sflag:s12] =	ssyncadd.s32 $0xFFFFEC00  }
0x72: {  	[hbm4b:s25+s3] =	stream.linear.scatter [tilespmem:s14], [sflag:$0x3], $0x1400, $0x38;
	[tilespmem:$0x13F60] =	vst v63  }
0x73: {  	_ =	swait.ge [sflag:s12], $0x1400  }
0x74: {  	[sflag:s12] =	ssyncset.done $0x0  }
.LBB2_9:
0x75: {  	s21 =	sadd.s32 $0x1, s21  }
0x76: {  	p0 =	sne.s32 s21, s9  }
.Ltmp6:
0x77: {  	_ = 	snop;
	(pc) =	sbr.rel @p0 .LBB2_1-.Ltmp6, $2  }
0x78: {  	_ =	sdelay $0x2  }
0x79: {  	[sflag:s12] =	ssyncadd.s32 $0xFFFFEC00  }
0x7a: {  	_ =	sfence.sel $0x180000  }
0x7b: {  	[bflag:$0x0] =	sbarrier.arrive $0xFFFF  }
0x7c: {  	p0 =	sne.s32 s0, $0x0;
	_ =	strace $0x90000053  }
0x7d: {  	s0 =	sadd.s32 @!p0 $0x100000, s1;
	[bflag:$0x2] =	sbarrier.arrive $0xFFFF  }
0x7e: {  	[sflag:s0] =	ssyncadd.tile.s32 @!p0 $0x1;
	_ =	shalt  }
.Lfunc_end2:
_tile_overlayer_lowered:
.L_overlay_start_2:
0x7f: {  	(tag) =	ssettag $0x2  }
0x80: {  	s0 =	rddreg [dreg:$0x0];
	s2 =	stileid.u32  }
0x81: {  	s1 =	rddreg [dreg:$0x1];
	p0 =	sne.s32 s2, $0x0  }
0x82: {  	s3 =	rddreg [dreg:$0x2];
	[bflag:$0x3] =	sbarrier.arrive $0xFFFF;
	s2 =	simm.s32 @!p0 $0x1C03  }
0x83: {  	[timem:s3], [sflag:s2] =	dma.local @!p0 [hbm:s0], s1  }
0x84: {  	s0 =	simm.s32 @!p0 $0x3  }
0x85: {  	_ =	swait.ge @!p0 [sflag:s0], s1  }
0x86: {  	s1 =	ssub.s32 @!p0 $0x0, s1;
	[sflag:s0] =	ssyncset.done @!p0 $0x0  }
0x87: {  	[sflag:s0] =	ssyncadd.s32 @!p0 s1  }
0x88: {  	[bflag:$0x3] =	sbarrier.arrive $0xFFFF  }
0x89: {  	_ =	shalt  }

</sc_bundles>
